<compile_context>
chip_gen: v7x
topology: tpu7x:2x2x1
jax: 0.10.2.dev20260603
libtpu: 0.0.44.dev20260713+nightly
codegen_flags: <defaults>
</compile_context>

<pallas_src>
import functools

import jax
import jax.numpy as jnp
from jax import lax
from jax.experimental import pallas as pl
from jax.experimental.pallas import tpu as pltpu
from jax.experimental.pallas import tpu_sc as plsc

N, E, D, R = 10000, 320000, 128, 16

_LOG2 = 0.6931471805599453


def _ssp(x):
    return jnp.maximum(x, 0.0) + jnp.log(1.0 + jnp.exp(-jnp.abs(x))) - _LOG2


def _pack_cols(w):
    def rne(x):
        r = jax.lax.bitcast_convert_type(x, jnp.uint32)
        return (r + jnp.uint32(0x7FFF) + ((r >> 16) & jnp.uint32(1))) >> 16

    parts = []
    for g in range(4):
        lo = rne(w[..., 32 * g:32 * g + 16])
        hi = rne(w[..., 32 * g + 16:32 * g + 32])
        parts.append((hi << 16) | lo)
    return jax.lax.bitcast_convert_type(jnp.concatenate(parts, axis=-1),
                                        jnp.int32)


_EB = 3200


def _filter_body(f_ref, rc_ref, wf1_ref, bf1_ref, wf2_ref, bf2_ref,
                 x_ref, win_ref, o_ref, h_ref):
    @pl.when(pl.program_id(0) == 0)
    def _():
        h_ref[...] = jnp.dot(x_ref[...], win_ref[...],
                             preferred_element_type=jnp.float32)

    t = jnp.dot(f_ref[...], wf1_ref[...], preferred_element_type=jnp.float32)
    t = _ssp(t + bf1_ref[...])
    w = jnp.dot(t, wf2_ref[...], preferred_element_type=jnp.float32) + bf2_ref[...]
    w3 = w.reshape(_EB // 128, 128, D) * rc_ref[0][:, :, None]
    w4 = w3.reshape(_EB // 80, 2, 40, D)
    lo = _pack_cols(w4[:, 0])
    hi = _pack_cols(w4[:, 1])
    o_ref[...] = jnp.concatenate([lo, hi], axis=-1).reshape(_EB // 2, D)


def _filter_call(f_ij, rcut_rows, wf1, bf1, wf2, bf2, x, win):
    grid = E // _EB
    return pl.pallas_call(
        _filter_body,
        grid=(grid,),
        in_specs=[
            pl.BlockSpec((_EB, R), lambda i: (i, 0)),
            pl.BlockSpec((1, _EB // 128, 128), lambda i: (i, 0, 0)),
            pl.BlockSpec((R, D), lambda i: (0, 0)),
            pl.BlockSpec((1, D), lambda i: (0, 0)),
            pl.BlockSpec((D, D), lambda i: (0, 0)),
            pl.BlockSpec((1, D), lambda i: (0, 0)),
            pl.BlockSpec((N, D), lambda i: (0, 0)),
            pl.BlockSpec((D, D), lambda i: (0, 0)),
        ],
        out_specs=[
            pl.BlockSpec((_EB // 2, D), lambda i: (i, 0)),
            pl.BlockSpec((N, D), lambda i: (0, 0)),
        ],
        out_shape=[
            jax.ShapeDtypeStruct((E // 2, D), jnp.int32),
            jax.ShapeDtypeStruct((N, D), jnp.float32),
        ],
    )(f_ij, rcut_rows, wf1, bf1, wf2, bf2, x, win)


_NC, _NS = 2, 16
_NW = _NC * _NS
_EPW = E // _NW
_K = 80
_NCHUNK = _EPW // _K
_NP = 10240
_RPT = _NP // _NS
_ZR = 128
_NPAIR = (_NCHUNK - 1) // 2


def _sc_body(h_hbm, wij_hbm, comb_hbm, out_hbm,
             comb_v, idxj0, idxj1, idxi0, idxi1, rows_v, wij_v, agg_sh,
             i0sem, i1sem, g0, g1, w0, w1, s0, s1):
    c = lax.axis_index("c")
    s = lax.axis_index("s")
    wid = s * _NC + c

    def _z1(i, carry):
        r = i // (D // 16)
        col = (i % (D // 16)) * 16
        rows_v[r, pl.ds(col, 16)] = jnp.zeros((16,), jnp.float32)
        return carry

    lax.fori_loop(0, _ZR * (D // 16), _z1, 0)
    r0 = s * _RPT
    zsrc = rows_v.at[pl.ds(0, _ZR)]

    def _zcopy(j, carry):
        pltpu.sync_copy(zsrc, agg_sh.at[pl.ds(r0 + j * _ZR, _ZR)])
        return carry

    lax.fori_loop(0, _RPT // _ZR, _zcopy, 0)
    plsc.subcore_barrier()

    ebase0 = wid * _EPW
    cb0 = wid * _NCHUNK

    def _extract(slot, dst, row):
        def _cp(i, cc):
            dst[pl.ds(i * 16, 16)] = comb_v[slot, row, pl.ds(i * 16, 16)]
            return cc

        lax.fori_loop(0, _K // 16, _cp, 0, unroll=True)

    _KW = _K // 2

    def _fire(k, slot, idxj, gsem, wsem):
        pltpu.async_copy(h_hbm.at[idxj], rows_v.at[pl.ds(slot * _K, _K)], gsem)
        woff = pl.multiple_of((ebase0 + k * _K) // 2, 8)
        pltpu.async_copy(wij_hbm.at[pl.ds(woff, _KW)],
                         wij_v.at[pl.ds(slot * _KW, _KW)], wsem)

    def _wait_gw(slot, gsem, wsem):
        pltpu.make_async_copy(h_hbm.at[pl.ds(0, _K)],
                              rows_v.at[pl.ds(slot * _K, _K)], gsem).wait()
        pltpu.make_async_copy(wij_hbm.at[pl.ds(0, _KW)],
                              wij_v.at[pl.ds(slot * _KW, _KW)], wsem).wait()

    def _drain_s(sem):
        pltpu.make_async_copy(h_hbm.at[pl.ds(0, _K)],
                              rows_v.at[pl.ds(0, _K)], sem).wait()

    def _mul_chunk(slot):
        def _mul(i, cc):
            e = i // 4
            g = i % 4
            re = slot * _K + e
            ww = wij_v[slot * _KW + e % _KW,
                       pl.ds((e // _KW) * 64 + g * 16, 16)]
            wlo = lax.bitcast_convert_type(ww << 16, jnp.float32)
            whi = lax.bitcast_convert_type(ww & (-65536), jnp.float32)
            rows_v[re, pl.ds(32 * g, 16)] = (
                rows_v[re, pl.ds(32 * g, 16)] * wlo)
            rows_v[re, pl.ds(32 * g + 16, 16)] = (
                rows_v[re, pl.ds(32 * g + 16, 16)] * whi)
            return cc

        lax.fori_loop(0, _K * 4, _mul, 0, unroll=8)

    pltpu.sync_copy(comb_hbm.at[cb0], comb_v.at[0])
    pltpu.sync_copy(comb_hbm.at[cb0 + 1], comb_v.at[1])
    _extract(0, idxj0, 0)
    _extract(0, idxi0, 1)
    _extract(1, idxj1, 0)
    _extract(1, idxi1, 1)
    _fire(0, 0, idxj0, g0, w0)
    _fire(1, 1, idxj1, g1, w1)

    def _pair(blk, carry):
        k = 2 * blk
        pltpu.async_copy(comb_hbm.at[cb0 + k + 2], comb_v.at[0], i0sem)

        @pl.when(blk < _NPAIR - 1)
        def _():
            pltpu.async_copy(comb_hbm.at[cb0 + k + 3], comb_v.at[1], i1sem)

        _wait_gw(0, g0, w0)
        _mul_chunk(0)
        pltpu.async_copy(rows_v.at[pl.ds(0, _K)], agg_sh.at[idxi0], s0,
                         add=True)

        _wait_gw(1, g1, w1)
        _mul_chunk(1)
        pltpu.async_copy(rows_v.at[pl.ds(_K, _K)], agg_sh.at[idxi1], s1,
                         add=True)

        pltpu.make_async_copy(comb_hbm.at[cb0], comb_v.at[0], i0sem).wait()
        _drain_s(s0)
        _extract(0, idxj0, 0)
        _extract(0, idxi0, 1)
        _fire(k + 2, 0, idxj0, g0, w0)

        @pl.when(blk < _NPAIR - 1)
        def _():
            pltpu.make_async_copy(comb_hbm.at[cb0], comb_v.at[1], i1sem).wait()
            _drain_s(s1)
            _extract(1, idxj1, 0)
            _extract(1, idxi1, 1)
            _fire(k + 3, 1, idxj1, g1, w1)

        return carry

    lax.fori_loop(0, _NPAIR, _pair, 0)

    _wait_gw(0, g0, w0)
    _mul_chunk(0)
    pltpu.sync_copy(rows_v.at[pl.ds(0, _K)], agg_sh.at[idxi0], add=True)
    _drain_s(s1)
    plsc.subcore_barrier()

    def _dump(j, carry):
        rr = r0 + j * _ZR
        pltpu.sync_copy(agg_sh.at[pl.ds(rr, _ZR)], zsrc)
        pltpu.sync_copy(zsrc, out_hbm.at[pl.ds(c * _NP + rr, _ZR)])
        return carry

    lax.fori_loop(0, _RPT // _ZR, _dump, 0)


def _sc_conv(h, wij, comb):
    mesh = plsc.VectorSubcoreMesh(core_axis_name="c", subcore_axis_name="s")
    fn = pl.kernel(
        _sc_body,
        out_type=jax.ShapeDtypeStruct((_NC * _NP, D), jnp.float32),
        mesh=mesh,
        scratch_types=[
            pltpu.VMEM((2, 2, 128), jnp.int32),
            pltpu.VMEM((_K,), jnp.int32),
            pltpu.VMEM((_K,), jnp.int32),
            pltpu.VMEM((_K,), jnp.int32),
            pltpu.VMEM((_K,), jnp.int32),
            pltpu.VMEM((2 * _K, D), jnp.float32),
            pltpu.VMEM((_K, D), jnp.int32),
            pltpu.VMEM_SHARED((_NP, D), jnp.float32),
            pltpu.SemaphoreType.DMA,
            pltpu.SemaphoreType.DMA,
            pltpu.SemaphoreType.DMA,
            pltpu.SemaphoreType.DMA,
            pltpu.SemaphoreType.DMA,
            pltpu.SemaphoreType.DMA,
            pltpu.SemaphoreType.DMA,
            pltpu.SemaphoreType.DMA,
        ],
    )
    return fn(h, wij, comb)


def _out_body(p_ref, wo1_ref, bo1_ref, wo2_ref, bo2_ref, o_ref):
    agg = p_ref[:N, :] + p_ref[_NP:_NP + N, :]
    t = _ssp(jnp.dot(agg, wo1_ref[...], preferred_element_type=jnp.float32)
             + bo1_ref[...])
    o_ref[...] = (jnp.dot(t, wo2_ref[...], preferred_element_type=jnp.float32)
                  + bo2_ref[...])


def _out_call(partials, wo1, bo1, wo2, bo2):
    return pl.pallas_call(
        _out_body,
        out_shape=jax.ShapeDtypeStruct((N, D), jnp.float32),
    )(partials, wo1, bo1, wo2, bo2)


def kernel(x, f_ij, idx_i, idx_j, rcut_ij,
           W_in2f, W_f1, b_f1, W_f2, b_f2, W_o1, b_o1, W_o2, b_o2):
    idx_i32 = idx_i.astype(jnp.int32)
    idx_j32 = idx_j.astype(jnp.int32)
    comb = jnp.stack(
        [jnp.pad(idx_j32.reshape(E // _K, _K), ((0, 0), (0, 128 - _K))),
         jnp.pad(idx_i32.reshape(E // _K, _K), ((0, 0), (0, 128 - _K)))],
        axis=1)
    wij, h = _filter_call(f_ij, rcut_ij.reshape(E // _EB, _EB // 128, 128),
                          W_f1, b_f1.reshape(1, D), W_f2, b_f2.reshape(1, D),
                          x, W_in2f)
    partials = _sc_conv(h, wij, comb)
    return _out_call(partials, W_o1, b_o1.reshape(1, D),
                     W_o2, b_o2.reshape(1, D))

# --- scband reference (transcript-rebuilt; emitter-appended) ---
"""Pipeline reference for scband-sch-net-interaction-39324720562652 (READ-ONLY COPY).

The authoritative reference and input builder live on the scoring server;
editing this copy changes nothing except your own understanding.
"""

import jax, jax.numpy as jnp
import numpy as np


def ssp(x):
    # shifted softplus: softplus(x) - log(2)
    return jax.nn.softplus(x) - jnp.log(2.0)


def setup_inputs(seed: int = 0) -> dict:
    key = jax.random.key(seed)
    ks = jax.random.split(key, 16)
    N, E, D, R = 10000, 320000, 128, 16
    s = 0.05
    x = jax.random.normal(ks[0], (N, D), dtype=jnp.float32)
    f_ij = jax.random.uniform(ks[1], (E, R), dtype=jnp.float32)
    idx_i = jnp.sort(jax.random.randint(ks[2], (E,), 0, N, dtype=jnp.int32)).astype(jnp.int64)
    idx_j = jax.random.randint(ks[3], (E,), 0, N, dtype=jnp.int32).astype(jnp.int64)
    rcut_ij = jax.random.uniform(ks[4], (E,), dtype=jnp.float32)
    # parameters (stored as [in, out]; forward uses x @ W + b)
    W_in2f = jax.random.normal(ks[5], (D, D), dtype=jnp.float32) * s
    W_f1 = jax.random.normal(ks[6], (R, D), dtype=jnp.float32) * s
    b_f1 = jnp.zeros((D,), dtype=jnp.float32)
    W_f2 = jax.random.normal(ks[7], (D, D), dtype=jnp.float32) * s
    b_f2 = jnp.zeros((D,), dtype=jnp.float32)
    W_o1 = jax.random.normal(ks[8], (D, D), dtype=jnp.float32) * s
    b_o1 = jnp.zeros((D,), dtype=jnp.float32)
    W_o2 = jax.random.normal(ks[9], (D, D), dtype=jnp.float32) * s
    b_o2 = jnp.zeros((D,), dtype=jnp.float32)
    return {"x": x, "f_ij": f_ij, "idx_i": idx_i, "idx_j": idx_j, "rcut_ij": rcut_ij,
            "W_in2f": W_in2f, "W_f1": W_f1, "b_f1": b_f1, "W_f2": W_f2, "b_f2": b_f2,
            "W_o1": W_o1, "b_o1": b_o1, "W_o2": W_o2, "b_o2": b_o2}


def reference(x, f_ij, idx_i, idx_j, rcut_ij,
              W_in2f, W_f1, b_f1, W_f2, b_f2, W_o1, b_o1, W_o2, b_o2):
    # in2f: Dense(n_atom_basis -> n_filters), no bias, no activation
    h = x @ W_in2f
    # filter_network: Dense(n_rbf -> n_filters, ssp) then Dense(n_filters -> n_filters)
    Wij = ssp(f_ij @ W_f1 + b_f1) @ W_f2 + b_f2
    Wij = Wij * rcut_ij[:, None]
    # continuous-filter convolution: gather neighbors, modulate, scatter-add to centers
    x_j = h[idx_j]
    x_ij = x_j * Wij
    agg = jax.ops.segment_sum(x_ij, idx_i, num_segments=h.shape[0])
    # f2out: Dense(n_filters -> n_atom_basis, ssp) then Dense(n_atom_basis -> n_atom_basis)
    out = ssp(agg @ W_o1 + b_o1) @ W_o2 + b_o2
    return out

if __name__ == "__main__":
    import jax
    _d = setup_inputs()
    print(jax.jit(kernel)(*tuple(_d.values())))

</pallas_src>

<mosaic_0001>
#map = affine_map<(d0, d1) -> (0, 0)>
#map1 = affine_map<(d0, d1) -> (0, 0, 0)>
module attributes {stable_mosaic.version = 14 : i64} {
  func.func @_sc_body(%arg0: i32, %arg1: i32, %arg2: memref<10000x128xf32, #tpu.memory_space<hbm>>, %arg3: memref<160000x128xi32, #tpu.memory_space<hbm>>, %arg4: memref<4000x2x128xi32, #tpu.memory_space<hbm>>, %arg5: memref<20480x128xf32, #tpu.memory_space<hbm>>, %arg6: memref<2x2x128xi32, #tpu.memory_space<vmem>>, %arg7: memref<80xi32, #tpu.memory_space<vmem>>, %arg8: memref<80xi32, #tpu.memory_space<vmem>>, %arg9: memref<80xi32, #tpu.memory_space<vmem>>, %arg10: memref<80xi32, #tpu.memory_space<vmem>>, %arg11: memref<160x128xf32, #tpu.memory_space<vmem>>, %arg12: memref<80x128xi32, #tpu.memory_space<vmem>>, %arg13: memref<10240x128xf32, #tpu.memory_space<vmem_shared>>, %arg14: memref<!tpu.dma_semaphore, #tpu.memory_space<semaphore_mem>>, %arg15: memref<!tpu.dma_semaphore, #tpu.memory_space<semaphore_mem>>, %arg16: memref<!tpu.dma_semaphore, #tpu.memory_space<semaphore_mem>>, %arg17: memref<!tpu.dma_semaphore, #tpu.memory_space<semaphore_mem>>, %arg18: memref<!tpu.dma_semaphore, #tpu.memory_space<semaphore_mem>>, %arg19: memref<!tpu.dma_semaphore, #tpu.memory_space<semaphore_mem>>, %arg20: memref<!tpu.dma_semaphore, #tpu.memory_space<semaphore_mem>>, %arg21: memref<!tpu.dma_semaphore, #tpu.memory_space<semaphore_mem>>) attributes {dimension_semantics = [#tpu.dimension_semantics<core_parallel>, #tpu.dimension_semantics<subcore_parallel>], iteration_bounds = array<i64: 2, 16>, scalar_prefetch = 0 : i64, scratch_operands = 16 : i64, tpu.core_type = #tpu.core_type<sc_vector_subcore>, window_params = [{transform_indices = #map}, {transform_indices = #map}, {transform_indices = #map1}, {transform_indices = #map}]} {
    %mul3A = arith.constant 2 : i32
    %mul3A_0 = arith.muli %arg1, %mul3A : i32
    %add3A = arith.addi %mul3A_0, %arg0 : i32
    %scan3A = arith.constant 0 : i32
    %scan3A_1 = arith.constant 0 : i32
    %scan3A_2 = arith.constant 1024 : i32
    %scan3A_3 = arith.addi %scan3A_1, %scan3A_2 : i32
    %scan3A_4 = arith.constant 1 : i32
    scf.for %scan3A_477 = %scan3A_1 to %scan3A_3 step %scan3A_4  : i32 {
      %jit3A_478 = arith.constant 8 : i32
      %div3A_479 = arith.divsi %scan3A_477, %jit3A_478 : i32
      %sign3A_480 = arith.constant 0 : i32
      %sign3A_481 = arith.cmpi sgt, %scan3A_477, %sign3A_480 : i32
      %sign3A_482 = arith.extui %sign3A_481 : i1 to i32
      %sign3A_483 = arith.constant 0 : i32
      %sign3A_484 = arith.cmpi slt, %scan3A_477, %sign3A_483 : i32
      %sign3A_485 = arith.extui %sign3A_484 : i1 to i32
      %sign3A_486 = arith.subi %sign3A_482, %sign3A_485 : i32
      %sign3A_487 = arith.constant 0 : i32
      %sign3A_488 = arith.cmpi sgt, %jit3A_478, %sign3A_487 : i32
      %sign3A_489 = arith.extui %sign3A_488 : i1 to i32
      %sign3A_490 = arith.constant 0 : i32
      %sign3A_491 = arith.cmpi slt, %jit3A_478, %sign3A_490 : i32
      %sign3A_492 = arith.extui %sign3A_491 : i1 to i32
      %sign3A_493 = arith.subi %sign3A_489, %sign3A_492 : i32
      %ne3A_494 = arith.cmpi ne, %sign3A_486, %sign3A_493 : i32
      %rem3A_495 = arith.remsi %scan3A_477, %jit3A_478 : i32
      %ne3A_496 = arith.constant 0 : i32
      %ne3A_497 = arith.cmpi ne, %rem3A_495, %ne3A_496 : i32
      %and3A_498 = arith.andi %ne3A_494, %ne3A_497 : i1
      %sub3A_499 = arith.constant 1 : i32
      %sub3A_500 = arith.subi %div3A_479, %sub3A_499 : i32
      %select_n3A_501 = arith.select %and3A_498, %sub3A_500, %div3A_479 : i32
      %jit3A_502 = arith.constant 8 : i32
      %eq3A = arith.constant 0 : i32
      %eq3A_503 = arith.cmpi eq, %jit3A_502, %eq3A : i32
      %jit3A_504 = arith.constant 1 : i32
      %select_n3A_505 = arith.select %eq3A_503, %jit3A_504, %jit3A_502 : i32
      %rem3A_506 = arith.remsi %scan3A_477, %select_n3A_505 : i32
      %ne3A_507 = arith.constant 0 : i32
      %ne3A_508 = arith.cmpi ne, %rem3A_506, %ne3A_507 : i32
      %lt3A = arith.constant 0 : i32
      %lt3A_509 = arith.cmpi slt, %rem3A_506, %lt3A : i32
      %lt3A_510 = arith.constant 0 : i32
      %lt3A_511 = arith.cmpi slt, %select_n3A_505, %lt3A_510 : i32
      %ne3A_512 = arith.xori %lt3A_509, %lt3A_511 : i1
      %and3A_513 = arith.andi %ne3A_512, %ne3A_508 : i1
      %add3A_514 = arith.addi %rem3A_506, %select_n3A_505 : i32
      %select_n3A_515 = arith.select %and3A_513, %add3A_514, %rem3A_506 : i32
      %mul3A_516 = arith.constant 16 : i32
      %mul3A_517 = arith.muli %select_n3A_515, %mul3A_516 : i32
      %broadcast_in_dim3A = arith.constant 0.000000e+00 : f32
      %broadcast_in_dim3A_518 = vector.broadcast %broadcast_in_dim3A : f32 to vector<16xf32>
      %swap3A_519 = arith.index_cast %select_n3A_501 : i32 to index
      %swap3A_520 = arith.index_cast %mul3A_517 : i32 to index
      %swap3A_521 = tpu.vector_load %arg11[%swap3A_519, %swap3A_520] {strides = array<i32>} : memref<160x128xf32, #tpu.memory_space<vmem>>, vector<1x16xf32>,
      %swap3A_522 = vector.shape_cast %swap3A_521 : vector<1x16xf32> to vector<16xf32>
      %swap3A_523 = vector.shape_cast %broadcast_in_dim3A_518 : vector<16xf32> to vector<1x16xf32>
      tpu.vector_store %arg11[%swap3A_519, %swap3A_520], %swap3A_523 {strides = array<i32>} : memref<160x128xf32, #tpu.memory_space<vmem>>, vector<1x16xf32>,
    }
    %scan3A_5 = arith.constant 1024 : i32
    %mul3A_6 = arith.constant 640 : i32
    %mul3A_7 = arith.muli %arg1, %mul3A_6 : i32
    %scan3A_8 = arith.constant 0 : i32
    %scan3A_9 = arith.constant 0 : i32
    %scan3A_10 = arith.constant 5 : i32
    %scan3A_11 = arith.addi %scan3A_9, %scan3A_10 : i32
    %scan3A_12 = arith.constant 1 : i32
    scf.for %scan3A_477 = %scan3A_9 to %scan3A_11 step %scan3A_12  : i32 {
      %mul3A_478 = arith.constant 128 : i32
      %mul3A_479 = arith.muli %scan3A_477, %mul3A_478 : i32
      %add3A_480 = arith.addi %mul3A_7, %mul3A_479 : i32
      "tpu.region"() ({
        %run_scoped3A_481 = tpu.sem_alloc : memref<!tpu.dma_semaphore, #tpu.memory_space<semaphore_mem>>
        %dma_start3A_482 = arith.constant 0 : i32
        %dma_start3A_483 = arith.constant 0 : i32
        %dma_start3A_484 = tpu.memref_slice %arg11[%dma_start3A_482, %dma_start3A_483] : memref<160x128xf32, #tpu.memory_space<vmem>> -> memref<128x128xf32, #tpu.memory_space<vmem>>
        %dma_start3A_485 = arith.constant 0 : i32
        %dma_start3A_486 = tpu.memref_slice %arg13[%add3A_480, %dma_start3A_485] : memref<10240x128xf32, #tpu.memory_space<vmem_shared>> -> memref<128x128xf32, #tpu.memory_space<vmem_shared>>
        %dma_start3A_487 = arith.constant 0 : i32
        %dma_start3A_488 = tpu.memref_slice %arg13[%add3A_480, %dma_start3A_487] : memref<10240x128xf32, #tpu.memory_space<vmem_shared>> -> memref<128x128xf32, #tpu.memory_space<vmem_shared>>
        %dma_start3A_489 = arith.constant 0 : i32
        %dma_start3A_490 = arith.constant 0 : i32
        %dma_start3A_491 = tpu.memref_slice %arg11[%dma_start3A_489, %dma_start3A_490] : memref<160x128xf32, #tpu.memory_space<vmem>> -> memref<128x128xf32, #tpu.memory_space<vmem>>
        tpu.enqueue_dma source(%dma_start3A_491 : memref<128x128xf32, #tpu.memory_space<vmem>>) target(%dma_start3A_488 : memref<128x128xf32, #tpu.memory_space<vmem_shared>>) target_semaphore(%run_scoped3A_481 : memref<!tpu.dma_semaphore, #tpu.memory_space<semaphore_mem>>)
        %dma_wait3A_492 = arith.constant 0 : i32
        %dma_wait3A_493 = arith.constant 0 : i32
        %dma_wait3A_494 = tpu.memref_slice %arg11[%dma_wait3A_492, %dma_wait3A_493] : memref<160x128xf32, #tpu.memory_space<vmem>> -> memref<128x128xf32, #tpu.memory_space<vmem>>
        %dma_wait3A_495 = arith.constant 0 : i32
        %dma_wait3A_496 = tpu.memref_slice %arg13[%add3A_480, %dma_wait3A_495] : memref<10240x128xf32, #tpu.memory_space<vmem_shared>> -> memref<128x128xf32, #tpu.memory_space<vmem_shared>>
        %dma_wait3A_497 = arith.constant 0 : i32
        %dma_wait3A_498 = tpu.memref_slice %arg13[%add3A_480, %dma_wait3A_497] : memref<10240x128xf32, #tpu.memory_space<vmem_shared>> -> memref<128x128xf32, #tpu.memory_space<vmem_shared>>
        %dma_wait3A_499 = arith.constant 0 : i32
        %dma_wait3A_500 = arith.constant 0 : i32
        %dma_wait3A_501 = tpu.memref_slice %arg11[%dma_wait3A_499, %dma_wait3A_500] : memref<160x128xf32, #tpu.memory_space<vmem>> -> memref<128x128xf32, #tpu.memory_space<vmem>>
        tpu.wait_dma2 semaphore(%run_scoped3A_481 : memref<!tpu.dma_semaphore, #tpu.memory_space<semaphore_mem>>) src(%dma_wait3A_501 : memref<128x128xf32, #tpu.memory_space<vmem>>) dst(%dma_wait3A_498 : memref<128x128xf32, #tpu.memory_space<vmem_shared>>)
        tpu.yield
      }) : () -> ()
    }
    %scan3A_13 = arith.constant 5 : i32
    %barrier3A = arith.constant 0 : index
    tpu.barrier barrier_id(%barrier3A)
    %mul3A_14 = arith.constant 10000 : i32
    %mul3A_15 = arith.muli %add3A, %mul3A_14 : i32
    %mul3A_16 = arith.constant 125 : i32
    %mul3A_17 = arith.muli %add3A, %mul3A_16 : i32
    %run_scoped3A = arith.constant 0 : i32
    "tpu.region"() ({
      %run_scoped3A_477 = tpu.sem_alloc : memref<!tpu.dma_semaphore, #tpu.memory_space<semaphore_mem>>
      %dma_start3A_478 = arith.constant 0 : i32
      %dma_start3A_479 = arith.constant 0 : i32
      %dma_start3A_480 = tpu.memref_slice %arg6[%run_scoped3A, %dma_start3A_478, %dma_start3A_479] : memref<2x2x128xi32, #tpu.memory_space<vmem>> -> memref<1x2x128xi32, #tpu.memory_space<vmem>>
      %dma_start3A_481 = tpu.memref_squeeze %dma_start3A_480 : memref<1x2x128xi32, #tpu.memory_space<vmem>> -> memref<2x128xi32, #tpu.memory_space<vmem>>
      %dma_start3A_482 = arith.constant 0 : i32
      %dma_start3A_483 = arith.constant 0 : i32
      %dma_start3A_484 = tpu.memref_slice %arg4[%mul3A_17, %dma_start3A_482, %dma_start3A_483] : memref<4000x2x128xi32, #tpu.memory_space<hbm>> -> memref<1x2x128xi32, #tpu.memory_space<hbm>>
      %dma_start3A_485 = tpu.memref_squeeze %dma_start3A_484 : memref<1x2x128xi32, #tpu.memory_space<hbm>> -> memref<2x128xi32, #tpu.memory_space<hbm>>
      %dma_start3A_486 = arith.constant 0 : i32
      %dma_start3A_487 = arith.constant 0 : i32
      %dma_start3A_488 = tpu.memref_slice %arg6[%run_scoped3A, %dma_start3A_486, %dma_start3A_487] : memref<2x2x128xi32, #tpu.memory_space<vmem>> -> memref<1x2x128xi32, #tpu.memory_space<vmem>>
      %dma_start3A_489 = tpu.memref_squeeze %dma_start3A_488 : memref<1x2x128xi32, #tpu.memory_space<vmem>> -> memref<2x128xi32, #tpu.memory_space<vmem>>
      %dma_start3A_490 = arith.constant 0 : i32
      %dma_start3A_491 = arith.constant 0 : i32
      %dma_start3A_492 = tpu.memref_slice %arg4[%mul3A_17, %dma_start3A_490, %dma_start3A_491] : memref<4000x2x128xi32, #tpu.memory_space<hbm>> -> memref<1x2x128xi32, #tpu.memory_space<hbm>>
      %dma_start3A_493 = tpu.memref_squeeze %dma_start3A_492 : memref<1x2x128xi32, #tpu.memory_space<hbm>> -> memref<2x128xi32, #tpu.memory_space<hbm>>
      tpu.enqueue_dma source(%dma_start3A_493 : memref<2x128xi32, #tpu.memory_space<hbm>>) target(%dma_start3A_489 : memref<2x128xi32, #tpu.memory_space<vmem>>) target_semaphore(%run_scoped3A_477 : memref<!tpu.dma_semaphore, #tpu.memory_space<semaphore_mem>>)
      %dma_wait3A_494 = arith.constant 0 : i32
      %dma_wait3A_495 = arith.constant 0 : i32
      %dma_wait3A_496 = tpu.memref_slice %arg6[%run_scoped3A, %dma_wait3A_494, %dma_wait3A_495] : memref<2x2x128xi32, #tpu.memory_space<vmem>> -> memref<1x2x128xi32, #tpu.memory_space<vmem>>
      %dma_wait3A_497 = tpu.memref_squeeze %dma_wait3A_496 : memref<1x2x128xi32, #tpu.memory_space<vmem>> -> memref<2x128xi32, #tpu.memory_space<vmem>>
      %dma_wait3A_498 = arith.constant 0 : i32
      %dma_wait3A_499 = arith.constant 0 : i32
      %dma_wait3A_500 = tpu.memref_slice %arg4[%mul3A_17, %dma_wait3A_498, %dma_wait3A_499] : memref<4000x2x128xi32, #tpu.memory_space<hbm>> -> memref<1x2x128xi32, #tpu.memory_space<hbm>>
      %dma_wait3A_501 = tpu.memref_squeeze %dma_wait3A_500 : memref<1x2x128xi32, #tpu.memory_space<hbm>> -> memref<2x128xi32, #tpu.memory_space<hbm>>
      %dma_wait3A_502 = arith.constant 0 : i32
      %dma_wait3A_503 = arith.constant 0 : i32
      %dma_wait3A_504 = tpu.memref_slice %arg6[%run_scoped3A, %dma_wait3A_502, %dma_wait3A_503] : memref<2x2x128xi32, #tpu.memory_space<vmem>> -> memref<1x2x128xi32, #tpu.memory_space<vmem>>
      %dma_wait3A_505 = tpu.memref_squeeze %dma_wait3A_504 : memref<1x2x128xi32, #tpu.memory_space<vmem>> -> memref<2x128xi32, #tpu.memory_space<vmem>>
      %dma_wait3A_506 = arith.constant 0 : i32
      %dma_wait3A_507 = arith.constant 0 : i32
      %dma_wait3A_508 = tpu.memref_slice %arg4[%mul3A_17, %dma_wait3A_506, %dma_wait3A_507] : memref<4000x2x128xi32, #tpu.memory_space<hbm>> -> memref<1x2x128xi32, #tpu.memory_space<hbm>>
      %dma_wait3A_509 = tpu.memref_squeeze %dma_wait3A_508 : memref<1x2x128xi32, #tpu.memory_space<hbm>> -> memref<2x128xi32, #tpu.memory_space<hbm>>
      tpu.wait_dma2 semaphore(%run_scoped3A_477 : memref<!tpu.dma_semaphore, #tpu.memory_space<semaphore_mem>>) src(%dma_wait3A_509 : memref<2x128xi32, #tpu.memory_space<hbm>>) dst(%dma_wait3A_505 : memref<2x128xi32, #tpu.memory_space<vmem>>)
      tpu.yield
    }) : () -> ()
    %add3A_18 = arith.constant 1 : i32
    %add3A_19 = arith.addi %mul3A_17, %add3A_18 : i32
    %run_scoped3A_20 = arith.constant 1 : i32
    "tpu.region"() ({
      %run_scoped3A_477 = tpu.sem_alloc : memref<!tpu.dma_semaphore, #tpu.memory_space<semaphore_mem>>
      %dma_start3A_478 = arith.constant 0 : i32
      %dma_start3A_479 = arith.constant 0 : i32
      %dma_start3A_480 = tpu.memref_slice %arg6[%run_scoped3A_20, %dma_start3A_478, %dma_start3A_479] : memref<2x2x128xi32, #tpu.memory_space<vmem>> -> memref<1x2x128xi32, #tpu.memory_space<vmem>>
      %dma_start3A_481 = tpu.memref_squeeze %dma_start3A_480 : memref<1x2x128xi32, #tpu.memory_space<vmem>> -> memref<2x128xi32, #tpu.memory_space<vmem>>
      %dma_start3A_482 = arith.constant 0 : i32
      %dma_start3A_483 = arith.constant 0 : i32
      %dma_start3A_484 = tpu.memref_slice %arg4[%add3A_19, %dma_start3A_482, %dma_start3A_483] : memref<4000x2x128xi32, #tpu.memory_space<hbm>> -> memref<1x2x128xi32, #tpu.memory_space<hbm>>
      %dma_start3A_485 = tpu.memref_squeeze %dma_start3A_484 : memref<1x2x128xi32, #tpu.memory_space<hbm>> -> memref<2x128xi32, #tpu.memory_space<hbm>>
      %dma_start3A_486 = arith.constant 0 : i32
      %dma_start3A_487 = arith.constant 0 : i32
      %dma_start3A_488 = tpu.memref_slice %arg6[%run_scoped3A_20, %dma_start3A_486, %dma_start3A_487] : memref<2x2x128xi32, #tpu.memory_space<vmem>> -> memref<1x2x128xi32, #tpu.memory_space<vmem>>
      %dma_start3A_489 = tpu.memref_squeeze %dma_start3A_488 : memref<1x2x128xi32, #tpu.memory_space<vmem>> -> memref<2x128xi32, #tpu.memory_space<vmem>>
      %dma_start3A_490 = arith.constant 0 : i32
      %dma_start3A_491 = arith.constant 0 : i32
      %dma_start3A_492 = tpu.memref_slice %arg4[%add3A_19, %dma_start3A_490, %dma_start3A_491] : memref<4000x2x128xi32, #tpu.memory_space<hbm>> -> memref<1x2x128xi32, #tpu.memory_space<hbm>>
      %dma_start3A_493 = tpu.memref_squeeze %dma_start3A_492 : memref<1x2x128xi32, #tpu.memory_space<hbm>> -> memref<2x128xi32, #tpu.memory_space<hbm>>
      tpu.enqueue_dma source(%dma_start3A_493 : memref<2x128xi32, #tpu.memory_space<hbm>>) target(%dma_start3A_489 : memref<2x128xi32, #tpu.memory_space<vmem>>) target_semaphore(%run_scoped3A_477 : memref<!tpu.dma_semaphore, #tpu.memory_space<semaphore_mem>>)
      %dma_wait3A_494 = arith.constant 0 : i32
      %dma_wait3A_495 = arith.constant 0 : i32
      %dma_wait3A_496 = tpu.memref_slice %arg6[%run_scoped3A_20, %dma_wait3A_494, %dma_wait3A_495] : memref<2x2x128xi32, #tpu.memory_space<vmem>> -> memref<1x2x128xi32, #tpu.memory_space<vmem>>
      %dma_wait3A_497 = tpu.memref_squeeze %dma_wait3A_496 : memref<1x2x128xi32, #tpu.memory_space<vmem>> -> memref<2x128xi32, #tpu.memory_space<vmem>>
      %dma_wait3A_498 = arith.constant 0 : i32
      %dma_wait3A_499 = arith.constant 0 : i32
      %dma_wait3A_500 = tpu.memref_slice %arg4[%add3A_19, %dma_wait3A_498, %dma_wait3A_499] : memref<4000x2x128xi32, #tpu.memory_space<hbm>> -> memref<1x2x128xi32, #tpu.memory_space<hbm>>
      %dma_wait3A_501 = tpu.memref_squeeze %dma_wait3A_500 : memref<1x2x128xi32, #tpu.memory_space<hbm>> -> memref<2x128xi32, #tpu.memory_space<hbm>>
      %dma_wait3A_502 = arith.constant 0 : i32
      %dma_wait3A_503 = arith.constant 0 : i32
      %dma_wait3A_504 = tpu.memref_slice %arg6[%run_scoped3A_20, %dma_wait3A_502, %dma_wait3A_503] : memref<2x2x128xi32, #tpu.memory_space<vmem>> -> memref<1x2x128xi32, #tpu.memory_space<vmem>>
      %dma_wait3A_505 = tpu.memref_squeeze %dma_wait3A_504 : memref<1x2x128xi32, #tpu.memory_space<vmem>> -> memref<2x128xi32, #tpu.memory_space<vmem>>
      %dma_wait3A_506 = arith.constant 0 : i32
      %dma_wait3A_507 = arith.constant 0 : i32
      %dma_wait3A_508 = tpu.memref_slice %arg4[%add3A_19, %dma_wait3A_506, %dma_wait3A_507] : memref<4000x2x128xi32, #tpu.memory_space<hbm>> -> memref<1x2x128xi32, #tpu.memory_space<hbm>>
      %dma_wait3A_509 = tpu.memref_squeeze %dma_wait3A_508 : memref<1x2x128xi32, #tpu.memory_space<hbm>> -> memref<2x128xi32, #tpu.memory_space<hbm>>
      tpu.wait_dma2 semaphore(%run_scoped3A_477 : memref<!tpu.dma_semaphore, #tpu.memory_space<semaphore_mem>>) src(%dma_wait3A_509 : memref<2x128xi32, #tpu.memory_space<hbm>>) dst(%dma_wait3A_505 : memref<2x128xi32, #tpu.memory_space<vmem>>)
      tpu.yield
    }) : () -> ()
    %scan3A_21 = arith.constant 0 : i32
    %scan3A_22 = arith.constant 0 : i32
    %mul3A_23 = arith.constant 16 : i32
    %mul3A_24 = arith.muli %scan3A_22, %mul3A_23 : i32
    %get3A = arith.constant 0 : i32
    %get3A_25 = arith.constant 0 : i32
    %get3A_26 = arith.index_cast %get3A : i32 to index
    %get3A_27 = arith.index_cast %get3A_25 : i32 to index
    %get3A_28 = arith.index_cast %mul3A_24 : i32 to index
    %get3A_29 = tpu.vector_load %arg6[%get3A_26, %get3A_27, %get3A_28] {strides = array<i32>} : memref<2x2x128xi32, #tpu.memory_space<vmem>>, vector<1x1x16xi32>,
    %get3A_30 = vector.shape_cast %get3A_29 : vector<1x1x16xi32> to vector<16xi32>
    %mul3A_31 = arith.constant 16 : i32
    %mul3A_32 = arith.muli %scan3A_22, %mul3A_31 : i32
    %swap3A = arith.index_cast %mul3A_32 : i32 to index
    %swap3A_33 = tpu.vector_load %arg7[%swap3A] {strides = array<i32>} : memref<80xi32, #tpu.memory_space<vmem>>, vector<16xi32>,
    %swap3A_34 = vector.shape_cast %swap3A_33 : vector<16xi32> to vector<16xi32>
    %swap3A_35 = vector.shape_cast %get3A_30 : vector<16xi32> to vector<16xi32>
    tpu.vector_store %arg7[%swap3A], %swap3A_35 {strides = array<i32>} : memref<80xi32, #tpu.memory_space<vmem>>, vector<16xi32>,
    %scan3A_36 = arith.constant 1 : i32
    %mul3A_37 = arith.constant 16 : i32
    %mul3A_38 = arith.muli %scan3A_36, %mul3A_37 : i32
    %get3A_39 = arith.constant 0 : i32
    %get3A_40 = arith.constant 0 : i32
    %get3A_41 = arith.index_cast %get3A_39 : i32 to index
    %get3A_42 = arith.index_cast %get3A_40 : i32 to index
    %get3A_43 = arith.index_cast %mul3A_38 : i32 to index
    %get3A_44 = tpu.vector_load %arg6[%get3A_41, %get3A_42, %get3A_43] {strides = array<i32>} : memref<2x2x128xi32, #tpu.memory_space<vmem>>, vector<1x1x16xi32>,
    %get3A_45 = vector.shape_cast %get3A_44 : vector<1x1x16xi32> to vector<16xi32>
    %mul3A_46 = arith.constant 16 : i32
    %mul3A_47 = arith.muli %scan3A_36, %mul3A_46 : i32
    %swap3A_48 = arith.index_cast %mul3A_47 : i32 to index
    %swap3A_49 = tpu.vector_load %arg7[%swap3A_48] {strides = array<i32>} : memref<80xi32, #tpu.memory_space<vmem>>, vector<16xi32>,
    %swap3A_50 = vector.shape_cast %swap3A_49 : vector<16xi32> to vector<16xi32>
    %swap3A_51 = vector.shape_cast %get3A_45 : vector<16xi32> to vector<16xi32>
    tpu.vector_store %arg7[%swap3A_48], %swap3A_51 {strides = array<i32>} : memref<80xi32, #tpu.memory_space<vmem>>, vector<16xi32>,
    %scan3A_52 = arith.constant 2 : i32
    %mul3A_53 = arith.constant 16 : i32
    %mul3A_54 = arith.muli %scan3A_52, %mul3A_53 : i32
    %get3A_55 = arith.constant 0 : i32
    %get3A_56 = arith.constant 0 : i32
    %get3A_57 = arith.index_cast %get3A_55 : i32 to index
    %get3A_58 = arith.index_cast %get3A_56 : i32 to index
    %get3A_59 = arith.index_cast %mul3A_54 : i32 to index
    %get3A_60 = tpu.vector_load %arg6[%get3A_57, %get3A_58, %get3A_59] {strides = array<i32>} : memref<2x2x128xi32, #tpu.memory_space<vmem>>, vector<1x1x16xi32>,
    %get3A_61 = vector.shape_cast %get3A_60 : vector<1x1x16xi32> to vector<16xi32>
    %mul3A_62 = arith.constant 16 : i32
    %mul3A_63 = arith.muli %scan3A_52, %mul3A_62 : i32
    %swap3A_64 = arith.index_cast %mul3A_63 : i32 to index
    %swap3A_65 = tpu.vector_load %arg7[%swap3A_64] {strides = array<i32>} : memref<80xi32, #tpu.memory_space<vmem>>, vector<16xi32>,
    %swap3A_66 = vector.shape_cast %swap3A_65 : vector<16xi32> to vector<16xi32>
    %swap3A_67 = vector.shape_cast %get3A_61 : vector<16xi32> to vector<16xi32>
    tpu.vector_store %arg7[%swap3A_64], %swap3A_67 {strides = array<i32>} : memref<80xi32, #tpu.memory_space<vmem>>, vector<16xi32>,
    %scan3A_68 = arith.constant 3 : i32
    %mul3A_69 = arith.constant 16 : i32
    %mul3A_70 = arith.muli %scan3A_68, %mul3A_69 : i32
    %get3A_71 = arith.constant 0 : i32
    %get3A_72 = arith.constant 0 : i32
    %get3A_73 = arith.index_cast %get3A_71 : i32 to index
    %get3A_74 = arith.index_cast %get3A_72 : i32 to index
    %get3A_75 = arith.index_cast %mul3A_70 : i32 to index
    %get3A_76 = tpu.vector_load %arg6[%get3A_73, %get3A_74, %get3A_75] {strides = array<i32>} : memref<2x2x128xi32, #tpu.memory_space<vmem>>, vector<1x1x16xi32>,
    %get3A_77 = vector.shape_cast %get3A_76 : vector<1x1x16xi32> to vector<16xi32>
    %mul3A_78 = arith.constant 16 : i32
    %mul3A_79 = arith.muli %scan3A_68, %mul3A_78 : i32
    %swap3A_80 = arith.index_cast %mul3A_79 : i32 to index
    %swap3A_81 = tpu.vector_load %arg7[%swap3A_80] {strides = array<i32>} : memref<80xi32, #tpu.memory_space<vmem>>, vector<16xi32>,
    %swap3A_82 = vector.shape_cast %swap3A_81 : vector<16xi32> to vector<16xi32>
    %swap3A_83 = vector.shape_cast %get3A_77 : vector<16xi32> to vector<16xi32>
    tpu.vector_store %arg7[%swap3A_80], %swap3A_83 {strides = array<i32>} : memref<80xi32, #tpu.memory_space<vmem>>, vector<16xi32>,
    %scan3A_84 = arith.constant 4 : i32
    %mul3A_85 = arith.constant 16 : i32
    %mul3A_86 = arith.muli %scan3A_84, %mul3A_85 : i32
    %get3A_87 = arith.constant 0 : i32
    %get3A_88 = arith.constant 0 : i32
    %get3A_89 = arith.index_cast %get3A_87 : i32 to index
    %get3A_90 = arith.index_cast %get3A_88 : i32 to index
    %get3A_91 = arith.index_cast %mul3A_86 : i32 to index
    %get3A_92 = tpu.vector_load %arg6[%get3A_89, %get3A_90, %get3A_91] {strides = array<i32>} : memref<2x2x128xi32, #tpu.memory_space<vmem>>, vector<1x1x16xi32>,
    %get3A_93 = vector.shape_cast %get3A_92 : vector<1x1x16xi32> to vector<16xi32>
    %mul3A_94 = arith.constant 16 : i32
    %mul3A_95 = arith.muli %scan3A_84, %mul3A_94 : i32
    %swap3A_96 = arith.index_cast %mul3A_95 : i32 to index
    %swap3A_97 = tpu.vector_load %arg7[%swap3A_96] {strides = array<i32>} : memref<80xi32, #tpu.memory_space<vmem>>, vector<16xi32>,
    %swap3A_98 = vector.shape_cast %swap3A_97 : vector<16xi32> to vector<16xi32>
    %swap3A_99 = vector.shape_cast %get3A_93 : vector<16xi32> to vector<16xi32>
    tpu.vector_store %arg7[%swap3A_96], %swap3A_99 {strides = array<i32>} : memref<80xi32, #tpu.memory_space<vmem>>, vector<16xi32>,
    %scan3A_100 = arith.constant 5 : i32
    %scan3A_101 = arith.constant 0 : i32
    %scan3A_102 = arith.constant 0 : i32
    %mul3A_103 = arith.constant 16 : i32
    %mul3A_104 = arith.muli %scan3A_102, %mul3A_103 : i32
    %get3A_105 = arith.constant 0 : i32
    %get3A_106 = arith.constant 1 : i32
    %get3A_107 = arith.index_cast %get3A_105 : i32 to index
    %get3A_108 = arith.index_cast %get3A_106 : i32 to index
    %get3A_109 = arith.index_cast %mul3A_104 : i32 to index
    %get3A_110 = tpu.vector_load %arg6[%get3A_107, %get3A_108, %get3A_109] {strides = array<i32>} : memref<2x2x128xi32, #tpu.memory_space<vmem>>, vector<1x1x16xi32>,
    %get3A_111 = vector.shape_cast %get3A_110 : vector<1x1x16xi32> to vector<16xi32>
    %mul3A_112 = arith.constant 16 : i32
    %mul3A_113 = arith.muli %scan3A_102, %mul3A_112 : i32
    %swap3A_114 = arith.index_cast %mul3A_113 : i32 to index
    %swap3A_115 = tpu.vector_load %arg9[%swap3A_114] {strides = array<i32>} : memref<80xi32, #tpu.memory_space<vmem>>, vector<16xi32>,
    %swap3A_116 = vector.shape_cast %swap3A_115 : vector<16xi32> to vector<16xi32>
    %swap3A_117 = vector.shape_cast %get3A_111 : vector<16xi32> to vector<16xi32>
    tpu.vector_store %arg9[%swap3A_114], %swap3A_117 {strides = array<i32>} : memref<80xi32, #tpu.memory_space<vmem>>, vector<16xi32>,
    %scan3A_118 = arith.constant 1 : i32
    %mul3A_119 = arith.constant 16 : i32
    %mul3A_120 = arith.muli %scan3A_118, %mul3A_119 : i32
    %get3A_121 = arith.constant 0 : i32
    %get3A_122 = arith.constant 1 : i32
    %get3A_123 = arith.index_cast %get3A_121 : i32 to index
    %get3A_124 = arith.index_cast %get3A_122 : i32 to index
    %get3A_125 = arith.index_cast %mul3A_120 : i32 to index
    %get3A_126 = tpu.vector_load %arg6[%get3A_123, %get3A_124, %get3A_125] {strides = array<i32>} : memref<2x2x128xi32, #tpu.memory_space<vmem>>, vector<1x1x16xi32>,
    %get3A_127 = vector.shape_cast %get3A_126 : vector<1x1x16xi32> to vector<16xi32>
    %mul3A_128 = arith.constant 16 : i32
    %mul3A_129 = arith.muli %scan3A_118, %mul3A_128 : i32
    %swap3A_130 = arith.index_cast %mul3A_129 : i32 to index
    %swap3A_131 = tpu.vector_load %arg9[%swap3A_130] {strides = array<i32>} : memref<80xi32, #tpu.memory_space<vmem>>, vector<16xi32>,
    %swap3A_132 = vector.shape_cast %swap3A_131 : vector<16xi32> to vector<16xi32>
    %swap3A_133 = vector.shape_cast %get3A_127 : vector<16xi32> to vector<16xi32>
    tpu.vector_store %arg9[%swap3A_130], %swap3A_133 {strides = array<i32>} : memref<80xi32, #tpu.memory_space<vmem>>, vector<16xi32>,
    %scan3A_134 = arith.constant 2 : i32
    %mul3A_135 = arith.constant 16 : i32
    %mul3A_136 = arith.muli %scan3A_134, %mul3A_135 : i32
    %get3A_137 = arith.constant 0 : i32
    %get3A_138 = arith.constant 1 : i32
    %get3A_139 = arith.index_cast %get3A_137 : i32 to index
    %get3A_140 = arith.index_cast %get3A_138 : i32 to index
    %get3A_141 = arith.index_cast %mul3A_136 : i32 to index
    %get3A_142 = tpu.vector_load %arg6[%get3A_139, %get3A_140, %get3A_141] {strides = array<i32>} : memref<2x2x128xi32, #tpu.memory_space<vmem>>, vector<1x1x16xi32>,
    %get3A_143 = vector.shape_cast %get3A_142 : vector<1x1x16xi32> to vector<16xi32>
    %mul3A_144 = arith.constant 16 : i32
    %mul3A_145 = arith.muli %scan3A_134, %mul3A_144 : i32
    %swap3A_146 = arith.index_cast %mul3A_145 : i32 to index
    %swap3A_147 = tpu.vector_load %arg9[%swap3A_146] {strides = array<i32>} : memref<80xi32, #tpu.memory_space<vmem>>, vector<16xi32>,
    %swap3A_148 = vector.shape_cast %swap3A_147 : vector<16xi32> to vector<16xi32>
    %swap3A_149 = vector.shape_cast %get3A_143 : vector<16xi32> to vector<16xi32>
    tpu.vector_store %arg9[%swap3A_146], %swap3A_149 {strides = array<i32>} : memref<80xi32, #tpu.memory_space<vmem>>, vector<16xi32>,
    %scan3A_150 = arith.constant 3 : i32
    %mul3A_151 = arith.constant 16 : i32
    %mul3A_152 = arith.muli %scan3A_150, %mul3A_151 : i32
    %get3A_153 = arith.constant 0 : i32
    %get3A_154 = arith.constant 1 : i32
    %get3A_155 = arith.index_cast %get3A_153 : i32 to index
    %get3A_156 = arith.index_cast %get3A_154 : i32 to index
    %get3A_157 = arith.index_cast %mul3A_152 : i32 to index
    %get3A_158 = tpu.vector_load %arg6[%get3A_155, %get3A_156, %get3A_157] {strides = array<i32>} : memref<2x2x128xi32, #tpu.memory_space<vmem>>, vector<1x1x16xi32>,
    %get3A_159 = vector.shape_cast %get3A_158 : vector<1x1x16xi32> to vector<16xi32>
    %mul3A_160 = arith.constant 16 : i32
    %mul3A_161 = arith.muli %scan3A_150, %mul3A_160 : i32
    %swap3A_162 = arith.index_cast %mul3A_161 : i32 to index
    %swap3A_163 = tpu.vector_load %arg9[%swap3A_162] {strides = array<i32>} : memref<80xi32, #tpu.memory_space<vmem>>, vector<16xi32>,
    %swap3A_164 = vector.shape_cast %swap3A_163 : vector<16xi32> to vector<16xi32>
    %swap3A_165 = vector.shape_cast %get3A_159 : vector<16xi32> to vector<16xi32>
    tpu.vector_store %arg9[%swap3A_162], %swap3A_165 {strides = array<i32>} : memref<80xi32, #tpu.memory_space<vmem>>, vector<16xi32>,
    %scan3A_166 = arith.constant 4 : i32
    %mul3A_167 = arith.constant 16 : i32
    %mul3A_168 = arith.muli %scan3A_166, %mul3A_167 : i32
    %get3A_169 = arith.constant 0 : i32
    %get3A_170 = arith.constant 1 : i32
    %get3A_171 = arith.index_cast %get3A_169 : i32 to index
    %get3A_172 = arith.index_cast %get3A_170 : i32 to index
    %get3A_173 = arith.index_cast %mul3A_168 : i32 to index
    %get3A_174 = tpu.vector_load %arg6[%get3A_171, %get3A_172, %get3A_173] {strides = array<i32>} : memref<2x2x128xi32, #tpu.memory_space<vmem>>, vector<1x1x16xi32>,
    %get3A_175 = vector.shape_cast %get3A_174 : vector<1x1x16xi32> to vector<16xi32>
    %mul3A_176 = arith.constant 16 : i32
    %mul3A_177 = arith.muli %scan3A_166, %mul3A_176 : i32
    %swap3A_178 = arith.index_cast %mul3A_177 : i32 to index
    %swap3A_179 = tpu.vector_load %arg9[%swap3A_178] {strides = array<i32>} : memref<80xi32, #tpu.memory_space<vmem>>, vector<16xi32>,
    %swap3A_180 = vector.shape_cast %swap3A_179 : vector<16xi32> to vector<16xi32>
    %swap3A_181 = vector.shape_cast %get3A_175 : vector<16xi32> to vector<16xi32>
    tpu.vector_store %arg9[%swap3A_178], %swap3A_181 {strides = array<i32>} : memref<80xi32, #tpu.memory_space<vmem>>, vector<16xi32>,
    %scan3A_182 = arith.constant 5 : i32
    %scan3A_183 = arith.constant 0 : i32
    %scan3A_184 = arith.constant 0 : i32
    %mul3A_185 = arith.constant 16 : i32
    %mul3A_186 = arith.muli %scan3A_184, %mul3A_185 : i32
    %get3A_187 = arith.constant 1 : i32
    %get3A_188 = arith.constant 0 : i32
    %get3A_189 = arith.index_cast %get3A_187 : i32 to index
    %get3A_190 = arith.index_cast %get3A_188 : i32 to index
    %get3A_191 = arith.index_cast %mul3A_186 : i32 to index
    %get3A_192 = tpu.vector_load %arg6[%get3A_189, %get3A_190, %get3A_191] {strides = array<i32>} : memref<2x2x128xi32, #tpu.memory_space<vmem>>, vector<1x1x16xi32>,
    %get3A_193 = vector.shape_cast %get3A_192 : vector<1x1x16xi32> to vector<16xi32>
    %mul3A_194 = arith.constant 16 : i32
    %mul3A_195 = arith.muli %scan3A_184, %mul3A_194 : i32
    %swap3A_196 = arith.index_cast %mul3A_195 : i32 to index
    %swap3A_197 = tpu.vector_load %arg8[%swap3A_196] {strides = array<i32>} : memref<80xi32, #tpu.memory_space<vmem>>, vector<16xi32>,
    %swap3A_198 = vector.shape_cast %swap3A_197 : vector<16xi32> to vector<16xi32>
    %swap3A_199 = vector.shape_cast %get3A_193 : vector<16xi32> to vector<16xi32>
    tpu.vector_store %arg8[%swap3A_196], %swap3A_199 {strides = array<i32>} : memref<80xi32, #tpu.memory_space<vmem>>, vector<16xi32>,
    %scan3A_200 = arith.constant 1 : i32
    %mul3A_201 = arith.constant 16 : i32
    %mul3A_202 = arith.muli %scan3A_200, %mul3A_201 : i32
    %get3A_203 = arith.constant 1 : i32
    %get3A_204 = arith.constant 0 : i32
    %get3A_205 = arith.index_cast %get3A_203 : i32 to index
    %get3A_206 = arith.index_cast %get3A_204 : i32 to index
    %get3A_207 = arith.index_cast %mul3A_202 : i32 to index
    %get3A_208 = tpu.vector_load %arg6[%get3A_205, %get3A_206, %get3A_207] {strides = array<i32>} : memref<2x2x128xi32, #tpu.memory_space<vmem>>, vector<1x1x16xi32>,
    %get3A_209 = vector.shape_cast %get3A_208 : vector<1x1x16xi32> to vector<16xi32>
    %mul3A_210 = arith.constant 16 : i32
    %mul3A_211 = arith.muli %scan3A_200, %mul3A_210 : i32
    %swap3A_212 = arith.index_cast %mul3A_211 : i32 to index
    %swap3A_213 = tpu.vector_load %arg8[%swap3A_212] {strides = array<i32>} : memref<80xi32, #tpu.memory_space<vmem>>, vector<16xi32>,
    %swap3A_214 = vector.shape_cast %swap3A_213 : vector<16xi32> to vector<16xi32>
    %swap3A_215 = vector.shape_cast %get3A_209 : vector<16xi32> to vector<16xi32>
    tpu.vector_store %arg8[%swap3A_212], %swap3A_215 {strides = array<i32>} : memref<80xi32, #tpu.memory_space<vmem>>, vector<16xi32>,
    %scan3A_216 = arith.constant 2 : i32
    %mul3A_217 = arith.constant 16 : i32
    %mul3A_218 = arith.muli %scan3A_216, %mul3A_217 : i32
    %get3A_219 = arith.constant 1 : i32
    %get3A_220 = arith.constant 0 : i32
    %get3A_221 = arith.index_cast %get3A_219 : i32 to index
    %get3A_222 = arith.index_cast %get3A_220 : i32 to index
    %get3A_223 = arith.index_cast %mul3A_218 : i32 to index
    %get3A_224 = tpu.vector_load %arg6[%get3A_221, %get3A_222, %get3A_223] {strides = array<i32>} : memref<2x2x128xi32, #tpu.memory_space<vmem>>, vector<1x1x16xi32>,
    %get3A_225 = vector.shape_cast %get3A_224 : vector<1x1x16xi32> to vector<16xi32>
    %mul3A_226 = arith.constant 16 : i32
    %mul3A_227 = arith.muli %scan3A_216, %mul3A_226 : i32
    %swap3A_228 = arith.index_cast %mul3A_227 : i32 to index
    %swap3A_229 = tpu.vector_load %arg8[%swap3A_228] {strides = array<i32>} : memref<80xi32, #tpu.memory_space<vmem>>, vector<16xi32>,
    %swap3A_230 = vector.shape_cast %swap3A_229 : vector<16xi32> to vector<16xi32>
    %swap3A_231 = vector.shape_cast %get3A_225 : vector<16xi32> to vector<16xi32>
    tpu.vector_store %arg8[%swap3A_228], %swap3A_231 {strides = array<i32>} : memref<80xi32, #tpu.memory_space<vmem>>, vector<16xi32>,
    %scan3A_232 = arith.constant 3 : i32
    %mul3A_233 = arith.constant 16 : i32
    %mul3A_234 = arith.muli %scan3A_232, %mul3A_233 : i32
    %get3A_235 = arith.constant 1 : i32
    %get3A_236 = arith.constant 0 : i32
    %get3A_237 = arith.index_cast %get3A_235 : i32 to index
    %get3A_238 = arith.index_cast %get3A_236 : i32 to index
    %get3A_239 = arith.index_cast %mul3A_234 : i32 to index
    %get3A_240 = tpu.vector_load %arg6[%get3A_237, %get3A_238, %get3A_239] {strides = array<i32>} : memref<2x2x128xi32, #tpu.memory_space<vmem>>, vector<1x1x16xi32>,
    %get3A_241 = vector.shape_cast %get3A_240 : vector<1x1x16xi32> to vector<16xi32>
    %mul3A_242 = arith.constant 16 : i32
    %mul3A_243 = arith.muli %scan3A_232, %mul3A_242 : i32
    %swap3A_244 = arith.index_cast %mul3A_243 : i32 to index
    %swap3A_245 = tpu.vector_load %arg8[%swap3A_244] {strides = array<i32>} : memref<80xi32, #tpu.memory_space<vmem>>, vector<16xi32>,
    %swap3A_246 = vector.shape_cast %swap3A_245 : vector<16xi32> to vector<16xi32>
    %swap3A_247 = vector.shape_cast %get3A_241 : vector<16xi32> to vector<16xi32>
    tpu.vector_store %arg8[%swap3A_244], %swap3A_247 {strides = array<i32>} : memref<80xi32, #tpu.memory_space<vmem>>, vector<16xi32>,
    %scan3A_248 = arith.constant 4 : i32
    %mul3A_249 = arith.constant 16 : i32
    %mul3A_250 = arith.muli %scan3A_248, %mul3A_249 : i32
    %get3A_251 = arith.constant 1 : i32
    %get3A_252 = arith.constant 0 : i32
    %get3A_253 = arith.index_cast %get3A_251 : i32 to index
    %get3A_254 = arith.index_cast %get3A_252 : i32 to index
    %get3A_255 = arith.index_cast %mul3A_250 : i32 to index
    %get3A_256 = tpu.vector_load %arg6[%get3A_253, %get3A_254, %get3A_255] {strides = array<i32>} : memref<2x2x128xi32, #tpu.memory_space<vmem>>, vector<1x1x16xi32>,
    %get3A_257 = vector.shape_cast %get3A_256 : vector<1x1x16xi32> to vector<16xi32>
    %mul3A_258 = arith.constant 16 : i32
    %mul3A_259 = arith.muli %scan3A_248, %mul3A_258 : i32
    %swap3A_260 = arith.index_cast %mul3A_259 : i32 to index
    %swap3A_261 = tpu.vector_load %arg8[%swap3A_260] {strides = array<i32>} : memref<80xi32, #tpu.memory_space<vmem>>, vector<16xi32>,
    %swap3A_262 = vector.shape_cast %swap3A_261 : vector<16xi32> to vector<16xi32>
    %swap3A_263 = vector.shape_cast %get3A_257 : vector<16xi32> to vector<16xi32>
    tpu.vector_store %arg8[%swap3A_260], %swap3A_263 {strides = array<i32>} : memref<80xi32, #tpu.memory_space<vmem>>, vector<16xi32>,
    %scan3A_264 = arith.constant 5 : i32
    %scan3A_265 = arith.constant 0 : i32
    %scan3A_266 = arith.constant 0 : i32
    %mul3A_267 = arith.constant 16 : i32
    %mul3A_268 = arith.muli %scan3A_266, %mul3A_267 : i32
    %get3A_269 = arith.constant 1 : i32
    %get3A_270 = arith.constant 1 : i32
    %get3A_271 = arith.index_cast %get3A_269 : i32 to index
    %get3A_272 = arith.index_cast %get3A_270 : i32 to index
    %get3A_273 = arith.index_cast %mul3A_268 : i32 to index
    %get3A_274 = tpu.vector_load %arg6[%get3A_271, %get3A_272, %get3A_273] {strides = array<i32>} : memref<2x2x128xi32, #tpu.memory_space<vmem>>, vector<1x1x16xi32>,
    %get3A_275 = vector.shape_cast %get3A_274 : vector<1x1x16xi32> to vector<16xi32>
    %mul3A_276 = arith.constant 16 : i32
    %mul3A_277 = arith.muli %scan3A_266, %mul3A_276 : i32
    %swap3A_278 = arith.index_cast %mul3A_277 : i32 to index
    %swap3A_279 = tpu.vector_load %arg10[%swap3A_278] {strides = array<i32>} : memref<80xi32, #tpu.memory_space<vmem>>, vector<16xi32>,
    %swap3A_280 = vector.shape_cast %swap3A_279 : vector<16xi32> to vector<16xi32>
    %swap3A_281 = vector.shape_cast %get3A_275 : vector<16xi32> to vector<16xi32>
    tpu.vector_store %arg10[%swap3A_278], %swap3A_281 {strides = array<i32>} : memref<80xi32, #tpu.memory_space<vmem>>, vector<16xi32>,
    %scan3A_282 = arith.constant 1 : i32
    %mul3A_283 = arith.constant 16 : i32
    %mul3A_284 = arith.muli %scan3A_282, %mul3A_283 : i32
    %get3A_285 = arith.constant 1 : i32
    %get3A_286 = arith.constant 1 : i32
    %get3A_287 = arith.index_cast %get3A_285 : i32 to index
    %get3A_288 = arith.index_cast %get3A_286 : i32 to index
    %get3A_289 = arith.index_cast %mul3A_284 : i32 to index
    %get3A_290 = tpu.vector_load %arg6[%get3A_287, %get3A_288, %get3A_289] {strides = array<i32>} : memref<2x2x128xi32, #tpu.memory_space<vmem>>, vector<1x1x16xi32>,
    %get3A_291 = vector.shape_cast %get3A_290 : vector<1x1x16xi32> to vector<16xi32>
    %mul3A_292 = arith.constant 16 : i32
    %mul3A_293 = arith.muli %scan3A_282, %mul3A_292 : i32
    %swap3A_294 = arith.index_cast %mul3A_293 : i32 to index
    %swap3A_295 = tpu.vector_load %arg10[%swap3A_294] {strides = array<i32>} : memref<80xi32, #tpu.memory_space<vmem>>, vector<16xi32>,
    %swap3A_296 = vector.shape_cast %swap3A_295 : vector<16xi32> to vector<16xi32>
    %swap3A_297 = vector.shape_cast %get3A_291 : vector<16xi32> to vector<16xi32>
    tpu.vector_store %arg10[%swap3A_294], %swap3A_297 {strides = array<i32>} : memref<80xi32, #tpu.memory_space<vmem>>, vector<16xi32>,
    %scan3A_298 = arith.constant 2 : i32
    %mul3A_299 = arith.constant 16 : i32
    %mul3A_300 = arith.muli %scan3A_298, %mul3A_299 : i32
    %get3A_301 = arith.constant 1 : i32
    %get3A_302 = arith.constant 1 : i32
    %get3A_303 = arith.index_cast %get3A_301 : i32 to index
    %get3A_304 = arith.index_cast %get3A_302 : i32 to index
    %get3A_305 = arith.index_cast %mul3A_300 : i32 to index
    %get3A_306 = tpu.vector_load %arg6[%get3A_303, %get3A_304, %get3A_305] {strides = array<i32>} : memref<2x2x128xi32, #tpu.memory_space<vmem>>, vector<1x1x16xi32>,
    %get3A_307 = vector.shape_cast %get3A_306 : vector<1x1x16xi32> to vector<16xi32>
    %mul3A_308 = arith.constant 16 : i32
    %mul3A_309 = arith.muli %scan3A_298, %mul3A_308 : i32
    %swap3A_310 = arith.index_cast %mul3A_309 : i32 to index
    %swap3A_311 = tpu.vector_load %arg10[%swap3A_310] {strides = array<i32>} : memref<80xi32, #tpu.memory_space<vmem>>, vector<16xi32>,
    %swap3A_312 = vector.shape_cast %swap3A_311 : vector<16xi32> to vector<16xi32>
    %swap3A_313 = vector.shape_cast %get3A_307 : vector<16xi32> to vector<16xi32>
    tpu.vector_store %arg10[%swap3A_310], %swap3A_313 {strides = array<i32>} : memref<80xi32, #tpu.memory_space<vmem>>, vector<16xi32>,
    %scan3A_314 = arith.constant 3 : i32
    %mul3A_315 = arith.constant 16 : i32
    %mul3A_316 = arith.muli %scan3A_314, %mul3A_315 : i32
    %get3A_317 = arith.constant 1 : i32
    %get3A_318 = arith.constant 1 : i32
    %get3A_319 = arith.index_cast %get3A_317 : i32 to index
    %get3A_320 = arith.index_cast %get3A_318 : i32 to index
    %get3A_321 = arith.index_cast %mul3A_316 : i32 to index
    %get3A_322 = tpu.vector_load %arg6[%get3A_319, %get3A_320, %get3A_321] {strides = array<i32>} : memref<2x2x128xi32, #tpu.memory_space<vmem>>, vector<1x1x16xi32>,
    %get3A_323 = vector.shape_cast %get3A_322 : vector<1x1x16xi32> to vector<16xi32>
    %mul3A_324 = arith.constant 16 : i32
    %mul3A_325 = arith.muli %scan3A_314, %mul3A_324 : i32
    %swap3A_326 = arith.index_cast %mul3A_325 : i32 to index
    %swap3A_327 = tpu.vector_load %arg10[%swap3A_326] {strides = array<i32>} : memref<80xi32, #tpu.memory_space<vmem>>, vector<16xi32>,
    %swap3A_328 = vector.shape_cast %swap3A_327 : vector<16xi32> to vector<16xi32>
    %swap3A_329 = vector.shape_cast %get3A_323 : vector<16xi32> to vector<16xi32>
    tpu.vector_store %arg10[%swap3A_326], %swap3A_329 {strides = array<i32>} : memref<80xi32, #tpu.memory_space<vmem>>, vector<16xi32>,
    %scan3A_330 = arith.constant 4 : i32
    %mul3A_331 = arith.constant 16 : i32
    %mul3A_332 = arith.muli %scan3A_330, %mul3A_331 : i32
    %get3A_333 = arith.constant 1 : i32
    %get3A_334 = arith.constant 1 : i32
    %get3A_335 = arith.index_cast %get3A_333 : i32 to index
    %get3A_336 = arith.index_cast %get3A_334 : i32 to index
    %get3A_337 = arith.index_cast %mul3A_332 : i32 to index
    %get3A_338 = tpu.vector_load %arg6[%get3A_335, %get3A_336, %get3A_337] {strides = array<i32>} : memref<2x2x128xi32, #tpu.memory_space<vmem>>, vector<1x1x16xi32>,
    %get3A_339 = vector.shape_cast %get3A_338 : vector<1x1x16xi32> to vector<16xi32>
    %mul3A_340 = arith.constant 16 : i32
    %mul3A_341 = arith.muli %scan3A_330, %mul3A_340 : i32
    %swap3A_342 = arith.index_cast %mul3A_341 : i32 to index
    %swap3A_343 = tpu.vector_load %arg10[%swap3A_342] {strides = array<i32>} : memref<80xi32, #tpu.memory_space<vmem>>, vector<16xi32>,
    %swap3A_344 = vector.shape_cast %swap3A_343 : vector<16xi32> to vector<16xi32>
    %swap3A_345 = vector.shape_cast %get3A_339 : vector<16xi32> to vector<16xi32>
    tpu.vector_store %arg10[%swap3A_342], %swap3A_345 {strides = array<i32>} : memref<80xi32, #tpu.memory_space<vmem>>, vector<16xi32>,
    %scan3A_346 = arith.constant 5 : i32
    %dma_start3A = arith.constant 0 : i32
    %dma_start3A_347 = arith.constant 0 : i32
    %dma_start3A_348 = tpu.memref_slice %arg11[%dma_start3A, %dma_start3A_347] : memref<160x128xf32, #tpu.memory_space<vmem>> -> memref<80x128xf32, #tpu.memory_space<vmem>>
    %dma_start3A_349 = arith.constant 0 : i32
    %dma_start3A_350 = arith.constant 0 : i32
    %dma_start3A_351 = tpu.memref_slice %arg2[%dma_start3A_349, %dma_start3A_350] : memref<10000x128xf32, #tpu.memory_space<hbm>> -> memref<10000x128xf32, #tpu.memory_space<hbm>>
    tpu.enqueue_indirect_dma source(%dma_start3A_351 : memref<10000x128xf32, #tpu.memory_space<hbm>>) target(%dma_start3A_348 : memref<80x128xf32, #tpu.memory_space<vmem>>) offsets(%arg7 : memref<80xi32, #tpu.memory_space<vmem>>) semaphore(%arg16 : memref<!tpu.dma_semaphore, #tpu.memory_space<semaphore_mem>>)
    %add3A_352 = arith.constant 0 : i32
    %add3A_353 = arith.addi %mul3A_15, %add3A_352 : i32
    %jit3A = arith.constant 2 : i32
    %div3A = arith.divsi %add3A_353, %jit3A : i32
    %sign3A = arith.constant 0 : i32
    %sign3A_354 = arith.cmpi sgt, %add3A_353, %sign3A : i32
    %sign3A_355 = arith.extui %sign3A_354 : i1 to i32
    %sign3A_356 = arith.constant 0 : i32
    %sign3A_357 = arith.cmpi slt, %add3A_353, %sign3A_356 : i32
    %sign3A_358 = arith.extui %sign3A_357 : i1 to i32
    %sign3A_359 = arith.subi %sign3A_355, %sign3A_358 : i32
    %sign3A_360 = arith.constant 0 : i32
    %sign3A_361 = arith.cmpi sgt, %jit3A, %sign3A_360 : i32
    %sign3A_362 = arith.extui %sign3A_361 : i1 to i32
    %sign3A_363 = arith.constant 0 : i32
    %sign3A_364 = arith.cmpi slt, %jit3A, %sign3A_363 : i32
    %sign3A_365 = arith.extui %sign3A_364 : i1 to i32
    %sign3A_366 = arith.subi %sign3A_362, %sign3A_365 : i32
    %ne3A = arith.cmpi ne, %sign3A_359, %sign3A_366 : i32
    %rem3A = arith.remsi %add3A_353, %jit3A : i32
    %ne3A_367 = arith.constant 0 : i32
    %ne3A_368 = arith.cmpi ne, %rem3A, %ne3A_367 : i32
    %and3A = arith.andi %ne3A, %ne3A_368 : i1
    %sub3A = arith.constant 1 : i32
    %sub3A_369 = arith.subi %div3A, %sub3A : i32
    %select_n3A = arith.select %and3A, %sub3A_369, %div3A : i32
    %multiple_of3A = tpu.assume_multiple %select_n3A, 8 : i32
    %dma_start3A_370 = arith.constant 0 : i32
    %dma_start3A_371 = arith.constant 0 : i32
    %dma_start3A_372 = tpu.memref_slice %arg12[%dma_start3A_370, %dma_start3A_371] : memref<80x128xi32, #tpu.memory_space<vmem>> -> memref<40x128xi32, #tpu.memory_space<vmem>>
    %dma_start3A_373 = arith.constant 0 : i32
    %dma_start3A_374 = tpu.memref_slice %arg3[%multiple_of3A, %dma_start3A_373] : memref<160000x128xi32, #tpu.memory_space<hbm>> -> memref<40x128xi32, #tpu.memory_space<hbm>>
    %dma_start3A_375 = arith.constant 0 : i32
    %dma_start3A_376 = arith.constant 0 : i32
    %dma_start3A_377 = tpu.memref_slice %arg12[%dma_start3A_375, %dma_start3A_376] : memref<80x128xi32, #tpu.memory_space<vmem>> -> memref<40x128xi32, #tpu.memory_space<vmem>>
    %dma_start3A_378 = arith.constant 0 : i32
    %dma_start3A_379 = tpu.memref_slice %arg3[%multiple_of3A, %dma_start3A_378] : memref<160000x128xi32, #tpu.memory_space<hbm>> -> memref<40x128xi32, #tpu.memory_space<hbm>>
    tpu.enqueue_dma source(%dma_start3A_379 : memref<40x128xi32, #tpu.memory_space<hbm>>) target(%dma_start3A_377 : memref<40x128xi32, #tpu.memory_space<vmem>>) target_semaphore(%arg18 : memref<!tpu.dma_semaphore, #tpu.memory_space<semaphore_mem>>)
    %dma_start3A_380 = arith.constant 80 : i32
    %dma_start3A_381 = arith.constant 0 : i32
    %dma_start3A_382 = tpu.memref_slice %arg11[%dma_start3A_380, %dma_start3A_381] : memref<160x128xf32, #tpu.memory_space<vmem>> -> memref<80x128xf32, #tpu.memory_space<vmem>>
    %dma_start3A_383 = arith.constant 0 : i32
    %dma_start3A_384 = arith.constant 0 : i32
    %dma_start3A_385 = tpu.memref_slice %arg2[%dma_start3A_383, %dma_start3A_384] : memref<10000x128xf32, #tpu.memory_space<hbm>> -> memref<10000x128xf32, #tpu.memory_space<hbm>>
    tpu.enqueue_indirect_dma source(%dma_start3A_385 : memref<10000x128xf32, #tpu.memory_space<hbm>>) target(%dma_start3A_382 : memref<80x128xf32, #tpu.memory_space<vmem>>) offsets(%arg8 : memref<80xi32, #tpu.memory_space<vmem>>) semaphore(%arg17 : memref<!tpu.dma_semaphore, #tpu.memory_space<semaphore_mem>>)
    %add3A_386 = arith.constant 80 : i32
    %add3A_387 = arith.addi %mul3A_15, %add3A_386 : i32
    %jit3A_388 = arith.constant 2 : i32
    %div3A_389 = arith.divsi %add3A_387, %jit3A_388 : i32
    %sign3A_390 = arith.constant 0 : i32
    %sign3A_391 = arith.cmpi sgt, %add3A_387, %sign3A_390 : i32
    %sign3A_392 = arith.extui %sign3A_391 : i1 to i32
    %sign3A_393 = arith.constant 0 : i32
    %sign3A_394 = arith.cmpi slt, %add3A_387, %sign3A_393 : i32
    %sign3A_395 = arith.extui %sign3A_394 : i1 to i32
    %sign3A_396 = arith.subi %sign3A_392, %sign3A_395 : i32
    %sign3A_397 = arith.constant 0 : i32
    %sign3A_398 = arith.cmpi sgt, %jit3A_388, %sign3A_397 : i32
    %sign3A_399 = arith.extui %sign3A_398 : i1 to i32
    %sign3A_400 = arith.constant 0 : i32
    %sign3A_401 = arith.cmpi slt, %jit3A_388, %sign3A_400 : i32
    %sign3A_402 = arith.extui %sign3A_401 : i1 to i32
    %sign3A_403 = arith.subi %sign3A_399, %sign3A_402 : i32
    %ne3A_404 = arith.cmpi ne, %sign3A_396, %sign3A_403 : i32
    %rem3A_405 = arith.remsi %add3A_387, %jit3A_388 : i32
    %ne3A_406 = arith.constant 0 : i32
    %ne3A_407 = arith.cmpi ne, %rem3A_405, %ne3A_406 : i32
    %and3A_408 = arith.andi %ne3A_404, %ne3A_407 : i1
    %sub3A_409 = arith.constant 1 : i32
    %sub3A_410 = arith.subi %div3A_389, %sub3A_409 : i32
    %select_n3A_411 = arith.select %and3A_408, %sub3A_410, %div3A_389 : i32
    %multiple_of3A_412 = tpu.assume_multiple %select_n3A_411, 8 : i32
    %dma_start3A_413 = arith.constant 40 : i32
    %dma_start3A_414 = arith.constant 0 : i32
    %dma_start3A_415 = tpu.memref_slice %arg12[%dma_start3A_413, %dma_start3A_414] : memref<80x128xi32, #tpu.memory_space<vmem>> -> memref<40x128xi32, #tpu.memory_space<vmem>>
    %dma_start3A_416 = arith.constant 0 : i32
    %dma_start3A_417 = tpu.memref_slice %arg3[%multiple_of3A_412, %dma_start3A_416] : memref<160000x128xi32, #tpu.memory_space<hbm>> -> memref<40x128xi32, #tpu.memory_space<hbm>>
    %dma_start3A_418 = arith.constant 40 : i32
    %dma_start3A_419 = arith.constant 0 : i32
    %dma_start3A_420 = tpu.memref_slice %arg12[%dma_start3A_418, %dma_start3A_419] : memref<80x128xi32, #tpu.memory_space<vmem>> -> memref<40x128xi32, #tpu.memory_space<vmem>>
    %dma_start3A_421 = arith.constant 0 : i32
    %dma_start3A_422 = tpu.memref_slice %arg3[%multiple_of3A_412, %dma_start3A_421] : memref<160000x128xi32, #tpu.memory_space<hbm>> -> memref<40x128xi32, #tpu.memory_space<hbm>>
    tpu.enqueue_dma source(%dma_start3A_422 : memref<40x128xi32, #tpu.memory_space<hbm>>) target(%dma_start3A_420 : memref<40x128xi32, #tpu.memory_space<vmem>>) target_semaphore(%arg19 : memref<!tpu.dma_semaphore, #tpu.memory_space<semaphore_mem>>)
    %scan3A_423 = arith.constant 0 : i32
    %scan3A_424 = arith.constant 0 : i32
    %scan3A_425 = arith.constant 62 : i32
    %scan3A_426 = arith.addi %scan3A_424, %scan3A_425 : i32
    %scan3A_427 = arith.constant 1 : i32
    scf.for %scan3A_477 = %scan3A_424 to %scan3A_426 step %scan3A_427  : i32 {
      %mul3A_478 = arith.constant 2 : i32
      %mul3A_479 = arith.muli %mul3A_478, %scan3A_477 : i32
      %add3A_480 = arith.addi %mul3A_17, %mul3A_479 : i32
      %add3A_481 = arith.constant 2 : i32
      %add3A_482 = arith.addi %add3A_480, %add3A_481 : i32
      %dma_start3A_483 = arith.constant 0 : i32
      %dma_start3A_484 = arith.constant 0 : i32
      %dma_start3A_485 = arith.constant 0 : i32
      %dma_start3A_486 = tpu.memref_slice %arg6[%dma_start3A_483, %dma_start3A_484, %dma_start3A_485] : memref<2x2x128xi32, #tpu.memory_space<vmem>> -> memref<1x2x128xi32, #tpu.memory_space<vmem>>
      %dma_start3A_487 = tpu.memref_squeeze %dma_start3A_486 : memref<1x2x128xi32, #tpu.memory_space<vmem>> -> memref<2x128xi32, #tpu.memory_space<vmem>>
      %dma_start3A_488 = arith.constant 0 : i32
      %dma_start3A_489 = arith.constant 0 : i32
      %dma_start3A_490 = tpu.memref_slice %arg4[%add3A_482, %dma_start3A_488, %dma_start3A_489] : memref<4000x2x128xi32, #tpu.memory_space<hbm>> -> memref<1x2x128xi32, #tpu.memory_space<hbm>>
      %dma_start3A_491 = tpu.memref_squeeze %dma_start3A_490 : memref<1x2x128xi32, #tpu.memory_space<hbm>> -> memref<2x128xi32, #tpu.memory_space<hbm>>
      %dma_start3A_492 = arith.constant 0 : i32
      %dma_start3A_493 = arith.constant 0 : i32
      %dma_start3A_494 = tpu.memref_slice %arg6[%dma_start3A_483, %dma_start3A_492, %dma_start3A_493] : memref<2x2x128xi32, #tpu.memory_space<vmem>> -> memref<1x2x128xi32, #tpu.memory_space<vmem>>
      %dma_start3A_495 = tpu.memref_squeeze %dma_start3A_494 : memref<1x2x128xi32, #tpu.memory_space<vmem>> -> memref<2x128xi32, #tpu.memory_space<vmem>>
      %dma_start3A_496 = arith.constant 0 : i32
      %dma_start3A_497 = arith.constant 0 : i32
      %dma_start3A_498 = tpu.memref_slice %arg4[%add3A_482, %dma_start3A_496, %dma_start3A_497] : memref<4000x2x128xi32, #tpu.memory_space<hbm>> -> memref<1x2x128xi32, #tpu.memory_space<hbm>>
      %dma_start3A_499 = tpu.memref_squeeze %dma_start3A_498 : memref<1x2x128xi32, #tpu.memory_space<hbm>> -> memref<2x128xi32, #tpu.memory_space<hbm>>
      tpu.enqueue_dma source(%dma_start3A_499 : memref<2x128xi32, #tpu.memory_space<hbm>>) target(%dma_start3A_495 : memref<2x128xi32, #tpu.memory_space<vmem>>) target_semaphore(%arg14 : memref<!tpu.dma_semaphore, #tpu.memory_space<semaphore_mem>>)
      %lt3A = arith.constant 61 : i32
      %lt3A_500 = arith.cmpi slt, %scan3A_477, %lt3A : i32
      %convert_element_type3A = arith.extui %lt3A_500 : i1 to i32
      %cond3A = arith.constant 0 : i32
      %cond3A_501 = arith.cmpi ne, %convert_element_type3A, %cond3A : i32
      scf.if %cond3A_501 {
        %add3A_818 = arith.addi %mul3A_17, %mul3A_479 : i32
        %add3A_819 = arith.constant 3 : i32
        %add3A_820 = arith.addi %add3A_818, %add3A_819 : i32
        %dma_start3A_821 = arith.constant 1 : i32
        %dma_start3A_822 = arith.constant 0 : i32
        %dma_start3A_823 = arith.constant 0 : i32
        %dma_start3A_824 = tpu.memref_slice %arg6[%dma_start3A_821, %dma_start3A_822, %dma_start3A_823] : memref<2x2x128xi32, #tpu.memory_space<vmem>> -> memref<1x2x128xi32, #tpu.memory_space<vmem>>
        %dma_start3A_825 = tpu.memref_squeeze %dma_start3A_824 : memref<1x2x128xi32, #tpu.memory_space<vmem>> -> memref<2x128xi32, #tpu.memory_space<vmem>>
        %dma_start3A_826 = arith.constant 0 : i32
        %dma_start3A_827 = arith.constant 0 : i32
        %dma_start3A_828 = tpu.memref_slice %arg4[%add3A_820, %dma_start3A_826, %dma_start3A_827] : memref<4000x2x128xi32, #tpu.memory_space<hbm>> -> memref<1x2x128xi32, #tpu.memory_space<hbm>>
        %dma_start3A_829 = tpu.memref_squeeze %dma_start3A_828 : memref<1x2x128xi32, #tpu.memory_space<hbm>> -> memref<2x128xi32, #tpu.memory_space<hbm>>
        %dma_start3A_830 = arith.constant 0 : i32
        %dma_start3A_831 = arith.constant 0 : i32
        %dma_start3A_832 = tpu.memref_slice %arg6[%dma_start3A_821, %dma_start3A_830, %dma_start3A_831] : memref<2x2x128xi32, #tpu.memory_space<vmem>> -> memref<1x2x128xi32, #tpu.memory_space<vmem>>
        %dma_start3A_833 = tpu.memref_squeeze %dma_start3A_832 : memref<1x2x128xi32, #tpu.memory_space<vmem>> -> memref<2x128xi32, #tpu.memory_space<vmem>>
        %dma_start3A_834 = arith.constant 0 : i32
        %dma_start3A_835 = arith.constant 0 : i32
        %dma_start3A_836 = tpu.memref_slice %arg4[%add3A_820, %dma_start3A_834, %dma_start3A_835] : memref<4000x2x128xi32, #tpu.memory_space<hbm>> -> memref<1x2x128xi32, #tpu.memory_space<hbm>>
        %dma_start3A_837 = tpu.memref_squeeze %dma_start3A_836 : memref<1x2x128xi32, #tpu.memory_space<hbm>> -> memref<2x128xi32, #tpu.memory_space<hbm>>
        tpu.enqueue_dma source(%dma_start3A_837 : memref<2x128xi32, #tpu.memory_space<hbm>>) target(%dma_start3A_833 : memref<2x128xi32, #tpu.memory_space<vmem>>) target_semaphore(%arg15 : memref<!tpu.dma_semaphore, #tpu.memory_space<semaphore_mem>>)
      } else {
      }
      %dma_wait3A_502 = arith.constant 0 : i32
      %dma_wait3A_503 = arith.constant 0 : i32
      %dma_wait3A_504 = tpu.memref_slice %arg11[%dma_wait3A_502, %dma_wait3A_503] : memref<160x128xf32, #tpu.memory_space<vmem>> -> memref<80x128xf32, #tpu.memory_space<vmem>>
      %dma_wait3A_505 = arith.constant 0 : i32
      %dma_wait3A_506 = arith.constant 0 : i32
      %dma_wait3A_507 = tpu.memref_slice %arg2[%dma_wait3A_505, %dma_wait3A_506] : memref<10000x128xf32, #tpu.memory_space<hbm>> -> memref<80x128xf32, #tpu.memory_space<hbm>>
      %dma_wait3A_508 = arith.constant 0 : i32
      %dma_wait3A_509 = arith.constant 0 : i32
      %dma_wait3A_510 = tpu.memref_slice %arg11[%dma_wait3A_508, %dma_wait3A_509] : memref<160x128xf32, #tpu.memory_space<vmem>> -> memref<80x128xf32, #tpu.memory_space<vmem>>
      %dma_wait3A_511 = arith.constant 0 : i32
      %dma_wait3A_512 = arith.constant 0 : i32
      %dma_wait3A_513 = tpu.memref_slice %arg2[%dma_wait3A_511, %dma_wait3A_512] : memref<10000x128xf32, #tpu.memory_space<hbm>> -> memref<80x128xf32, #tpu.memory_space<hbm>>
      tpu.wait_dma2 semaphore(%arg16 : memref<!tpu.dma_semaphore, #tpu.memory_space<semaphore_mem>>) src(%dma_wait3A_513 : memref<80x128xf32, #tpu.memory_space<hbm>>) dst(%dma_wait3A_510 : memref<80x128xf32, #tpu.memory_space<vmem>>)
      %dma_wait3A_514 = arith.constant 0 : i32
      %dma_wait3A_515 = arith.constant 0 : i32
      %dma_wait3A_516 = tpu.memref_slice %arg12[%dma_wait3A_514, %dma_wait3A_515] : memref<80x128xi32, #tpu.memory_space<vmem>> -> memref<40x128xi32, #tpu.memory_space<vmem>>
      %dma_wait3A_517 = arith.constant 0 : i32
      %dma_wait3A_518 = arith.constant 0 : i32
      %dma_wait3A_519 = tpu.memref_slice %arg3[%dma_wait3A_517, %dma_wait3A_518] : memref<160000x128xi32, #tpu.memory_space<hbm>> -> memref<40x128xi32, #tpu.memory_space<hbm>>
      %dma_wait3A_520 = arith.constant 0 : i32
      %dma_wait3A_521 = arith.constant 0 : i32
      %dma_wait3A_522 = tpu.memref_slice %arg12[%dma_wait3A_520, %dma_wait3A_521] : memref<80x128xi32, #tpu.memory_space<vmem>> -> memref<40x128xi32, #tpu.memory_space<vmem>>
      %dma_wait3A_523 = arith.constant 0 : i32
      %dma_wait3A_524 = arith.constant 0 : i32
      %dma_wait3A_525 = tpu.memref_slice %arg3[%dma_wait3A_523, %dma_wait3A_524] : memref<160000x128xi32, #tpu.memory_space<hbm>> -> memref<40x128xi32, #tpu.memory_space<hbm>>
      tpu.wait_dma2 semaphore(%arg18 : memref<!tpu.dma_semaphore, #tpu.memory_space<semaphore_mem>>) src(%dma_wait3A_525 : memref<40x128xi32, #tpu.memory_space<hbm>>) dst(%dma_wait3A_522 : memref<40x128xi32, #tpu.memory_space<vmem>>)
      %scan3A_526 = arith.constant 0 : i32
      %scan3A_527 = arith.constant 0 : i32
      %scan3A_528 = arith.constant 320 : i32
      %scan3A_529 = arith.addi %scan3A_527, %scan3A_528 : i32
      %scan3A_530 = arith.constant 8 : i32
      scf.for %scan3A_818 = %scan3A_527 to %scan3A_529 step %scan3A_530  : i32 {
        %jit3A_819 = arith.constant 4 : i32
        %div3A_820 = arith.divsi %scan3A_818, %jit3A_819 : i32
        %sign3A_821 = arith.constant 0 : i32
        %sign3A_822 = arith.cmpi sgt, %scan3A_818, %sign3A_821 : i32
        %sign3A_823 = arith.extui %sign3A_822 : i1 to i32
        %sign3A_824 = arith.constant 0 : i32
        %sign3A_825 = arith.cmpi slt, %scan3A_818, %sign3A_824 : i32
        %sign3A_826 = arith.extui %sign3A_825 : i1 to i32
        %sign3A_827 = arith.subi %sign3A_823, %sign3A_826 : i32
        %sign3A_828 = arith.constant 0 : i32
        %sign3A_829 = arith.cmpi sgt, %jit3A_819, %sign3A_828 : i32
        %sign3A_830 = arith.extui %sign3A_829 : i1 to i32
        %sign3A_831 = arith.constant 0 : i32
        %sign3A_832 = arith.cmpi slt, %jit3A_819, %sign3A_831 : i32
        %sign3A_833 = arith.extui %sign3A_832 : i1 to i32
        %sign3A_834 = arith.subi %sign3A_830, %sign3A_833 : i32
        %ne3A_835 = arith.cmpi ne, %sign3A_827, %sign3A_834 : i32
        %rem3A_836 = arith.remsi %scan3A_818, %jit3A_819 : i32
        %ne3A_837 = arith.constant 0 : i32
        %ne3A_838 = arith.cmpi ne, %rem3A_836, %ne3A_837 : i32
        %and3A_839 = arith.andi %ne3A_835, %ne3A_838 : i1
        %sub3A_840 = arith.constant 1 : i32
        %sub3A_841 = arith.subi %div3A_820, %sub3A_840 : i32
        %select_n3A_842 = arith.select %and3A_839, %sub3A_841, %div3A_820 : i32
        %jit3A_843 = arith.constant 4 : i32
        %eq3A = arith.constant 0 : i32
        %eq3A_844 = arith.cmpi eq, %jit3A_843, %eq3A : i32
        %jit3A_845 = arith.constant 1 : i32
        %select_n3A_846 = arith.select %eq3A_844, %jit3A_845, %jit3A_843 : i32
        %rem3A_847 = arith.remsi %scan3A_818, %select_n3A_846 : i32
        %ne3A_848 = arith.constant 0 : i32
        %ne3A_849 = arith.cmpi ne, %rem3A_847, %ne3A_848 : i32
        %lt3A_850 = arith.constant 0 : i32
        %lt3A_851 = arith.cmpi slt, %rem3A_847, %lt3A_850 : i32
        %lt3A_852 = arith.constant 0 : i32
        %lt3A_853 = arith.cmpi slt, %select_n3A_846, %lt3A_852 : i32
        %ne3A_854 = arith.xori %lt3A_851, %lt3A_853 : i1
        %and3A_855 = arith.andi %ne3A_854, %ne3A_849 : i1
        %add3A_856 = arith.addi %rem3A_847, %select_n3A_846 : i32
        %select_n3A_857 = arith.select %and3A_855, %add3A_856, %rem3A_847 : i32
        %add3A_858 = arith.constant 0 : i32
        %add3A_859 = arith.addi %add3A_858, %select_n3A_842 : i32
        %jit3A_860 = arith.constant 40 : i32
        %eq3A_861 = arith.constant 0 : i32
        %eq3A_862 = arith.cmpi eq, %jit3A_860, %eq3A_861 : i32
        %jit3A_863 = arith.constant 1 : i32
        %select_n3A_864 = arith.select %eq3A_862, %jit3A_863, %jit3A_860 : i32
        %rem3A_865 = arith.remsi %select_n3A_842, %select_n3A_864 : i32
        %ne3A_866 = arith.constant 0 : i32
        %ne3A_867 = arith.cmpi ne, %rem3A_865, %ne3A_866 : i32
        %lt3A_868 = arith.constant 0 : i32
        %lt3A_869 = arith.cmpi slt, %rem3A_865, %lt3A_868 : i32
        %lt3A_870 = arith.constant 0 : i32
        %lt3A_871 = arith.cmpi slt, %select_n3A_864, %lt3A_870 : i32
        %ne3A_872 = arith.xori %lt3A_869, %lt3A_871 : i1
        %and3A_873 = arith.andi %ne3A_872, %ne3A_867 : i1
        %add3A_874 = arith.addi %rem3A_865, %select_n3A_864 : i32
        %select_n3A_875 = arith.select %and3A_873, %add3A_874, %rem3A_865 : i32
        %add3A_876 = arith.constant 0 : i32
        %add3A_877 = arith.addi %add3A_876, %select_n3A_875 : i32
        %jit3A_878 = arith.constant 40 : i32
        %div3A_879 = arith.divsi %select_n3A_842, %jit3A_878 : i32
        %sign3A_880 = arith.constant 0 : i32
        %sign3A_881 = arith.cmpi sgt, %select_n3A_842, %sign3A_880 : i32
        %sign3A_882 = arith.extui %sign3A_881 : i1 to i32
        %sign3A_883 = arith.constant 0 : i32
        %sign3A_884 = arith.cmpi slt, %select_n3A_842, %sign3A_883 : i32
        %sign3A_885 = arith.extui %sign3A_884 : i1 to i32
        %sign3A_886 = arith.subi %sign3A_882, %sign3A_885 : i32
        %sign3A_887 = arith.constant 0 : i32
        %sign3A_888 = arith.cmpi sgt, %jit3A_878, %sign3A_887 : i32
        %sign3A_889 = arith.extui %sign3A_888 : i1 to i32
        %sign3A_890 = arith.constant 0 : i32
        %sign3A_891 = arith.cmpi slt, %jit3A_878, %sign3A_890 : i32
        %sign3A_892 = arith.extui %sign3A_891 : i1 to i32
        %sign3A_893 = arith.subi %sign3A_889, %sign3A_892 : i32
        %ne3A_894 = arith.cmpi ne, %sign3A_886, %sign3A_893 : i32
        %rem3A_895 = arith.remsi %select_n3A_842, %jit3A_878 : i32
        %ne3A_896 = arith.constant 0 : i32
        %ne3A_897 = arith.cmpi ne, %rem3A_895, %ne3A_896 : i32
        %and3A_898 = arith.andi %ne3A_894, %ne3A_897 : i1
        %sub3A_899 = arith.constant 1 : i32
        %sub3A_900 = arith.subi %div3A_879, %sub3A_899 : i32
        %select_n3A_901 = arith.select %and3A_898, %sub3A_900, %div3A_879 : i32
        %mul3A_902 = arith.constant 64 : i32
        %mul3A_903 = arith.muli %select_n3A_901, %mul3A_902 : i32
        %mul3A_904 = arith.constant 16 : i32
        %mul3A_905 = arith.muli %select_n3A_857, %mul3A_904 : i32
        %add3A_906 = arith.addi %mul3A_903, %mul3A_905 : i32
        %get3A_907 = arith.index_cast %add3A_877 : i32 to index
        %get3A_908 = arith.index_cast %add3A_906 : i32 to index
        %get3A_909 = tpu.vector_load %arg12[%get3A_907, %get3A_908] {strides = array<i32>} : memref<80x128xi32, #tpu.memory_space<vmem>>, vector<1x16xi32>,
        %get3A_910 = vector.shape_cast %get3A_909 : vector<1x16xi32> to vector<16xi32>
        %shift_left3A = arith.constant 16 : i32
        %shift_left3A_911 = vector.broadcast %shift_left3A : i32 to vector<16xi32>
        %shift_left3A_912 = arith.shli %get3A_910, %shift_left3A_911 : vector<16xi32>
        %bitcast_convert_type3A = tpu.bitcast %shift_left3A_912 : vector<16xi32> -> vector<16xf32>
        %and3A_913 = arith.constant -65536 : i32
        %and3A_914 = vector.broadcast %and3A_913 : i32 to vector<16xi32>
        %and3A_915 = arith.andi %get3A_910, %and3A_914 : vector<16xi32>
        %bitcast_convert_type3A_916 = tpu.bitcast %and3A_915 : vector<16xi32> -> vector<16xf32>
        %mul3A_917 = arith.constant 32 : i32
        %mul3A_918 = arith.muli %mul3A_917, %select_n3A_857 : i32
        %get3A_919 = arith.index_cast %add3A_859 : i32 to index
        %get3A_920 = arith.index_cast %mul3A_918 : i32 to index
        %get3A_921 = tpu.vector_load %arg11[%get3A_919, %get3A_920] {strides = array<i32>} : memref<160x128xf32, #tpu.memory_space<vmem>>, vector<1x16xf32>,
        %get3A_922 = vector.shape_cast %get3A_921 : vector<1x16xf32> to vector<16xf32>
        %mul3A_923 = arith.mulf %get3A_922, %bitcast_convert_type3A : vector<16xf32>
        %mul3A_924 = arith.constant 32 : i32
        %mul3A_925 = arith.muli %mul3A_924, %select_n3A_857 : i32
        %swap3A_926 = arith.index_cast %add3A_859 : i32 to index
        %swap3A_927 = arith.index_cast %mul3A_925 : i32 to index
        %swap3A_928 = tpu.vector_load %arg11[%swap3A_926, %swap3A_927] {strides = array<i32>} : memref<160x128xf32, #tpu.memory_space<vmem>>, vector<1x16xf32>,
        %swap3A_929 = vector.shape_cast %swap3A_928 : vector<1x16xf32> to vector<16xf32>
        %swap3A_930 = vector.shape_cast %mul3A_923 : vector<16xf32> to vector<1x16xf32>
        tpu.vector_store %arg11[%swap3A_926, %swap3A_927], %swap3A_930 {strides = array<i32>} : memref<160x128xf32, #tpu.memory_space<vmem>>, vector<1x16xf32>,
        %mul3A_931 = arith.constant 32 : i32
        %mul3A_932 = arith.muli %mul3A_931, %select_n3A_857 : i32
        %add3A_933 = arith.constant 16 : i32
        %add3A_934 = arith.addi %mul3A_932, %add3A_933 : i32
        %get3A_935 = arith.index_cast %add3A_859 : i32 to index
        %get3A_936 = arith.index_cast %add3A_934 : i32 to index
        %get3A_937 = tpu.vector_load %arg11[%get3A_935, %get3A_936] {strides = array<i32>} : memref<160x128xf32, #tpu.memory_space<vmem>>, vector<1x16xf32>,
        %get3A_938 = vector.shape_cast %get3A_937 : vector<1x16xf32> to vector<16xf32>
        %mul3A_939 = arith.mulf %get3A_938, %bitcast_convert_type3A_916 : vector<16xf32>
        %mul3A_940 = arith.constant 32 : i32
        %mul3A_941 = arith.muli %mul3A_940, %select_n3A_857 : i32
        %add3A_942 = arith.constant 16 : i32
        %add3A_943 = arith.addi %mul3A_941, %add3A_942 : i32
        %swap3A_944 = arith.index_cast %add3A_859 : i32 to index
        %swap3A_945 = arith.index_cast %add3A_943 : i32 to index
        %swap3A_946 = tpu.vector_load %arg11[%swap3A_944, %swap3A_945] {strides = array<i32>} : memref<160x128xf32, #tpu.memory_space<vmem>>, vector<1x16xf32>,
        %swap3A_947 = vector.shape_cast %swap3A_946 : vector<1x16xf32> to vector<16xf32>
        %swap3A_948 = vector.shape_cast %mul3A_939 : vector<16xf32> to vector<1x16xf32>
        tpu.vector_store %arg11[%swap3A_944, %swap3A_945], %swap3A_948 {strides = array<i32>} : memref<160x128xf32, #tpu.memory_space<vmem>>, vector<1x16xf32>,
        %scan3A_949 = arith.constant 1 : i32
        %scan3A_950 = arith.addi %scan3A_818, %scan3A_949 : i32
        %jit3A_951 = arith.constant 4 : i32
        %div3A_952 = arith.divsi %scan3A_950, %jit3A_951 : i32
        %sign3A_953 = arith.constant 0 : i32
        %sign3A_954 = arith.cmpi sgt, %scan3A_950, %sign3A_953 : i32
        %sign3A_955 = arith.extui %sign3A_954 : i1 to i32
        %sign3A_956 = arith.constant 0 : i32
        %sign3A_957 = arith.cmpi slt, %scan3A_950, %sign3A_956 : i32
        %sign3A_958 = arith.extui %sign3A_957 : i1 to i32
        %sign3A_959 = arith.subi %sign3A_955, %sign3A_958 : i32
        %sign3A_960 = arith.constant 0 : i32
        %sign3A_961 = arith.cmpi sgt, %jit3A_951, %sign3A_960 : i32
        %sign3A_962 = arith.extui %sign3A_961 : i1 to i32
        %sign3A_963 = arith.constant 0 : i32
        %sign3A_964 = arith.cmpi slt, %jit3A_951, %sign3A_963 : i32
        %sign3A_965 = arith.extui %sign3A_964 : i1 to i32
        %sign3A_966 = arith.subi %sign3A_962, %sign3A_965 : i32
        %ne3A_967 = arith.cmpi ne, %sign3A_959, %sign3A_966 : i32
        %rem3A_968 = arith.remsi %scan3A_950, %jit3A_951 : i32
        %ne3A_969 = arith.constant 0 : i32
        %ne3A_970 = arith.cmpi ne, %rem3A_968, %ne3A_969 : i32
        %and3A_971 = arith.andi %ne3A_967, %ne3A_970 : i1
        %sub3A_972 = arith.constant 1 : i32
        %sub3A_973 = arith.subi %div3A_952, %sub3A_972 : i32
        %select_n3A_974 = arith.select %and3A_971, %sub3A_973, %div3A_952 : i32
        %jit3A_975 = arith.constant 4 : i32
        %eq3A_976 = arith.constant 0 : i32
        %eq3A_977 = arith.cmpi eq, %jit3A_975, %eq3A_976 : i32
        %jit3A_978 = arith.constant 1 : i32
        %select_n3A_979 = arith.select %eq3A_977, %jit3A_978, %jit3A_975 : i32
        %rem3A_980 = arith.remsi %scan3A_950, %select_n3A_979 : i32
        %ne3A_981 = arith.constant 0 : i32
        %ne3A_982 = arith.cmpi ne, %rem3A_980, %ne3A_981 : i32
        %lt3A_983 = arith.constant 0 : i32
        %lt3A_984 = arith.cmpi slt, %rem3A_980, %lt3A_983 : i32
        %lt3A_985 = arith.constant 0 : i32
        %lt3A_986 = arith.cmpi slt, %select_n3A_979, %lt3A_985 : i32
        %ne3A_987 = arith.xori %lt3A_984, %lt3A_986 : i1
        %and3A_988 = arith.andi %ne3A_987, %ne3A_982 : i1
        %add3A_989 = arith.addi %rem3A_980, %select_n3A_979 : i32
        %select_n3A_990 = arith.select %and3A_988, %add3A_989, %rem3A_980 : i32
        %add3A_991 = arith.constant 0 : i32
        %add3A_992 = arith.addi %add3A_991, %select_n3A_974 : i32
        %jit3A_993 = arith.constant 40 : i32
        %eq3A_994 = arith.constant 0 : i32
        %eq3A_995 = arith.cmpi eq, %jit3A_993, %eq3A_994 : i32
        %jit3A_996 = arith.constant 1 : i32
        %select_n3A_997 = arith.select %eq3A_995, %jit3A_996, %jit3A_993 : i32
        %rem3A_998 = arith.remsi %select_n3A_974, %select_n3A_997 : i32
        %ne3A_999 = arith.constant 0 : i32
        %ne3A_1000 = arith.cmpi ne, %rem3A_998, %ne3A_999 : i32
        %lt3A_1001 = arith.constant 0 : i32
        %lt3A_1002 = arith.cmpi slt, %rem3A_998, %lt3A_1001 : i32
        %lt3A_1003 = arith.constant 0 : i32
        %lt3A_1004 = arith.cmpi slt, %select_n3A_997, %lt3A_1003 : i32
        %ne3A_1005 = arith.xori %lt3A_1002, %lt3A_1004 : i1
        %and3A_1006 = arith.andi %ne3A_1005, %ne3A_1000 : i1
        %add3A_1007 = arith.addi %rem3A_998, %select_n3A_997 : i32
        %select_n3A_1008 = arith.select %and3A_1006, %add3A_1007, %rem3A_998 : i32
        %add3A_1009 = arith.constant 0 : i32
        %add3A_1010 = arith.addi %add3A_1009, %select_n3A_1008 : i32
        %jit3A_1011 = arith.constant 40 : i32
        %div3A_1012 = arith.divsi %select_n3A_974, %jit3A_1011 : i32
        %sign3A_1013 = arith.constant 0 : i32
        %sign3A_1014 = arith.cmpi sgt, %select_n3A_974, %sign3A_1013 : i32
        %sign3A_1015 = arith.extui %sign3A_1014 : i1 to i32
        %sign3A_1016 = arith.constant 0 : i32
        %sign3A_1017 = arith.cmpi slt, %select_n3A_974, %sign3A_1016 : i32
        %sign3A_1018 = arith.extui %sign3A_1017 : i1 to i32
        %sign3A_1019 = arith.subi %sign3A_1015, %sign3A_1018 : i32
        %sign3A_1020 = arith.constant 0 : i32
        %sign3A_1021 = arith.cmpi sgt, %jit3A_1011, %sign3A_1020 : i32
        %sign3A_1022 = arith.extui %sign3A_1021 : i1 to i32
        %sign3A_1023 = arith.constant 0 : i32
        %sign3A_1024 = arith.cmpi slt, %jit3A_1011, %sign3A_1023 : i32
        %sign3A_1025 = arith.extui %sign3A_1024 : i1 to i32
        %sign3A_1026 = arith.subi %sign3A_1022, %sign3A_1025 : i32
        %ne3A_1027 = arith.cmpi ne, %sign3A_1019, %sign3A_1026 : i32
        %rem3A_1028 = arith.remsi %select_n3A_974, %jit3A_1011 : i32
        %ne3A_1029 = arith.constant 0 : i32
        %ne3A_1030 = arith.cmpi ne, %rem3A_1028, %ne3A_1029 : i32
        %and3A_1031 = arith.andi %ne3A_1027, %ne3A_1030 : i1
        %sub3A_1032 = arith.constant 1 : i32
        %sub3A_1033 = arith.subi %div3A_1012, %sub3A_1032 : i32
        %select_n3A_1034 = arith.select %and3A_1031, %sub3A_1033, %div3A_1012 : i32
        %mul3A_1035 = arith.constant 64 : i32
        %mul3A_1036 = arith.muli %select_n3A_1034, %mul3A_1035 : i32
        %mul3A_1037 = arith.constant 16 : i32
        %mul3A_1038 = arith.muli %select_n3A_990, %mul3A_1037 : i32
        %add3A_1039 = arith.addi %mul3A_1036, %mul3A_1038 : i32
        %get3A_1040 = arith.index_cast %add3A_1010 : i32 to index
        %get3A_1041 = arith.index_cast %add3A_1039 : i32 to index
        %get3A_1042 = tpu.vector_load %arg12[%get3A_1040, %get3A_1041] {strides = array<i32>} : memref<80x128xi32, #tpu.memory_space<vmem>>, vector<1x16xi32>,
        %get3A_1043 = vector.shape_cast %get3A_1042 : vector<1x16xi32> to vector<16xi32>
        %shift_left3A_1044 = arith.constant 16 : i32
        %shift_left3A_1045 = vector.broadcast %shift_left3A_1044 : i32 to vector<16xi32>
        %shift_left3A_1046 = arith.shli %get3A_1043, %shift_left3A_1045 : vector<16xi32>
        %bitcast_convert_type3A_1047 = tpu.bitcast %shift_left3A_1046 : vector<16xi32> -> vector<16xf32>
        %and3A_1048 = arith.constant -65536 : i32
        %and3A_1049 = vector.broadcast %and3A_1048 : i32 to vector<16xi32>
        %and3A_1050 = arith.andi %get3A_1043, %and3A_1049 : vector<16xi32>
        %bitcast_convert_type3A_1051 = tpu.bitcast %and3A_1050 : vector<16xi32> -> vector<16xf32>
        %mul3A_1052 = arith.constant 32 : i32
        %mul3A_1053 = arith.muli %mul3A_1052, %select_n3A_990 : i32
        %get3A_1054 = arith.index_cast %add3A_992 : i32 to index
        %get3A_1055 = arith.index_cast %mul3A_1053 : i32 to index
        %get3A_1056 = tpu.vector_load %arg11[%get3A_1054, %get3A_1055] {strides = array<i32>} : memref<160x128xf32, #tpu.memory_space<vmem>>, vector<1x16xf32>,
        %get3A_1057 = vector.shape_cast %get3A_1056 : vector<1x16xf32> to vector<16xf32>
        %mul3A_1058 = arith.mulf %get3A_1057, %bitcast_convert_type3A_1047 : vector<16xf32>
        %mul3A_1059 = arith.constant 32 : i32
        %mul3A_1060 = arith.muli %mul3A_1059, %select_n3A_990 : i32
        %swap3A_1061 = arith.index_cast %add3A_992 : i32 to index
        %swap3A_1062 = arith.index_cast %mul3A_1060 : i32 to index
        %swap3A_1063 = tpu.vector_load %arg11[%swap3A_1061, %swap3A_1062] {strides = array<i32>} : memref<160x128xf32, #tpu.memory_space<vmem>>, vector<1x16xf32>,
        %swap3A_1064 = vector.shape_cast %swap3A_1063 : vector<1x16xf32> to vector<16xf32>
        %swap3A_1065 = vector.shape_cast %mul3A_1058 : vector<16xf32> to vector<1x16xf32>
        tpu.vector_store %arg11[%swap3A_1061, %swap3A_1062], %swap3A_1065 {strides = array<i32>} : memref<160x128xf32, #tpu.memory_space<vmem>>, vector<1x16xf32>,
        %mul3A_1066 = arith.constant 32 : i32
        %mul3A_1067 = arith.muli %mul3A_1066, %select_n3A_990 : i32
        %add3A_1068 = arith.constant 16 : i32
        %add3A_1069 = arith.addi %mul3A_1067, %add3A_1068 : i32
        %get3A_1070 = arith.index_cast %add3A_992 : i32 to index
        %get3A_1071 = arith.index_cast %add3A_1069 : i32 to index
        %get3A_1072 = tpu.vector_load %arg11[%get3A_1070, %get3A_1071] {strides = array<i32>} : memref<160x128xf32, #tpu.memory_space<vmem>>, vector<1x16xf32>,
        %get3A_1073 = vector.shape_cast %get3A_1072 : vector<1x16xf32> to vector<16xf32>
        %mul3A_1074 = arith.mulf %get3A_1073, %bitcast_convert_type3A_1051 : vector<16xf32>
        %mul3A_1075 = arith.constant 32 : i32
        %mul3A_1076 = arith.muli %mul3A_1075, %select_n3A_990 : i32
        %add3A_1077 = arith.constant 16 : i32
        %add3A_1078 = arith.addi %mul3A_1076, %add3A_1077 : i32
        %swap3A_1079 = arith.index_cast %add3A_992 : i32 to index
        %swap3A_1080 = arith.index_cast %add3A_1078 : i32 to index
        %swap3A_1081 = tpu.vector_load %arg11[%swap3A_1079, %swap3A_1080] {strides = array<i32>} : memref<160x128xf32, #tpu.memory_space<vmem>>, vector<1x16xf32>,
        %swap3A_1082 = vector.shape_cast %swap3A_1081 : vector<1x16xf32> to vector<16xf32>
        %swap3A_1083 = vector.shape_cast %mul3A_1074 : vector<16xf32> to vector<1x16xf32>
        tpu.vector_store %arg11[%swap3A_1079, %swap3A_1080], %swap3A_1083 {strides = array<i32>} : memref<160x128xf32, #tpu.memory_space<vmem>>, vector<1x16xf32>,
        %scan3A_1084 = arith.constant 2 : i32
        %scan3A_1085 = arith.addi %scan3A_818, %scan3A_1084 : i32
        %jit3A_1086 = arith.constant 4 : i32
        %div3A_1087 = arith.divsi %scan3A_1085, %jit3A_1086 : i32
        %sign3A_1088 = arith.constant 0 : i32
        %sign3A_1089 = arith.cmpi sgt, %scan3A_1085, %sign3A_1088 : i32
        %sign3A_1090 = arith.extui %sign3A_1089 : i1 to i32
        %sign3A_1091 = arith.constant 0 : i32
        %sign3A_1092 = arith.cmpi slt, %scan3A_1085, %sign3A_1091 : i32
        %sign3A_1093 = arith.extui %sign3A_1092 : i1 to i32
        %sign3A_1094 = arith.subi %sign3A_1090, %sign3A_1093 : i32
        %sign3A_1095 = arith.constant 0 : i32
        %sign3A_1096 = arith.cmpi sgt, %jit3A_1086, %sign3A_1095 : i32
        %sign3A_1097 = arith.extui %sign3A_1096 : i1 to i32
        %sign3A_1098 = arith.constant 0 : i32
        %sign3A_1099 = arith.cmpi slt, %jit3A_1086, %sign3A_1098 : i32
        %sign3A_1100 = arith.extui %sign3A_1099 : i1 to i32
        %sign3A_1101 = arith.subi %sign3A_1097, %sign3A_1100 : i32
        %ne3A_1102 = arith.cmpi ne, %sign3A_1094, %sign3A_1101 : i32
        %rem3A_1103 = arith.remsi %scan3A_1085, %jit3A_1086 : i32
        %ne3A_1104 = arith.constant 0 : i32
        %ne3A_1105 = arith.cmpi ne, %rem3A_1103, %ne3A_1104 : i32
        %and3A_1106 = arith.andi %ne3A_1102, %ne3A_1105 : i1
        %sub3A_1107 = arith.constant 1 : i32
        %sub3A_1108 = arith.subi %div3A_1087, %sub3A_1107 : i32
        %select_n3A_1109 = arith.select %and3A_1106, %sub3A_1108, %div3A_1087 : i32
        %jit3A_1110 = arith.constant 4 : i32
        %eq3A_1111 = arith.constant 0 : i32
        %eq3A_1112 = arith.cmpi eq, %jit3A_1110, %eq3A_1111 : i32
        %jit3A_1113 = arith.constant 1 : i32
        %select_n3A_1114 = arith.select %eq3A_1112, %jit3A_1113, %jit3A_1110 : i32
        %rem3A_1115 = arith.remsi %scan3A_1085, %select_n3A_1114 : i32
        %ne3A_1116 = arith.constant 0 : i32
        %ne3A_1117 = arith.cmpi ne, %rem3A_1115, %ne3A_1116 : i32
        %lt3A_1118 = arith.constant 0 : i32
        %lt3A_1119 = arith.cmpi slt, %rem3A_1115, %lt3A_1118 : i32
        %lt3A_1120 = arith.constant 0 : i32
        %lt3A_1121 = arith.cmpi slt, %select_n3A_1114, %lt3A_1120 : i32
        %ne3A_1122 = arith.xori %lt3A_1119, %lt3A_1121 : i1
        %and3A_1123 = arith.andi %ne3A_1122, %ne3A_1117 : i1
        %add3A_1124 = arith.addi %rem3A_1115, %select_n3A_1114 : i32
        %select_n3A_1125 = arith.select %and3A_1123, %add3A_1124, %rem3A_1115 : i32
        %add3A_1126 = arith.constant 0 : i32
        %add3A_1127 = arith.addi %add3A_1126, %select_n3A_1109 : i32
        %jit3A_1128 = arith.constant 40 : i32
        %eq3A_1129 = arith.constant 0 : i32
        %eq3A_1130 = arith.cmpi eq, %jit3A_1128, %eq3A_1129 : i32
        %jit3A_1131 = arith.constant 1 : i32
        %select_n3A_1132 = arith.select %eq3A_1130, %jit3A_1131, %jit3A_1128 : i32
        %rem3A_1133 = arith.remsi %select_n3A_1109, %select_n3A_1132 : i32
        %ne3A_1134 = arith.constant 0 : i32
        %ne3A_1135 = arith.cmpi ne, %rem3A_1133, %ne3A_1134 : i32
        %lt3A_1136 = arith.constant 0 : i32
        %lt3A_1137 = arith.cmpi slt, %rem3A_1133, %lt3A_1136 : i32
        %lt3A_1138 = arith.constant 0 : i32
        %lt3A_1139 = arith.cmpi slt, %select_n3A_1132, %lt3A_1138 : i32
        %ne3A_1140 = arith.xori %lt3A_1137, %lt3A_1139 : i1
        %and3A_1141 = arith.andi %ne3A_1140, %ne3A_1135 : i1
        %add3A_1142 = arith.addi %rem3A_1133, %select_n3A_1132 : i32
        %select_n3A_1143 = arith.select %and3A_1141, %add3A_1142, %rem3A_1133 : i32
        %add3A_1144 = arith.constant 0 : i32
        %add3A_1145 = arith.addi %add3A_1144, %select_n3A_1143 : i32
        %jit3A_1146 = arith.constant 40 : i32
        %div3A_1147 = arith.divsi %select_n3A_1109, %jit3A_1146 : i32
        %sign3A_1148 = arith.constant 0 : i32
        %sign3A_1149 = arith.cmpi sgt, %select_n3A_1109, %sign3A_1148 : i32
        %sign3A_1150 = arith.extui %sign3A_1149 : i1 to i32
        %sign3A_1151 = arith.constant 0 : i32
        %sign3A_1152 = arith.cmpi slt, %select_n3A_1109, %sign3A_1151 : i32
        %sign3A_1153 = arith.extui %sign3A_1152 : i1 to i32
        %sign3A_1154 = arith.subi %sign3A_1150, %sign3A_1153 : i32
        %sign3A_1155 = arith.constant 0 : i32
        %sign3A_1156 = arith.cmpi sgt, %jit3A_1146, %sign3A_1155 : i32
        %sign3A_1157 = arith.extui %sign3A_1156 : i1 to i32
        %sign3A_1158 = arith.constant 0 : i32
        %sign3A_1159 = arith.cmpi slt, %jit3A_1146, %sign3A_1158 : i32
        %sign3A_1160 = arith.extui %sign3A_1159 : i1 to i32
        %sign3A_1161 = arith.subi %sign3A_1157, %sign3A_1160 : i32
        %ne3A_1162 = arith.cmpi ne, %sign3A_1154, %sign3A_1161 : i32
        %rem3A_1163 = arith.remsi %select_n3A_1109, %jit3A_1146 : i32
        %ne3A_1164 = arith.constant 0 : i32
        %ne3A_1165 = arith.cmpi ne, %rem3A_1163, %ne3A_1164 : i32
        %and3A_1166 = arith.andi %ne3A_1162, %ne3A_1165 : i1
        %sub3A_1167 = arith.constant 1 : i32
        %sub3A_1168 = arith.subi %div3A_1147, %sub3A_1167 : i32
        %select_n3A_1169 = arith.select %and3A_1166, %sub3A_1168, %div3A_1147 : i32
        %mul3A_1170 = arith.constant 64 : i32
        %mul3A_1171 = arith.muli %select_n3A_1169, %mul3A_1170 : i32
        %mul3A_1172 = arith.constant 16 : i32
        %mul3A_1173 = arith.muli %select_n3A_1125, %mul3A_1172 : i32
        %add3A_1174 = arith.addi %mul3A_1171, %mul3A_1173 : i32
        %get3A_1175 = arith.index_cast %add3A_1145 : i32 to index
        %get3A_1176 = arith.index_cast %add3A_1174 : i32 to index
        %get3A_1177 = tpu.vector_load %arg12[%get3A_1175, %get3A_1176] {strides = array<i32>} : memref<80x128xi32, #tpu.memory_space<vmem>>, vector<1x16xi32>,
        %get3A_1178 = vector.shape_cast %get3A_1177 : vector<1x16xi32> to vector<16xi32>
        %shift_left3A_1179 = arith.constant 16 : i32
        %shift_left3A_1180 = vector.broadcast %shift_left3A_1179 : i32 to vector<16xi32>
        %shift_left3A_1181 = arith.shli %get3A_1178, %shift_left3A_1180 : vector<16xi32>
        %bitcast_convert_type3A_1182 = tpu.bitcast %shift_left3A_1181 : vector<16xi32> -> vector<16xf32>
        %and3A_1183 = arith.constant -65536 : i32
        %and3A_1184 = vector.broadcast %and3A_1183 : i32 to vector<16xi32>
        %and3A_1185 = arith.andi %get3A_1178, %and3A_1184 : vector<16xi32>
        %bitcast_convert_type3A_1186 = tpu.bitcast %and3A_1185 : vector<16xi32> -> vector<16xf32>
        %mul3A_1187 = arith.constant 32 : i32
        %mul3A_1188 = arith.muli %mul3A_1187, %select_n3A_1125 : i32
        %get3A_1189 = arith.index_cast %add3A_1127 : i32 to index
        %get3A_1190 = arith.index_cast %mul3A_1188 : i32 to index
        %get3A_1191 = tpu.vector_load %arg11[%get3A_1189, %get3A_1190] {strides = array<i32>} : memref<160x128xf32, #tpu.memory_space<vmem>>, vector<1x16xf32>,
        %get3A_1192 = vector.shape_cast %get3A_1191 : vector<1x16xf32> to vector<16xf32>
        %mul3A_1193 = arith.mulf %get3A_1192, %bitcast_convert_type3A_1182 : vector<16xf32>
        %mul3A_1194 = arith.constant 32 : i32
        %mul3A_1195 = arith.muli %mul3A_1194, %select_n3A_1125 : i32
        %swap3A_1196 = arith.index_cast %add3A_1127 : i32 to index
        %swap3A_1197 = arith.index_cast %mul3A_1195 : i32 to index
        %swap3A_1198 = tpu.vector_load %arg11[%swap3A_1196, %swap3A_1197] {strides = array<i32>} : memref<160x128xf32, #tpu.memory_space<vmem>>, vector<1x16xf32>,
        %swap3A_1199 = vector.shape_cast %swap3A_1198 : vector<1x16xf32> to vector<16xf32>
        %swap3A_1200 = vector.shape_cast %mul3A_1193 : vector<16xf32> to vector<1x16xf32>
        tpu.vector_store %arg11[%swap3A_1196, %swap3A_1197], %swap3A_1200 {strides = array<i32>} : memref<160x128xf32, #tpu.memory_space<vmem>>, vector<1x16xf32>,
        %mul3A_1201 = arith.constant 32 : i32
        %mul3A_1202 = arith.muli %mul3A_1201, %select_n3A_1125 : i32
        %add3A_1203 = arith.constant 16 : i32
        %add3A_1204 = arith.addi %mul3A_1202, %add3A_1203 : i32
        %get3A_1205 = arith.index_cast %add3A_1127 : i32 to index
        %get3A_1206 = arith.index_cast %add3A_1204 : i32 to index
        %get3A_1207 = tpu.vector_load %arg11[%get3A_1205, %get3A_1206] {strides = array<i32>} : memref<160x128xf32, #tpu.memory_space<vmem>>, vector<1x16xf32>,
        %get3A_1208 = vector.shape_cast %get3A_1207 : vector<1x16xf32> to vector<16xf32>
        %mul3A_1209 = arith.mulf %get3A_1208, %bitcast_convert_type3A_1186 : vector<16xf32>
        %mul3A_1210 = arith.constant 32 : i32
        %mul3A_1211 = arith.muli %mul3A_1210, %select_n3A_1125 : i32
        %add3A_1212 = arith.constant 16 : i32
        %add3A_1213 = arith.addi %mul3A_1211, %add3A_1212 : i32
        %swap3A_1214 = arith.index_cast %add3A_1127 : i32 to index
        %swap3A_1215 = arith.index_cast %add3A_1213 : i32 to index
        %swap3A_1216 = tpu.vector_load %arg11[%swap3A_1214, %swap3A_1215] {strides = array<i32>} : memref<160x128xf32, #tpu.memory_space<vmem>>, vector<1x16xf32>,
        %swap3A_1217 = vector.shape_cast %swap3A_1216 : vector<1x16xf32> to vector<16xf32>
        %swap3A_1218 = vector.shape_cast %mul3A_1209 : vector<16xf32> to vector<1x16xf32>
        tpu.vector_store %arg11[%swap3A_1214, %swap3A_1215], %swap3A_1218 {strides = array<i32>} : memref<160x128xf32, #tpu.memory_space<vmem>>, vector<1x16xf32>,
        %scan3A_1219 = arith.constant 3 : i32
        %scan3A_1220 = arith.addi %scan3A_818, %scan3A_1219 : i32
        %jit3A_1221 = arith.constant 4 : i32
        %div3A_1222 = arith.divsi %scan3A_1220, %jit3A_1221 : i32
        %sign3A_1223 = arith.constant 0 : i32
        %sign3A_1224 = arith.cmpi sgt, %scan3A_1220, %sign3A_1223 : i32
        %sign3A_1225 = arith.extui %sign3A_1224 : i1 to i32
        %sign3A_1226 = arith.constant 0 : i32
        %sign3A_1227 = arith.cmpi slt, %scan3A_1220, %sign3A_1226 : i32
        %sign3A_1228 = arith.extui %sign3A_1227 : i1 to i32
        %sign3A_1229 = arith.subi %sign3A_1225, %sign3A_1228 : i32
        %sign3A_1230 = arith.constant 0 : i32
        %sign3A_1231 = arith.cmpi sgt, %jit3A_1221, %sign3A_1230 : i32
        %sign3A_1232 = arith.extui %sign3A_1231 : i1 to i32
        %sign3A_1233 = arith.constant 0 : i32
        %sign3A_1234 = arith.cmpi slt, %jit3A_1221, %sign3A_1233 : i32
        %sign3A_1235 = arith.extui %sign3A_1234 : i1 to i32
        %sign3A_1236 = arith.subi %sign3A_1232, %sign3A_1235 : i32
        %ne3A_1237 = arith.cmpi ne, %sign3A_1229, %sign3A_1236 : i32
        %rem3A_1238 = arith.remsi %scan3A_1220, %jit3A_1221 : i32
        %ne3A_1239 = arith.constant 0 : i32
        %ne3A_1240 = arith.cmpi ne, %rem3A_1238, %ne3A_1239 : i32
        %and3A_1241 = arith.andi %ne3A_1237, %ne3A_1240 : i1
        %sub3A_1242 = arith.constant 1 : i32
        %sub3A_1243 = arith.subi %div3A_1222, %sub3A_1242 : i32
        %select_n3A_1244 = arith.select %and3A_1241, %sub3A_1243, %div3A_1222 : i32
        %jit3A_1245 = arith.constant 4 : i32
        %eq3A_1246 = arith.constant 0 : i32
        %eq3A_1247 = arith.cmpi eq, %jit3A_1245, %eq3A_1246 : i32
        %jit3A_1248 = arith.constant 1 : i32
        %select_n3A_1249 = arith.select %eq3A_1247, %jit3A_1248, %jit3A_1245 : i32
        %rem3A_1250 = arith.remsi %scan3A_1220, %select_n3A_1249 : i32
        %ne3A_1251 = arith.constant 0 : i32
        %ne3A_1252 = arith.cmpi ne, %rem3A_1250, %ne3A_1251 : i32
        %lt3A_1253 = arith.constant 0 : i32
        %lt3A_1254 = arith.cmpi slt, %rem3A_1250, %lt3A_1253 : i32
        %lt3A_1255 = arith.constant 0 : i32
        %lt3A_1256 = arith.cmpi slt, %select_n3A_1249, %lt3A_1255 : i32
        %ne3A_1257 = arith.xori %lt3A_1254, %lt3A_1256 : i1
        %and3A_1258 = arith.andi %ne3A_1257, %ne3A_1252 : i1
        %add3A_1259 = arith.addi %rem3A_1250, %select_n3A_1249 : i32
        %select_n3A_1260 = arith.select %and3A_1258, %add3A_1259, %rem3A_1250 : i32
        %add3A_1261 = arith.constant 0 : i32
        %add3A_1262 = arith.addi %add3A_1261, %select_n3A_1244 : i32
        %jit3A_1263 = arith.constant 40 : i32
        %eq3A_1264 = arith.constant 0 : i32
        %eq3A_1265 = arith.cmpi eq, %jit3A_1263, %eq3A_1264 : i32
        %jit3A_1266 = arith.constant 1 : i32
        %select_n3A_1267 = arith.select %eq3A_1265, %jit3A_1266, %jit3A_1263 : i32
        %rem3A_1268 = arith.remsi %select_n3A_1244, %select_n3A_1267 : i32
        %ne3A_1269 = arith.constant 0 : i32
        %ne3A_1270 = arith.cmpi ne, %rem3A_1268, %ne3A_1269 : i32
        %lt3A_1271 = arith.constant 0 : i32
        %lt3A_1272 = arith.cmpi slt, %rem3A_1268, %lt3A_1271 : i32
        %lt3A_1273 = arith.constant 0 : i32
        %lt3A_1274 = arith.cmpi slt, %select_n3A_1267, %lt3A_1273 : i32
        %ne3A_1275 = arith.xori %lt3A_1272, %lt3A_1274 : i1
        %and3A_1276 = arith.andi %ne3A_1275, %ne3A_1270 : i1
        %add3A_1277 = arith.addi %rem3A_1268, %select_n3A_1267 : i32
        %select_n3A_1278 = arith.select %and3A_1276, %add3A_1277, %rem3A_1268 : i32
        %add3A_1279 = arith.constant 0 : i32
        %add3A_1280 = arith.addi %add3A_1279, %select_n3A_1278 : i32
        %jit3A_1281 = arith.constant 40 : i32
        %div3A_1282 = arith.divsi %select_n3A_1244, %jit3A_1281 : i32
        %sign3A_1283 = arith.constant 0 : i32
        %sign3A_1284 = arith.cmpi sgt, %select_n3A_1244, %sign3A_1283 : i32
        %sign3A_1285 = arith.extui %sign3A_1284 : i1 to i32
        %sign3A_1286 = arith.constant 0 : i32
        %sign3A_1287 = arith.cmpi slt, %select_n3A_1244, %sign3A_1286 : i32
        %sign3A_1288 = arith.extui %sign3A_1287 : i1 to i32
        %sign3A_1289 = arith.subi %sign3A_1285, %sign3A_1288 : i32
        %sign3A_1290 = arith.constant 0 : i32
        %sign3A_1291 = arith.cmpi sgt, %jit3A_1281, %sign3A_1290 : i32
        %sign3A_1292 = arith.extui %sign3A_1291 : i1 to i32
        %sign3A_1293 = arith.constant 0 : i32
        %sign3A_1294 = arith.cmpi slt, %jit3A_1281, %sign3A_1293 : i32
        %sign3A_1295 = arith.extui %sign3A_1294 : i1 to i32
        %sign3A_1296 = arith.subi %sign3A_1292, %sign3A_1295 : i32
        %ne3A_1297 = arith.cmpi ne, %sign3A_1289, %sign3A_1296 : i32
        %rem3A_1298 = arith.remsi %select_n3A_1244, %jit3A_1281 : i32
        %ne3A_1299 = arith.constant 0 : i32
        %ne3A_1300 = arith.cmpi ne, %rem3A_1298, %ne3A_1299 : i32
        %and3A_1301 = arith.andi %ne3A_1297, %ne3A_1300 : i1
        %sub3A_1302 = arith.constant 1 : i32
        %sub3A_1303 = arith.subi %div3A_1282, %sub3A_1302 : i32
        %select_n3A_1304 = arith.select %and3A_1301, %sub3A_1303, %div3A_1282 : i32
        %mul3A_1305 = arith.constant 64 : i32
        %mul3A_1306 = arith.muli %select_n3A_1304, %mul3A_1305 : i32
        %mul3A_1307 = arith.constant 16 : i32
        %mul3A_1308 = arith.muli %select_n3A_1260, %mul3A_1307 : i32
        %add3A_1309 = arith.addi %mul3A_1306, %mul3A_1308 : i32
        %get3A_1310 = arith.index_cast %add3A_1280 : i32 to index
        %get3A_1311 = arith.index_cast %add3A_1309 : i32 to index
        %get3A_1312 = tpu.vector_load %arg12[%get3A_1310, %get3A_1311] {strides = array<i32>} : memref<80x128xi32, #tpu.memory_space<vmem>>, vector<1x16xi32>,
        %get3A_1313 = vector.shape_cast %get3A_1312 : vector<1x16xi32> to vector<16xi32>
        %shift_left3A_1314 = arith.constant 16 : i32
        %shift_left3A_1315 = vector.broadcast %shift_left3A_1314 : i32 to vector<16xi32>
        %shift_left3A_1316 = arith.shli %get3A_1313, %shift_left3A_1315 : vector<16xi32>
        %bitcast_convert_type3A_1317 = tpu.bitcast %shift_left3A_1316 : vector<16xi32> -> vector<16xf32>
        %and3A_1318 = arith.constant -65536 : i32
        %and3A_1319 = vector.broadcast %and3A_1318 : i32 to vector<16xi32>
        %and3A_1320 = arith.andi %get3A_1313, %and3A_1319 : vector<16xi32>
        %bitcast_convert_type3A_1321 = tpu.bitcast %and3A_1320 : vector<16xi32> -> vector<16xf32>
        %mul3A_1322 = arith.constant 32 : i32
        %mul3A_1323 = arith.muli %mul3A_1322, %select_n3A_1260 : i32
        %get3A_1324 = arith.index_cast %add3A_1262 : i32 to index
        %get3A_1325 = arith.index_cast %mul3A_1323 : i32 to index
        %get3A_1326 = tpu.vector_load %arg11[%get3A_1324, %get3A_1325] {strides = array<i32>} : memref<160x128xf32, #tpu.memory_space<vmem>>, vector<1x16xf32>,
        %get3A_1327 = vector.shape_cast %get3A_1326 : vector<1x16xf32> to vector<16xf32>
        %mul3A_1328 = arith.mulf %get3A_1327, %bitcast_convert_type3A_1317 : vector<16xf32>
        %mul3A_1329 = arith.constant 32 : i32
        %mul3A_1330 = arith.muli %mul3A_1329, %select_n3A_1260 : i32
        %swap3A_1331 = arith.index_cast %add3A_1262 : i32 to index
        %swap3A_1332 = arith.index_cast %mul3A_1330 : i32 to index
        %swap3A_1333 = tpu.vector_load %arg11[%swap3A_1331, %swap3A_1332] {strides = array<i32>} : memref<160x128xf32, #tpu.memory_space<vmem>>, vector<1x16xf32>,
        %swap3A_1334 = vector.shape_cast %swap3A_1333 : vector<1x16xf32> to vector<16xf32>
        %swap3A_1335 = vector.shape_cast %mul3A_1328 : vector<16xf32> to vector<1x16xf32>
        tpu.vector_store %arg11[%swap3A_1331, %swap3A_1332], %swap3A_1335 {strides = array<i32>} : memref<160x128xf32, #tpu.memory_space<vmem>>, vector<1x16xf32>,
        %mul3A_1336 = arith.constant 32 : i32
        %mul3A_1337 = arith.muli %mul3A_1336, %select_n3A_1260 : i32
        %add3A_1338 = arith.constant 16 : i32
        %add3A_1339 = arith.addi %mul3A_1337, %add3A_1338 : i32
        %get3A_1340 = arith.index_cast %add3A_1262 : i32 to index
        %get3A_1341 = arith.index_cast %add3A_1339 : i32 to index
        %get3A_1342 = tpu.vector_load %arg11[%get3A_1340, %get3A_1341] {strides = array<i32>} : memref<160x128xf32, #tpu.memory_space<vmem>>, vector<1x16xf32>,
        %get3A_1343 = vector.shape_cast %get3A_1342 : vector<1x16xf32> to vector<16xf32>
        %mul3A_1344 = arith.mulf %get3A_1343, %bitcast_convert_type3A_1321 : vector<16xf32>
        %mul3A_1345 = arith.constant 32 : i32
        %mul3A_1346 = arith.muli %mul3A_1345, %select_n3A_1260 : i32
        %add3A_1347 = arith.constant 16 : i32
        %add3A_1348 = arith.addi %mul3A_1346, %add3A_1347 : i32
        %swap3A_1349 = arith.index_cast %add3A_1262 : i32 to index
        %swap3A_1350 = arith.index_cast %add3A_1348 : i32 to index
        %swap3A_1351 = tpu.vector_load %arg11[%swap3A_1349, %swap3A_1350] {strides = array<i32>} : memref<160x128xf32, #tpu.memory_space<vmem>>, vector<1x16xf32>,
        %swap3A_1352 = vector.shape_cast %swap3A_1351 : vector<1x16xf32> to vector<16xf32>
        %swap3A_1353 = vector.shape_cast %mul3A_1344 : vector<16xf32> to vector<1x16xf32>
        tpu.vector_store %arg11[%swap3A_1349, %swap3A_1350], %swap3A_1353 {strides = array<i32>} : memref<160x128xf32, #tpu.memory_space<vmem>>, vector<1x16xf32>,
        %scan3A_1354 = arith.constant 4 : i32
        %scan3A_1355 = arith.addi %scan3A_818, %scan3A_1354 : i32
        %jit3A_1356 = arith.constant 4 : i32
        %div3A_1357 = arith.divsi %scan3A_1355, %jit3A_1356 : i32
        %sign3A_1358 = arith.constant 0 : i32
        %sign3A_1359 = arith.cmpi sgt, %scan3A_1355, %sign3A_1358 : i32
        %sign3A_1360 = arith.extui %sign3A_1359 : i1 to i32
        %sign3A_1361 = arith.constant 0 : i32
        %sign3A_1362 = arith.cmpi slt, %scan3A_1355, %sign3A_1361 : i32
        %sign3A_1363 = arith.extui %sign3A_1362 : i1 to i32
        %sign3A_1364 = arith.subi %sign3A_1360, %sign3A_1363 : i32
        %sign3A_1365 = arith.constant 0 : i32
        %sign3A_1366 = arith.cmpi sgt, %jit3A_1356, %sign3A_1365 : i32
        %sign3A_1367 = arith.extui %sign3A_1366 : i1 to i32
        %sign3A_1368 = arith.constant 0 : i32
        %sign3A_1369 = arith.cmpi slt, %jit3A_1356, %sign3A_1368 : i32
        %sign3A_1370 = arith.extui %sign3A_1369 : i1 to i32
        %sign3A_1371 = arith.subi %sign3A_1367, %sign3A_1370 : i32
        %ne3A_1372 = arith.cmpi ne, %sign3A_1364, %sign3A_1371 : i32
        %rem3A_1373 = arith.remsi %scan3A_1355, %jit3A_1356 : i32
        %ne3A_1374 = arith.constant 0 : i32
        %ne3A_1375 = arith.cmpi ne, %rem3A_1373, %ne3A_1374 : i32
        %and3A_1376 = arith.andi %ne3A_1372, %ne3A_1375 : i1
        %sub3A_1377 = arith.constant 1 : i32
        %sub3A_1378 = arith.subi %div3A_1357, %sub3A_1377 : i32
        %select_n3A_1379 = arith.select %and3A_1376, %sub3A_1378, %div3A_1357 : i32
        %jit3A_1380 = arith.constant 4 : i32
        %eq3A_1381 = arith.constant 0 : i32
        %eq3A_1382 = arith.cmpi eq, %jit3A_1380, %eq3A_1381 : i32
        %jit3A_1383 = arith.constant 1 : i32
        %select_n3A_1384 = arith.select %eq3A_1382, %jit3A_1383, %jit3A_1380 : i32
        %rem3A_1385 = arith.remsi %scan3A_1355, %select_n3A_1384 : i32
        %ne3A_1386 = arith.constant 0 : i32
        %ne3A_1387 = arith.cmpi ne, %rem3A_1385, %ne3A_1386 : i32
        %lt3A_1388 = arith.constant 0 : i32
        %lt3A_1389 = arith.cmpi slt, %rem3A_1385, %lt3A_1388 : i32
        %lt3A_1390 = arith.constant 0 : i32
        %lt3A_1391 = arith.cmpi slt, %select_n3A_1384, %lt3A_1390 : i32
        %ne3A_1392 = arith.xori %lt3A_1389, %lt3A_1391 : i1
        %and3A_1393 = arith.andi %ne3A_1392, %ne3A_1387 : i1
        %add3A_1394 = arith.addi %rem3A_1385, %select_n3A_1384 : i32
        %select_n3A_1395 = arith.select %and3A_1393, %add3A_1394, %rem3A_1385 : i32
        %add3A_1396 = arith.constant 0 : i32
        %add3A_1397 = arith.addi %add3A_1396, %select_n3A_1379 : i32
        %jit3A_1398 = arith.constant 40 : i32
        %eq3A_1399 = arith.constant 0 : i32
        %eq3A_1400 = arith.cmpi eq, %jit3A_1398, %eq3A_1399 : i32
        %jit3A_1401 = arith.constant 1 : i32
        %select_n3A_1402 = arith.select %eq3A_1400, %jit3A_1401, %jit3A_1398 : i32
        %rem3A_1403 = arith.remsi %select_n3A_1379, %select_n3A_1402 : i32
        %ne3A_1404 = arith.constant 0 : i32
        %ne3A_1405 = arith.cmpi ne, %rem3A_1403, %ne3A_1404 : i32
        %lt3A_1406 = arith.constant 0 : i32
        %lt3A_1407 = arith.cmpi slt, %rem3A_1403, %lt3A_1406 : i32
        %lt3A_1408 = arith.constant 0 : i32
        %lt3A_1409 = arith.cmpi slt, %select_n3A_1402, %lt3A_1408 : i32
        %ne3A_1410 = arith.xori %lt3A_1407, %lt3A_1409 : i1
        %and3A_1411 = arith.andi %ne3A_1410, %ne3A_1405 : i1
        %add3A_1412 = arith.addi %rem3A_1403, %select_n3A_1402 : i32
        %select_n3A_1413 = arith.select %and3A_1411, %add3A_1412, %rem3A_1403 : i32
        %add3A_1414 = arith.constant 0 : i32
        %add3A_1415 = arith.addi %add3A_1414, %select_n3A_1413 : i32
        %jit3A_1416 = arith.constant 40 : i32
        %div3A_1417 = arith.divsi %select_n3A_1379, %jit3A_1416 : i32
        %sign3A_1418 = arith.constant 0 : i32
        %sign3A_1419 = arith.cmpi sgt, %select_n3A_1379, %sign3A_1418 : i32
        %sign3A_1420 = arith.extui %sign3A_1419 : i1 to i32
        %sign3A_1421 = arith.constant 0 : i32
        %sign3A_1422 = arith.cmpi slt, %select_n3A_1379, %sign3A_1421 : i32
        %sign3A_1423 = arith.extui %sign3A_1422 : i1 to i32
        %sign3A_1424 = arith.subi %sign3A_1420, %sign3A_1423 : i32
        %sign3A_1425 = arith.constant 0 : i32
        %sign3A_1426 = arith.cmpi sgt, %jit3A_1416, %sign3A_1425 : i32
        %sign3A_1427 = arith.extui %sign3A_1426 : i1 to i32
        %sign3A_1428 = arith.constant 0 : i32
        %sign3A_1429 = arith.cmpi slt, %jit3A_1416, %sign3A_1428 : i32
        %sign3A_1430 = arith.extui %sign3A_1429 : i1 to i32
        %sign3A_1431 = arith.subi %sign3A_1427, %sign3A_1430 : i32
        %ne3A_1432 = arith.cmpi ne, %sign3A_1424, %sign3A_1431 : i32
        %rem3A_1433 = arith.remsi %select_n3A_1379, %jit3A_1416 : i32
        %ne3A_1434 = arith.constant 0 : i32
        %ne3A_1435 = arith.cmpi ne, %rem3A_1433, %ne3A_1434 : i32
        %and3A_1436 = arith.andi %ne3A_1432, %ne3A_1435 : i1
        %sub3A_1437 = arith.constant 1 : i32
        %sub3A_1438 = arith.subi %div3A_1417, %sub3A_1437 : i32
        %select_n3A_1439 = arith.select %and3A_1436, %sub3A_1438, %div3A_1417 : i32
        %mul3A_1440 = arith.constant 64 : i32
        %mul3A_1441 = arith.muli %select_n3A_1439, %mul3A_1440 : i32
        %mul3A_1442 = arith.constant 16 : i32
        %mul3A_1443 = arith.muli %select_n3A_1395, %mul3A_1442 : i32
        %add3A_1444 = arith.addi %mul3A_1441, %mul3A_1443 : i32
        %get3A_1445 = arith.index_cast %add3A_1415 : i32 to index
        %get3A_1446 = arith.index_cast %add3A_1444 : i32 to index
        %get3A_1447 = tpu.vector_load %arg12[%get3A_1445, %get3A_1446] {strides = array<i32>} : memref<80x128xi32, #tpu.memory_space<vmem>>, vector<1x16xi32>,
        %get3A_1448 = vector.shape_cast %get3A_1447 : vector<1x16xi32> to vector<16xi32>
        %shift_left3A_1449 = arith.constant 16 : i32
        %shift_left3A_1450 = vector.broadcast %shift_left3A_1449 : i32 to vector<16xi32>
        %shift_left3A_1451 = arith.shli %get3A_1448, %shift_left3A_1450 : vector<16xi32>
        %bitcast_convert_type3A_1452 = tpu.bitcast %shift_left3A_1451 : vector<16xi32> -> vector<16xf32>
        %and3A_1453 = arith.constant -65536 : i32
        %and3A_1454 = vector.broadcast %and3A_1453 : i32 to vector<16xi32>
        %and3A_1455 = arith.andi %get3A_1448, %and3A_1454 : vector<16xi32>
        %bitcast_convert_type3A_1456 = tpu.bitcast %and3A_1455 : vector<16xi32> -> vector<16xf32>
        %mul3A_1457 = arith.constant 32 : i32
        %mul3A_1458 = arith.muli %mul3A_1457, %select_n3A_1395 : i32
        %get3A_1459 = arith.index_cast %add3A_1397 : i32 to index
        %get3A_1460 = arith.index_cast %mul3A_1458 : i32 to index
        %get3A_1461 = tpu.vector_load %arg11[%get3A_1459, %get3A_1460] {strides = array<i32>} : memref<160x128xf32, #tpu.memory_space<vmem>>, vector<1x16xf32>,
        %get3A_1462 = vector.shape_cast %get3A_1461 : vector<1x16xf32> to vector<16xf32>
        %mul3A_1463 = arith.mulf %get3A_1462, %bitcast_convert_type3A_1452 : vector<16xf32>
        %mul3A_1464 = arith.constant 32 : i32
        %mul3A_1465 = arith.muli %mul3A_1464, %select_n3A_1395 : i32
        %swap3A_1466 = arith.index_cast %add3A_1397 : i32 to index
        %swap3A_1467 = arith.index_cast %mul3A_1465 : i32 to index
        %swap3A_1468 = tpu.vector_load %arg11[%swap3A_1466, %swap3A_1467] {strides = array<i32>} : memref<160x128xf32, #tpu.memory_space<vmem>>, vector<1x16xf32>,
        %swap3A_1469 = vector.shape_cast %swap3A_1468 : vector<1x16xf32> to vector<16xf32>
        %swap3A_1470 = vector.shape_cast %mul3A_1463 : vector<16xf32> to vector<1x16xf32>
        tpu.vector_store %arg11[%swap3A_1466, %swap3A_1467], %swap3A_1470 {strides = array<i32>} : memref<160x128xf32, #tpu.memory_space<vmem>>, vector<1x16xf32>,
        %mul3A_1471 = arith.constant 32 : i32
        %mul3A_1472 = arith.muli %mul3A_1471, %select_n3A_1395 : i32
        %add3A_1473 = arith.constant 16 : i32
        %add3A_1474 = arith.addi %mul3A_1472, %add3A_1473 : i32
        %get3A_1475 = arith.index_cast %add3A_1397 : i32 to index
        %get3A_1476 = arith.index_cast %add3A_1474 : i32 to index
        %get3A_1477 = tpu.vector_load %arg11[%get3A_1475, %get3A_1476] {strides = array<i32>} : memref<160x128xf32, #tpu.memory_space<vmem>>, vector<1x16xf32>,
        %get3A_1478 = vector.shape_cast %get3A_1477 : vector<1x16xf32> to vector<16xf32>
        %mul3A_1479 = arith.mulf %get3A_1478, %bitcast_convert_type3A_1456 : vector<16xf32>
        %mul3A_1480 = arith.constant 32 : i32
        %mul3A_1481 = arith.muli %mul3A_1480, %select_n3A_1395 : i32
        %add3A_1482 = arith.constant 16 : i32
        %add3A_1483 = arith.addi %mul3A_1481, %add3A_1482 : i32
        %swap3A_1484 = arith.index_cast %add3A_1397 : i32 to index
        %swap3A_1485 = arith.index_cast %add3A_1483 : i32 to index
        %swap3A_1486 = tpu.vector_load %arg11[%swap3A_1484, %swap3A_1485] {strides = array<i32>} : memref<160x128xf32, #tpu.memory_space<vmem>>, vector<1x16xf32>,
        %swap3A_1487 = vector.shape_cast %swap3A_1486 : vector<1x16xf32> to vector<16xf32>
        %swap3A_1488 = vector.shape_cast %mul3A_1479 : vector<16xf32> to vector<1x16xf32>
        tpu.vector_store %arg11[%swap3A_1484, %swap3A_1485], %swap3A_1488 {strides = array<i32>} : memref<160x128xf32, #tpu.memory_space<vmem>>, vector<1x16xf32>,
        %scan3A_1489 = arith.constant 5 : i32
        %scan3A_1490 = arith.addi %scan3A_818, %scan3A_1489 : i32
        %jit3A_1491 = arith.constant 4 : i32
        %div3A_1492 = arith.divsi %scan3A_1490, %jit3A_1491 : i32
        %sign3A_1493 = arith.constant 0 : i32
        %sign3A_1494 = arith.cmpi sgt, %scan3A_1490, %sign3A_1493 : i32
        %sign3A_1495 = arith.extui %sign3A_1494 : i1 to i32
        %sign3A_1496 = arith.constant 0 : i32
        %sign3A_1497 = arith.cmpi slt, %scan3A_1490, %sign3A_1496 : i32
        %sign3A_1498 = arith.extui %sign3A_1497 : i1 to i32
        %sign3A_1499 = arith.subi %sign3A_1495, %sign3A_1498 : i32
        %sign3A_1500 = arith.constant 0 : i32
        %sign3A_1501 = arith.cmpi sgt, %jit3A_1491, %sign3A_1500 : i32
        %sign3A_1502 = arith.extui %sign3A_1501 : i1 to i32
        %sign3A_1503 = arith.constant 0 : i32
        %sign3A_1504 = arith.cmpi slt, %jit3A_1491, %sign3A_1503 : i32
        %sign3A_1505 = arith.extui %sign3A_1504 : i1 to i32
        %sign3A_1506 = arith.subi %sign3A_1502, %sign3A_1505 : i32
        %ne3A_1507 = arith.cmpi ne, %sign3A_1499, %sign3A_1506 : i32
        %rem3A_1508 = arith.remsi %scan3A_1490, %jit3A_1491 : i32
        %ne3A_1509 = arith.constant 0 : i32
        %ne3A_1510 = arith.cmpi ne, %rem3A_1508, %ne3A_1509 : i32
        %and3A_1511 = arith.andi %ne3A_1507, %ne3A_1510 : i1
        %sub3A_1512 = arith.constant 1 : i32
        %sub3A_1513 = arith.subi %div3A_1492, %sub3A_1512 : i32
        %select_n3A_1514 = arith.select %and3A_1511, %sub3A_1513, %div3A_1492 : i32
        %jit3A_1515 = arith.constant 4 : i32
        %eq3A_1516 = arith.constant 0 : i32
        %eq3A_1517 = arith.cmpi eq, %jit3A_1515, %eq3A_1516 : i32
        %jit3A_1518 = arith.constant 1 : i32
        %select_n3A_1519 = arith.select %eq3A_1517, %jit3A_1518, %jit3A_1515 : i32
        %rem3A_1520 = arith.remsi %scan3A_1490, %select_n3A_1519 : i32
        %ne3A_1521 = arith.constant 0 : i32
        %ne3A_1522 = arith.cmpi ne, %rem3A_1520, %ne3A_1521 : i32
        %lt3A_1523 = arith.constant 0 : i32
        %lt3A_1524 = arith.cmpi slt, %rem3A_1520, %lt3A_1523 : i32
        %lt3A_1525 = arith.constant 0 : i32
        %lt3A_1526 = arith.cmpi slt, %select_n3A_1519, %lt3A_1525 : i32
        %ne3A_1527 = arith.xori %lt3A_1524, %lt3A_1526 : i1
        %and3A_1528 = arith.andi %ne3A_1527, %ne3A_1522 : i1
        %add3A_1529 = arith.addi %rem3A_1520, %select_n3A_1519 : i32
        %select_n3A_1530 = arith.select %and3A_1528, %add3A_1529, %rem3A_1520 : i32
        %add3A_1531 = arith.constant 0 : i32
        %add3A_1532 = arith.addi %add3A_1531, %select_n3A_1514 : i32
        %jit3A_1533 = arith.constant 40 : i32
        %eq3A_1534 = arith.constant 0 : i32
        %eq3A_1535 = arith.cmpi eq, %jit3A_1533, %eq3A_1534 : i32
        %jit3A_1536 = arith.constant 1 : i32
        %select_n3A_1537 = arith.select %eq3A_1535, %jit3A_1536, %jit3A_1533 : i32
        %rem3A_1538 = arith.remsi %select_n3A_1514, %select_n3A_1537 : i32
        %ne3A_1539 = arith.constant 0 : i32
        %ne3A_1540 = arith.cmpi ne, %rem3A_1538, %ne3A_1539 : i32
        %lt3A_1541 = arith.constant 0 : i32
        %lt3A_1542 = arith.cmpi slt, %rem3A_1538, %lt3A_1541 : i32
        %lt3A_1543 = arith.constant 0 : i32
        %lt3A_1544 = arith.cmpi slt, %select_n3A_1537, %lt3A_1543 : i32
        %ne3A_1545 = arith.xori %lt3A_1542, %lt3A_1544 : i1
        %and3A_1546 = arith.andi %ne3A_1545, %ne3A_1540 : i1
        %add3A_1547 = arith.addi %rem3A_1538, %select_n3A_1537 : i32
        %select_n3A_1548 = arith.select %and3A_1546, %add3A_1547, %rem3A_1538 : i32
        %add3A_1549 = arith.constant 0 : i32
        %add3A_1550 = arith.addi %add3A_1549, %select_n3A_1548 : i32
        %jit3A_1551 = arith.constant 40 : i32
        %div3A_1552 = arith.divsi %select_n3A_1514, %jit3A_1551 : i32
        %sign3A_1553 = arith.constant 0 : i32
        %sign3A_1554 = arith.cmpi sgt, %select_n3A_1514, %sign3A_1553 : i32
        %sign3A_1555 = arith.extui %sign3A_1554 : i1 to i32
        %sign3A_1556 = arith.constant 0 : i32
        %sign3A_1557 = arith.cmpi slt, %select_n3A_1514, %sign3A_1556 : i32
        %sign3A_1558 = arith.extui %sign3A_1557 : i1 to i32
        %sign3A_1559 = arith.subi %sign3A_1555, %sign3A_1558 : i32
        %sign3A_1560 = arith.constant 0 : i32
        %sign3A_1561 = arith.cmpi sgt, %jit3A_1551, %sign3A_1560 : i32
        %sign3A_1562 = arith.extui %sign3A_1561 : i1 to i32
        %sign3A_1563 = arith.constant 0 : i32
        %sign3A_1564 = arith.cmpi slt, %jit3A_1551, %sign3A_1563 : i32
        %sign3A_1565 = arith.extui %sign3A_1564 : i1 to i32
        %sign3A_1566 = arith.subi %sign3A_1562, %sign3A_1565 : i32
        %ne3A_1567 = arith.cmpi ne, %sign3A_1559, %sign3A_1566 : i32
        %rem3A_1568 = arith.remsi %select_n3A_1514, %jit3A_1551 : i32
        %ne3A_1569 = arith.constant 0 : i32
        %ne3A_1570 = arith.cmpi ne, %rem3A_1568, %ne3A_1569 : i32
        %and3A_1571 = arith.andi %ne3A_1567, %ne3A_1570 : i1
        %sub3A_1572 = arith.constant 1 : i32
        %sub3A_1573 = arith.subi %div3A_1552, %sub3A_1572 : i32
        %select_n3A_1574 = arith.select %and3A_1571, %sub3A_1573, %div3A_1552 : i32
        %mul3A_1575 = arith.constant 64 : i32
        %mul3A_1576 = arith.muli %select_n3A_1574, %mul3A_1575 : i32
        %mul3A_1577 = arith.constant 16 : i32
        %mul3A_1578 = arith.muli %select_n3A_1530, %mul3A_1577 : i32
        %add3A_1579 = arith.addi %mul3A_1576, %mul3A_1578 : i32
        %get3A_1580 = arith.index_cast %add3A_1550 : i32 to index
        %get3A_1581 = arith.index_cast %add3A_1579 : i32 to index
        %get3A_1582 = tpu.vector_load %arg12[%get3A_1580, %get3A_1581] {strides = array<i32>} : memref<80x128xi32, #tpu.memory_space<vmem>>, vector<1x16xi32>,
        %get3A_1583 = vector.shape_cast %get3A_1582 : vector<1x16xi32> to vector<16xi32>
        %shift_left3A_1584 = arith.constant 16 : i32
        %shift_left3A_1585 = vector.broadcast %shift_left3A_1584 : i32 to vector<16xi32>
        %shift_left3A_1586 = arith.shli %get3A_1583, %shift_left3A_1585 : vector<16xi32>
        %bitcast_convert_type3A_1587 = tpu.bitcast %shift_left3A_1586 : vector<16xi32> -> vector<16xf32>
        %and3A_1588 = arith.constant -65536 : i32
        %and3A_1589 = vector.broadcast %and3A_1588 : i32 to vector<16xi32>
        %and3A_1590 = arith.andi %get3A_1583, %and3A_1589 : vector<16xi32>
        %bitcast_convert_type3A_1591 = tpu.bitcast %and3A_1590 : vector<16xi32> -> vector<16xf32>
        %mul3A_1592 = arith.constant 32 : i32
        %mul3A_1593 = arith.muli %mul3A_1592, %select_n3A_1530 : i32
        %get3A_1594 = arith.index_cast %add3A_1532 : i32 to index
        %get3A_1595 = arith.index_cast %mul3A_1593 : i32 to index
        %get3A_1596 = tpu.vector_load %arg11[%get3A_1594, %get3A_1595] {strides = array<i32>} : memref<160x128xf32, #tpu.memory_space<vmem>>, vector<1x16xf32>,
        %get3A_1597 = vector.shape_cast %get3A_1596 : vector<1x16xf32> to vector<16xf32>
        %mul3A_1598 = arith.mulf %get3A_1597, %bitcast_convert_type3A_1587 : vector<16xf32>
        %mul3A_1599 = arith.constant 32 : i32
        %mul3A_1600 = arith.muli %mul3A_1599, %select_n3A_1530 : i32
        %swap3A_1601 = arith.index_cast %add3A_1532 : i32 to index
        %swap3A_1602 = arith.index_cast %mul3A_1600 : i32 to index
        %swap3A_1603 = tpu.vector_load %arg11[%swap3A_1601, %swap3A_1602] {strides = array<i32>} : memref<160x128xf32, #tpu.memory_space<vmem>>, vector<1x16xf32>,
        %swap3A_1604 = vector.shape_cast %swap3A_1603 : vector<1x16xf32> to vector<16xf32>
        %swap3A_1605 = vector.shape_cast %mul3A_1598 : vector<16xf32> to vector<1x16xf32>
        tpu.vector_store %arg11[%swap3A_1601, %swap3A_1602], %swap3A_1605 {strides = array<i32>} : memref<160x128xf32, #tpu.memory_space<vmem>>, vector<1x16xf32>,
        %mul3A_1606 = arith.constant 32 : i32
        %mul3A_1607 = arith.muli %mul3A_1606, %select_n3A_1530 : i32
        %add3A_1608 = arith.constant 16 : i32
        %add3A_1609 = arith.addi %mul3A_1607, %add3A_1608 : i32
        %get3A_1610 = arith.index_cast %add3A_1532 : i32 to index
        %get3A_1611 = arith.index_cast %add3A_1609 : i32 to index
        %get3A_1612 = tpu.vector_load %arg11[%get3A_1610, %get3A_1611] {strides = array<i32>} : memref<160x128xf32, #tpu.memory_space<vmem>>, vector<1x16xf32>,
        %get3A_1613 = vector.shape_cast %get3A_1612 : vector<1x16xf32> to vector<16xf32>
        %mul3A_1614 = arith.mulf %get3A_1613, %bitcast_convert_type3A_1591 : vector<16xf32>
        %mul3A_1615 = arith.constant 32 : i32
        %mul3A_1616 = arith.muli %mul3A_1615, %select_n3A_1530 : i32
        %add3A_1617 = arith.constant 16 : i32
        %add3A_1618 = arith.addi %mul3A_1616, %add3A_1617 : i32
        %swap3A_1619 = arith.index_cast %add3A_1532 : i32 to index
        %swap3A_1620 = arith.index_cast %add3A_1618 : i32 to index
        %swap3A_1621 = tpu.vector_load %arg11[%swap3A_1619, %swap3A_1620] {strides = array<i32>} : memref<160x128xf32, #tpu.memory_space<vmem>>, vector<1x16xf32>,
        %swap3A_1622 = vector.shape_cast %swap3A_1621 : vector<1x16xf32> to vector<16xf32>
        %swap3A_1623 = vector.shape_cast %mul3A_1614 : vector<16xf32> to vector<1x16xf32>
        tpu.vector_store %arg11[%swap3A_1619, %swap3A_1620], %swap3A_1623 {strides = array<i32>} : memref<160x128xf32, #tpu.memory_space<vmem>>, vector<1x16xf32>,
        %scan3A_1624 = arith.constant 6 : i32
        %scan3A_1625 = arith.addi %scan3A_818, %scan3A_1624 : i32
        %jit3A_1626 = arith.constant 4 : i32
        %div3A_1627 = arith.divsi %scan3A_1625, %jit3A_1626 : i32
        %sign3A_1628 = arith.constant 0 : i32
        %sign3A_1629 = arith.cmpi sgt, %scan3A_1625, %sign3A_1628 : i32
        %sign3A_1630 = arith.extui %sign3A_1629 : i1 to i32
        %sign3A_1631 = arith.constant 0 : i32
        %sign3A_1632 = arith.cmpi slt, %scan3A_1625, %sign3A_1631 : i32
        %sign3A_1633 = arith.extui %sign3A_1632 : i1 to i32
        %sign3A_1634 = arith.subi %sign3A_1630, %sign3A_1633 : i32
        %sign3A_1635 = arith.constant 0 : i32
        %sign3A_1636 = arith.cmpi sgt, %jit3A_1626, %sign3A_1635 : i32
        %sign3A_1637 = arith.extui %sign3A_1636 : i1 to i32
        %sign3A_1638 = arith.constant 0 : i32
        %sign3A_1639 = arith.cmpi slt, %jit3A_1626, %sign3A_1638 : i32
        %sign3A_1640 = arith.extui %sign3A_1639 : i1 to i32
        %sign3A_1641 = arith.subi %sign3A_1637, %sign3A_1640 : i32
        %ne3A_1642 = arith.cmpi ne, %sign3A_1634, %sign3A_1641 : i32
        %rem3A_1643 = arith.remsi %scan3A_1625, %jit3A_1626 : i32
        %ne3A_1644 = arith.constant 0 : i32
        %ne3A_1645 = arith.cmpi ne, %rem3A_1643, %ne3A_1644 : i32
        %and3A_1646 = arith.andi %ne3A_1642, %ne3A_1645 : i1
        %sub3A_1647 = arith.constant 1 : i32
        %sub3A_1648 = arith.subi %div3A_1627, %sub3A_1647 : i32
        %select_n3A_1649 = arith.select %and3A_1646, %sub3A_1648, %div3A_1627 : i32
        %jit3A_1650 = arith.constant 4 : i32
        %eq3A_1651 = arith.constant 0 : i32
        %eq3A_1652 = arith.cmpi eq, %jit3A_1650, %eq3A_1651 : i32
        %jit3A_1653 = arith.constant 1 : i32
        %select_n3A_1654 = arith.select %eq3A_1652, %jit3A_1653, %jit3A_1650 : i32
        %rem3A_1655 = arith.remsi %scan3A_1625, %select_n3A_1654 : i32
        %ne3A_1656 = arith.constant 0 : i32
        %ne3A_1657 = arith.cmpi ne, %rem3A_1655, %ne3A_1656 : i32
        %lt3A_1658 = arith.constant 0 : i32
        %lt3A_1659 = arith.cmpi slt, %rem3A_1655, %lt3A_1658 : i32
        %lt3A_1660 = arith.constant 0 : i32
        %lt3A_1661 = arith.cmpi slt, %select_n3A_1654, %lt3A_1660 : i32
        %ne3A_1662 = arith.xori %lt3A_1659, %lt3A_1661 : i1
        %and3A_1663 = arith.andi %ne3A_1662, %ne3A_1657 : i1
        %add3A_1664 = arith.addi %rem3A_1655, %select_n3A_1654 : i32
        %select_n3A_1665 = arith.select %and3A_1663, %add3A_1664, %rem3A_1655 : i32
        %add3A_1666 = arith.constant 0 : i32
        %add3A_1667 = arith.addi %add3A_1666, %select_n3A_1649 : i32
        %jit3A_1668 = arith.constant 40 : i32
        %eq3A_1669 = arith.constant 0 : i32
        %eq3A_1670 = arith.cmpi eq, %jit3A_1668, %eq3A_1669 : i32
        %jit3A_1671 = arith.constant 1 : i32
        %select_n3A_1672 = arith.select %eq3A_1670, %jit3A_1671, %jit3A_1668 : i32
        %rem3A_1673 = arith.remsi %select_n3A_1649, %select_n3A_1672 : i32
        %ne3A_1674 = arith.constant 0 : i32
        %ne3A_1675 = arith.cmpi ne, %rem3A_1673, %ne3A_1674 : i32
        %lt3A_1676 = arith.constant 0 : i32
        %lt3A_1677 = arith.cmpi slt, %rem3A_1673, %lt3A_1676 : i32
        %lt3A_1678 = arith.constant 0 : i32
        %lt3A_1679 = arith.cmpi slt, %select_n3A_1672, %lt3A_1678 : i32
        %ne3A_1680 = arith.xori %lt3A_1677, %lt3A_1679 : i1
        %and3A_1681 = arith.andi %ne3A_1680, %ne3A_1675 : i1
        %add3A_1682 = arith.addi %rem3A_1673, %select_n3A_1672 : i32
        %select_n3A_1683 = arith.select %and3A_1681, %add3A_1682, %rem3A_1673 : i32
        %add3A_1684 = arith.constant 0 : i32
        %add3A_1685 = arith.addi %add3A_1684, %select_n3A_1683 : i32
        %jit3A_1686 = arith.constant 40 : i32
        %div3A_1687 = arith.divsi %select_n3A_1649, %jit3A_1686 : i32
        %sign3A_1688 = arith.constant 0 : i32
        %sign3A_1689 = arith.cmpi sgt, %select_n3A_1649, %sign3A_1688 : i32
        %sign3A_1690 = arith.extui %sign3A_1689 : i1 to i32
        %sign3A_1691 = arith.constant 0 : i32
        %sign3A_1692 = arith.cmpi slt, %select_n3A_1649, %sign3A_1691 : i32
        %sign3A_1693 = arith.extui %sign3A_1692 : i1 to i32
        %sign3A_1694 = arith.subi %sign3A_1690, %sign3A_1693 : i32
        %sign3A_1695 = arith.constant 0 : i32
        %sign3A_1696 = arith.cmpi sgt, %jit3A_1686, %sign3A_1695 : i32
        %sign3A_1697 = arith.extui %sign3A_1696 : i1 to i32
        %sign3A_1698 = arith.constant 0 : i32
        %sign3A_1699 = arith.cmpi slt, %jit3A_1686, %sign3A_1698 : i32
        %sign3A_1700 = arith.extui %sign3A_1699 : i1 to i32
        %sign3A_1701 = arith.subi %sign3A_1697, %sign3A_1700 : i32
        %ne3A_1702 = arith.cmpi ne, %sign3A_1694, %sign3A_1701 : i32
        %rem3A_1703 = arith.remsi %select_n3A_1649, %jit3A_1686 : i32
        %ne3A_1704 = arith.constant 0 : i32
        %ne3A_1705 = arith.cmpi ne, %rem3A_1703, %ne3A_1704 : i32
        %and3A_1706 = arith.andi %ne3A_1702, %ne3A_1705 : i1
        %sub3A_1707 = arith.constant 1 : i32
        %sub3A_1708 = arith.subi %div3A_1687, %sub3A_1707 : i32
        %select_n3A_1709 = arith.select %and3A_1706, %sub3A_1708, %div3A_1687 : i32
        %mul3A_1710 = arith.constant 64 : i32
        %mul3A_1711 = arith.muli %select_n3A_1709, %mul3A_1710 : i32
        %mul3A_1712 = arith.constant 16 : i32
        %mul3A_1713 = arith.muli %select_n3A_1665, %mul3A_1712 : i32
        %add3A_1714 = arith.addi %mul3A_1711, %mul3A_1713 : i32
        %get3A_1715 = arith.index_cast %add3A_1685 : i32 to index
        %get3A_1716 = arith.index_cast %add3A_1714 : i32 to index
        %get3A_1717 = tpu.vector_load %arg12[%get3A_1715, %get3A_1716] {strides = array<i32>} : memref<80x128xi32, #tpu.memory_space<vmem>>, vector<1x16xi32>,
        %get3A_1718 = vector.shape_cast %get3A_1717 : vector<1x16xi32> to vector<16xi32>
        %shift_left3A_1719 = arith.constant 16 : i32
        %shift_left3A_1720 = vector.broadcast %shift_left3A_1719 : i32 to vector<16xi32>
        %shift_left3A_1721 = arith.shli %get3A_1718, %shift_left3A_1720 : vector<16xi32>
        %bitcast_convert_type3A_1722 = tpu.bitcast %shift_left3A_1721 : vector<16xi32> -> vector<16xf32>
        %and3A_1723 = arith.constant -65536 : i32
        %and3A_1724 = vector.broadcast %and3A_1723 : i32 to vector<16xi32>
        %and3A_1725 = arith.andi %get3A_1718, %and3A_1724 : vector<16xi32>
        %bitcast_convert_type3A_1726 = tpu.bitcast %and3A_1725 : vector<16xi32> -> vector<16xf32>
        %mul3A_1727 = arith.constant 32 : i32
        %mul3A_1728 = arith.muli %mul3A_1727, %select_n3A_1665 : i32
        %get3A_1729 = arith.index_cast %add3A_1667 : i32 to index
        %get3A_1730 = arith.index_cast %mul3A_1728 : i32 to index
        %get3A_1731 = tpu.vector_load %arg11[%get3A_1729, %get3A_1730] {strides = array<i32>} : memref<160x128xf32, #tpu.memory_space<vmem>>, vector<1x16xf32>,
        %get3A_1732 = vector.shape_cast %get3A_1731 : vector<1x16xf32> to vector<16xf32>
        %mul3A_1733 = arith.mulf %get3A_1732, %bitcast_convert_type3A_1722 : vector<16xf32>
        %mul3A_1734 = arith.constant 32 : i32
        %mul3A_1735 = arith.muli %mul3A_1734, %select_n3A_1665 : i32
        %swap3A_1736 = arith.index_cast %add3A_1667 : i32 to index
        %swap3A_1737 = arith.index_cast %mul3A_1735 : i32 to index
        %swap3A_1738 = tpu.vector_load %arg11[%swap3A_1736, %swap3A_1737] {strides = array<i32>} : memref<160x128xf32, #tpu.memory_space<vmem>>, vector<1x16xf32>,
        %swap3A_1739 = vector.shape_cast %swap3A_1738 : vector<1x16xf32> to vector<16xf32>
        %swap3A_1740 = vector.shape_cast %mul3A_1733 : vector<16xf32> to vector<1x16xf32>
        tpu.vector_store %arg11[%swap3A_1736, %swap3A_1737], %swap3A_1740 {strides = array<i32>} : memref<160x128xf32, #tpu.memory_space<vmem>>, vector<1x16xf32>,
        %mul3A_1741 = arith.constant 32 : i32
        %mul3A_1742 = arith.muli %mul3A_1741, %select_n3A_1665 : i32
        %add3A_1743 = arith.constant 16 : i32
        %add3A_1744 = arith.addi %mul3A_1742, %add3A_1743 : i32
        %get3A_1745 = arith.index_cast %add3A_1667 : i32 to index
        %get3A_1746 = arith.index_cast %add3A_1744 : i32 to index
        %get3A_1747 = tpu.vector_load %arg11[%get3A_1745, %get3A_1746] {strides = array<i32>} : memref<160x128xf32, #tpu.memory_space<vmem>>, vector<1x16xf32>,
        %get3A_1748 = vector.shape_cast %get3A_1747 : vector<1x16xf32> to vector<16xf32>
        %mul3A_1749 = arith.mulf %get3A_1748, %bitcast_convert_type3A_1726 : vector<16xf32>
        %mul3A_1750 = arith.constant 32 : i32
        %mul3A_1751 = arith.muli %mul3A_1750, %select_n3A_1665 : i32
        %add3A_1752 = arith.constant 16 : i32
        %add3A_1753 = arith.addi %mul3A_1751, %add3A_1752 : i32
        %swap3A_1754 = arith.index_cast %add3A_1667 : i32 to index
        %swap3A_1755 = arith.index_cast %add3A_1753 : i32 to index
        %swap3A_1756 = tpu.vector_load %arg11[%swap3A_1754, %swap3A_1755] {strides = array<i32>} : memref<160x128xf32, #tpu.memory_space<vmem>>, vector<1x16xf32>,
        %swap3A_1757 = vector.shape_cast %swap3A_1756 : vector<1x16xf32> to vector<16xf32>
        %swap3A_1758 = vector.shape_cast %mul3A_1749 : vector<16xf32> to vector<1x16xf32>
        tpu.vector_store %arg11[%swap3A_1754, %swap3A_1755], %swap3A_1758 {strides = array<i32>} : memref<160x128xf32, #tpu.memory_space<vmem>>, vector<1x16xf32>,
        %scan3A_1759 = arith.constant 7 : i32
        %scan3A_1760 = arith.addi %scan3A_818, %scan3A_1759 : i32
        %jit3A_1761 = arith.constant 4 : i32
        %div3A_1762 = arith.divsi %scan3A_1760, %jit3A_1761 : i32
        %sign3A_1763 = arith.constant 0 : i32
        %sign3A_1764 = arith.cmpi sgt, %scan3A_1760, %sign3A_1763 : i32
        %sign3A_1765 = arith.extui %sign3A_1764 : i1 to i32
        %sign3A_1766 = arith.constant 0 : i32
        %sign3A_1767 = arith.cmpi slt, %scan3A_1760, %sign3A_1766 : i32
        %sign3A_1768 = arith.extui %sign3A_1767 : i1 to i32
        %sign3A_1769 = arith.subi %sign3A_1765, %sign3A_1768 : i32
        %sign3A_1770 = arith.constant 0 : i32
        %sign3A_1771 = arith.cmpi sgt, %jit3A_1761, %sign3A_1770 : i32
        %sign3A_1772 = arith.extui %sign3A_1771 : i1 to i32
        %sign3A_1773 = arith.constant 0 : i32
        %sign3A_1774 = arith.cmpi slt, %jit3A_1761, %sign3A_1773 : i32
        %sign3A_1775 = arith.extui %sign3A_1774 : i1 to i32
        %sign3A_1776 = arith.subi %sign3A_1772, %sign3A_1775 : i32
        %ne3A_1777 = arith.cmpi ne, %sign3A_1769, %sign3A_1776 : i32
        %rem3A_1778 = arith.remsi %scan3A_1760, %jit3A_1761 : i32
        %ne3A_1779 = arith.constant 0 : i32
        %ne3A_1780 = arith.cmpi ne, %rem3A_1778, %ne3A_1779 : i32
        %and3A_1781 = arith.andi %ne3A_1777, %ne3A_1780 : i1
        %sub3A_1782 = arith.constant 1 : i32
        %sub3A_1783 = arith.subi %div3A_1762, %sub3A_1782 : i32
        %select_n3A_1784 = arith.select %and3A_1781, %sub3A_1783, %div3A_1762 : i32
        %jit3A_1785 = arith.constant 4 : i32
        %eq3A_1786 = arith.constant 0 : i32
        %eq3A_1787 = arith.cmpi eq, %jit3A_1785, %eq3A_1786 : i32
        %jit3A_1788 = arith.constant 1 : i32
        %select_n3A_1789 = arith.select %eq3A_1787, %jit3A_1788, %jit3A_1785 : i32
        %rem3A_1790 = arith.remsi %scan3A_1760, %select_n3A_1789 : i32
        %ne3A_1791 = arith.constant 0 : i32
        %ne3A_1792 = arith.cmpi ne, %rem3A_1790, %ne3A_1791 : i32
        %lt3A_1793 = arith.constant 0 : i32
        %lt3A_1794 = arith.cmpi slt, %rem3A_1790, %lt3A_1793 : i32
        %lt3A_1795 = arith.constant 0 : i32
        %lt3A_1796 = arith.cmpi slt, %select_n3A_1789, %lt3A_1795 : i32
        %ne3A_1797 = arith.xori %lt3A_1794, %lt3A_1796 : i1
        %and3A_1798 = arith.andi %ne3A_1797, %ne3A_1792 : i1
        %add3A_1799 = arith.addi %rem3A_1790, %select_n3A_1789 : i32
        %select_n3A_1800 = arith.select %and3A_1798, %add3A_1799, %rem3A_1790 : i32
        %add3A_1801 = arith.constant 0 : i32
        %add3A_1802 = arith.addi %add3A_1801, %select_n3A_1784 : i32
        %jit3A_1803 = arith.constant 40 : i32
        %eq3A_1804 = arith.constant 0 : i32
        %eq3A_1805 = arith.cmpi eq, %jit3A_1803, %eq3A_1804 : i32
        %jit3A_1806 = arith.constant 1 : i32
        %select_n3A_1807 = arith.select %eq3A_1805, %jit3A_1806, %jit3A_1803 : i32
        %rem3A_1808 = arith.remsi %select_n3A_1784, %select_n3A_1807 : i32
        %ne3A_1809 = arith.constant 0 : i32
        %ne3A_1810 = arith.cmpi ne, %rem3A_1808, %ne3A_1809 : i32
        %lt3A_1811 = arith.constant 0 : i32
        %lt3A_1812 = arith.cmpi slt, %rem3A_1808, %lt3A_1811 : i32
        %lt3A_1813 = arith.constant 0 : i32
        %lt3A_1814 = arith.cmpi slt, %select_n3A_1807, %lt3A_1813 : i32
        %ne3A_1815 = arith.xori %lt3A_1812, %lt3A_1814 : i1
        %and3A_1816 = arith.andi %ne3A_1815, %ne3A_1810 : i1
        %add3A_1817 = arith.addi %rem3A_1808, %select_n3A_1807 : i32
        %select_n3A_1818 = arith.select %and3A_1816, %add3A_1817, %rem3A_1808 : i32
        %add3A_1819 = arith.constant 0 : i32
        %add3A_1820 = arith.addi %add3A_1819, %select_n3A_1818 : i32
        %jit3A_1821 = arith.constant 40 : i32
        %div3A_1822 = arith.divsi %select_n3A_1784, %jit3A_1821 : i32
        %sign3A_1823 = arith.constant 0 : i32
        %sign3A_1824 = arith.cmpi sgt, %select_n3A_1784, %sign3A_1823 : i32
        %sign3A_1825 = arith.extui %sign3A_1824 : i1 to i32
        %sign3A_1826 = arith.constant 0 : i32
        %sign3A_1827 = arith.cmpi slt, %select_n3A_1784, %sign3A_1826 : i32
        %sign3A_1828 = arith.extui %sign3A_1827 : i1 to i32
        %sign3A_1829 = arith.subi %sign3A_1825, %sign3A_1828 : i32
        %sign3A_1830 = arith.constant 0 : i32
        %sign3A_1831 = arith.cmpi sgt, %jit3A_1821, %sign3A_1830 : i32
        %sign3A_1832 = arith.extui %sign3A_1831 : i1 to i32
        %sign3A_1833 = arith.constant 0 : i32
        %sign3A_1834 = arith.cmpi slt, %jit3A_1821, %sign3A_1833 : i32
        %sign3A_1835 = arith.extui %sign3A_1834 : i1 to i32
        %sign3A_1836 = arith.subi %sign3A_1832, %sign3A_1835 : i32
        %ne3A_1837 = arith.cmpi ne, %sign3A_1829, %sign3A_1836 : i32
        %rem3A_1838 = arith.remsi %select_n3A_1784, %jit3A_1821 : i32
        %ne3A_1839 = arith.constant 0 : i32
        %ne3A_1840 = arith.cmpi ne, %rem3A_1838, %ne3A_1839 : i32
        %and3A_1841 = arith.andi %ne3A_1837, %ne3A_1840 : i1
        %sub3A_1842 = arith.constant 1 : i32
        %sub3A_1843 = arith.subi %div3A_1822, %sub3A_1842 : i32
        %select_n3A_1844 = arith.select %and3A_1841, %sub3A_1843, %div3A_1822 : i32
        %mul3A_1845 = arith.constant 64 : i32
        %mul3A_1846 = arith.muli %select_n3A_1844, %mul3A_1845 : i32
        %mul3A_1847 = arith.constant 16 : i32
        %mul3A_1848 = arith.muli %select_n3A_1800, %mul3A_1847 : i32
        %add3A_1849 = arith.addi %mul3A_1846, %mul3A_1848 : i32
        %get3A_1850 = arith.index_cast %add3A_1820 : i32 to index
        %get3A_1851 = arith.index_cast %add3A_1849 : i32 to index
        %get3A_1852 = tpu.vector_load %arg12[%get3A_1850, %get3A_1851] {strides = array<i32>} : memref<80x128xi32, #tpu.memory_space<vmem>>, vector<1x16xi32>,
        %get3A_1853 = vector.shape_cast %get3A_1852 : vector<1x16xi32> to vector<16xi32>
        %shift_left3A_1854 = arith.constant 16 : i32
        %shift_left3A_1855 = vector.broadcast %shift_left3A_1854 : i32 to vector<16xi32>
        %shift_left3A_1856 = arith.shli %get3A_1853, %shift_left3A_1855 : vector<16xi32>
        %bitcast_convert_type3A_1857 = tpu.bitcast %shift_left3A_1856 : vector<16xi32> -> vector<16xf32>
        %and3A_1858 = arith.constant -65536 : i32
        %and3A_1859 = vector.broadcast %and3A_1858 : i32 to vector<16xi32>
        %and3A_1860 = arith.andi %get3A_1853, %and3A_1859 : vector<16xi32>
        %bitcast_convert_type3A_1861 = tpu.bitcast %and3A_1860 : vector<16xi32> -> vector<16xf32>
        %mul3A_1862 = arith.constant 32 : i32
        %mul3A_1863 = arith.muli %mul3A_1862, %select_n3A_1800 : i32
        %get3A_1864 = arith.index_cast %add3A_1802 : i32 to index
        %get3A_1865 = arith.index_cast %mul3A_1863 : i32 to index
        %get3A_1866 = tpu.vector_load %arg11[%get3A_1864, %get3A_1865] {strides = array<i32>} : memref<160x128xf32, #tpu.memory_space<vmem>>, vector<1x16xf32>,
        %get3A_1867 = vector.shape_cast %get3A_1866 : vector<1x16xf32> to vector<16xf32>
        %mul3A_1868 = arith.mulf %get3A_1867, %bitcast_convert_type3A_1857 : vector<16xf32>
        %mul3A_1869 = arith.constant 32 : i32
        %mul3A_1870 = arith.muli %mul3A_1869, %select_n3A_1800 : i32
        %swap3A_1871 = arith.index_cast %add3A_1802 : i32 to index
        %swap3A_1872 = arith.index_cast %mul3A_1870 : i32 to index
        %swap3A_1873 = tpu.vector_load %arg11[%swap3A_1871, %swap3A_1872] {strides = array<i32>} : memref<160x128xf32, #tpu.memory_space<vmem>>, vector<1x16xf32>,
        %swap3A_1874 = vector.shape_cast %swap3A_1873 : vector<1x16xf32> to vector<16xf32>
        %swap3A_1875 = vector.shape_cast %mul3A_1868 : vector<16xf32> to vector<1x16xf32>
        tpu.vector_store %arg11[%swap3A_1871, %swap3A_1872], %swap3A_1875 {strides = array<i32>} : memref<160x128xf32, #tpu.memory_space<vmem>>, vector<1x16xf32>,
        %mul3A_1876 = arith.constant 32 : i32
        %mul3A_1877 = arith.muli %mul3A_1876, %select_n3A_1800 : i32
        %add3A_1878 = arith.constant 16 : i32
        %add3A_1879 = arith.addi %mul3A_1877, %add3A_1878 : i32
        %get3A_1880 = arith.index_cast %add3A_1802 : i32 to index
        %get3A_1881 = arith.index_cast %add3A_1879 : i32 to index
        %get3A_1882 = tpu.vector_load %arg11[%get3A_1880, %get3A_1881] {strides = array<i32>} : memref<160x128xf32, #tpu.memory_space<vmem>>, vector<1x16xf32>,
        %get3A_1883 = vector.shape_cast %get3A_1882 : vector<1x16xf32> to vector<16xf32>
        %mul3A_1884 = arith.mulf %get3A_1883, %bitcast_convert_type3A_1861 : vector<16xf32>
        %mul3A_1885 = arith.constant 32 : i32
        %mul3A_1886 = arith.muli %mul3A_1885, %select_n3A_1800 : i32
        %add3A_1887 = arith.constant 16 : i32
        %add3A_1888 = arith.addi %mul3A_1886, %add3A_1887 : i32
        %swap3A_1889 = arith.index_cast %add3A_1802 : i32 to index
        %swap3A_1890 = arith.index_cast %add3A_1888 : i32 to index
        %swap3A_1891 = tpu.vector_load %arg11[%swap3A_1889, %swap3A_1890] {strides = array<i32>} : memref<160x128xf32, #tpu.memory_space<vmem>>, vector<1x16xf32>,
        %swap3A_1892 = vector.shape_cast %swap3A_1891 : vector<1x16xf32> to vector<16xf32>
        %swap3A_1893 = vector.shape_cast %mul3A_1884 : vector<16xf32> to vector<1x16xf32>
        tpu.vector_store %arg11[%swap3A_1889, %swap3A_1890], %swap3A_1893 {strides = array<i32>} : memref<160x128xf32, #tpu.memory_space<vmem>>, vector<1x16xf32>,
      }
      %scan3A_531 = arith.constant 320 : i32
      %dma_start3A_532 = arith.constant 0 : i32
      %dma_start3A_533 = arith.constant 0 : i32
      %dma_start3A_534 = tpu.memref_slice %arg11[%dma_start3A_532, %dma_start3A_533] : memref<160x128xf32, #tpu.memory_space<vmem>> -> memref<80x128xf32, #tpu.memory_space<vmem>>
      %dma_start3A_535 = arith.constant 0 : i32
      %dma_start3A_536 = arith.constant 0 : i32
      %dma_start3A_537 = tpu.memref_slice %arg13[%dma_start3A_535, %dma_start3A_536] : memref<10240x128xf32, #tpu.memory_space<vmem_shared>> -> memref<10240x128xf32, #tpu.memory_space<vmem_shared>>
      tpu.enqueue_indirect_dma source(%dma_start3A_534 : memref<80x128xf32, #tpu.memory_space<vmem>>) target(%dma_start3A_537 : memref<10240x128xf32, #tpu.memory_space<vmem_shared>>) offsets(%arg9 : memref<80xi32, #tpu.memory_space<vmem>>) semaphore(%arg20 : memref<!tpu.dma_semaphore, #tpu.memory_space<semaphore_mem>>) {add = true}
      %dma_wait3A_538 = arith.constant 80 : i32
      %dma_wait3A_539 = arith.constant 0 : i32
      %dma_wait3A_540 = tpu.memref_slice %arg11[%dma_wait3A_538, %dma_wait3A_539] : memref<160x128xf32, #tpu.memory_space<vmem>> -> memref<80x128xf32, #tpu.memory_space<vmem>>
      %dma_wait3A_541 = arith.constant 0 : i32
      %dma_wait3A_542 = arith.constant 0 : i32
      %dma_wait3A_543 = tpu.memref_slice %arg2[%dma_wait3A_541, %dma_wait3A_542] : memref<10000x128xf32, #tpu.memory_space<hbm>> -> memref<80x128xf32, #tpu.memory_space<hbm>>
      %dma_wait3A_544 = arith.constant 80 : i32
      %dma_wait3A_545 = arith.constant 0 : i32
      %dma_wait3A_546 = tpu.memref_slice %arg11[%dma_wait3A_544, %dma_wait3A_545] : memref<160x128xf32, #tpu.memory_space<vmem>> -> memref<80x128xf32, #tpu.memory_space<vmem>>
      %dma_wait3A_547 = arith.constant 0 : i32
      %dma_wait3A_548 = arith.constant 0 : i32
      %dma_wait3A_549 = tpu.memref_slice %arg2[%dma_wait3A_547, %dma_wait3A_548] : memref<10000x128xf32, #tpu.memory_space<hbm>> -> memref<80x128xf32, #tpu.memory_space<hbm>>
      tpu.wait_dma2 semaphore(%arg17 : memref<!tpu.dma_semaphore, #tpu.memory_space<semaphore_mem>>) src(%dma_wait3A_549 : memref<80x128xf32, #tpu.memory_space<hbm>>) dst(%dma_wait3A_546 : memref<80x128xf32, #tpu.memory_space<vmem>>)
      %dma_wait3A_550 = arith.constant 40 : i32
      %dma_wait3A_551 = arith.constant 0 : i32
      %dma_wait3A_552 = tpu.memref_slice %arg12[%dma_wait3A_550, %dma_wait3A_551] : memref<80x128xi32, #tpu.memory_space<vmem>> -> memref<40x128xi32, #tpu.memory_space<vmem>>
      %dma_wait3A_553 = arith.constant 0 : i32
      %dma_wait3A_554 = arith.constant 0 : i32
      %dma_wait3A_555 = tpu.memref_slice %arg3[%dma_wait3A_553, %dma_wait3A_554] : memref<160000x128xi32, #tpu.memory_space<hbm>> -> memref<40x128xi32, #tpu.memory_space<hbm>>
      %dma_wait3A_556 = arith.constant 40 : i32
      %dma_wait3A_557 = arith.constant 0 : i32
      %dma_wait3A_558 = tpu.memref_slice %arg12[%dma_wait3A_556, %dma_wait3A_557] : memref<80x128xi32, #tpu.memory_space<vmem>> -> memref<40x128xi32, #tpu.memory_space<vmem>>
      %dma_wait3A_559 = arith.constant 0 : i32
      %dma_wait3A_560 = arith.constant 0 : i32
      %dma_wait3A_561 = tpu.memref_slice %arg3[%dma_wait3A_559, %dma_wait3A_560] : memref<160000x128xi32, #tpu.memory_space<hbm>> -> memref<40x128xi32, #tpu.memory_space<hbm>>
      tpu.wait_dma2 semaphore(%arg19 : memref<!tpu.dma_semaphore, #tpu.memory_space<semaphore_mem>>) src(%dma_wait3A_561 : memref<40x128xi32, #tpu.memory_space<hbm>>) dst(%dma_wait3A_558 : memref<40x128xi32, #tpu.memory_space<vmem>>)
      %scan3A_562 = arith.constant 0 : i32
      %scan3A_563 = arith.constant 0 : i32
      %scan3A_564 = arith.constant 320 : i32
      %scan3A_565 = arith.addi %scan3A_563, %scan3A_564 : i32
      %scan3A_566 = arith.constant 8 : i32
      scf.for %scan3A_818 = %scan3A_563 to %scan3A_565 step %scan3A_566  : i32 {
        %jit3A_819 = arith.constant 4 : i32
        %div3A_820 = arith.divsi %scan3A_818, %jit3A_819 : i32
        %sign3A_821 = arith.constant 0 : i32
        %sign3A_822 = arith.cmpi sgt, %scan3A_818, %sign3A_821 : i32
        %sign3A_823 = arith.extui %sign3A_822 : i1 to i32
        %sign3A_824 = arith.constant 0 : i32
        %sign3A_825 = arith.cmpi slt, %scan3A_818, %sign3A_824 : i32
        %sign3A_826 = arith.extui %sign3A_825 : i1 to i32
        %sign3A_827 = arith.subi %sign3A_823, %sign3A_826 : i32
        %sign3A_828 = arith.constant 0 : i32
        %sign3A_829 = arith.cmpi sgt, %jit3A_819, %sign3A_828 : i32
        %sign3A_830 = arith.extui %sign3A_829 : i1 to i32
        %sign3A_831 = arith.constant 0 : i32
        %sign3A_832 = arith.cmpi slt, %jit3A_819, %sign3A_831 : i32
        %sign3A_833 = arith.extui %sign3A_832 : i1 to i32
        %sign3A_834 = arith.subi %sign3A_830, %sign3A_833 : i32
        %ne3A_835 = arith.cmpi ne, %sign3A_827, %sign3A_834 : i32
        %rem3A_836 = arith.remsi %scan3A_818, %jit3A_819 : i32
        %ne3A_837 = arith.constant 0 : i32
        %ne3A_838 = arith.cmpi ne, %rem3A_836, %ne3A_837 : i32
        %and3A_839 = arith.andi %ne3A_835, %ne3A_838 : i1
        %sub3A_840 = arith.constant 1 : i32
        %sub3A_841 = arith.subi %div3A_820, %sub3A_840 : i32
        %select_n3A_842 = arith.select %and3A_839, %sub3A_841, %div3A_820 : i32
        %jit3A_843 = arith.constant 4 : i32
        %eq3A = arith.constant 0 : i32
        %eq3A_844 = arith.cmpi eq, %jit3A_843, %eq3A : i32
        %jit3A_845 = arith.constant 1 : i32
        %select_n3A_846 = arith.select %eq3A_844, %jit3A_845, %jit3A_843 : i32
        %rem3A_847 = arith.remsi %scan3A_818, %select_n3A_846 : i32
        %ne3A_848 = arith.constant 0 : i32
        %ne3A_849 = arith.cmpi ne, %rem3A_847, %ne3A_848 : i32
        %lt3A_850 = arith.constant 0 : i32
        %lt3A_851 = arith.cmpi slt, %rem3A_847, %lt3A_850 : i32
        %lt3A_852 = arith.constant 0 : i32
        %lt3A_853 = arith.cmpi slt, %select_n3A_846, %lt3A_852 : i32
        %ne3A_854 = arith.xori %lt3A_851, %lt3A_853 : i1
        %and3A_855 = arith.andi %ne3A_854, %ne3A_849 : i1
        %add3A_856 = arith.addi %rem3A_847, %select_n3A_846 : i32
        %select_n3A_857 = arith.select %and3A_855, %add3A_856, %rem3A_847 : i32
        %add3A_858 = arith.constant 80 : i32
        %add3A_859 = arith.addi %add3A_858, %select_n3A_842 : i32
        %jit3A_860 = arith.constant 40 : i32
        %eq3A_861 = arith.constant 0 : i32
        %eq3A_862 = arith.cmpi eq, %jit3A_860, %eq3A_861 : i32
        %jit3A_863 = arith.constant 1 : i32
        %select_n3A_864 = arith.select %eq3A_862, %jit3A_863, %jit3A_860 : i32
        %rem3A_865 = arith.remsi %select_n3A_842, %select_n3A_864 : i32
        %ne3A_866 = arith.constant 0 : i32
        %ne3A_867 = arith.cmpi ne, %rem3A_865, %ne3A_866 : i32
        %lt3A_868 = arith.constant 0 : i32
        %lt3A_869 = arith.cmpi slt, %rem3A_865, %lt3A_868 : i32
        %lt3A_870 = arith.constant 0 : i32
        %lt3A_871 = arith.cmpi slt, %select_n3A_864, %lt3A_870 : i32
        %ne3A_872 = arith.xori %lt3A_869, %lt3A_871 : i1
        %and3A_873 = arith.andi %ne3A_872, %ne3A_867 : i1
        %add3A_874 = arith.addi %rem3A_865, %select_n3A_864 : i32
        %select_n3A_875 = arith.select %and3A_873, %add3A_874, %rem3A_865 : i32
        %add3A_876 = arith.constant 40 : i32
        %add3A_877 = arith.addi %add3A_876, %select_n3A_875 : i32
        %jit3A_878 = arith.constant 40 : i32
        %div3A_879 = arith.divsi %select_n3A_842, %jit3A_878 : i32
        %sign3A_880 = arith.constant 0 : i32
        %sign3A_881 = arith.cmpi sgt, %select_n3A_842, %sign3A_880 : i32
        %sign3A_882 = arith.extui %sign3A_881 : i1 to i32
        %sign3A_883 = arith.constant 0 : i32
        %sign3A_884 = arith.cmpi slt, %select_n3A_842, %sign3A_883 : i32
        %sign3A_885 = arith.extui %sign3A_884 : i1 to i32
        %sign3A_886 = arith.subi %sign3A_882, %sign3A_885 : i32
        %sign3A_887 = arith.constant 0 : i32
        %sign3A_888 = arith.cmpi sgt, %jit3A_878, %sign3A_887 : i32
        %sign3A_889 = arith.extui %sign3A_888 : i1 to i32
        %sign3A_890 = arith.constant 0 : i32
        %sign3A_891 = arith.cmpi slt, %jit3A_878, %sign3A_890 : i32
        %sign3A_892 = arith.extui %sign3A_891 : i1 to i32
        %sign3A_893 = arith.subi %sign3A_889, %sign3A_892 : i32
        %ne3A_894 = arith.cmpi ne, %sign3A_886, %sign3A_893 : i32
        %rem3A_895 = arith.remsi %select_n3A_842, %jit3A_878 : i32
        %ne3A_896 = arith.constant 0 : i32
        %ne3A_897 = arith.cmpi ne, %rem3A_895, %ne3A_896 : i32
        %and3A_898 = arith.andi %ne3A_894, %ne3A_897 : i1
        %sub3A_899 = arith.constant 1 : i32
        %sub3A_900 = arith.subi %div3A_879, %sub3A_899 : i32
        %select_n3A_901 = arith.select %and3A_898, %sub3A_900, %div3A_879 : i32
        %mul3A_902 = arith.constant 64 : i32
        %mul3A_903 = arith.muli %select_n3A_901, %mul3A_902 : i32
        %mul3A_904 = arith.constant 16 : i32
        %mul3A_905 = arith.muli %select_n3A_857, %mul3A_904 : i32
        %add3A_906 = arith.addi %mul3A_903, %mul3A_905 : i32
        %get3A_907 = arith.index_cast %add3A_877 : i32 to index
        %get3A_908 = arith.index_cast %add3A_906 : i32 to index
        %get3A_909 = tpu.vector_load %arg12[%get3A_907, %get3A_908] {strides = array<i32>} : memref<80x128xi32, #tpu.memory_space<vmem>>, vector<1x16xi32>,
        %get3A_910 = vector.shape_cast %get3A_909 : vector<1x16xi32> to vector<16xi32>
        %shift_left3A = arith.constant 16 : i32
        %shift_left3A_911 = vector.broadcast %shift_left3A : i32 to vector<16xi32>
        %shift_left3A_912 = arith.shli %get3A_910, %shift_left3A_911 : vector<16xi32>
        %bitcast_convert_type3A = tpu.bitcast %shift_left3A_912 : vector<16xi32> -> vector<16xf32>
        %and3A_913 = arith.constant -65536 : i32
        %and3A_914 = vector.broadcast %and3A_913 : i32 to vector<16xi32>
        %and3A_915 = arith.andi %get3A_910, %and3A_914 : vector<16xi32>
        %bitcast_convert_type3A_916 = tpu.bitcast %and3A_915 : vector<16xi32> -> vector<16xf32>
        %mul3A_917 = arith.constant 32 : i32
        %mul3A_918 = arith.muli %mul3A_917, %select_n3A_857 : i32
        %get3A_919 = arith.index_cast %add3A_859 : i32 to index
        %get3A_920 = arith.index_cast %mul3A_918 : i32 to index
        %get3A_921 = tpu.vector_load %arg11[%get3A_919, %get3A_920] {strides = array<i32>} : memref<160x128xf32, #tpu.memory_space<vmem>>, vector<1x16xf32>,
        %get3A_922 = vector.shape_cast %get3A_921 : vector<1x16xf32> to vector<16xf32>
        %mul3A_923 = arith.mulf %get3A_922, %bitcast_convert_type3A : vector<16xf32>
        %mul3A_924 = arith.constant 32 : i32
        %mul3A_925 = arith.muli %mul3A_924, %select_n3A_857 : i32
        %swap3A_926 = arith.index_cast %add3A_859 : i32 to index
        %swap3A_927 = arith.index_cast %mul3A_925 : i32 to index
        %swap3A_928 = tpu.vector_load %arg11[%swap3A_926, %swap3A_927] {strides = array<i32>} : memref<160x128xf32, #tpu.memory_space<vmem>>, vector<1x16xf32>,
        %swap3A_929 = vector.shape_cast %swap3A_928 : vector<1x16xf32> to vector<16xf32>
        %swap3A_930 = vector.shape_cast %mul3A_923 : vector<16xf32> to vector<1x16xf32>
        tpu.vector_store %arg11[%swap3A_926, %swap3A_927], %swap3A_930 {strides = array<i32>} : memref<160x128xf32, #tpu.memory_space<vmem>>, vector<1x16xf32>,
        %mul3A_931 = arith.constant 32 : i32
        %mul3A_932 = arith.muli %mul3A_931, %select_n3A_857 : i32
        %add3A_933 = arith.constant 16 : i32
        %add3A_934 = arith.addi %mul3A_932, %add3A_933 : i32
        %get3A_935 = arith.index_cast %add3A_859 : i32 to index
        %get3A_936 = arith.index_cast %add3A_934 : i32 to index
        %get3A_937 = tpu.vector_load %arg11[%get3A_935, %get3A_936] {strides = array<i32>} : memref<160x128xf32, #tpu.memory_space<vmem>>, vector<1x16xf32>,
        %get3A_938 = vector.shape_cast %get3A_937 : vector<1x16xf32> to vector<16xf32>
        %mul3A_939 = arith.mulf %get3A_938, %bitcast_convert_type3A_916 : vector<16xf32>
        %mul3A_940 = arith.constant 32 : i32
        %mul3A_941 = arith.muli %mul3A_940, %select_n3A_857 : i32
        %add3A_942 = arith.constant 16 : i32
        %add3A_943 = arith.addi %mul3A_941, %add3A_942 : i32
        %swap3A_944 = arith.index_cast %add3A_859 : i32 to index
        %swap3A_945 = arith.index_cast %add3A_943 : i32 to index
        %swap3A_946 = tpu.vector_load %arg11[%swap3A_944, %swap3A_945] {strides = array<i32>} : memref<160x128xf32, #tpu.memory_space<vmem>>, vector<1x16xf32>,
        %swap3A_947 = vector.shape_cast %swap3A_946 : vector<1x16xf32> to vector<16xf32>
        %swap3A_948 = vector.shape_cast %mul3A_939 : vector<16xf32> to vector<1x16xf32>
        tpu.vector_store %arg11[%swap3A_944, %swap3A_945], %swap3A_948 {strides = array<i32>} : memref<160x128xf32, #tpu.memory_space<vmem>>, vector<1x16xf32>,
        %scan3A_949 = arith.constant 1 : i32
        %scan3A_950 = arith.addi %scan3A_818, %scan3A_949 : i32
        %jit3A_951 = arith.constant 4 : i32
        %div3A_952 = arith.divsi %scan3A_950, %jit3A_951 : i32
        %sign3A_953 = arith.constant 0 : i32
        %sign3A_954 = arith.cmpi sgt, %scan3A_950, %sign3A_953 : i32
        %sign3A_955 = arith.extui %sign3A_954 : i1 to i32
        %sign3A_956 = arith.constant 0 : i32
        %sign3A_957 = arith.cmpi slt, %scan3A_950, %sign3A_956 : i32
        %sign3A_958 = arith.extui %sign3A_957 : i1 to i32
        %sign3A_959 = arith.subi %sign3A_955, %sign3A_958 : i32
        %sign3A_960 = arith.constant 0 : i32
        %sign3A_961 = arith.cmpi sgt, %jit3A_951, %sign3A_960 : i32
        %sign3A_962 = arith.extui %sign3A_961 : i1 to i32
        %sign3A_963 = arith.constant 0 : i32
        %sign3A_964 = arith.cmpi slt, %jit3A_951, %sign3A_963 : i32
        %sign3A_965 = arith.extui %sign3A_964 : i1 to i32
        %sign3A_966 = arith.subi %sign3A_962, %sign3A_965 : i32
        %ne3A_967 = arith.cmpi ne, %sign3A_959, %sign3A_966 : i32
        %rem3A_968 = arith.remsi %scan3A_950, %jit3A_951 : i32
        %ne3A_969 = arith.constant 0 : i32
        %ne3A_970 = arith.cmpi ne, %rem3A_968, %ne3A_969 : i32
        %and3A_971 = arith.andi %ne3A_967, %ne3A_970 : i1
        %sub3A_972 = arith.constant 1 : i32
        %sub3A_973 = arith.subi %div3A_952, %sub3A_972 : i32
        %select_n3A_974 = arith.select %and3A_971, %sub3A_973, %div3A_952 : i32
        %jit3A_975 = arith.constant 4 : i32
        %eq3A_976 = arith.constant 0 : i32
        %eq3A_977 = arith.cmpi eq, %jit3A_975, %eq3A_976 : i32
        %jit3A_978 = arith.constant 1 : i32
        %select_n3A_979 = arith.select %eq3A_977, %jit3A_978, %jit3A_975 : i32
        %rem3A_980 = arith.remsi %scan3A_950, %select_n3A_979 : i32
        %ne3A_981 = arith.constant 0 : i32
        %ne3A_982 = arith.cmpi ne, %rem3A_980, %ne3A_981 : i32
        %lt3A_983 = arith.constant 0 : i32
        %lt3A_984 = arith.cmpi slt, %rem3A_980, %lt3A_983 : i32
        %lt3A_985 = arith.constant 0 : i32
        %lt3A_986 = arith.cmpi slt, %select_n3A_979, %lt3A_985 : i32
        %ne3A_987 = arith.xori %lt3A_984, %lt3A_986 : i1
        %and3A_988 = arith.andi %ne3A_987, %ne3A_982 : i1
        %add3A_989 = arith.addi %rem3A_980, %select_n3A_979 : i32
        %select_n3A_990 = arith.select %and3A_988, %add3A_989, %rem3A_980 : i32
        %add3A_991 = arith.constant 80 : i32
        %add3A_992 = arith.addi %add3A_991, %select_n3A_974 : i32
        %jit3A_993 = arith.constant 40 : i32
        %eq3A_994 = arith.constant 0 : i32
        %eq3A_995 = arith.cmpi eq, %jit3A_993, %eq3A_994 : i32
        %jit3A_996 = arith.constant 1 : i32
        %select_n3A_997 = arith.select %eq3A_995, %jit3A_996, %jit3A_993 : i32
        %rem3A_998 = arith.remsi %select_n3A_974, %select_n3A_997 : i32
        %ne3A_999 = arith.constant 0 : i32
        %ne3A_1000 = arith.cmpi ne, %rem3A_998, %ne3A_999 : i32
        %lt3A_1001 = arith.constant 0 : i32
        %lt3A_1002 = arith.cmpi slt, %rem3A_998, %lt3A_1001 : i32
        %lt3A_1003 = arith.constant 0 : i32
        %lt3A_1004 = arith.cmpi slt, %select_n3A_997, %lt3A_1003 : i32
        %ne3A_1005 = arith.xori %lt3A_1002, %lt3A_1004 : i1
        %and3A_1006 = arith.andi %ne3A_1005, %ne3A_1000 : i1
        %add3A_1007 = arith.addi %rem3A_998, %select_n3A_997 : i32
        %select_n3A_1008 = arith.select %and3A_1006, %add3A_1007, %rem3A_998 : i32
        %add3A_1009 = arith.constant 40 : i32
        %add3A_1010 = arith.addi %add3A_1009, %select_n3A_1008 : i32
        %jit3A_1011 = arith.constant 40 : i32
        %div3A_1012 = arith.divsi %select_n3A_974, %jit3A_1011 : i32
        %sign3A_1013 = arith.constant 0 : i32
        %sign3A_1014 = arith.cmpi sgt, %select_n3A_974, %sign3A_1013 : i32
        %sign3A_1015 = arith.extui %sign3A_1014 : i1 to i32
        %sign3A_1016 = arith.constant 0 : i32
        %sign3A_1017 = arith.cmpi slt, %select_n3A_974, %sign3A_1016 : i32
        %sign3A_1018 = arith.extui %sign3A_1017 : i1 to i32
        %sign3A_1019 = arith.subi %sign3A_1015, %sign3A_1018 : i32
        %sign3A_1020 = arith.constant 0 : i32
        %sign3A_1021 = arith.cmpi sgt, %jit3A_1011, %sign3A_1020 : i32
        %sign3A_1022 = arith.extui %sign3A_1021 : i1 to i32
        %sign3A_1023 = arith.constant 0 : i32
        %sign3A_1024 = arith.cmpi slt, %jit3A_1011, %sign3A_1023 : i32
        %sign3A_1025 = arith.extui %sign3A_1024 : i1 to i32
        %sign3A_1026 = arith.subi %sign3A_1022, %sign3A_1025 : i32
        %ne3A_1027 = arith.cmpi ne, %sign3A_1019, %sign3A_1026 : i32
        %rem3A_1028 = arith.remsi %select_n3A_974, %jit3A_1011 : i32
        %ne3A_1029 = arith.constant 0 : i32
        %ne3A_1030 = arith.cmpi ne, %rem3A_1028, %ne3A_1029 : i32
        %and3A_1031 = arith.andi %ne3A_1027, %ne3A_1030 : i1
        %sub3A_1032 = arith.constant 1 : i32
        %sub3A_1033 = arith.subi %div3A_1012, %sub3A_1032 : i32
        %select_n3A_1034 = arith.select %and3A_1031, %sub3A_1033, %div3A_1012 : i32
        %mul3A_1035 = arith.constant 64 : i32
        %mul3A_1036 = arith.muli %select_n3A_1034, %mul3A_1035 : i32
        %mul3A_1037 = arith.constant 16 : i32
        %mul3A_1038 = arith.muli %select_n3A_990, %mul3A_1037 : i32
        %add3A_1039 = arith.addi %mul3A_1036, %mul3A_1038 : i32
        %get3A_1040 = arith.index_cast %add3A_1010 : i32 to index
        %get3A_1041 = arith.index_cast %add3A_1039 : i32 to index
        %get3A_1042 = tpu.vector_load %arg12[%get3A_1040, %get3A_1041] {strides = array<i32>} : memref<80x128xi32, #tpu.memory_space<vmem>>, vector<1x16xi32>,
        %get3A_1043 = vector.shape_cast %get3A_1042 : vector<1x16xi32> to vector<16xi32>
        %shift_left3A_1044 = arith.constant 16 : i32
        %shift_left3A_1045 = vector.broadcast %shift_left3A_1044 : i32 to vector<16xi32>
        %shift_left3A_1046 = arith.shli %get3A_1043, %shift_left3A_1045 : vector<16xi32>
        %bitcast_convert_type3A_1047 = tpu.bitcast %shift_left3A_1046 : vector<16xi32> -> vector<16xf32>
        %and3A_1048 = arith.constant -65536 : i32
        %and3A_1049 = vector.broadcast %and3A_1048 : i32 to vector<16xi32>
        %and3A_1050 = arith.andi %get3A_1043, %and3A_1049 : vector<16xi32>
        %bitcast_convert_type3A_1051 = tpu.bitcast %and3A_1050 : vector<16xi32> -> vector<16xf32>
        %mul3A_1052 = arith.constant 32 : i32
        %mul3A_1053 = arith.muli %mul3A_1052, %select_n3A_990 : i32
        %get3A_1054 = arith.index_cast %add3A_992 : i32 to index
        %get3A_1055 = arith.index_cast %mul3A_1053 : i32 to index
        %get3A_1056 = tpu.vector_load %arg11[%get3A_1054, %get3A_1055] {strides = array<i32>} : memref<160x128xf32, #tpu.memory_space<vmem>>, vector<1x16xf32>,
        %get3A_1057 = vector.shape_cast %get3A_1056 : vector<1x16xf32> to vector<16xf32>
        %mul3A_1058 = arith.mulf %get3A_1057, %bitcast_convert_type3A_1047 : vector<16xf32>
        %mul3A_1059 = arith.constant 32 : i32
        %mul3A_1060 = arith.muli %mul3A_1059, %select_n3A_990 : i32
        %swap3A_1061 = arith.index_cast %add3A_992 : i32 to index
        %swap3A_1062 = arith.index_cast %mul3A_1060 : i32 to index
        %swap3A_1063 = tpu.vector_load %arg11[%swap3A_1061, %swap3A_1062] {strides = array<i32>} : memref<160x128xf32, #tpu.memory_space<vmem>>, vector<1x16xf32>,
        %swap3A_1064 = vector.shape_cast %swap3A_1063 : vector<1x16xf32> to vector<16xf32>
        %swap3A_1065 = vector.shape_cast %mul3A_1058 : vector<16xf32> to vector<1x16xf32>
        tpu.vector_store %arg11[%swap3A_1061, %swap3A_1062], %swap3A_1065 {strides = array<i32>} : memref<160x128xf32, #tpu.memory_space<vmem>>, vector<1x16xf32>,
        %mul3A_1066 = arith.constant 32 : i32
        %mul3A_1067 = arith.muli %mul3A_1066, %select_n3A_990 : i32
        %add3A_1068 = arith.constant 16 : i32
        %add3A_1069 = arith.addi %mul3A_1067, %add3A_1068 : i32
        %get3A_1070 = arith.index_cast %add3A_992 : i32 to index
        %get3A_1071 = arith.index_cast %add3A_1069 : i32 to index
        %get3A_1072 = tpu.vector_load %arg11[%get3A_1070, %get3A_1071] {strides = array<i32>} : memref<160x128xf32, #tpu.memory_space<vmem>>, vector<1x16xf32>,
        %get3A_1073 = vector.shape_cast %get3A_1072 : vector<1x16xf32> to vector<16xf32>
        %mul3A_1074 = arith.mulf %get3A_1073, %bitcast_convert_type3A_1051 : vector<16xf32>
        %mul3A_1075 = arith.constant 32 : i32
        %mul3A_1076 = arith.muli %mul3A_1075, %select_n3A_990 : i32
        %add3A_1077 = arith.constant 16 : i32
        %add3A_1078 = arith.addi %mul3A_1076, %add3A_1077 : i32
        %swap3A_1079 = arith.index_cast %add3A_992 : i32 to index
        %swap3A_1080 = arith.index_cast %add3A_1078 : i32 to index
        %swap3A_1081 = tpu.vector_load %arg11[%swap3A_1079, %swap3A_1080] {strides = array<i32>} : memref<160x128xf32, #tpu.memory_space<vmem>>, vector<1x16xf32>,
        %swap3A_1082 = vector.shape_cast %swap3A_1081 : vector<1x16xf32> to vector<16xf32>
        %swap3A_1083 = vector.shape_cast %mul3A_1074 : vector<16xf32> to vector<1x16xf32>
        tpu.vector_store %arg11[%swap3A_1079, %swap3A_1080], %swap3A_1083 {strides = array<i32>} : memref<160x128xf32, #tpu.memory_space<vmem>>, vector<1x16xf32>,
        %scan3A_1084 = arith.constant 2 : i32
        %scan3A_1085 = arith.addi %scan3A_818, %scan3A_1084 : i32
        %jit3A_1086 = arith.constant 4 : i32
        %div3A_1087 = arith.divsi %scan3A_1085, %jit3A_1086 : i32
        %sign3A_1088 = arith.constant 0 : i32
        %sign3A_1089 = arith.cmpi sgt, %scan3A_1085, %sign3A_1088 : i32
        %sign3A_1090 = arith.extui %sign3A_1089 : i1 to i32
        %sign3A_1091 = arith.constant 0 : i32
        %sign3A_1092 = arith.cmpi slt, %scan3A_1085, %sign3A_1091 : i32
        %sign3A_1093 = arith.extui %sign3A_1092 : i1 to i32
        %sign3A_1094 = arith.subi %sign3A_1090, %sign3A_1093 : i32
        %sign3A_1095 = arith.constant 0 : i32
        %sign3A_1096 = arith.cmpi sgt, %jit3A_1086, %sign3A_1095 : i32
        %sign3A_1097 = arith.extui %sign3A_1096 : i1 to i32
        %sign3A_1098 = arith.constant 0 : i32
        %sign3A_1099 = arith.cmpi slt, %jit3A_1086, %sign3A_1098 : i32
        %sign3A_1100 = arith.extui %sign3A_1099 : i1 to i32
        %sign3A_1101 = arith.subi %sign3A_1097, %sign3A_1100 : i32
        %ne3A_1102 = arith.cmpi ne, %sign3A_1094, %sign3A_1101 : i32
        %rem3A_1103 = arith.remsi %scan3A_1085, %jit3A_1086 : i32
        %ne3A_1104 = arith.constant 0 : i32
        %ne3A_1105 = arith.cmpi ne, %rem3A_1103, %ne3A_1104 : i32
        %and3A_1106 = arith.andi %ne3A_1102, %ne3A_1105 : i1
        %sub3A_1107 = arith.constant 1 : i32
        %sub3A_1108 = arith.subi %div3A_1087, %sub3A_1107 : i32
        %select_n3A_1109 = arith.select %and3A_1106, %sub3A_1108, %div3A_1087 : i32
        %jit3A_1110 = arith.constant 4 : i32
        %eq3A_1111 = arith.constant 0 : i32
        %eq3A_1112 = arith.cmpi eq, %jit3A_1110, %eq3A_1111 : i32
        %jit3A_1113 = arith.constant 1 : i32
        %select_n3A_1114 = arith.select %eq3A_1112, %jit3A_1113, %jit3A_1110 : i32
        %rem3A_1115 = arith.remsi %scan3A_1085, %select_n3A_1114 : i32
        %ne3A_1116 = arith.constant 0 : i32
        %ne3A_1117 = arith.cmpi ne, %rem3A_1115, %ne3A_1116 : i32
        %lt3A_1118 = arith.constant 0 : i32
        %lt3A_1119 = arith.cmpi slt, %rem3A_1115, %lt3A_1118 : i32
        %lt3A_1120 = arith.constant 0 : i32
        %lt3A_1121 = arith.cmpi slt, %select_n3A_1114, %lt3A_1120 : i32
        %ne3A_1122 = arith.xori %lt3A_1119, %lt3A_1121 : i1
        %and3A_1123 = arith.andi %ne3A_1122, %ne3A_1117 : i1
        %add3A_1124 = arith.addi %rem3A_1115, %select_n3A_1114 : i32
        %select_n3A_1125 = arith.select %and3A_1123, %add3A_1124, %rem3A_1115 : i32
        %add3A_1126 = arith.constant 80 : i32
        %add3A_1127 = arith.addi %add3A_1126, %select_n3A_1109 : i32
        %jit3A_1128 = arith.constant 40 : i32
        %eq3A_1129 = arith.constant 0 : i32
        %eq3A_1130 = arith.cmpi eq, %jit3A_1128, %eq3A_1129 : i32
        %jit3A_1131 = arith.constant 1 : i32
        %select_n3A_1132 = arith.select %eq3A_1130, %jit3A_1131, %jit3A_1128 : i32
        %rem3A_1133 = arith.remsi %select_n3A_1109, %select_n3A_1132 : i32
        %ne3A_1134 = arith.constant 0 : i32
        %ne3A_1135 = arith.cmpi ne, %rem3A_1133, %ne3A_1134 : i32
        %lt3A_1136 = arith.constant 0 : i32
        %lt3A_1137 = arith.cmpi slt, %rem3A_1133, %lt3A_1136 : i32
        %lt3A_1138 = arith.constant 0 : i32
        %lt3A_1139 = arith.cmpi slt, %select_n3A_1132, %lt3A_1138 : i32
        %ne3A_1140 = arith.xori %lt3A_1137, %lt3A_1139 : i1
        %and3A_1141 = arith.andi %ne3A_1140, %ne3A_1135 : i1
        %add3A_1142 = arith.addi %rem3A_1133, %select_n3A_1132 : i32
        %select_n3A_1143 = arith.select %and3A_1141, %add3A_1142, %rem3A_1133 : i32
        %add3A_1144 = arith.constant 40 : i32
        %add3A_1145 = arith.addi %add3A_1144, %select_n3A_1143 : i32
        %jit3A_1146 = arith.constant 40 : i32
        %div3A_1147 = arith.divsi %select_n3A_1109, %jit3A_1146 : i32
        %sign3A_1148 = arith.constant 0 : i32
        %sign3A_1149 = arith.cmpi sgt, %select_n3A_1109, %sign3A_1148 : i32
        %sign3A_1150 = arith.extui %sign3A_1149 : i1 to i32
        %sign3A_1151 = arith.constant 0 : i32
        %sign3A_1152 = arith.cmpi slt, %select_n3A_1109, %sign3A_1151 : i32
        %sign3A_1153 = arith.extui %sign3A_1152 : i1 to i32
        %sign3A_1154 = arith.subi %sign3A_1150, %sign3A_1153 : i32
        %sign3A_1155 = arith.constant 0 : i32
        %sign3A_1156 = arith.cmpi sgt, %jit3A_1146, %sign3A_1155 : i32
        %sign3A_1157 = arith.extui %sign3A_1156 : i1 to i32
        %sign3A_1158 = arith.constant 0 : i32
        %sign3A_1159 = arith.cmpi slt, %jit3A_1146, %sign3A_1158 : i32
        %sign3A_1160 = arith.extui %sign3A_1159 : i1 to i32
        %sign3A_1161 = arith.subi %sign3A_1157, %sign3A_1160 : i32
        %ne3A_1162 = arith.cmpi ne, %sign3A_1154, %sign3A_1161 : i32
        %rem3A_1163 = arith.remsi %select_n3A_1109, %jit3A_1146 : i32
        %ne3A_1164 = arith.constant 0 : i32
        %ne3A_1165 = arith.cmpi ne, %rem3A_1163, %ne3A_1164 : i32
        %and3A_1166 = arith.andi %ne3A_1162, %ne3A_1165 : i1
        %sub3A_1167 = arith.constant 1 : i32
        %sub3A_1168 = arith.subi %div3A_1147, %sub3A_1167 : i32
        %select_n3A_1169 = arith.select %and3A_1166, %sub3A_1168, %div3A_1147 : i32
        %mul3A_1170 = arith.constant 64 : i32
        %mul3A_1171 = arith.muli %select_n3A_1169, %mul3A_1170 : i32
        %mul3A_1172 = arith.constant 16 : i32
        %mul3A_1173 = arith.muli %select_n3A_1125, %mul3A_1172 : i32
        %add3A_1174 = arith.addi %mul3A_1171, %mul3A_1173 : i32
        %get3A_1175 = arith.index_cast %add3A_1145 : i32 to index
        %get3A_1176 = arith.index_cast %add3A_1174 : i32 to index
        %get3A_1177 = tpu.vector_load %arg12[%get3A_1175, %get3A_1176] {strides = array<i32>} : memref<80x128xi32, #tpu.memory_space<vmem>>, vector<1x16xi32>,
        %get3A_1178 = vector.shape_cast %get3A_1177 : vector<1x16xi32> to vector<16xi32>
        %shift_left3A_1179 = arith.constant 16 : i32
        %shift_left3A_1180 = vector.broadcast %shift_left3A_1179 : i32 to vector<16xi32>
        %shift_left3A_1181 = arith.shli %get3A_1178, %shift_left3A_1180 : vector<16xi32>
        %bitcast_convert_type3A_1182 = tpu.bitcast %shift_left3A_1181 : vector<16xi32> -> vector<16xf32>
        %and3A_1183 = arith.constant -65536 : i32
        %and3A_1184 = vector.broadcast %and3A_1183 : i32 to vector<16xi32>
        %and3A_1185 = arith.andi %get3A_1178, %and3A_1184 : vector<16xi32>
        %bitcast_convert_type3A_1186 = tpu.bitcast %and3A_1185 : vector<16xi32> -> vector<16xf32>
        %mul3A_1187 = arith.constant 32 : i32
        %mul3A_1188 = arith.muli %mul3A_1187, %select_n3A_1125 : i32
        %get3A_1189 = arith.index_cast %add3A_1127 : i32 to index
        %get3A_1190 = arith.index_cast %mul3A_1188 : i32 to index
        %get3A_1191 = tpu.vector_load %arg11[%get3A_1189, %get3A_1190] {strides = array<i32>} : memref<160x128xf32, #tpu.memory_space<vmem>>, vector<1x16xf32>,
        %get3A_1192 = vector.shape_cast %get3A_1191 : vector<1x16xf32> to vector<16xf32>
        %mul3A_1193 = arith.mulf %get3A_1192, %bitcast_convert_type3A_1182 : vector<16xf32>
        %mul3A_1194 = arith.constant 32 : i32
        %mul3A_1195 = arith.muli %mul3A_1194, %select_n3A_1125 : i32
        %swap3A_1196 = arith.index_cast %add3A_1127 : i32 to index
        %swap3A_1197 = arith.index_cast %mul3A_1195 : i32 to index
        %swap3A_1198 = tpu.vector_load %arg11[%swap3A_1196, %swap3A_1197] {strides = array<i32>} : memref<160x128xf32, #tpu.memory_space<vmem>>, vector<1x16xf32>,
        %swap3A_1199 = vector.shape_cast %swap3A_1198 : vector<1x16xf32> to vector<16xf32>
        %swap3A_1200 = vector.shape_cast %mul3A_1193 : vector<16xf32> to vector<1x16xf32>
        tpu.vector_store %arg11[%swap3A_1196, %swap3A_1197], %swap3A_1200 {strides = array<i32>} : memref<160x128xf32, #tpu.memory_space<vmem>>, vector<1x16xf32>,
        %mul3A_1201 = arith.constant 32 : i32
        %mul3A_1202 = arith.muli %mul3A_1201, %select_n3A_1125 : i32
        %add3A_1203 = arith.constant 16 : i32
        %add3A_1204 = arith.addi %mul3A_1202, %add3A_1203 : i32
        %get3A_1205 = arith.index_cast %add3A_1127 : i32 to index
        %get3A_1206 = arith.index_cast %add3A_1204 : i32 to index
        %get3A_1207 = tpu.vector_load %arg11[%get3A_1205, %get3A_1206] {strides = array<i32>} : memref<160x128xf32, #tpu.memory_space<vmem>>, vector<1x16xf32>,
        %get3A_1208 = vector.shape_cast %get3A_1207 : vector<1x16xf32> to vector<16xf32>
        %mul3A_1209 = arith.mulf %get3A_1208, %bitcast_convert_type3A_1186 : vector<16xf32>
        %mul3A_1210 = arith.constant 32 : i32
        %mul3A_1211 = arith.muli %mul3A_1210, %select_n3A_1125 : i32
        %add3A_1212 = arith.constant 16 : i32
        %add3A_1213 = arith.addi %mul3A_1211, %add3A_1212 : i32
        %swap3A_1214 = arith.index_cast %add3A_1127 : i32 to index
        %swap3A_1215 = arith.index_cast %add3A_1213 : i32 to index
        %swap3A_1216 = tpu.vector_load %arg11[%swap3A_1214, %swap3A_1215] {strides = array<i32>} : memref<160x128xf32, #tpu.memory_space<vmem>>, vector<1x16xf32>,
        %swap3A_1217 = vector.shape_cast %swap3A_1216 : vector<1x16xf32> to vector<16xf32>
        %swap3A_1218 = vector.shape_cast %mul3A_1209 : vector<16xf32> to vector<1x16xf32>
        tpu.vector_store %arg11[%swap3A_1214, %swap3A_1215], %swap3A_1218 {strides = array<i32>} : memref<160x128xf32, #tpu.memory_space<vmem>>, vector<1x16xf32>,
        %scan3A_1219 = arith.constant 3 : i32
        %scan3A_1220 = arith.addi %scan3A_818, %scan3A_1219 : i32
        %jit3A_1221 = arith.constant 4 : i32
        %div3A_1222 = arith.divsi %scan3A_1220, %jit3A_1221 : i32
        %sign3A_1223 = arith.constant 0 : i32
        %sign3A_1224 = arith.cmpi sgt, %scan3A_1220, %sign3A_1223 : i32
        %sign3A_1225 = arith.extui %sign3A_1224 : i1 to i32
        %sign3A_1226 = arith.constant 0 : i32
        %sign3A_1227 = arith.cmpi slt, %scan3A_1220, %sign3A_1226 : i32
        %sign3A_1228 = arith.extui %sign3A_1227 : i1 to i32
        %sign3A_1229 = arith.subi %sign3A_1225, %sign3A_1228 : i32
        %sign3A_1230 = arith.constant 0 : i32
        %sign3A_1231 = arith.cmpi sgt, %jit3A_1221, %sign3A_1230 : i32
        %sign3A_1232 = arith.extui %sign3A_1231 : i1 to i32
        %sign3A_1233 = arith.constant 0 : i32
        %sign3A_1234 = arith.cmpi slt, %jit3A_1221, %sign3A_1233 : i32
        %sign3A_1235 = arith.extui %sign3A_1234 : i1 to i32
        %sign3A_1236 = arith.subi %sign3A_1232, %sign3A_1235 : i32
        %ne3A_1237 = arith.cmpi ne, %sign3A_1229, %sign3A_1236 : i32
        %rem3A_1238 = arith.remsi %scan3A_1220, %jit3A_1221 : i32
        %ne3A_1239 = arith.constant 0 : i32
        %ne3A_1240 = arith.cmpi ne, %rem3A_1238, %ne3A_1239 : i32
        %and3A_1241 = arith.andi %ne3A_1237, %ne3A_1240 : i1
        %sub3A_1242 = arith.constant 1 : i32
        %sub3A_1243 = arith.subi %div3A_1222, %sub3A_1242 : i32
        %select_n3A_1244 = arith.select %and3A_1241, %sub3A_1243, %div3A_1222 : i32
        %jit3A_1245 = arith.constant 4 : i32
        %eq3A_1246 = arith.constant 0 : i32
        %eq3A_1247 = arith.cmpi eq, %jit3A_1245, %eq3A_1246 : i32
        %jit3A_1248 = arith.constant 1 : i32
        %select_n3A_1249 = arith.select %eq3A_1247, %jit3A_1248, %jit3A_1245 : i32
        %rem3A_1250 = arith.remsi %scan3A_1220, %select_n3A_1249 : i32
        %ne3A_1251 = arith.constant 0 : i32
        %ne3A_1252 = arith.cmpi ne, %rem3A_1250, %ne3A_1251 : i32
        %lt3A_1253 = arith.constant 0 : i32
        %lt3A_1254 = arith.cmpi slt, %rem3A_1250, %lt3A_1253 : i32
        %lt3A_1255 = arith.constant 0 : i32
        %lt3A_1256 = arith.cmpi slt, %select_n3A_1249, %lt3A_1255 : i32
        %ne3A_1257 = arith.xori %lt3A_1254, %lt3A_1256 : i1
        %and3A_1258 = arith.andi %ne3A_1257, %ne3A_1252 : i1
        %add3A_1259 = arith.addi %rem3A_1250, %select_n3A_1249 : i32
        %select_n3A_1260 = arith.select %and3A_1258, %add3A_1259, %rem3A_1250 : i32
        %add3A_1261 = arith.constant 80 : i32
        %add3A_1262 = arith.addi %add3A_1261, %select_n3A_1244 : i32
        %jit3A_1263 = arith.constant 40 : i32
        %eq3A_1264 = arith.constant 0 : i32
        %eq3A_1265 = arith.cmpi eq, %jit3A_1263, %eq3A_1264 : i32
        %jit3A_1266 = arith.constant 1 : i32
        %select_n3A_1267 = arith.select %eq3A_1265, %jit3A_1266, %jit3A_1263 : i32
        %rem3A_1268 = arith.remsi %select_n3A_1244, %select_n3A_1267 : i32
        %ne3A_1269 = arith.constant 0 : i32
        %ne3A_1270 = arith.cmpi ne, %rem3A_1268, %ne3A_1269 : i32
        %lt3A_1271 = arith.constant 0 : i32
        %lt3A_1272 = arith.cmpi slt, %rem3A_1268, %lt3A_1271 : i32
        %lt3A_1273 = arith.constant 0 : i32
        %lt3A_1274 = arith.cmpi slt, %select_n3A_1267, %lt3A_1273 : i32
        %ne3A_1275 = arith.xori %lt3A_1272, %lt3A_1274 : i1
        %and3A_1276 = arith.andi %ne3A_1275, %ne3A_1270 : i1
        %add3A_1277 = arith.addi %rem3A_1268, %select_n3A_1267 : i32
        %select_n3A_1278 = arith.select %and3A_1276, %add3A_1277, %rem3A_1268 : i32
        %add3A_1279 = arith.constant 40 : i32
        %add3A_1280 = arith.addi %add3A_1279, %select_n3A_1278 : i32
        %jit3A_1281 = arith.constant 40 : i32
        %div3A_1282 = arith.divsi %select_n3A_1244, %jit3A_1281 : i32
        %sign3A_1283 = arith.constant 0 : i32
        %sign3A_1284 = arith.cmpi sgt, %select_n3A_1244, %sign3A_1283 : i32
        %sign3A_1285 = arith.extui %sign3A_1284 : i1 to i32
        %sign3A_1286 = arith.constant 0 : i32
        %sign3A_1287 = arith.cmpi slt, %select_n3A_1244, %sign3A_1286 : i32
        %sign3A_1288 = arith.extui %sign3A_1287 : i1 to i32
        %sign3A_1289 = arith.subi %sign3A_1285, %sign3A_1288 : i32
        %sign3A_1290 = arith.constant 0 : i32
        %sign3A_1291 = arith.cmpi sgt, %jit3A_1281, %sign3A_1290 : i32
        %sign3A_1292 = arith.extui %sign3A_1291 : i1 to i32
        %sign3A_1293 = arith.constant 0 : i32
        %sign3A_1294 = arith.cmpi slt, %jit3A_1281, %sign3A_1293 : i32
        %sign3A_1295 = arith.extui %sign3A_1294 : i1 to i32
        %sign3A_1296 = arith.subi %sign3A_1292, %sign3A_1295 : i32
        %ne3A_1297 = arith.cmpi ne, %sign3A_1289, %sign3A_1296 : i32
        %rem3A_1298 = arith.remsi %select_n3A_1244, %jit3A_1281 : i32
        %ne3A_1299 = arith.constant 0 : i32
        %ne3A_1300 = arith.cmpi ne, %rem3A_1298, %ne3A_1299 : i32
        %and3A_1301 = arith.andi %ne3A_1297, %ne3A_1300 : i1
        %sub3A_1302 = arith.constant 1 : i32
        %sub3A_1303 = arith.subi %div3A_1282, %sub3A_1302 : i32
        %select_n3A_1304 = arith.select %and3A_1301, %sub3A_1303, %div3A_1282 : i32
        %mul3A_1305 = arith.constant 64 : i32
        %mul3A_1306 = arith.muli %select_n3A_1304, %mul3A_1305 : i32
        %mul3A_1307 = arith.constant 16 : i32
        %mul3A_1308 = arith.muli %select_n3A_1260, %mul3A_1307 : i32
        %add3A_1309 = arith.addi %mul3A_1306, %mul3A_1308 : i32
        %get3A_1310 = arith.index_cast %add3A_1280 : i32 to index
        %get3A_1311 = arith.index_cast %add3A_1309 : i32 to index
        %get3A_1312 = tpu.vector_load %arg12[%get3A_1310, %get3A_1311] {strides = array<i32>} : memref<80x128xi32, #tpu.memory_space<vmem>>, vector<1x16xi32>,
        %get3A_1313 = vector.shape_cast %get3A_1312 : vector<1x16xi32> to vector<16xi32>
        %shift_left3A_1314 = arith.constant 16 : i32
        %shift_left3A_1315 = vector.broadcast %shift_left3A_1314 : i32 to vector<16xi32>
        %shift_left3A_1316 = arith.shli %get3A_1313, %shift_left3A_1315 : vector<16xi32>
        %bitcast_convert_type3A_1317 = tpu.bitcast %shift_left3A_1316 : vector<16xi32> -> vector<16xf32>
        %and3A_1318 = arith.constant -65536 : i32
        %and3A_1319 = vector.broadcast %and3A_1318 : i32 to vector<16xi32>
        %and3A_1320 = arith.andi %get3A_1313, %and3A_1319 : vector<16xi32>
        %bitcast_convert_type3A_1321 = tpu.bitcast %and3A_1320 : vector<16xi32> -> vector<16xf32>
        %mul3A_1322 = arith.constant 32 : i32
        %mul3A_1323 = arith.muli %mul3A_1322, %select_n3A_1260 : i32
        %get3A_1324 = arith.index_cast %add3A_1262 : i32 to index
        %get3A_1325 = arith.index_cast %mul3A_1323 : i32 to index
        %get3A_1326 = tpu.vector_load %arg11[%get3A_1324, %get3A_1325] {strides = array<i32>} : memref<160x128xf32, #tpu.memory_space<vmem>>, vector<1x16xf32>,
        %get3A_1327 = vector.shape_cast %get3A_1326 : vector<1x16xf32> to vector<16xf32>
        %mul3A_1328 = arith.mulf %get3A_1327, %bitcast_convert_type3A_1317 : vector<16xf32>
        %mul3A_1329 = arith.constant 32 : i32
        %mul3A_1330 = arith.muli %mul3A_1329, %select_n3A_1260 : i32
        %swap3A_1331 = arith.index_cast %add3A_1262 : i32 to index
        %swap3A_1332 = arith.index_cast %mul3A_1330 : i32 to index
        %swap3A_1333 = tpu.vector_load %arg11[%swap3A_1331, %swap3A_1332] {strides = array<i32>} : memref<160x128xf32, #tpu.memory_space<vmem>>, vector<1x16xf32>,
        %swap3A_1334 = vector.shape_cast %swap3A_1333 : vector<1x16xf32> to vector<16xf32>
        %swap3A_1335 = vector.shape_cast %mul3A_1328 : vector<16xf32> to vector<1x16xf32>
        tpu.vector_store %arg11[%swap3A_1331, %swap3A_1332], %swap3A_1335 {strides = array<i32>} : memref<160x128xf32, #tpu.memory_space<vmem>>, vector<1x16xf32>,
        %mul3A_1336 = arith.constant 32 : i32
        %mul3A_1337 = arith.muli %mul3A_1336, %select_n3A_1260 : i32
        %add3A_1338 = arith.constant 16 : i32
        %add3A_1339 = arith.addi %mul3A_1337, %add3A_1338 : i32
        %get3A_1340 = arith.index_cast %add3A_1262 : i32 to index
        %get3A_1341 = arith.index_cast %add3A_1339 : i32 to index
        %get3A_1342 = tpu.vector_load %arg11[%get3A_1340, %get3A_1341] {strides = array<i32>} : memref<160x128xf32, #tpu.memory_space<vmem>>, vector<1x16xf32>,
        %get3A_1343 = vector.shape_cast %get3A_1342 : vector<1x16xf32> to vector<16xf32>
        %mul3A_1344 = arith.mulf %get3A_1343, %bitcast_convert_type3A_1321 : vector<16xf32>
        %mul3A_1345 = arith.constant 32 : i32
        %mul3A_1346 = arith.muli %mul3A_1345, %select_n3A_1260 : i32
        %add3A_1347 = arith.constant 16 : i32
        %add3A_1348 = arith.addi %mul3A_1346, %add3A_1347 : i32
        %swap3A_1349 = arith.index_cast %add3A_1262 : i32 to index
        %swap3A_1350 = arith.index_cast %add3A_1348 : i32 to index
        %swap3A_1351 = tpu.vector_load %arg11[%swap3A_1349, %swap3A_1350] {strides = array<i32>} : memref<160x128xf32, #tpu.memory_space<vmem>>, vector<1x16xf32>,
        %swap3A_1352 = vector.shape_cast %swap3A_1351 : vector<1x16xf32> to vector<16xf32>
        %swap3A_1353 = vector.shape_cast %mul3A_1344 : vector<16xf32> to vector<1x16xf32>
        tpu.vector_store %arg11[%swap3A_1349, %swap3A_1350], %swap3A_1353 {strides = array<i32>} : memref<160x128xf32, #tpu.memory_space<vmem>>, vector<1x16xf32>,
        %scan3A_1354 = arith.constant 4 : i32
        %scan3A_1355 = arith.addi %scan3A_818, %scan3A_1354 : i32
        %jit3A_1356 = arith.constant 4 : i32
        %div3A_1357 = arith.divsi %scan3A_1355, %jit3A_1356 : i32
        %sign3A_1358 = arith.constant 0 : i32
        %sign3A_1359 = arith.cmpi sgt, %scan3A_1355, %sign3A_1358 : i32
        %sign3A_1360 = arith.extui %sign3A_1359 : i1 to i32
        %sign3A_1361 = arith.constant 0 : i32
        %sign3A_1362 = arith.cmpi slt, %scan3A_1355, %sign3A_1361 : i32
        %sign3A_1363 = arith.extui %sign3A_1362 : i1 to i32
        %sign3A_1364 = arith.subi %sign3A_1360, %sign3A_1363 : i32
        %sign3A_1365 = arith.constant 0 : i32
        %sign3A_1366 = arith.cmpi sgt, %jit3A_1356, %sign3A_1365 : i32
        %sign3A_1367 = arith.extui %sign3A_1366 : i1 to i32
        %sign3A_1368 = arith.constant 0 : i32
        %sign3A_1369 = arith.cmpi slt, %jit3A_1356, %sign3A_1368 : i32
        %sign3A_1370 = arith.extui %sign3A_1369 : i1 to i32
        %sign3A_1371 = arith.subi %sign3A_1367, %sign3A_1370 : i32
        %ne3A_1372 = arith.cmpi ne, %sign3A_1364, %sign3A_1371 : i32
        %rem3A_1373 = arith.remsi %scan3A_1355, %jit3A_1356 : i32
        %ne3A_1374 = arith.constant 0 : i32
        %ne3A_1375 = arith.cmpi ne, %rem3A_1373, %ne3A_1374 : i32
        %and3A_1376 = arith.andi %ne3A_1372, %ne3A_1375 : i1
        %sub3A_1377 = arith.constant 1 : i32
        %sub3A_1378 = arith.subi %div3A_1357, %sub3A_1377 : i32
        %select_n3A_1379 = arith.select %and3A_1376, %sub3A_1378, %div3A_1357 : i32
        %jit3A_1380 = arith.constant 4 : i32
        %eq3A_1381 = arith.constant 0 : i32
        %eq3A_1382 = arith.cmpi eq, %jit3A_1380, %eq3A_1381 : i32
        %jit3A_1383 = arith.constant 1 : i32
        %select_n3A_1384 = arith.select %eq3A_1382, %jit3A_1383, %jit3A_1380 : i32
        %rem3A_1385 = arith.remsi %scan3A_1355, %select_n3A_1384 : i32
        %ne3A_1386 = arith.constant 0 : i32
        %ne3A_1387 = arith.cmpi ne, %rem3A_1385, %ne3A_1386 : i32
        %lt3A_1388 = arith.constant 0 : i32
        %lt3A_1389 = arith.cmpi slt, %rem3A_1385, %lt3A_1388 : i32
        %lt3A_1390 = arith.constant 0 : i32
        %lt3A_1391 = arith.cmpi slt, %select_n3A_1384, %lt3A_1390 : i32
        %ne3A_1392 = arith.xori %lt3A_1389, %lt3A_1391 : i1
        %and3A_1393 = arith.andi %ne3A_1392, %ne3A_1387 : i1
        %add3A_1394 = arith.addi %rem3A_1385, %select_n3A_1384 : i32
        %select_n3A_1395 = arith.select %and3A_1393, %add3A_1394, %rem3A_1385 : i32
        %add3A_1396 = arith.constant 80 : i32
        %add3A_1397 = arith.addi %add3A_1396, %select_n3A_1379 : i32
        %jit3A_1398 = arith.constant 40 : i32
        %eq3A_1399 = arith.constant 0 : i32
        %eq3A_1400 = arith.cmpi eq, %jit3A_1398, %eq3A_1399 : i32
        %jit3A_1401 = arith.constant 1 : i32
        %select_n3A_1402 = arith.select %eq3A_1400, %jit3A_1401, %jit3A_1398 : i32
        %rem3A_1403 = arith.remsi %select_n3A_1379, %select_n3A_1402 : i32
        %ne3A_1404 = arith.constant 0 : i32
        %ne3A_1405 = arith.cmpi ne, %rem3A_1403, %ne3A_1404 : i32
        %lt3A_1406 = arith.constant 0 : i32
        %lt3A_1407 = arith.cmpi slt, %rem3A_1403, %lt3A_1406 : i32
        %lt3A_1408 = arith.constant 0 : i32
        %lt3A_1409 = arith.cmpi slt, %select_n3A_1402, %lt3A_1408 : i32
        %ne3A_1410 = arith.xori %lt3A_1407, %lt3A_1409 : i1
        %and3A_1411 = arith.andi %ne3A_1410, %ne3A_1405 : i1
        %add3A_1412 = arith.addi %rem3A_1403, %select_n3A_1402 : i32
        %select_n3A_1413 = arith.select %and3A_1411, %add3A_1412, %rem3A_1403 : i32
        %add3A_1414 = arith.constant 40 : i32
        %add3A_1415 = arith.addi %add3A_1414, %select_n3A_1413 : i32
        %jit3A_1416 = arith.constant 40 : i32
        %div3A_1417 = arith.divsi %select_n3A_1379, %jit3A_1416 : i32
        %sign3A_1418 = arith.constant 0 : i32
        %sign3A_1419 = arith.cmpi sgt, %select_n3A_1379, %sign3A_1418 : i32
        %sign3A_1420 = arith.extui %sign3A_1419 : i1 to i32
        %sign3A_1421 = arith.constant 0 : i32
        %sign3A_1422 = arith.cmpi slt, %select_n3A_1379, %sign3A_1421 : i32
        %sign3A_1423 = arith.extui %sign3A_1422 : i1 to i32
        %sign3A_1424 = arith.subi %sign3A_1420, %sign3A_1423 : i32
        %sign3A_1425 = arith.constant 0 : i32
        %sign3A_1426 = arith.cmpi sgt, %jit3A_1416, %sign3A_1425 : i32
        %sign3A_1427 = arith.extui %sign3A_1426 : i1 to i32
        %sign3A_1428 = arith.constant 0 : i32
        %sign3A_1429 = arith.cmpi slt, %jit3A_1416, %sign3A_1428 : i32
        %sign3A_1430 = arith.extui %sign3A_1429 : i1 to i32
        %sign3A_1431 = arith.subi %sign3A_1427, %sign3A_1430 : i32
        %ne3A_1432 = arith.cmpi ne, %sign3A_1424, %sign3A_1431 : i32
        %rem3A_1433 = arith.remsi %select_n3A_1379, %jit3A_1416 : i32
        %ne3A_1434 = arith.constant 0 : i32
        %ne3A_1435 = arith.cmpi ne, %rem3A_1433, %ne3A_1434 : i32
        %and3A_1436 = arith.andi %ne3A_1432, %ne3A_1435 : i1
        %sub3A_1437 = arith.constant 1 : i32
        %sub3A_1438 = arith.subi %div3A_1417, %sub3A_1437 : i32
        %select_n3A_1439 = arith.select %and3A_1436, %sub3A_1438, %div3A_1417 : i32
        %mul3A_1440 = arith.constant 64 : i32
        %mul3A_1441 = arith.muli %select_n3A_1439, %mul3A_1440 : i32
        %mul3A_1442 = arith.constant 16 : i32
        %mul3A_1443 = arith.muli %select_n3A_1395, %mul3A_1442 : i32
        %add3A_1444 = arith.addi %mul3A_1441, %mul3A_1443 : i32
        %get3A_1445 = arith.index_cast %add3A_1415 : i32 to index
        %get3A_1446 = arith.index_cast %add3A_1444 : i32 to index
        %get3A_1447 = tpu.vector_load %arg12[%get3A_1445, %get3A_1446] {strides = array<i32>} : memref<80x128xi32, #tpu.memory_space<vmem>>, vector<1x16xi32>,
        %get3A_1448 = vector.shape_cast %get3A_1447 : vector<1x16xi32> to vector<16xi32>
        %shift_left3A_1449 = arith.constant 16 : i32
        %shift_left3A_1450 = vector.broadcast %shift_left3A_1449 : i32 to vector<16xi32>
        %shift_left3A_1451 = arith.shli %get3A_1448, %shift_left3A_1450 : vector<16xi32>
        %bitcast_convert_type3A_1452 = tpu.bitcast %shift_left3A_1451 : vector<16xi32> -> vector<16xf32>
        %and3A_1453 = arith.constant -65536 : i32
        %and3A_1454 = vector.broadcast %and3A_1453 : i32 to vector<16xi32>
        %and3A_1455 = arith.andi %get3A_1448, %and3A_1454 : vector<16xi32>
        %bitcast_convert_type3A_1456 = tpu.bitcast %and3A_1455 : vector<16xi32> -> vector<16xf32>
        %mul3A_1457 = arith.constant 32 : i32
        %mul3A_1458 = arith.muli %mul3A_1457, %select_n3A_1395 : i32
        %get3A_1459 = arith.index_cast %add3A_1397 : i32 to index
        %get3A_1460 = arith.index_cast %mul3A_1458 : i32 to index
        %get3A_1461 = tpu.vector_load %arg11[%get3A_1459, %get3A_1460] {strides = array<i32>} : memref<160x128xf32, #tpu.memory_space<vmem>>, vector<1x16xf32>,
        %get3A_1462 = vector.shape_cast %get3A_1461 : vector<1x16xf32> to vector<16xf32>
        %mul3A_1463 = arith.mulf %get3A_1462, %bitcast_convert_type3A_1452 : vector<16xf32>
        %mul3A_1464 = arith.constant 32 : i32
        %mul3A_1465 = arith.muli %mul3A_1464, %select_n3A_1395 : i32
        %swap3A_1466 = arith.index_cast %add3A_1397 : i32 to index
        %swap3A_1467 = arith.index_cast %mul3A_1465 : i32 to index
        %swap3A_1468 = tpu.vector_load %arg11[%swap3A_1466, %swap3A_1467] {strides = array<i32>} : memref<160x128xf32, #tpu.memory_space<vmem>>, vector<1x16xf32>,
        %swap3A_1469 = vector.shape_cast %swap3A_1468 : vector<1x16xf32> to vector<16xf32>
        %swap3A_1470 = vector.shape_cast %mul3A_1463 : vector<16xf32> to vector<1x16xf32>
        tpu.vector_store %arg11[%swap3A_1466, %swap3A_1467], %swap3A_1470 {strides = array<i32>} : memref<160x128xf32, #tpu.memory_space<vmem>>, vector<1x16xf32>,
        %mul3A_1471 = arith.constant 32 : i32
        %mul3A_1472 = arith.muli %mul3A_1471, %select_n3A_1395 : i32
        %add3A_1473 = arith.constant 16 : i32
        %add3A_1474 = arith.addi %mul3A_1472, %add3A_1473 : i32
        %get3A_1475 = arith.index_cast %add3A_1397 : i32 to index
        %get3A_1476 = arith.index_cast %add3A_1474 : i32 to index
        %get3A_1477 = tpu.vector_load %arg11[%get3A_1475, %get3A_1476] {strides = array<i32>} : memref<160x128xf32, #tpu.memory_space<vmem>>, vector<1x16xf32>,
        %get3A_1478 = vector.shape_cast %get3A_1477 : vector<1x16xf32> to vector<16xf32>
        %mul3A_1479 = arith.mulf %get3A_1478, %bitcast_convert_type3A_1456 : vector<16xf32>
        %mul3A_1480 = arith.constant 32 : i32
        %mul3A_1481 = arith.muli %mul3A_1480, %select_n3A_1395 : i32
        %add3A_1482 = arith.constant 16 : i32
        %add3A_1483 = arith.addi %mul3A_1481, %add3A_1482 : i32
        %swap3A_1484 = arith.index_cast %add3A_1397 : i32 to index
        %swap3A_1485 = arith.index_cast %add3A_1483 : i32 to index
        %swap3A_1486 = tpu.vector_load %arg11[%swap3A_1484, %swap3A_1485] {strides = array<i32>} : memref<160x128xf32, #tpu.memory_space<vmem>>, vector<1x16xf32>,
        %swap3A_1487 = vector.shape_cast %swap3A_1486 : vector<1x16xf32> to vector<16xf32>
        %swap3A_1488 = vector.shape_cast %mul3A_1479 : vector<16xf32> to vector<1x16xf32>
        tpu.vector_store %arg11[%swap3A_1484, %swap3A_1485], %swap3A_1488 {strides = array<i32>} : memref<160x128xf32, #tpu.memory_space<vmem>>, vector<1x16xf32>,
        %scan3A_1489 = arith.constant 5 : i32
        %scan3A_1490 = arith.addi %scan3A_818, %scan3A_1489 : i32
        %jit3A_1491 = arith.constant 4 : i32
        %div3A_1492 = arith.divsi %scan3A_1490, %jit3A_1491 : i32
        %sign3A_1493 = arith.constant 0 : i32
        %sign3A_1494 = arith.cmpi sgt, %scan3A_1490, %sign3A_1493 : i32
        %sign3A_1495 = arith.extui %sign3A_1494 : i1 to i32
        %sign3A_1496 = arith.constant 0 : i32
        %sign3A_1497 = arith.cmpi slt, %scan3A_1490, %sign3A_1496 : i32
        %sign3A_1498 = arith.extui %sign3A_1497 : i1 to i32
        %sign3A_1499 = arith.subi %sign3A_1495, %sign3A_1498 : i32
        %sign3A_1500 = arith.constant 0 : i32
        %sign3A_1501 = arith.cmpi sgt, %jit3A_1491, %sign3A_1500 : i32
        %sign3A_1502 = arith.extui %sign3A_1501 : i1 to i32
        %sign3A_1503 = arith.constant 0 : i32
        %sign3A_1504 = arith.cmpi slt, %jit3A_1491, %sign3A_1503 : i32
        %sign3A_1505 = arith.extui %sign3A_1504 : i1 to i32
        %sign3A_1506 = arith.subi %sign3A_1502, %sign3A_1505 : i32
        %ne3A_1507 = arith.cmpi ne, %sign3A_1499, %sign3A_1506 : i32
        %rem3A_1508 = arith.remsi %scan3A_1490, %jit3A_1491 : i32
        %ne3A_1509 = arith.constant 0 : i32
        %ne3A_1510 = arith.cmpi ne, %rem3A_1508, %ne3A_1509 : i32
        %and3A_1511 = arith.andi %ne3A_1507, %ne3A_1510 : i1
        %sub3A_1512 = arith.constant 1 : i32
        %sub3A_1513 = arith.subi %div3A_1492, %sub3A_1512 : i32
        %select_n3A_1514 = arith.select %and3A_1511, %sub3A_1513, %div3A_1492 : i32
        %jit3A_1515 = arith.constant 4 : i32
        %eq3A_1516 = arith.constant 0 : i32
        %eq3A_1517 = arith.cmpi eq, %jit3A_1515, %eq3A_1516 : i32
        %jit3A_1518 = arith.constant 1 : i32
        %select_n3A_1519 = arith.select %eq3A_1517, %jit3A_1518, %jit3A_1515 : i32
        %rem3A_1520 = arith.remsi %scan3A_1490, %select_n3A_1519 : i32
        %ne3A_1521 = arith.constant 0 : i32
        %ne3A_1522 = arith.cmpi ne, %rem3A_1520, %ne3A_1521 : i32
        %lt3A_1523 = arith.constant 0 : i32
        %lt3A_1524 = arith.cmpi slt, %rem3A_1520, %lt3A_1523 : i32
        %lt3A_1525 = arith.constant 0 : i32
        %lt3A_1526 = arith.cmpi slt, %select_n3A_1519, %lt3A_1525 : i32
        %ne3A_1527 = arith.xori %lt3A_1524, %lt3A_1526 : i1
        %and3A_1528 = arith.andi %ne3A_1527, %ne3A_1522 : i1
        %add3A_1529 = arith.addi %rem3A_1520, %select_n3A_1519 : i32
        %select_n3A_1530 = arith.select %and3A_1528, %add3A_1529, %rem3A_1520 : i32
        %add3A_1531 = arith.constant 80 : i32
        %add3A_1532 = arith.addi %add3A_1531, %select_n3A_1514 : i32
        %jit3A_1533 = arith.constant 40 : i32
        %eq3A_1534 = arith.constant 0 : i32
        %eq3A_1535 = arith.cmpi eq, %jit3A_1533, %eq3A_1534 : i32
        %jit3A_1536 = arith.constant 1 : i32
        %select_n3A_1537 = arith.select %eq3A_1535, %jit3A_1536, %jit3A_1533 : i32
        %rem3A_1538 = arith.remsi %select_n3A_1514, %select_n3A_1537 : i32
        %ne3A_1539 = arith.constant 0 : i32
        %ne3A_1540 = arith.cmpi ne, %rem3A_1538, %ne3A_1539 : i32
        %lt3A_1541 = arith.constant 0 : i32
        %lt3A_1542 = arith.cmpi slt, %rem3A_1538, %lt3A_1541 : i32
        %lt3A_1543 = arith.constant 0 : i32
        %lt3A_1544 = arith.cmpi slt, %select_n3A_1537, %lt3A_1543 : i32
        %ne3A_1545 = arith.xori %lt3A_1542, %lt3A_1544 : i1
        %and3A_1546 = arith.andi %ne3A_1545, %ne3A_1540 : i1
        %add3A_1547 = arith.addi %rem3A_1538, %select_n3A_1537 : i32
        %select_n3A_1548 = arith.select %and3A_1546, %add3A_1547, %rem3A_1538 : i32
        %add3A_1549 = arith.constant 40 : i32
        %add3A_1550 = arith.addi %add3A_1549, %select_n3A_1548 : i32
        %jit3A_1551 = arith.constant 40 : i32
        %div3A_1552 = arith.divsi %select_n3A_1514, %jit3A_1551 : i32
        %sign3A_1553 = arith.constant 0 : i32
        %sign3A_1554 = arith.cmpi sgt, %select_n3A_1514, %sign3A_1553 : i32
        %sign3A_1555 = arith.extui %sign3A_1554 : i1 to i32
        %sign3A_1556 = arith.constant 0 : i32
        %sign3A_1557 = arith.cmpi slt, %select_n3A_1514, %sign3A_1556 : i32
        %sign3A_1558 = arith.extui %sign3A_1557 : i1 to i32
        %sign3A_1559 = arith.subi %sign3A_1555, %sign3A_1558 : i32
        %sign3A_1560 = arith.constant 0 : i32
        %sign3A_1561 = arith.cmpi sgt, %jit3A_1551, %sign3A_1560 : i32
        %sign3A_1562 = arith.extui %sign3A_1561 : i1 to i32
        %sign3A_1563 = arith.constant 0 : i32
        %sign3A_1564 = arith.cmpi slt, %jit3A_1551, %sign3A_1563 : i32
        %sign3A_1565 = arith.extui %sign3A_1564 : i1 to i32
        %sign3A_1566 = arith.subi %sign3A_1562, %sign3A_1565 : i32
        %ne3A_1567 = arith.cmpi ne, %sign3A_1559, %sign3A_1566 : i32
        %rem3A_1568 = arith.remsi %select_n3A_1514, %jit3A_1551 : i32
        %ne3A_1569 = arith.constant 0 : i32
        %ne3A_1570 = arith.cmpi ne, %rem3A_1568, %ne3A_1569 : i32
        %and3A_1571 = arith.andi %ne3A_1567, %ne3A_1570 : i1
        %sub3A_1572 = arith.constant 1 : i32
        %sub3A_1573 = arith.subi %div3A_1552, %sub3A_1572 : i32
        %select_n3A_1574 = arith.select %and3A_1571, %sub3A_1573, %div3A_1552 : i32
        %mul3A_1575 = arith.constant 64 : i32
        %mul3A_1576 = arith.muli %select_n3A_1574, %mul3A_1575 : i32
        %mul3A_1577 = arith.constant 16 : i32
        %mul3A_1578 = arith.muli %select_n3A_1530, %mul3A_1577 : i32
        %add3A_1579 = arith.addi %mul3A_1576, %mul3A_1578 : i32
        %get3A_1580 = arith.index_cast %add3A_1550 : i32 to index
        %get3A_1581 = arith.index_cast %add3A_1579 : i32 to index
        %get3A_1582 = tpu.vector_load %arg12[%get3A_1580, %get3A_1581] {strides = array<i32>} : memref<80x128xi32, #tpu.memory_space<vmem>>, vector<1x16xi32>,
        %get3A_1583 = vector.shape_cast %get3A_1582 : vector<1x16xi32> to vector<16xi32>
        %shift_left3A_1584 = arith.constant 16 : i32
        %shift_left3A_1585 = vector.broadcast %shift_left3A_1584 : i32 to vector<16xi32>
        %shift_left3A_1586 = arith.shli %get3A_1583, %shift_left3A_1585 : vector<16xi32>
        %bitcast_convert_type3A_1587 = tpu.bitcast %shift_left3A_1586 : vector<16xi32> -> vector<16xf32>
        %and3A_1588 = arith.constant -65536 : i32
        %and3A_1589 = vector.broadcast %and3A_1588 : i32 to vector<16xi32>
        %and3A_1590 = arith.andi %get3A_1583, %and3A_1589 : vector<16xi32>
        %bitcast_convert_type3A_1591 = tpu.bitcast %and3A_1590 : vector<16xi32> -> vector<16xf32>
        %mul3A_1592 = arith.constant 32 : i32
        %mul3A_1593 = arith.muli %mul3A_1592, %select_n3A_1530 : i32
        %get3A_1594 = arith.index_cast %add3A_1532 : i32 to index
        %get3A_1595 = arith.index_cast %mul3A_1593 : i32 to index
        %get3A_1596 = tpu.vector_load %arg11[%get3A_1594, %get3A_1595] {strides = array<i32>} : memref<160x128xf32, #tpu.memory_space<vmem>>, vector<1x16xf32>,
        %get3A_1597 = vector.shape_cast %get3A_1596 : vector<1x16xf32> to vector<16xf32>
        %mul3A_1598 = arith.mulf %get3A_1597, %bitcast_convert_type3A_1587 : vector<16xf32>
        %mul3A_1599 = arith.constant 32 : i32
        %mul3A_1600 = arith.muli %mul3A_1599, %select_n3A_1530 : i32
        %swap3A_1601 = arith.index_cast %add3A_1532 : i32 to index
        %swap3A_1602 = arith.index_cast %mul3A_1600 : i32 to index
        %swap3A_1603 = tpu.vector_load %arg11[%swap3A_1601, %swap3A_1602] {strides = array<i32>} : memref<160x128xf32, #tpu.memory_space<vmem>>, vector<1x16xf32>,
        %swap3A_1604 = vector.shape_cast %swap3A_1603 : vector<1x16xf32> to vector<16xf32>
        %swap3A_1605 = vector.shape_cast %mul3A_1598 : vector<16xf32> to vector<1x16xf32>
        tpu.vector_store %arg11[%swap3A_1601, %swap3A_1602], %swap3A_1605 {strides = array<i32>} : memref<160x128xf32, #tpu.memory_space<vmem>>, vector<1x16xf32>,
        %mul3A_1606 = arith.constant 32 : i32
        %mul3A_1607 = arith.muli %mul3A_1606, %select_n3A_1530 : i32
        %add3A_1608 = arith.constant 16 : i32
        %add3A_1609 = arith.addi %mul3A_1607, %add3A_1608 : i32
        %get3A_1610 = arith.index_cast %add3A_1532 : i32 to index
        %get3A_1611 = arith.index_cast %add3A_1609 : i32 to index
        %get3A_1612 = tpu.vector_load %arg11[%get3A_1610, %get3A_1611] {strides = array<i32>} : memref<160x128xf32, #tpu.memory_space<vmem>>, vector<1x16xf32>,
        %get3A_1613 = vector.shape_cast %get3A_1612 : vector<1x16xf32> to vector<16xf32>
        %mul3A_1614 = arith.mulf %get3A_1613, %bitcast_convert_type3A_1591 : vector<16xf32>
        %mul3A_1615 = arith.constant 32 : i32
        %mul3A_1616 = arith.muli %mul3A_1615, %select_n3A_1530 : i32
        %add3A_1617 = arith.constant 16 : i32
        %add3A_1618 = arith.addi %mul3A_1616, %add3A_1617 : i32
        %swap3A_1619 = arith.index_cast %add3A_1532 : i32 to index
        %swap3A_1620 = arith.index_cast %add3A_1618 : i32 to index
        %swap3A_1621 = tpu.vector_load %arg11[%swap3A_1619, %swap3A_1620] {strides = array<i32>} : memref<160x128xf32, #tpu.memory_space<vmem>>, vector<1x16xf32>,
        %swap3A_1622 = vector.shape_cast %swap3A_1621 : vector<1x16xf32> to vector<16xf32>
        %swap3A_1623 = vector.shape_cast %mul3A_1614 : vector<16xf32> to vector<1x16xf32>
        tpu.vector_store %arg11[%swap3A_1619, %swap3A_1620], %swap3A_1623 {strides = array<i32>} : memref<160x128xf32, #tpu.memory_space<vmem>>, vector<1x16xf32>,
        %scan3A_1624 = arith.constant 6 : i32
        %scan3A_1625 = arith.addi %scan3A_818, %scan3A_1624 : i32
        %jit3A_1626 = arith.constant 4 : i32
        %div3A_1627 = arith.divsi %scan3A_1625, %jit3A_1626 : i32
        %sign3A_1628 = arith.constant 0 : i32
        %sign3A_1629 = arith.cmpi sgt, %scan3A_1625, %sign3A_1628 : i32
        %sign3A_1630 = arith.extui %sign3A_1629 : i1 to i32
        %sign3A_1631 = arith.constant 0 : i32
        %sign3A_1632 = arith.cmpi slt, %scan3A_1625, %sign3A_1631 : i32
        %sign3A_1633 = arith.extui %sign3A_1632 : i1 to i32
        %sign3A_1634 = arith.subi %sign3A_1630, %sign3A_1633 : i32
        %sign3A_1635 = arith.constant 0 : i32
        %sign3A_1636 = arith.cmpi sgt, %jit3A_1626, %sign3A_1635 : i32
        %sign3A_1637 = arith.extui %sign3A_1636 : i1 to i32
        %sign3A_1638 = arith.constant 0 : i32
        %sign3A_1639 = arith.cmpi slt, %jit3A_1626, %sign3A_1638 : i32
        %sign3A_1640 = arith.extui %sign3A_1639 : i1 to i32
        %sign3A_1641 = arith.subi %sign3A_1637, %sign3A_1640 : i32
        %ne3A_1642 = arith.cmpi ne, %sign3A_1634, %sign3A_1641 : i32
        %rem3A_1643 = arith.remsi %scan3A_1625, %jit3A_1626 : i32
        %ne3A_1644 = arith.constant 0 : i32
        %ne3A_1645 = arith.cmpi ne, %rem3A_1643, %ne3A_1644 : i32
        %and3A_1646 = arith.andi %ne3A_1642, %ne3A_1645 : i1
        %sub3A_1647 = arith.constant 1 : i32
        %sub3A_1648 = arith.subi %div3A_1627, %sub3A_1647 : i32
        %select_n3A_1649 = arith.select %and3A_1646, %sub3A_1648, %div3A_1627 : i32
        %jit3A_1650 = arith.constant 4 : i32
        %eq3A_1651 = arith.constant 0 : i32
        %eq3A_1652 = arith.cmpi eq, %jit3A_1650, %eq3A_1651 : i32
        %jit3A_1653 = arith.constant 1 : i32
        %select_n3A_1654 = arith.select %eq3A_1652, %jit3A_1653, %jit3A_1650 : i32
        %rem3A_1655 = arith.remsi %scan3A_1625, %select_n3A_1654 : i32
        %ne3A_1656 = arith.constant 0 : i32
        %ne3A_1657 = arith.cmpi ne, %rem3A_1655, %ne3A_1656 : i32
        %lt3A_1658 = arith.constant 0 : i32
        %lt3A_1659 = arith.cmpi slt, %rem3A_1655, %lt3A_1658 : i32
        %lt3A_1660 = arith.constant 0 : i32
        %lt3A_1661 = arith.cmpi slt, %select_n3A_1654, %lt3A_1660 : i32
        %ne3A_1662 = arith.xori %lt3A_1659, %lt3A_1661 : i1
        %and3A_1663 = arith.andi %ne3A_1662, %ne3A_1657 : i1
        %add3A_1664 = arith.addi %rem3A_1655, %select_n3A_1654 : i32
        %select_n3A_1665 = arith.select %and3A_1663, %add3A_1664, %rem3A_1655 : i32
        %add3A_1666 = arith.constant 80 : i32
        %add3A_1667 = arith.addi %add3A_1666, %select_n3A_1649 : i32
        %jit3A_1668 = arith.constant 40 : i32
        %eq3A_1669 = arith.constant 0 : i32
        %eq3A_1670 = arith.cmpi eq, %jit3A_1668, %eq3A_1669 : i32
        %jit3A_1671 = arith.constant 1 : i32
        %select_n3A_1672 = arith.select %eq3A_1670, %jit3A_1671, %jit3A_1668 : i32
        %rem3A_1673 = arith.remsi %select_n3A_1649, %select_n3A_1672 : i32
        %ne3A_1674 = arith.constant 0 : i32
        %ne3A_1675 = arith.cmpi ne, %rem3A_1673, %ne3A_1674 : i32
        %lt3A_1676 = arith.constant 0 : i32
        %lt3A_1677 = arith.cmpi slt, %rem3A_1673, %lt3A_1676 : i32
        %lt3A_1678 = arith.constant 0 : i32
        %lt3A_1679 = arith.cmpi slt, %select_n3A_1672, %lt3A_1678 : i32
        %ne3A_1680 = arith.xori %lt3A_1677, %lt3A_1679 : i1
        %and3A_1681 = arith.andi %ne3A_1680, %ne3A_1675 : i1
        %add3A_1682 = arith.addi %rem3A_1673, %select_n3A_1672 : i32
        %select_n3A_1683 = arith.select %and3A_1681, %add3A_1682, %rem3A_1673 : i32
        %add3A_1684 = arith.constant 40 : i32
        %add3A_1685 = arith.addi %add3A_1684, %select_n3A_1683 : i32
        %jit3A_1686 = arith.constant 40 : i32
        %div3A_1687 = arith.divsi %select_n3A_1649, %jit3A_1686 : i32
        %sign3A_1688 = arith.constant 0 : i32
        %sign3A_1689 = arith.cmpi sgt, %select_n3A_1649, %sign3A_1688 : i32
        %sign3A_1690 = arith.extui %sign3A_1689 : i1 to i32
        %sign3A_1691 = arith.constant 0 : i32
        %sign3A_1692 = arith.cmpi slt, %select_n3A_1649, %sign3A_1691 : i32
        %sign3A_1693 = arith.extui %sign3A_1692 : i1 to i32
        %sign3A_1694 = arith.subi %sign3A_1690, %sign3A_1693 : i32
        %sign3A_1695 = arith.constant 0 : i32
        %sign3A_1696 = arith.cmpi sgt, %jit3A_1686, %sign3A_1695 : i32
        %sign3A_1697 = arith.extui %sign3A_1696 : i1 to i32
        %sign3A_1698 = arith.constant 0 : i32
        %sign3A_1699 = arith.cmpi slt, %jit3A_1686, %sign3A_1698 : i32
        %sign3A_1700 = arith.extui %sign3A_1699 : i1 to i32
        %sign3A_1701 = arith.subi %sign3A_1697, %sign3A_1700 : i32
        %ne3A_1702 = arith.cmpi ne, %sign3A_1694, %sign3A_1701 : i32
        %rem3A_1703 = arith.remsi %select_n3A_1649, %jit3A_1686 : i32
        %ne3A_1704 = arith.constant 0 : i32
        %ne3A_1705 = arith.cmpi ne, %rem3A_1703, %ne3A_1704 : i32
        %and3A_1706 = arith.andi %ne3A_1702, %ne3A_1705 : i1
        %sub3A_1707 = arith.constant 1 : i32
        %sub3A_1708 = arith.subi %div3A_1687, %sub3A_1707 : i32
        %select_n3A_1709 = arith.select %and3A_1706, %sub3A_1708, %div3A_1687 : i32
        %mul3A_1710 = arith.constant 64 : i32
        %mul3A_1711 = arith.muli %select_n3A_1709, %mul3A_1710 : i32
        %mul3A_1712 = arith.constant 16 : i32
        %mul3A_1713 = arith.muli %select_n3A_1665, %mul3A_1712 : i32
        %add3A_1714 = arith.addi %mul3A_1711, %mul3A_1713 : i32
        %get3A_1715 = arith.index_cast %add3A_1685 : i32 to index
        %get3A_1716 = arith.index_cast %add3A_1714 : i32 to index
        %get3A_1717 = tpu.vector_load %arg12[%get3A_1715, %get3A_1716] {strides = array<i32>} : memref<80x128xi32, #tpu.memory_space<vmem>>, vector<1x16xi32>,
        %get3A_1718 = vector.shape_cast %get3A_1717 : vector<1x16xi32> to vector<16xi32>
        %shift_left3A_1719 = arith.constant 16 : i32
        %shift_left3A_1720 = vector.broadcast %shift_left3A_1719 : i32 to vector<16xi32>
        %shift_left3A_1721 = arith.shli %get3A_1718, %shift_left3A_1720 : vector<16xi32>
        %bitcast_convert_type3A_1722 = tpu.bitcast %shift_left3A_1721 : vector<16xi32> -> vector<16xf32>
        %and3A_1723 = arith.constant -65536 : i32
        %and3A_1724 = vector.broadcast %and3A_1723 : i32 to vector<16xi32>
        %and3A_1725 = arith.andi %get3A_1718, %and3A_1724 : vector<16xi32>
        %bitcast_convert_type3A_1726 = tpu.bitcast %and3A_1725 : vector<16xi32> -> vector<16xf32>
        %mul3A_1727 = arith.constant 32 : i32
        %mul3A_1728 = arith.muli %mul3A_1727, %select_n3A_1665 : i32
        %get3A_1729 = arith.index_cast %add3A_1667 : i32 to index
        %get3A_1730 = arith.index_cast %mul3A_1728 : i32 to index
        %get3A_1731 = tpu.vector_load %arg11[%get3A_1729, %get3A_1730] {strides = array<i32>} : memref<160x128xf32, #tpu.memory_space<vmem>>, vector<1x16xf32>,
        %get3A_1732 = vector.shape_cast %get3A_1731 : vector<1x16xf32> to vector<16xf32>
        %mul3A_1733 = arith.mulf %get3A_1732, %bitcast_convert_type3A_1722 : vector<16xf32>
        %mul3A_1734 = arith.constant 32 : i32
        %mul3A_1735 = arith.muli %mul3A_1734, %select_n3A_1665 : i32
        %swap3A_1736 = arith.index_cast %add3A_1667 : i32 to index
        %swap3A_1737 = arith.index_cast %mul3A_1735 : i32 to index
        %swap3A_1738 = tpu.vector_load %arg11[%swap3A_1736, %swap3A_1737] {strides = array<i32>} : memref<160x128xf32, #tpu.memory_space<vmem>>, vector<1x16xf32>,
        %swap3A_1739 = vector.shape_cast %swap3A_1738 : vector<1x16xf32> to vector<16xf32>
        %swap3A_1740 = vector.shape_cast %mul3A_1733 : vector<16xf32> to vector<1x16xf32>
        tpu.vector_store %arg11[%swap3A_1736, %swap3A_1737], %swap3A_1740 {strides = array<i32>} : memref<160x128xf32, #tpu.memory_space<vmem>>, vector<1x16xf32>,
        %mul3A_1741 = arith.constant 32 : i32
        %mul3A_1742 = arith.muli %mul3A_1741, %select_n3A_1665 : i32
        %add3A_1743 = arith.constant 16 : i32
        %add3A_1744 = arith.addi %mul3A_1742, %add3A_1743 : i32
        %get3A_1745 = arith.index_cast %add3A_1667 : i32 to index
        %get3A_1746 = arith.index_cast %add3A_1744 : i32 to index
        %get3A_1747 = tpu.vector_load %arg11[%get3A_1745, %get3A_1746] {strides = array<i32>} : memref<160x128xf32, #tpu.memory_space<vmem>>, vector<1x16xf32>,
        %get3A_1748 = vector.shape_cast %get3A_1747 : vector<1x16xf32> to vector<16xf32>
        %mul3A_1749 = arith.mulf %get3A_1748, %bitcast_convert_type3A_1726 : vector<16xf32>
        %mul3A_1750 = arith.constant 32 : i32
        %mul3A_1751 = arith.muli %mul3A_1750, %select_n3A_1665 : i32
        %add3A_1752 = arith.constant 16 : i32
        %add3A_1753 = arith.addi %mul3A_1751, %add3A_1752 : i32
        %swap3A_1754 = arith.index_cast %add3A_1667 : i32 to index
        %swap3A_1755 = arith.index_cast %add3A_1753 : i32 to index
        %swap3A_1756 = tpu.vector_load %arg11[%swap3A_1754, %swap3A_1755] {strides = array<i32>} : memref<160x128xf32, #tpu.memory_space<vmem>>, vector<1x16xf32>,
        %swap3A_1757 = vector.shape_cast %swap3A_1756 : vector<1x16xf32> to vector<16xf32>
        %swap3A_1758 = vector.shape_cast %mul3A_1749 : vector<16xf32> to vector<1x16xf32>
        tpu.vector_store %arg11[%swap3A_1754, %swap3A_1755], %swap3A_1758 {strides = array<i32>} : memref<160x128xf32, #tpu.memory_space<vmem>>, vector<1x16xf32>,
        %scan3A_1759 = arith.constant 7 : i32
        %scan3A_1760 = arith.addi %scan3A_818, %scan3A_1759 : i32
        %jit3A_1761 = arith.constant 4 : i32
        %div3A_1762 = arith.divsi %scan3A_1760, %jit3A_1761 : i32
        %sign3A_1763 = arith.constant 0 : i32
        %sign3A_1764 = arith.cmpi sgt, %scan3A_1760, %sign3A_1763 : i32
        %sign3A_1765 = arith.extui %sign3A_1764 : i1 to i32
        %sign3A_1766 = arith.constant 0 : i32
        %sign3A_1767 = arith.cmpi slt, %scan3A_1760, %sign3A_1766 : i32
        %sign3A_1768 = arith.extui %sign3A_1767 : i1 to i32
        %sign3A_1769 = arith.subi %sign3A_1765, %sign3A_1768 : i32
        %sign3A_1770 = arith.constant 0 : i32
        %sign3A_1771 = arith.cmpi sgt, %jit3A_1761, %sign3A_1770 : i32
        %sign3A_1772 = arith.extui %sign3A_1771 : i1 to i32
        %sign3A_1773 = arith.constant 0 : i32
        %sign3A_1774 = arith.cmpi slt, %jit3A_1761, %sign3A_1773 : i32
        %sign3A_1775 = arith.extui %sign3A_1774 : i1 to i32
        %sign3A_1776 = arith.subi %sign3A_1772, %sign3A_1775 : i32
        %ne3A_1777 = arith.cmpi ne, %sign3A_1769, %sign3A_1776 : i32
        %rem3A_1778 = arith.remsi %scan3A_1760, %jit3A_1761 : i32
        %ne3A_1779 = arith.constant 0 : i32
        %ne3A_1780 = arith.cmpi ne, %rem3A_1778, %ne3A_1779 : i32
        %and3A_1781 = arith.andi %ne3A_1777, %ne3A_1780 : i1
        %sub3A_1782 = arith.constant 1 : i32
        %sub3A_1783 = arith.subi %div3A_1762, %sub3A_1782 : i32
        %select_n3A_1784 = arith.select %and3A_1781, %sub3A_1783, %div3A_1762 : i32
        %jit3A_1785 = arith.constant 4 : i32
        %eq3A_1786 = arith.constant 0 : i32
        %eq3A_1787 = arith.cmpi eq, %jit3A_1785, %eq3A_1786 : i32
        %jit3A_1788 = arith.constant 1 : i32
        %select_n3A_1789 = arith.select %eq3A_1787, %jit3A_1788, %jit3A_1785 : i32
        %rem3A_1790 = arith.remsi %scan3A_1760, %select_n3A_1789 : i32
        %ne3A_1791 = arith.constant 0 : i32
        %ne3A_1792 = arith.cmpi ne, %rem3A_1790, %ne3A_1791 : i32
        %lt3A_1793 = arith.constant 0 : i32
        %lt3A_1794 = arith.cmpi slt, %rem3A_1790, %lt3A_1793 : i32
        %lt3A_1795 = arith.constant 0 : i32
        %lt3A_1796 = arith.cmpi slt, %select_n3A_1789, %lt3A_1795 : i32
        %ne3A_1797 = arith.xori %lt3A_1794, %lt3A_1796 : i1
        %and3A_1798 = arith.andi %ne3A_1797, %ne3A_1792 : i1
        %add3A_1799 = arith.addi %rem3A_1790, %select_n3A_1789 : i32
        %select_n3A_1800 = arith.select %and3A_1798, %add3A_1799, %rem3A_1790 : i32
        %add3A_1801 = arith.constant 80 : i32
        %add3A_1802 = arith.addi %add3A_1801, %select_n3A_1784 : i32
        %jit3A_1803 = arith.constant 40 : i32
        %eq3A_1804 = arith.constant 0 : i32
        %eq3A_1805 = arith.cmpi eq, %jit3A_1803, %eq3A_1804 : i32
        %jit3A_1806 = arith.constant 1 : i32
        %select_n3A_1807 = arith.select %eq3A_1805, %jit3A_1806, %jit3A_1803 : i32
        %rem3A_1808 = arith.remsi %select_n3A_1784, %select_n3A_1807 : i32
        %ne3A_1809 = arith.constant 0 : i32
        %ne3A_1810 = arith.cmpi ne, %rem3A_1808, %ne3A_1809 : i32
        %lt3A_1811 = arith.constant 0 : i32
        %lt3A_1812 = arith.cmpi slt, %rem3A_1808, %lt3A_1811 : i32
        %lt3A_1813 = arith.constant 0 : i32
        %lt3A_1814 = arith.cmpi slt, %select_n3A_1807, %lt3A_1813 : i32
        %ne3A_1815 = arith.xori %lt3A_1812, %lt3A_1814 : i1
        %and3A_1816 = arith.andi %ne3A_1815, %ne3A_1810 : i1
        %add3A_1817 = arith.addi %rem3A_1808, %select_n3A_1807 : i32
        %select_n3A_1818 = arith.select %and3A_1816, %add3A_1817, %rem3A_1808 : i32
        %add3A_1819 = arith.constant 40 : i32
        %add3A_1820 = arith.addi %add3A_1819, %select_n3A_1818 : i32
        %jit3A_1821 = arith.constant 40 : i32
        %div3A_1822 = arith.divsi %select_n3A_1784, %jit3A_1821 : i32
        %sign3A_1823 = arith.constant 0 : i32
        %sign3A_1824 = arith.cmpi sgt, %select_n3A_1784, %sign3A_1823 : i32
        %sign3A_1825 = arith.extui %sign3A_1824 : i1 to i32
        %sign3A_1826 = arith.constant 0 : i32
        %sign3A_1827 = arith.cmpi slt, %select_n3A_1784, %sign3A_1826 : i32
        %sign3A_1828 = arith.extui %sign3A_1827 : i1 to i32
        %sign3A_1829 = arith.subi %sign3A_1825, %sign3A_1828 : i32
        %sign3A_1830 = arith.constant 0 : i32
        %sign3A_1831 = arith.cmpi sgt, %jit3A_1821, %sign3A_1830 : i32
        %sign3A_1832 = arith.extui %sign3A_1831 : i1 to i32
        %sign3A_1833 = arith.constant 0 : i32
        %sign3A_1834 = arith.cmpi slt, %jit3A_1821, %sign3A_1833 : i32
        %sign3A_1835 = arith.extui %sign3A_1834 : i1 to i32
        %sign3A_1836 = arith.subi %sign3A_1832, %sign3A_1835 : i32
        %ne3A_1837 = arith.cmpi ne, %sign3A_1829, %sign3A_1836 : i32
        %rem3A_1838 = arith.remsi %select_n3A_1784, %jit3A_1821 : i32
        %ne3A_1839 = arith.constant 0 : i32
        %ne3A_1840 = arith.cmpi ne, %rem3A_1838, %ne3A_1839 : i32
        %and3A_1841 = arith.andi %ne3A_1837, %ne3A_1840 : i1
        %sub3A_1842 = arith.constant 1 : i32
        %sub3A_1843 = arith.subi %div3A_1822, %sub3A_1842 : i32
        %select_n3A_1844 = arith.select %and3A_1841, %sub3A_1843, %div3A_1822 : i32
        %mul3A_1845 = arith.constant 64 : i32
        %mul3A_1846 = arith.muli %select_n3A_1844, %mul3A_1845 : i32
        %mul3A_1847 = arith.constant 16 : i32
        %mul3A_1848 = arith.muli %select_n3A_1800, %mul3A_1847 : i32
        %add3A_1849 = arith.addi %mul3A_1846, %mul3A_1848 : i32
        %get3A_1850 = arith.index_cast %add3A_1820 : i32 to index
        %get3A_1851 = arith.index_cast %add3A_1849 : i32 to index
        %get3A_1852 = tpu.vector_load %arg12[%get3A_1850, %get3A_1851] {strides = array<i32>} : memref<80x128xi32, #tpu.memory_space<vmem>>, vector<1x16xi32>,
        %get3A_1853 = vector.shape_cast %get3A_1852 : vector<1x16xi32> to vector<16xi32>
        %shift_left3A_1854 = arith.constant 16 : i32
        %shift_left3A_1855 = vector.broadcast %shift_left3A_1854 : i32 to vector<16xi32>
        %shift_left3A_1856 = arith.shli %get3A_1853, %shift_left3A_1855 : vector<16xi32>
        %bitcast_convert_type3A_1857 = tpu.bitcast %shift_left3A_1856 : vector<16xi32> -> vector<16xf32>
        %and3A_1858 = arith.constant -65536 : i32
        %and3A_1859 = vector.broadcast %and3A_1858 : i32 to vector<16xi32>
        %and3A_1860 = arith.andi %get3A_1853, %and3A_1859 : vector<16xi32>
        %bitcast_convert_type3A_1861 = tpu.bitcast %and3A_1860 : vector<16xi32> -> vector<16xf32>
        %mul3A_1862 = arith.constant 32 : i32
        %mul3A_1863 = arith.muli %mul3A_1862, %select_n3A_1800 : i32
        %get3A_1864 = arith.index_cast %add3A_1802 : i32 to index
        %get3A_1865 = arith.index_cast %mul3A_1863 : i32 to index
        %get3A_1866 = tpu.vector_load %arg11[%get3A_1864, %get3A_1865] {strides = array<i32>} : memref<160x128xf32, #tpu.memory_space<vmem>>, vector<1x16xf32>,
        %get3A_1867 = vector.shape_cast %get3A_1866 : vector<1x16xf32> to vector<16xf32>
        %mul3A_1868 = arith.mulf %get3A_1867, %bitcast_convert_type3A_1857 : vector<16xf32>
        %mul3A_1869 = arith.constant 32 : i32
        %mul3A_1870 = arith.muli %mul3A_1869, %select_n3A_1800 : i32
        %swap3A_1871 = arith.index_cast %add3A_1802 : i32 to index
        %swap3A_1872 = arith.index_cast %mul3A_1870 : i32 to index
        %swap3A_1873 = tpu.vector_load %arg11[%swap3A_1871, %swap3A_1872] {strides = array<i32>} : memref<160x128xf32, #tpu.memory_space<vmem>>, vector<1x16xf32>,
        %swap3A_1874 = vector.shape_cast %swap3A_1873 : vector<1x16xf32> to vector<16xf32>
        %swap3A_1875 = vector.shape_cast %mul3A_1868 : vector<16xf32> to vector<1x16xf32>
        tpu.vector_store %arg11[%swap3A_1871, %swap3A_1872], %swap3A_1875 {strides = array<i32>} : memref<160x128xf32, #tpu.memory_space<vmem>>, vector<1x16xf32>,
        %mul3A_1876 = arith.constant 32 : i32
        %mul3A_1877 = arith.muli %mul3A_1876, %select_n3A_1800 : i32
        %add3A_1878 = arith.constant 16 : i32
        %add3A_1879 = arith.addi %mul3A_1877, %add3A_1878 : i32
        %get3A_1880 = arith.index_cast %add3A_1802 : i32 to index
        %get3A_1881 = arith.index_cast %add3A_1879 : i32 to index
        %get3A_1882 = tpu.vector_load %arg11[%get3A_1880, %get3A_1881] {strides = array<i32>} : memref<160x128xf32, #tpu.memory_space<vmem>>, vector<1x16xf32>,
        %get3A_1883 = vector.shape_cast %get3A_1882 : vector<1x16xf32> to vector<16xf32>
        %mul3A_1884 = arith.mulf %get3A_1883, %bitcast_convert_type3A_1861 : vector<16xf32>
        %mul3A_1885 = arith.constant 32 : i32
        %mul3A_1886 = arith.muli %mul3A_1885, %select_n3A_1800 : i32
        %add3A_1887 = arith.constant 16 : i32
        %add3A_1888 = arith.addi %mul3A_1886, %add3A_1887 : i32
        %swap3A_1889 = arith.index_cast %add3A_1802 : i32 to index
        %swap3A_1890 = arith.index_cast %add3A_1888 : i32 to index
        %swap3A_1891 = tpu.vector_load %arg11[%swap3A_1889, %swap3A_1890] {strides = array<i32>} : memref<160x128xf32, #tpu.memory_space<vmem>>, vector<1x16xf32>,
        %swap3A_1892 = vector.shape_cast %swap3A_1891 : vector<1x16xf32> to vector<16xf32>
        %swap3A_1893 = vector.shape_cast %mul3A_1884 : vector<16xf32> to vector<1x16xf32>
        tpu.vector_store %arg11[%swap3A_1889, %swap3A_1890], %swap3A_1893 {strides = array<i32>} : memref<160x128xf32, #tpu.memory_space<vmem>>, vector<1x16xf32>,
      }
      %scan3A_567 = arith.constant 320 : i32
      %dma_start3A_568 = arith.constant 80 : i32
      %dma_start3A_569 = arith.constant 0 : i32
      %dma_start3A_570 = tpu.memref_slice %arg11[%dma_start3A_568, %dma_start3A_569] : memref<160x128xf32, #tpu.memory_space<vmem>> -> memref<80x128xf32, #tpu.memory_space<vmem>>
      %dma_start3A_571 = arith.constant 0 : i32
      %dma_start3A_572 = arith.constant 0 : i32
      %dma_start3A_573 = tpu.memref_slice %arg13[%dma_start3A_571, %dma_start3A_572] : memref<10240x128xf32, #tpu.memory_space<vmem_shared>> -> memref<10240x128xf32, #tpu.memory_space<vmem_shared>>
      tpu.enqueue_indirect_dma source(%dma_start3A_570 : memref<80x128xf32, #tpu.memory_space<vmem>>) target(%dma_start3A_573 : memref<10240x128xf32, #tpu.memory_space<vmem_shared>>) offsets(%arg10 : memref<80xi32, #tpu.memory_space<vmem>>) semaphore(%arg21 : memref<!tpu.dma_semaphore, #tpu.memory_space<semaphore_mem>>) {add = true}
      %dma_wait3A_574 = arith.constant 0 : i32
      %dma_wait3A_575 = arith.constant 0 : i32
      %dma_wait3A_576 = arith.constant 0 : i32
      %dma_wait3A_577 = tpu.memref_slice %arg6[%dma_wait3A_574, %dma_wait3A_575, %dma_wait3A_576] : memref<2x2x128xi32, #tpu.memory_space<vmem>> -> memref<1x2x128xi32, #tpu.memory_space<vmem>>
      %dma_wait3A_578 = tpu.memref_squeeze %dma_wait3A_577 : memref<1x2x128xi32, #tpu.memory_space<vmem>> -> memref<2x128xi32, #tpu.memory_space<vmem>>
      %dma_wait3A_579 = arith.constant 0 : i32
      %dma_wait3A_580 = arith.constant 0 : i32
      %dma_wait3A_581 = tpu.memref_slice %arg4[%mul3A_17, %dma_wait3A_579, %dma_wait3A_580] : memref<4000x2x128xi32, #tpu.memory_space<hbm>> -> memref<1x2x128xi32, #tpu.memory_space<hbm>>
      %dma_wait3A_582 = tpu.memref_squeeze %dma_wait3A_581 : memref<1x2x128xi32, #tpu.memory_space<hbm>> -> memref<2x128xi32, #tpu.memory_space<hbm>>
      %dma_wait3A_583 = arith.constant 0 : i32
      %dma_wait3A_584 = arith.constant 0 : i32
      %dma_wait3A_585 = tpu.memref_slice %arg6[%dma_wait3A_574, %dma_wait3A_583, %dma_wait3A_584] : memref<2x2x128xi32, #tpu.memory_space<vmem>> -> memref<1x2x128xi32, #tpu.memory_space<vmem>>
      %dma_wait3A_586 = tpu.memref_squeeze %dma_wait3A_585 : memref<1x2x128xi32, #tpu.memory_space<vmem>> -> memref<2x128xi32, #tpu.memory_space<vmem>>
      %dma_wait3A_587 = arith.constant 0 : i32
      %dma_wait3A_588 = arith.constant 0 : i32
      %dma_wait3A_589 = tpu.memref_slice %arg4[%mul3A_17, %dma_wait3A_587, %dma_wait3A_588] : memref<4000x2x128xi32, #tpu.memory_space<hbm>> -> memref<1x2x128xi32, #tpu.memory_space<hbm>>
      %dma_wait3A_590 = tpu.memref_squeeze %dma_wait3A_589 : memref<1x2x128xi32, #tpu.memory_space<hbm>> -> memref<2x128xi32, #tpu.memory_space<hbm>>
      tpu.wait_dma2 semaphore(%arg14 : memref<!tpu.dma_semaphore, #tpu.memory_space<semaphore_mem>>) src(%dma_wait3A_590 : memref<2x128xi32, #tpu.memory_space<hbm>>) dst(%dma_wait3A_586 : memref<2x128xi32, #tpu.memory_space<vmem>>)
      %dma_wait3A_591 = arith.constant 0 : i32
      %dma_wait3A_592 = arith.constant 0 : i32
      %dma_wait3A_593 = tpu.memref_slice %arg11[%dma_wait3A_591, %dma_wait3A_592] : memref<160x128xf32, #tpu.memory_space<vmem>> -> memref<80x128xf32, #tpu.memory_space<vmem>>
      %dma_wait3A_594 = arith.constant 0 : i32
      %dma_wait3A_595 = arith.constant 0 : i32
      %dma_wait3A_596 = tpu.memref_slice %arg2[%dma_wait3A_594, %dma_wait3A_595] : memref<10000x128xf32, #tpu.memory_space<hbm>> -> memref<80x128xf32, #tpu.memory_space<hbm>>
      %dma_wait3A_597 = arith.constant 0 : i32
      %dma_wait3A_598 = arith.constant 0 : i32
      %dma_wait3A_599 = tpu.memref_slice %arg11[%dma_wait3A_597, %dma_wait3A_598] : memref<160x128xf32, #tpu.memory_space<vmem>> -> memref<80x128xf32, #tpu.memory_space<vmem>>
      %dma_wait3A_600 = arith.constant 0 : i32
      %dma_wait3A_601 = arith.constant 0 : i32
      %dma_wait3A_602 = tpu.memref_slice %arg2[%dma_wait3A_600, %dma_wait3A_601] : memref<10000x128xf32, #tpu.memory_space<hbm>> -> memref<80x128xf32, #tpu.memory_space<hbm>>
      tpu.wait_dma2 semaphore(%arg20 : memref<!tpu.dma_semaphore, #tpu.memory_space<semaphore_mem>>) src(%dma_wait3A_602 : memref<80x128xf32, #tpu.memory_space<hbm>>) dst(%dma_wait3A_599 : memref<80x128xf32, #tpu.memory_space<vmem>>)
      %scan3A_603 = arith.constant 0 : i32
      %scan3A_604 = arith.constant 0 : i32
      %mul3A_605 = arith.constant 16 : i32
      %mul3A_606 = arith.muli %scan3A_604, %mul3A_605 : i32
      %get3A_607 = arith.constant 0 : i32
      %get3A_608 = arith.constant 0 : i32
      %get3A_609 = arith.index_cast %get3A_607 : i32 to index
      %get3A_610 = arith.index_cast %get3A_608 : i32 to index
      %get3A_611 = arith.index_cast %mul3A_606 : i32 to index
      %get3A_612 = tpu.vector_load %arg6[%get3A_609, %get3A_610, %get3A_611] {strides = array<i32>} : memref<2x2x128xi32, #tpu.memory_space<vmem>>, vector<1x1x16xi32>,
      %get3A_613 = vector.shape_cast %get3A_612 : vector<1x1x16xi32> to vector<16xi32>
      %mul3A_614 = arith.constant 16 : i32
      %mul3A_615 = arith.muli %scan3A_604, %mul3A_614 : i32
      %swap3A_616 = arith.index_cast %mul3A_615 : i32 to index
      %swap3A_617 = tpu.vector_load %arg7[%swap3A_616] {strides = array<i32>} : memref<80xi32, #tpu.memory_space<vmem>>, vector<16xi32>,
      %swap3A_618 = vector.shape_cast %swap3A_617 : vector<16xi32> to vector<16xi32>
      %swap3A_619 = vector.shape_cast %get3A_613 : vector<16xi32> to vector<16xi32>
      tpu.vector_store %arg7[%swap3A_616], %swap3A_619 {strides = array<i32>} : memref<80xi32, #tpu.memory_space<vmem>>, vector<16xi32>,
      %scan3A_620 = arith.constant 1 : i32
      %mul3A_621 = arith.constant 16 : i32
      %mul3A_622 = arith.muli %scan3A_620, %mul3A_621 : i32
      %get3A_623 = arith.constant 0 : i32
      %get3A_624 = arith.constant 0 : i32
      %get3A_625 = arith.index_cast %get3A_623 : i32 to index
      %get3A_626 = arith.index_cast %get3A_624 : i32 to index
      %get3A_627 = arith.index_cast %mul3A_622 : i32 to index
      %get3A_628 = tpu.vector_load %arg6[%get3A_625, %get3A_626, %get3A_627] {strides = array<i32>} : memref<2x2x128xi32, #tpu.memory_space<vmem>>, vector<1x1x16xi32>,
      %get3A_629 = vector.shape_cast %get3A_628 : vector<1x1x16xi32> to vector<16xi32>
      %mul3A_630 = arith.constant 16 : i32
      %mul3A_631 = arith.muli %scan3A_620, %mul3A_630 : i32
      %swap3A_632 = arith.index_cast %mul3A_631 : i32 to index
      %swap3A_633 = tpu.vector_load %arg7[%swap3A_632] {strides = array<i32>} : memref<80xi32, #tpu.memory_space<vmem>>, vector<16xi32>,
      %swap3A_634 = vector.shape_cast %swap3A_633 : vector<16xi32> to vector<16xi32>
      %swap3A_635 = vector.shape_cast %get3A_629 : vector<16xi32> to vector<16xi32>
      tpu.vector_store %arg7[%swap3A_632], %swap3A_635 {strides = array<i32>} : memref<80xi32, #tpu.memory_space<vmem>>, vector<16xi32>,
      %scan3A_636 = arith.constant 2 : i32
      %mul3A_637 = arith.constant 16 : i32
      %mul3A_638 = arith.muli %scan3A_636, %mul3A_637 : i32
      %get3A_639 = arith.constant 0 : i32
      %get3A_640 = arith.constant 0 : i32
      %get3A_641 = arith.index_cast %get3A_639 : i32 to index
      %get3A_642 = arith.index_cast %get3A_640 : i32 to index
      %get3A_643 = arith.index_cast %mul3A_638 : i32 to index
      %get3A_644 = tpu.vector_load %arg6[%get3A_641, %get3A_642, %get3A_643] {strides = array<i32>} : memref<2x2x128xi32, #tpu.memory_space<vmem>>, vector<1x1x16xi32>,
      %get3A_645 = vector.shape_cast %get3A_644 : vector<1x1x16xi32> to vector<16xi32>
      %mul3A_646 = arith.constant 16 : i32
      %mul3A_647 = arith.muli %scan3A_636, %mul3A_646 : i32
      %swap3A_648 = arith.index_cast %mul3A_647 : i32 to index
      %swap3A_649 = tpu.vector_load %arg7[%swap3A_648] {strides = array<i32>} : memref<80xi32, #tpu.memory_space<vmem>>, vector<16xi32>,
      %swap3A_650 = vector.shape_cast %swap3A_649 : vector<16xi32> to vector<16xi32>
      %swap3A_651 = vector.shape_cast %get3A_645 : vector<16xi32> to vector<16xi32>
      tpu.vector_store %arg7[%swap3A_648], %swap3A_651 {strides = array<i32>} : memref<80xi32, #tpu.memory_space<vmem>>, vector<16xi32>,
      %scan3A_652 = arith.constant 3 : i32
      %mul3A_653 = arith.constant 16 : i32
      %mul3A_654 = arith.muli %scan3A_652, %mul3A_653 : i32
      %get3A_655 = arith.constant 0 : i32
      %get3A_656 = arith.constant 0 : i32
      %get3A_657 = arith.index_cast %get3A_655 : i32 to index
      %get3A_658 = arith.index_cast %get3A_656 : i32 to index
      %get3A_659 = arith.index_cast %mul3A_654 : i32 to index
      %get3A_660 = tpu.vector_load %arg6[%get3A_657, %get3A_658, %get3A_659] {strides = array<i32>} : memref<2x2x128xi32, #tpu.memory_space<vmem>>, vector<1x1x16xi32>,
      %get3A_661 = vector.shape_cast %get3A_660 : vector<1x1x16xi32> to vector<16xi32>
      %mul3A_662 = arith.constant 16 : i32
      %mul3A_663 = arith.muli %scan3A_652, %mul3A_662 : i32
      %swap3A_664 = arith.index_cast %mul3A_663 : i32 to index
      %swap3A_665 = tpu.vector_load %arg7[%swap3A_664] {strides = array<i32>} : memref<80xi32, #tpu.memory_space<vmem>>, vector<16xi32>,
      %swap3A_666 = vector.shape_cast %swap3A_665 : vector<16xi32> to vector<16xi32>
      %swap3A_667 = vector.shape_cast %get3A_661 : vector<16xi32> to vector<16xi32>
      tpu.vector_store %arg7[%swap3A_664], %swap3A_667 {strides = array<i32>} : memref<80xi32, #tpu.memory_space<vmem>>, vector<16xi32>,
      %scan3A_668 = arith.constant 4 : i32
      %mul3A_669 = arith.constant 16 : i32
      %mul3A_670 = arith.muli %scan3A_668, %mul3A_669 : i32
      %get3A_671 = arith.constant 0 : i32
      %get3A_672 = arith.constant 0 : i32
      %get3A_673 = arith.index_cast %get3A_671 : i32 to index
      %get3A_674 = arith.index_cast %get3A_672 : i32 to index
      %get3A_675 = arith.index_cast %mul3A_670 : i32 to index
      %get3A_676 = tpu.vector_load %arg6[%get3A_673, %get3A_674, %get3A_675] {strides = array<i32>} : memref<2x2x128xi32, #tpu.memory_space<vmem>>, vector<1x1x16xi32>,
      %get3A_677 = vector.shape_cast %get3A_676 : vector<1x1x16xi32> to vector<16xi32>
      %mul3A_678 = arith.constant 16 : i32
      %mul3A_679 = arith.muli %scan3A_668, %mul3A_678 : i32
      %swap3A_680 = arith.index_cast %mul3A_679 : i32 to index
      %swap3A_681 = tpu.vector_load %arg7[%swap3A_680] {strides = array<i32>} : memref<80xi32, #tpu.memory_space<vmem>>, vector<16xi32>,
      %swap3A_682 = vector.shape_cast %swap3A_681 : vector<16xi32> to vector<16xi32>
      %swap3A_683 = vector.shape_cast %get3A_677 : vector<16xi32> to vector<16xi32>
      tpu.vector_store %arg7[%swap3A_680], %swap3A_683 {strides = array<i32>} : memref<80xi32, #tpu.memory_space<vmem>>, vector<16xi32>,
      %scan3A_684 = arith.constant 5 : i32
      %scan3A_685 = arith.constant 0 : i32
      %scan3A_686 = arith.constant 0 : i32
      %mul3A_687 = arith.constant 16 : i32
      %mul3A_688 = arith.muli %scan3A_686, %mul3A_687 : i32
      %get3A_689 = arith.constant 0 : i32
      %get3A_690 = arith.constant 1 : i32
      %get3A_691 = arith.index_cast %get3A_689 : i32 to index
      %get3A_692 = arith.index_cast %get3A_690 : i32 to index
      %get3A_693 = arith.index_cast %mul3A_688 : i32 to index
      %get3A_694 = tpu.vector_load %arg6[%get3A_691, %get3A_692, %get3A_693] {strides = array<i32>} : memref<2x2x128xi32, #tpu.memory_space<vmem>>, vector<1x1x16xi32>,
      %get3A_695 = vector.shape_cast %get3A_694 : vector<1x1x16xi32> to vector<16xi32>
      %mul3A_696 = arith.constant 16 : i32
      %mul3A_697 = arith.muli %scan3A_686, %mul3A_696 : i32
      %swap3A_698 = arith.index_cast %mul3A_697 : i32 to index
      %swap3A_699 = tpu.vector_load %arg9[%swap3A_698] {strides = array<i32>} : memref<80xi32, #tpu.memory_space<vmem>>, vector<16xi32>,
      %swap3A_700 = vector.shape_cast %swap3A_699 : vector<16xi32> to vector<16xi32>
      %swap3A_701 = vector.shape_cast %get3A_695 : vector<16xi32> to vector<16xi32>
      tpu.vector_store %arg9[%swap3A_698], %swap3A_701 {strides = array<i32>} : memref<80xi32, #tpu.memory_space<vmem>>, vector<16xi32>,
      %scan3A_702 = arith.constant 1 : i32
      %mul3A_703 = arith.constant 16 : i32
      %mul3A_704 = arith.muli %scan3A_702, %mul3A_703 : i32
      %get3A_705 = arith.constant 0 : i32
      %get3A_706 = arith.constant 1 : i32
      %get3A_707 = arith.index_cast %get3A_705 : i32 to index
      %get3A_708 = arith.index_cast %get3A_706 : i32 to index
      %get3A_709 = arith.index_cast %mul3A_704 : i32 to index
      %get3A_710 = tpu.vector_load %arg6[%get3A_707, %get3A_708, %get3A_709] {strides = array<i32>} : memref<2x2x128xi32, #tpu.memory_space<vmem>>, vector<1x1x16xi32>,
      %get3A_711 = vector.shape_cast %get3A_710 : vector<1x1x16xi32> to vector<16xi32>
      %mul3A_712 = arith.constant 16 : i32
      %mul3A_713 = arith.muli %scan3A_702, %mul3A_712 : i32
      %swap3A_714 = arith.index_cast %mul3A_713 : i32 to index
      %swap3A_715 = tpu.vector_load %arg9[%swap3A_714] {strides = array<i32>} : memref<80xi32, #tpu.memory_space<vmem>>, vector<16xi32>,
      %swap3A_716 = vector.shape_cast %swap3A_715 : vector<16xi32> to vector<16xi32>
      %swap3A_717 = vector.shape_cast %get3A_711 : vector<16xi32> to vector<16xi32>
      tpu.vector_store %arg9[%swap3A_714], %swap3A_717 {strides = array<i32>} : memref<80xi32, #tpu.memory_space<vmem>>, vector<16xi32>,
      %scan3A_718 = arith.constant 2 : i32
      %mul3A_719 = arith.constant 16 : i32
      %mul3A_720 = arith.muli %scan3A_718, %mul3A_719 : i32
      %get3A_721 = arith.constant 0 : i32
      %get3A_722 = arith.constant 1 : i32
      %get3A_723 = arith.index_cast %get3A_721 : i32 to index
      %get3A_724 = arith.index_cast %get3A_722 : i32 to index
      %get3A_725 = arith.index_cast %mul3A_720 : i32 to index
      %get3A_726 = tpu.vector_load %arg6[%get3A_723, %get3A_724, %get3A_725] {strides = array<i32>} : memref<2x2x128xi32, #tpu.memory_space<vmem>>, vector<1x1x16xi32>,
      %get3A_727 = vector.shape_cast %get3A_726 : vector<1x1x16xi32> to vector<16xi32>
      %mul3A_728 = arith.constant 16 : i32
      %mul3A_729 = arith.muli %scan3A_718, %mul3A_728 : i32
      %swap3A_730 = arith.index_cast %mul3A_729 : i32 to index
      %swap3A_731 = tpu.vector_load %arg9[%swap3A_730] {strides = array<i32>} : memref<80xi32, #tpu.memory_space<vmem>>, vector<16xi32>,
      %swap3A_732 = vector.shape_cast %swap3A_731 : vector<16xi32> to vector<16xi32>
      %swap3A_733 = vector.shape_cast %get3A_727 : vector<16xi32> to vector<16xi32>
      tpu.vector_store %arg9[%swap3A_730], %swap3A_733 {strides = array<i32>} : memref<80xi32, #tpu.memory_space<vmem>>, vector<16xi32>,
      %scan3A_734 = arith.constant 3 : i32
      %mul3A_735 = arith.constant 16 : i32
      %mul3A_736 = arith.muli %scan3A_734, %mul3A_735 : i32
      %get3A_737 = arith.constant 0 : i32
      %get3A_738 = arith.constant 1 : i32
      %get3A_739 = arith.index_cast %get3A_737 : i32 to index
      %get3A_740 = arith.index_cast %get3A_738 : i32 to index
      %get3A_741 = arith.index_cast %mul3A_736 : i32 to index
      %get3A_742 = tpu.vector_load %arg6[%get3A_739, %get3A_740, %get3A_741] {strides = array<i32>} : memref<2x2x128xi32, #tpu.memory_space<vmem>>, vector<1x1x16xi32>,
      %get3A_743 = vector.shape_cast %get3A_742 : vector<1x1x16xi32> to vector<16xi32>
      %mul3A_744 = arith.constant 16 : i32
      %mul3A_745 = arith.muli %scan3A_734, %mul3A_744 : i32
      %swap3A_746 = arith.index_cast %mul3A_745 : i32 to index
      %swap3A_747 = tpu.vector_load %arg9[%swap3A_746] {strides = array<i32>} : memref<80xi32, #tpu.memory_space<vmem>>, vector<16xi32>,
      %swap3A_748 = vector.shape_cast %swap3A_747 : vector<16xi32> to vector<16xi32>
      %swap3A_749 = vector.shape_cast %get3A_743 : vector<16xi32> to vector<16xi32>
      tpu.vector_store %arg9[%swap3A_746], %swap3A_749 {strides = array<i32>} : memref<80xi32, #tpu.memory_space<vmem>>, vector<16xi32>,
      %scan3A_750 = arith.constant 4 : i32
      %mul3A_751 = arith.constant 16 : i32
      %mul3A_752 = arith.muli %scan3A_750, %mul3A_751 : i32
      %get3A_753 = arith.constant 0 : i32
      %get3A_754 = arith.constant 1 : i32
      %get3A_755 = arith.index_cast %get3A_753 : i32 to index
      %get3A_756 = arith.index_cast %get3A_754 : i32 to index
      %get3A_757 = arith.index_cast %mul3A_752 : i32 to index
      %get3A_758 = tpu.vector_load %arg6[%get3A_755, %get3A_756, %get3A_757] {strides = array<i32>} : memref<2x2x128xi32, #tpu.memory_space<vmem>>, vector<1x1x16xi32>,
      %get3A_759 = vector.shape_cast %get3A_758 : vector<1x1x16xi32> to vector<16xi32>
      %mul3A_760 = arith.constant 16 : i32
      %mul3A_761 = arith.muli %scan3A_750, %mul3A_760 : i32
      %swap3A_762 = arith.index_cast %mul3A_761 : i32 to index
      %swap3A_763 = tpu.vector_load %arg9[%swap3A_762] {strides = array<i32>} : memref<80xi32, #tpu.memory_space<vmem>>, vector<16xi32>,
      %swap3A_764 = vector.shape_cast %swap3A_763 : vector<16xi32> to vector<16xi32>
      %swap3A_765 = vector.shape_cast %get3A_759 : vector<16xi32> to vector<16xi32>
      tpu.vector_store %arg9[%swap3A_762], %swap3A_765 {strides = array<i32>} : memref<80xi32, #tpu.memory_space<vmem>>, vector<16xi32>,
      %scan3A_766 = arith.constant 5 : i32
      %add3A_767 = arith.constant 2 : i32
      %add3A_768 = arith.addi %mul3A_479, %add3A_767 : i32
      %dma_start3A_769 = arith.constant 0 : i32
      %dma_start3A_770 = arith.constant 0 : i32
      %dma_start3A_771 = tpu.memref_slice %arg11[%dma_start3A_769, %dma_start3A_770] : memref<160x128xf32, #tpu.memory_space<vmem>> -> memref<80x128xf32, #tpu.memory_space<vmem>>
      %dma_start3A_772 = arith.constant 0 : i32
      %dma_start3A_773 = arith.constant 0 : i32
      %dma_start3A_774 = tpu.memref_slice %arg2[%dma_start3A_772, %dma_start3A_773] : memref<10000x128xf32, #tpu.memory_space<hbm>> -> memref<10000x128xf32, #tpu.memory_space<hbm>>
      tpu.enqueue_indirect_dma source(%dma_start3A_774 : memref<10000x128xf32, #tpu.memory_space<hbm>>) target(%dma_start3A_771 : memref<80x128xf32, #tpu.memory_space<vmem>>) offsets(%arg7 : memref<80xi32, #tpu.memory_space<vmem>>) semaphore(%arg16 : memref<!tpu.dma_semaphore, #tpu.memory_space<semaphore_mem>>)
      %mul3A_775 = arith.constant 80 : i32
      %mul3A_776 = arith.muli %add3A_768, %mul3A_775 : i32
      %add3A_777 = arith.addi %mul3A_15, %mul3A_776 : i32
      %jit3A_778 = arith.constant 2 : i32
      %div3A_779 = arith.divsi %add3A_777, %jit3A_778 : i32
      %sign3A_780 = arith.constant 0 : i32
      %sign3A_781 = arith.cmpi sgt, %add3A_777, %sign3A_780 : i32
      %sign3A_782 = arith.extui %sign3A_781 : i1 to i32
      %sign3A_783 = arith.constant 0 : i32
      %sign3A_784 = arith.cmpi slt, %add3A_777, %sign3A_783 : i32
      %sign3A_785 = arith.extui %sign3A_784 : i1 to i32
      %sign3A_786 = arith.subi %sign3A_782, %sign3A_785 : i32
      %sign3A_787 = arith.constant 0 : i32
      %sign3A_788 = arith.cmpi sgt, %jit3A_778, %sign3A_787 : i32
      %sign3A_789 = arith.extui %sign3A_788 : i1 to i32
      %sign3A_790 = arith.constant 0 : i32
      %sign3A_791 = arith.cmpi slt, %jit3A_778, %sign3A_790 : i32
      %sign3A_792 = arith.extui %sign3A_791 : i1 to i32
      %sign3A_793 = arith.subi %sign3A_789, %sign3A_792 : i32
      %ne3A_794 = arith.cmpi ne, %sign3A_786, %sign3A_793 : i32
      %rem3A_795 = arith.remsi %add3A_777, %jit3A_778 : i32
      %ne3A_796 = arith.constant 0 : i32
      %ne3A_797 = arith.cmpi ne, %rem3A_795, %ne3A_796 : i32
      %and3A_798 = arith.andi %ne3A_794, %ne3A_797 : i1
      %sub3A_799 = arith.constant 1 : i32
      %sub3A_800 = arith.subi %div3A_779, %sub3A_799 : i32
      %select_n3A_801 = arith.select %and3A_798, %sub3A_800, %div3A_779 : i32
      %multiple_of3A_802 = tpu.assume_multiple %select_n3A_801, 8 : i32
      %dma_start3A_803 = arith.constant 0 : i32
      %dma_start3A_804 = arith.constant 0 : i32
      %dma_start3A_805 = tpu.memref_slice %arg12[%dma_start3A_803, %dma_start3A_804] : memref<80x128xi32, #tpu.memory_space<vmem>> -> memref<40x128xi32, #tpu.memory_space<vmem>>
      %dma_start3A_806 = arith.constant 0 : i32
      %dma_start3A_807 = tpu.memref_slice %arg3[%multiple_of3A_802, %dma_start3A_806] : memref<160000x128xi32, #tpu.memory_space<hbm>> -> memref<40x128xi32, #tpu.memory_space<hbm>>
      %dma_start3A_808 = arith.constant 0 : i32
      %dma_start3A_809 = arith.constant 0 : i32
      %dma_start3A_810 = tpu.memref_slice %arg12[%dma_start3A_808, %dma_start3A_809] : memref<80x128xi32, #tpu.memory_space<vmem>> -> memref<40x128xi32, #tpu.memory_space<vmem>>
      %dma_start3A_811 = arith.constant 0 : i32
      %dma_start3A_812 = tpu.memref_slice %arg3[%multiple_of3A_802, %dma_start3A_811] : memref<160000x128xi32, #tpu.memory_space<hbm>> -> memref<40x128xi32, #tpu.memory_space<hbm>>
      tpu.enqueue_dma source(%dma_start3A_812 : memref<40x128xi32, #tpu.memory_space<hbm>>) target(%dma_start3A_810 : memref<40x128xi32, #tpu.memory_space<vmem>>) target_semaphore(%arg18 : memref<!tpu.dma_semaphore, #tpu.memory_space<semaphore_mem>>)
      %lt3A_813 = arith.constant 61 : i32
      %lt3A_814 = arith.cmpi slt, %scan3A_477, %lt3A_813 : i32
      %convert_element_type3A_815 = arith.extui %lt3A_814 : i1 to i32
      %cond3A_816 = arith.constant 0 : i32
      %cond3A_817 = arith.cmpi ne, %convert_element_type3A_815, %cond3A_816 : i32
      scf.if %cond3A_817 {
        %dma_wait3A_818 = arith.constant 1 : i32
        %dma_wait3A_819 = arith.constant 0 : i32
        %dma_wait3A_820 = arith.constant 0 : i32
        %dma_wait3A_821 = tpu.memref_slice %arg6[%dma_wait3A_818, %dma_wait3A_819, %dma_wait3A_820] : memref<2x2x128xi32, #tpu.memory_space<vmem>> -> memref<1x2x128xi32, #tpu.memory_space<vmem>>
        %dma_wait3A_822 = tpu.memref_squeeze %dma_wait3A_821 : memref<1x2x128xi32, #tpu.memory_space<vmem>> -> memref<2x128xi32, #tpu.memory_space<vmem>>
        %dma_wait3A_823 = arith.constant 0 : i32
        %dma_wait3A_824 = arith.constant 0 : i32
        %dma_wait3A_825 = tpu.memref_slice %arg4[%mul3A_17, %dma_wait3A_823, %dma_wait3A_824] : memref<4000x2x128xi32, #tpu.memory_space<hbm>> -> memref<1x2x128xi32, #tpu.memory_space<hbm>>
        %dma_wait3A_826 = tpu.memref_squeeze %dma_wait3A_825 : memref<1x2x128xi32, #tpu.memory_space<hbm>> -> memref<2x128xi32, #tpu.memory_space<hbm>>
        %dma_wait3A_827 = arith.constant 0 : i32
        %dma_wait3A_828 = arith.constant 0 : i32
        %dma_wait3A_829 = tpu.memref_slice %arg6[%dma_wait3A_818, %dma_wait3A_827, %dma_wait3A_828] : memref<2x2x128xi32, #tpu.memory_space<vmem>> -> memref<1x2x128xi32, #tpu.memory_space<vmem>>
        %dma_wait3A_830 = tpu.memref_squeeze %dma_wait3A_829 : memref<1x2x128xi32, #tpu.memory_space<vmem>> -> memref<2x128xi32, #tpu.memory_space<vmem>>
        %dma_wait3A_831 = arith.constant 0 : i32
        %dma_wait3A_832 = arith.constant 0 : i32
        %dma_wait3A_833 = tpu.memref_slice %arg4[%mul3A_17, %dma_wait3A_831, %dma_wait3A_832] : memref<4000x2x128xi32, #tpu.memory_space<hbm>> -> memref<1x2x128xi32, #tpu.memory_space<hbm>>
        %dma_wait3A_834 = tpu.memref_squeeze %dma_wait3A_833 : memref<1x2x128xi32, #tpu.memory_space<hbm>> -> memref<2x128xi32, #tpu.memory_space<hbm>>
        tpu.wait_dma2 semaphore(%arg15 : memref<!tpu.dma_semaphore, #tpu.memory_space<semaphore_mem>>) src(%dma_wait3A_834 : memref<2x128xi32, #tpu.memory_space<hbm>>) dst(%dma_wait3A_830 : memref<2x128xi32, #tpu.memory_space<vmem>>)
        %dma_wait3A_835 = arith.constant 0 : i32
        %dma_wait3A_836 = arith.constant 0 : i32
        %dma_wait3A_837 = tpu.memref_slice %arg11[%dma_wait3A_835, %dma_wait3A_836] : memref<160x128xf32, #tpu.memory_space<vmem>> -> memref<80x128xf32, #tpu.memory_space<vmem>>
        %dma_wait3A_838 = arith.constant 0 : i32
        %dma_wait3A_839 = arith.constant 0 : i32
        %dma_wait3A_840 = tpu.memref_slice %arg2[%dma_wait3A_838, %dma_wait3A_839] : memref<10000x128xf32, #tpu.memory_space<hbm>> -> memref<80x128xf32, #tpu.memory_space<hbm>>
        %dma_wait3A_841 = arith.constant 0 : i32
        %dma_wait3A_842 = arith.constant 0 : i32
        %dma_wait3A_843 = tpu.memref_slice %arg11[%dma_wait3A_841, %dma_wait3A_842] : memref<160x128xf32, #tpu.memory_space<vmem>> -> memref<80x128xf32, #tpu.memory_space<vmem>>
        %dma_wait3A_844 = arith.constant 0 : i32
        %dma_wait3A_845 = arith.constant 0 : i32
        %dma_wait3A_846 = tpu.memref_slice %arg2[%dma_wait3A_844, %dma_wait3A_845] : memref<10000x128xf32, #tpu.memory_space<hbm>> -> memref<80x128xf32, #tpu.memory_space<hbm>>
        tpu.wait_dma2 semaphore(%arg21 : memref<!tpu.dma_semaphore, #tpu.memory_space<semaphore_mem>>) src(%dma_wait3A_846 : memref<80x128xf32, #tpu.memory_space<hbm>>) dst(%dma_wait3A_843 : memref<80x128xf32, #tpu.memory_space<vmem>>)
        %scan3A_847 = arith.constant 0 : i32
        %scan3A_848 = arith.constant 0 : i32
        %mul3A_849 = arith.constant 16 : i32
        %mul3A_850 = arith.muli %scan3A_848, %mul3A_849 : i32
        %get3A_851 = arith.constant 1 : i32
        %get3A_852 = arith.constant 0 : i32
        %get3A_853 = arith.index_cast %get3A_851 : i32 to index
        %get3A_854 = arith.index_cast %get3A_852 : i32 to index
        %get3A_855 = arith.index_cast %mul3A_850 : i32 to index
        %get3A_856 = tpu.vector_load %arg6[%get3A_853, %get3A_854, %get3A_855] {strides = array<i32>} : memref<2x2x128xi32, #tpu.memory_space<vmem>>, vector<1x1x16xi32>,
        %get3A_857 = vector.shape_cast %get3A_856 : vector<1x1x16xi32> to vector<16xi32>
        %mul3A_858 = arith.constant 16 : i32
        %mul3A_859 = arith.muli %scan3A_848, %mul3A_858 : i32
        %swap3A_860 = arith.index_cast %mul3A_859 : i32 to index
        %swap3A_861 = tpu.vector_load %arg8[%swap3A_860] {strides = array<i32>} : memref<80xi32, #tpu.memory_space<vmem>>, vector<16xi32>,
        %swap3A_862 = vector.shape_cast %swap3A_861 : vector<16xi32> to vector<16xi32>
        %swap3A_863 = vector.shape_cast %get3A_857 : vector<16xi32> to vector<16xi32>
        tpu.vector_store %arg8[%swap3A_860], %swap3A_863 {strides = array<i32>} : memref<80xi32, #tpu.memory_space<vmem>>, vector<16xi32>,
        %scan3A_864 = arith.constant 1 : i32
        %mul3A_865 = arith.constant 16 : i32
        %mul3A_866 = arith.muli %scan3A_864, %mul3A_865 : i32
        %get3A_867 = arith.constant 1 : i32
        %get3A_868 = arith.constant 0 : i32
        %get3A_869 = arith.index_cast %get3A_867 : i32 to index
        %get3A_870 = arith.index_cast %get3A_868 : i32 to index
        %get3A_871 = arith.index_cast %mul3A_866 : i32 to index
        %get3A_872 = tpu.vector_load %arg6[%get3A_869, %get3A_870, %get3A_871] {strides = array<i32>} : memref<2x2x128xi32, #tpu.memory_space<vmem>>, vector<1x1x16xi32>,
        %get3A_873 = vector.shape_cast %get3A_872 : vector<1x1x16xi32> to vector<16xi32>
        %mul3A_874 = arith.constant 16 : i32
        %mul3A_875 = arith.muli %scan3A_864, %mul3A_874 : i32
        %swap3A_876 = arith.index_cast %mul3A_875 : i32 to index
        %swap3A_877 = tpu.vector_load %arg8[%swap3A_876] {strides = array<i32>} : memref<80xi32, #tpu.memory_space<vmem>>, vector<16xi32>,
        %swap3A_878 = vector.shape_cast %swap3A_877 : vector<16xi32> to vector<16xi32>
        %swap3A_879 = vector.shape_cast %get3A_873 : vector<16xi32> to vector<16xi32>
        tpu.vector_store %arg8[%swap3A_876], %swap3A_879 {strides = array<i32>} : memref<80xi32, #tpu.memory_space<vmem>>, vector<16xi32>,
        %scan3A_880 = arith.constant 2 : i32
        %mul3A_881 = arith.constant 16 : i32
        %mul3A_882 = arith.muli %scan3A_880, %mul3A_881 : i32
        %get3A_883 = arith.constant 1 : i32
        %get3A_884 = arith.constant 0 : i32
        %get3A_885 = arith.index_cast %get3A_883 : i32 to index
        %get3A_886 = arith.index_cast %get3A_884 : i32 to index
        %get3A_887 = arith.index_cast %mul3A_882 : i32 to index
        %get3A_888 = tpu.vector_load %arg6[%get3A_885, %get3A_886, %get3A_887] {strides = array<i32>} : memref<2x2x128xi32, #tpu.memory_space<vmem>>, vector<1x1x16xi32>,
        %get3A_889 = vector.shape_cast %get3A_888 : vector<1x1x16xi32> to vector<16xi32>
        %mul3A_890 = arith.constant 16 : i32
        %mul3A_891 = arith.muli %scan3A_880, %mul3A_890 : i32
        %swap3A_892 = arith.index_cast %mul3A_891 : i32 to index
        %swap3A_893 = tpu.vector_load %arg8[%swap3A_892] {strides = array<i32>} : memref<80xi32, #tpu.memory_space<vmem>>, vector<16xi32>,
        %swap3A_894 = vector.shape_cast %swap3A_893 : vector<16xi32> to vector<16xi32>
        %swap3A_895 = vector.shape_cast %get3A_889 : vector<16xi32> to vector<16xi32>
        tpu.vector_store %arg8[%swap3A_892], %swap3A_895 {strides = array<i32>} : memref<80xi32, #tpu.memory_space<vmem>>, vector<16xi32>,
        %scan3A_896 = arith.constant 3 : i32
        %mul3A_897 = arith.constant 16 : i32
        %mul3A_898 = arith.muli %scan3A_896, %mul3A_897 : i32
        %get3A_899 = arith.constant 1 : i32
        %get3A_900 = arith.constant 0 : i32
        %get3A_901 = arith.index_cast %get3A_899 : i32 to index
        %get3A_902 = arith.index_cast %get3A_900 : i32 to index
        %get3A_903 = arith.index_cast %mul3A_898 : i32 to index
        %get3A_904 = tpu.vector_load %arg6[%get3A_901, %get3A_902, %get3A_903] {strides = array<i32>} : memref<2x2x128xi32, #tpu.memory_space<vmem>>, vector<1x1x16xi32>,
        %get3A_905 = vector.shape_cast %get3A_904 : vector<1x1x16xi32> to vector<16xi32>
        %mul3A_906 = arith.constant 16 : i32
        %mul3A_907 = arith.muli %scan3A_896, %mul3A_906 : i32
        %swap3A_908 = arith.index_cast %mul3A_907 : i32 to index
        %swap3A_909 = tpu.vector_load %arg8[%swap3A_908] {strides = array<i32>} : memref<80xi32, #tpu.memory_space<vmem>>, vector<16xi32>,
        %swap3A_910 = vector.shape_cast %swap3A_909 : vector<16xi32> to vector<16xi32>
        %swap3A_911 = vector.shape_cast %get3A_905 : vector<16xi32> to vector<16xi32>
        tpu.vector_store %arg8[%swap3A_908], %swap3A_911 {strides = array<i32>} : memref<80xi32, #tpu.memory_space<vmem>>, vector<16xi32>,
        %scan3A_912 = arith.constant 4 : i32
        %mul3A_913 = arith.constant 16 : i32
        %mul3A_914 = arith.muli %scan3A_912, %mul3A_913 : i32
        %get3A_915 = arith.constant 1 : i32
        %get3A_916 = arith.constant 0 : i32
        %get3A_917 = arith.index_cast %get3A_915 : i32 to index
        %get3A_918 = arith.index_cast %get3A_916 : i32 to index
        %get3A_919 = arith.index_cast %mul3A_914 : i32 to index
        %get3A_920 = tpu.vector_load %arg6[%get3A_917, %get3A_918, %get3A_919] {strides = array<i32>} : memref<2x2x128xi32, #tpu.memory_space<vmem>>, vector<1x1x16xi32>,
        %get3A_921 = vector.shape_cast %get3A_920 : vector<1x1x16xi32> to vector<16xi32>
        %mul3A_922 = arith.constant 16 : i32
        %mul3A_923 = arith.muli %scan3A_912, %mul3A_922 : i32
        %swap3A_924 = arith.index_cast %mul3A_923 : i32 to index
        %swap3A_925 = tpu.vector_load %arg8[%swap3A_924] {strides = array<i32>} : memref<80xi32, #tpu.memory_space<vmem>>, vector<16xi32>,
        %swap3A_926 = vector.shape_cast %swap3A_925 : vector<16xi32> to vector<16xi32>
        %swap3A_927 = vector.shape_cast %get3A_921 : vector<16xi32> to vector<16xi32>
        tpu.vector_store %arg8[%swap3A_924], %swap3A_927 {strides = array<i32>} : memref<80xi32, #tpu.memory_space<vmem>>, vector<16xi32>,
        %scan3A_928 = arith.constant 5 : i32
        %scan3A_929 = arith.constant 0 : i32
        %scan3A_930 = arith.constant 0 : i32
        %mul3A_931 = arith.constant 16 : i32
        %mul3A_932 = arith.muli %scan3A_930, %mul3A_931 : i32
        %get3A_933 = arith.constant 1 : i32
        %get3A_934 = arith.constant 1 : i32
        %get3A_935 = arith.index_cast %get3A_933 : i32 to index
        %get3A_936 = arith.index_cast %get3A_934 : i32 to index
        %get3A_937 = arith.index_cast %mul3A_932 : i32 to index
        %get3A_938 = tpu.vector_load %arg6[%get3A_935, %get3A_936, %get3A_937] {strides = array<i32>} : memref<2x2x128xi32, #tpu.memory_space<vmem>>, vector<1x1x16xi32>,
        %get3A_939 = vector.shape_cast %get3A_938 : vector<1x1x16xi32> to vector<16xi32>
        %mul3A_940 = arith.constant 16 : i32
        %mul3A_941 = arith.muli %scan3A_930, %mul3A_940 : i32
        %swap3A_942 = arith.index_cast %mul3A_941 : i32 to index
        %swap3A_943 = tpu.vector_load %arg10[%swap3A_942] {strides = array<i32>} : memref<80xi32, #tpu.memory_space<vmem>>, vector<16xi32>,
        %swap3A_944 = vector.shape_cast %swap3A_943 : vector<16xi32> to vector<16xi32>
        %swap3A_945 = vector.shape_cast %get3A_939 : vector<16xi32> to vector<16xi32>
        tpu.vector_store %arg10[%swap3A_942], %swap3A_945 {strides = array<i32>} : memref<80xi32, #tpu.memory_space<vmem>>, vector<16xi32>,
        %scan3A_946 = arith.constant 1 : i32
        %mul3A_947 = arith.constant 16 : i32
        %mul3A_948 = arith.muli %scan3A_946, %mul3A_947 : i32
        %get3A_949 = arith.constant 1 : i32
        %get3A_950 = arith.constant 1 : i32
        %get3A_951 = arith.index_cast %get3A_949 : i32 to index
        %get3A_952 = arith.index_cast %get3A_950 : i32 to index
        %get3A_953 = arith.index_cast %mul3A_948 : i32 to index
        %get3A_954 = tpu.vector_load %arg6[%get3A_951, %get3A_952, %get3A_953] {strides = array<i32>} : memref<2x2x128xi32, #tpu.memory_space<vmem>>, vector<1x1x16xi32>,
        %get3A_955 = vector.shape_cast %get3A_954 : vector<1x1x16xi32> to vector<16xi32>
        %mul3A_956 = arith.constant 16 : i32
        %mul3A_957 = arith.muli %scan3A_946, %mul3A_956 : i32
        %swap3A_958 = arith.index_cast %mul3A_957 : i32 to index
        %swap3A_959 = tpu.vector_load %arg10[%swap3A_958] {strides = array<i32>} : memref<80xi32, #tpu.memory_space<vmem>>, vector<16xi32>,
        %swap3A_960 = vector.shape_cast %swap3A_959 : vector<16xi32> to vector<16xi32>
        %swap3A_961 = vector.shape_cast %get3A_955 : vector<16xi32> to vector<16xi32>
        tpu.vector_store %arg10[%swap3A_958], %swap3A_961 {strides = array<i32>} : memref<80xi32, #tpu.memory_space<vmem>>, vector<16xi32>,
        %scan3A_962 = arith.constant 2 : i32
        %mul3A_963 = arith.constant 16 : i32
        %mul3A_964 = arith.muli %scan3A_962, %mul3A_963 : i32
        %get3A_965 = arith.constant 1 : i32
        %get3A_966 = arith.constant 1 : i32
        %get3A_967 = arith.index_cast %get3A_965 : i32 to index
        %get3A_968 = arith.index_cast %get3A_966 : i32 to index
        %get3A_969 = arith.index_cast %mul3A_964 : i32 to index
        %get3A_970 = tpu.vector_load %arg6[%get3A_967, %get3A_968, %get3A_969] {strides = array<i32>} : memref<2x2x128xi32, #tpu.memory_space<vmem>>, vector<1x1x16xi32>,
        %get3A_971 = vector.shape_cast %get3A_970 : vector<1x1x16xi32> to vector<16xi32>
        %mul3A_972 = arith.constant 16 : i32
        %mul3A_973 = arith.muli %scan3A_962, %mul3A_972 : i32
        %swap3A_974 = arith.index_cast %mul3A_973 : i32 to index
        %swap3A_975 = tpu.vector_load %arg10[%swap3A_974] {strides = array<i32>} : memref<80xi32, #tpu.memory_space<vmem>>, vector<16xi32>,
        %swap3A_976 = vector.shape_cast %swap3A_975 : vector<16xi32> to vector<16xi32>
        %swap3A_977 = vector.shape_cast %get3A_971 : vector<16xi32> to vector<16xi32>
        tpu.vector_store %arg10[%swap3A_974], %swap3A_977 {strides = array<i32>} : memref<80xi32, #tpu.memory_space<vmem>>, vector<16xi32>,
        %scan3A_978 = arith.constant 3 : i32
        %mul3A_979 = arith.constant 16 : i32
        %mul3A_980 = arith.muli %scan3A_978, %mul3A_979 : i32
        %get3A_981 = arith.constant 1 : i32
        %get3A_982 = arith.constant 1 : i32
        %get3A_983 = arith.index_cast %get3A_981 : i32 to index
        %get3A_984 = arith.index_cast %get3A_982 : i32 to index
        %get3A_985 = arith.index_cast %mul3A_980 : i32 to index
        %get3A_986 = tpu.vector_load %arg6[%get3A_983, %get3A_984, %get3A_985] {strides = array<i32>} : memref<2x2x128xi32, #tpu.memory_space<vmem>>, vector<1x1x16xi32>,
        %get3A_987 = vector.shape_cast %get3A_986 : vector<1x1x16xi32> to vector<16xi32>
        %mul3A_988 = arith.constant 16 : i32
        %mul3A_989 = arith.muli %scan3A_978, %mul3A_988 : i32
        %swap3A_990 = arith.index_cast %mul3A_989 : i32 to index
        %swap3A_991 = tpu.vector_load %arg10[%swap3A_990] {strides = array<i32>} : memref<80xi32, #tpu.memory_space<vmem>>, vector<16xi32>,
        %swap3A_992 = vector.shape_cast %swap3A_991 : vector<16xi32> to vector<16xi32>
        %swap3A_993 = vector.shape_cast %get3A_987 : vector<16xi32> to vector<16xi32>
        tpu.vector_store %arg10[%swap3A_990], %swap3A_993 {strides = array<i32>} : memref<80xi32, #tpu.memory_space<vmem>>, vector<16xi32>,
        %scan3A_994 = arith.constant 4 : i32
        %mul3A_995 = arith.constant 16 : i32
        %mul3A_996 = arith.muli %scan3A_994, %mul3A_995 : i32
        %get3A_997 = arith.constant 1 : i32
        %get3A_998 = arith.constant 1 : i32
        %get3A_999 = arith.index_cast %get3A_997 : i32 to index
        %get3A_1000 = arith.index_cast %get3A_998 : i32 to index
        %get3A_1001 = arith.index_cast %mul3A_996 : i32 to index
        %get3A_1002 = tpu.vector_load %arg6[%get3A_999, %get3A_1000, %get3A_1001] {strides = array<i32>} : memref<2x2x128xi32, #tpu.memory_space<vmem>>, vector<1x1x16xi32>,
        %get3A_1003 = vector.shape_cast %get3A_1002 : vector<1x1x16xi32> to vector<16xi32>
        %mul3A_1004 = arith.constant 16 : i32
        %mul3A_1005 = arith.muli %scan3A_994, %mul3A_1004 : i32
        %swap3A_1006 = arith.index_cast %mul3A_1005 : i32 to index
        %swap3A_1007 = tpu.vector_load %arg10[%swap3A_1006] {strides = array<i32>} : memref<80xi32, #tpu.memory_space<vmem>>, vector<16xi32>,
        %swap3A_1008 = vector.shape_cast %swap3A_1007 : vector<16xi32> to vector<16xi32>
        %swap3A_1009 = vector.shape_cast %get3A_1003 : vector<16xi32> to vector<16xi32>
        tpu.vector_store %arg10[%swap3A_1006], %swap3A_1009 {strides = array<i32>} : memref<80xi32, #tpu.memory_space<vmem>>, vector<16xi32>,
        %scan3A_1010 = arith.constant 5 : i32
        %add3A_1011 = arith.constant 3 : i32
        %add3A_1012 = arith.addi %mul3A_479, %add3A_1011 : i32
        %dma_start3A_1013 = arith.constant 80 : i32
        %dma_start3A_1014 = arith.constant 0 : i32
        %dma_start3A_1015 = tpu.memref_slice %arg11[%dma_start3A_1013, %dma_start3A_1014] : memref<160x128xf32, #tpu.memory_space<vmem>> -> memref<80x128xf32, #tpu.memory_space<vmem>>
        %dma_start3A_1016 = arith.constant 0 : i32
        %dma_start3A_1017 = arith.constant 0 : i32
        %dma_start3A_1018 = tpu.memref_slice %arg2[%dma_start3A_1016, %dma_start3A_1017] : memref<10000x128xf32, #tpu.memory_space<hbm>> -> memref<10000x128xf32, #tpu.memory_space<hbm>>
        tpu.enqueue_indirect_dma source(%dma_start3A_1018 : memref<10000x128xf32, #tpu.memory_space<hbm>>) target(%dma_start3A_1015 : memref<80x128xf32, #tpu.memory_space<vmem>>) offsets(%arg8 : memref<80xi32, #tpu.memory_space<vmem>>) semaphore(%arg17 : memref<!tpu.dma_semaphore, #tpu.memory_space<semaphore_mem>>)
        %mul3A_1019 = arith.constant 80 : i32
        %mul3A_1020 = arith.muli %add3A_1012, %mul3A_1019 : i32
        %add3A_1021 = arith.addi %mul3A_15, %mul3A_1020 : i32
        %jit3A_1022 = arith.constant 2 : i32
        %div3A_1023 = arith.divsi %add3A_1021, %jit3A_1022 : i32
        %sign3A_1024 = arith.constant 0 : i32
        %sign3A_1025 = arith.cmpi sgt, %add3A_1021, %sign3A_1024 : i32
        %sign3A_1026 = arith.extui %sign3A_1025 : i1 to i32
        %sign3A_1027 = arith.constant 0 : i32
        %sign3A_1028 = arith.cmpi slt, %add3A_1021, %sign3A_1027 : i32
        %sign3A_1029 = arith.extui %sign3A_1028 : i1 to i32
        %sign3A_1030 = arith.subi %sign3A_1026, %sign3A_1029 : i32
        %sign3A_1031 = arith.constant 0 : i32
        %sign3A_1032 = arith.cmpi sgt, %jit3A_1022, %sign3A_1031 : i32
        %sign3A_1033 = arith.extui %sign3A_1032 : i1 to i32
        %sign3A_1034 = arith.constant 0 : i32
        %sign3A_1035 = arith.cmpi slt, %jit3A_1022, %sign3A_1034 : i32
        %sign3A_1036 = arith.extui %sign3A_1035 : i1 to i32
        %sign3A_1037 = arith.subi %sign3A_1033, %sign3A_1036 : i32
        %ne3A_1038 = arith.cmpi ne, %sign3A_1030, %sign3A_1037 : i32
        %rem3A_1039 = arith.remsi %add3A_1021, %jit3A_1022 : i32
        %ne3A_1040 = arith.constant 0 : i32
        %ne3A_1041 = arith.cmpi ne, %rem3A_1039, %ne3A_1040 : i32
        %and3A_1042 = arith.andi %ne3A_1038, %ne3A_1041 : i1
        %sub3A_1043 = arith.constant 1 : i32
        %sub3A_1044 = arith.subi %div3A_1023, %sub3A_1043 : i32
        %select_n3A_1045 = arith.select %and3A_1042, %sub3A_1044, %div3A_1023 : i32
        %multiple_of3A_1046 = tpu.assume_multiple %select_n3A_1045, 8 : i32
        %dma_start3A_1047 = arith.constant 40 : i32
        %dma_start3A_1048 = arith.constant 0 : i32
        %dma_start3A_1049 = tpu.memref_slice %arg12[%dma_start3A_1047, %dma_start3A_1048] : memref<80x128xi32, #tpu.memory_space<vmem>> -> memref<40x128xi32, #tpu.memory_space<vmem>>
        %dma_start3A_1050 = arith.constant 0 : i32
        %dma_start3A_1051 = tpu.memref_slice %arg3[%multiple_of3A_1046, %dma_start3A_1050] : memref<160000x128xi32, #tpu.memory_space<hbm>> -> memref<40x128xi32, #tpu.memory_space<hbm>>
        %dma_start3A_1052 = arith.constant 40 : i32
        %dma_start3A_1053 = arith.constant 0 : i32
        %dma_start3A_1054 = tpu.memref_slice %arg12[%dma_start3A_1052, %dma_start3A_1053] : memref<80x128xi32, #tpu.memory_space<vmem>> -> memref<40x128xi32, #tpu.memory_space<vmem>>
        %dma_start3A_1055 = arith.constant 0 : i32
        %dma_start3A_1056 = tpu.memref_slice %arg3[%multiple_of3A_1046, %dma_start3A_1055] : memref<160000x128xi32, #tpu.memory_space<hbm>> -> memref<40x128xi32, #tpu.memory_space<hbm>>
        tpu.enqueue_dma source(%dma_start3A_1056 : memref<40x128xi32, #tpu.memory_space<hbm>>) target(%dma_start3A_1054 : memref<40x128xi32, #tpu.memory_space<vmem>>) target_semaphore(%arg19 : memref<!tpu.dma_semaphore, #tpu.memory_space<semaphore_mem>>)
      } else {
      }
    }
    %scan3A_428 = arith.constant 62 : i32
    %dma_wait3A = arith.constant 0 : i32
    %dma_wait3A_429 = arith.constant 0 : i32
    %dma_wait3A_430 = tpu.memref_slice %arg11[%dma_wait3A, %dma_wait3A_429] : memref<160x128xf32, #tpu.memory_space<vmem>> -> memref<80x128xf32, #tpu.memory_space<vmem>>
    %dma_wait3A_431 = arith.constant 0 : i32
    %dma_wait3A_432 = arith.constant 0 : i32
    %dma_wait3A_433 = tpu.memref_slice %arg2[%dma_wait3A_431, %dma_wait3A_432] : memref<10000x128xf32, #tpu.memory_space<hbm>> -> memref<80x128xf32, #tpu.memory_space<hbm>>
    %dma_wait3A_434 = arith.constant 0 : i32
    %dma_wait3A_435 = arith.constant 0 : i32
    %dma_wait3A_436 = tpu.memref_slice %arg11[%dma_wait3A_434, %dma_wait3A_435] : memref<160x128xf32, #tpu.memory_space<vmem>> -> memref<80x128xf32, #tpu.memory_space<vmem>>
    %dma_wait3A_437 = arith.constant 0 : i32
    %dma_wait3A_438 = arith.constant 0 : i32
    %dma_wait3A_439 = tpu.memref_slice %arg2[%dma_wait3A_437, %dma_wait3A_438] : memref<10000x128xf32, #tpu.memory_space<hbm>> -> memref<80x128xf32, #tpu.memory_space<hbm>>
    tpu.wait_dma2 semaphore(%arg16 : memref<!tpu.dma_semaphore, #tpu.memory_space<semaphore_mem>>) src(%dma_wait3A_439 : memref<80x128xf32, #tpu.memory_space<hbm>>) dst(%dma_wait3A_436 : memref<80x128xf32, #tpu.memory_space<vmem>>)
    %dma_wait3A_440 = arith.constant 0 : i32
    %dma_wait3A_441 = arith.constant 0 : i32
    %dma_wait3A_442 = tpu.memref_slice %arg12[%dma_wait3A_440, %dma_wait3A_441] : memref<80x128xi32, #tpu.memory_space<vmem>> -> memref<40x128xi32, #tpu.memory_space<vmem>>
    %dma_wait3A_443 = arith.constant 0 : i32
    %dma_wait3A_444 = arith.constant 0 : i32
    %dma_wait3A_445 = tpu.memref_slice %arg3[%dma_wait3A_443, %dma_wait3A_444] : memref<160000x128xi32, #tpu.memory_space<hbm>> -> memref<40x128xi32, #tpu.memory_space<hbm>>
    %dma_wait3A_446 = arith.constant 0 : i32
    %dma_wait3A_447 = arith.constant 0 : i32
    %dma_wait3A_448 = tpu.memref_slice %arg12[%dma_wait3A_446, %dma_wait3A_447] : memref<80x128xi32, #tpu.memory_space<vmem>> -> memref<40x128xi32, #tpu.memory_space<vmem>>
    %dma_wait3A_449 = arith.constant 0 : i32
    %dma_wait3A_450 = arith.constant 0 : i32
    %dma_wait3A_451 = tpu.memref_slice %arg3[%dma_wait3A_449, %dma_wait3A_450] : memref<160000x128xi32, #tpu.memory_space<hbm>> -> memref<40x128xi32, #tpu.memory_space<hbm>>
    tpu.wait_dma2 semaphore(%arg18 : memref<!tpu.dma_semaphore, #tpu.memory_space<semaphore_mem>>) src(%dma_wait3A_451 : memref<40x128xi32, #tpu.memory_space<hbm>>) dst(%dma_wait3A_448 : memref<40x128xi32, #tpu.memory_space<vmem>>)
    %scan3A_452 = arith.constant 0 : i32
    %scan3A_453 = arith.constant 0 : i32
    %scan3A_454 = arith.constant 320 : i32
    %scan3A_455 = arith.addi %scan3A_453, %scan3A_454 : i32
    %scan3A_456 = arith.constant 8 : i32
    scf.for %scan3A_477 = %scan3A_453 to %scan3A_455 step %scan3A_456  : i32 {
      %jit3A_478 = arith.constant 4 : i32
      %div3A_479 = arith.divsi %scan3A_477, %jit3A_478 : i32
      %sign3A_480 = arith.constant 0 : i32
      %sign3A_481 = arith.cmpi sgt, %scan3A_477, %sign3A_480 : i32
      %sign3A_482 = arith.extui %sign3A_481 : i1 to i32
      %sign3A_483 = arith.constant 0 : i32
      %sign3A_484 = arith.cmpi slt, %scan3A_477, %sign3A_483 : i32
      %sign3A_485 = arith.extui %sign3A_484 : i1 to i32
      %sign3A_486 = arith.subi %sign3A_482, %sign3A_485 : i32
      %sign3A_487 = arith.constant 0 : i32
      %sign3A_488 = arith.cmpi sgt, %jit3A_478, %sign3A_487 : i32
      %sign3A_489 = arith.extui %sign3A_488 : i1 to i32
      %sign3A_490 = arith.constant 0 : i32
      %sign3A_491 = arith.cmpi slt, %jit3A_478, %sign3A_490 : i32
      %sign3A_492 = arith.extui %sign3A_491 : i1 to i32
      %sign3A_493 = arith.subi %sign3A_489, %sign3A_492 : i32
      %ne3A_494 = arith.cmpi ne, %sign3A_486, %sign3A_493 : i32
      %rem3A_495 = arith.remsi %scan3A_477, %jit3A_478 : i32
      %ne3A_496 = arith.constant 0 : i32
      %ne3A_497 = arith.cmpi ne, %rem3A_495, %ne3A_496 : i32
      %and3A_498 = arith.andi %ne3A_494, %ne3A_497 : i1
      %sub3A_499 = arith.constant 1 : i32
      %sub3A_500 = arith.subi %div3A_479, %sub3A_499 : i32
      %select_n3A_501 = arith.select %and3A_498, %sub3A_500, %div3A_479 : i32
      %jit3A_502 = arith.constant 4 : i32
      %eq3A = arith.constant 0 : i32
      %eq3A_503 = arith.cmpi eq, %jit3A_502, %eq3A : i32
      %jit3A_504 = arith.constant 1 : i32
      %select_n3A_505 = arith.select %eq3A_503, %jit3A_504, %jit3A_502 : i32
      %rem3A_506 = arith.remsi %scan3A_477, %select_n3A_505 : i32
      %ne3A_507 = arith.constant 0 : i32
      %ne3A_508 = arith.cmpi ne, %rem3A_506, %ne3A_507 : i32
      %lt3A = arith.constant 0 : i32
      %lt3A_509 = arith.cmpi slt, %rem3A_506, %lt3A : i32
      %lt3A_510 = arith.constant 0 : i32
      %lt3A_511 = arith.cmpi slt, %select_n3A_505, %lt3A_510 : i32
      %ne3A_512 = arith.xori %lt3A_509, %lt3A_511 : i1
      %and3A_513 = arith.andi %ne3A_512, %ne3A_508 : i1
      %add3A_514 = arith.addi %rem3A_506, %select_n3A_505 : i32
      %select_n3A_515 = arith.select %and3A_513, %add3A_514, %rem3A_506 : i32
      %add3A_516 = arith.constant 0 : i32
      %add3A_517 = arith.addi %add3A_516, %select_n3A_501 : i32
      %jit3A_518 = arith.constant 40 : i32
      %eq3A_519 = arith.constant 0 : i32
      %eq3A_520 = arith.cmpi eq, %jit3A_518, %eq3A_519 : i32
      %jit3A_521 = arith.constant 1 : i32
      %select_n3A_522 = arith.select %eq3A_520, %jit3A_521, %jit3A_518 : i32
      %rem3A_523 = arith.remsi %select_n3A_501, %select_n3A_522 : i32
      %ne3A_524 = arith.constant 0 : i32
      %ne3A_525 = arith.cmpi ne, %rem3A_523, %ne3A_524 : i32
      %lt3A_526 = arith.constant 0 : i32
      %lt3A_527 = arith.cmpi slt, %rem3A_523, %lt3A_526 : i32
      %lt3A_528 = arith.constant 0 : i32
      %lt3A_529 = arith.cmpi slt, %select_n3A_522, %lt3A_528 : i32
      %ne3A_530 = arith.xori %lt3A_527, %lt3A_529 : i1
      %and3A_531 = arith.andi %ne3A_530, %ne3A_525 : i1
      %add3A_532 = arith.addi %rem3A_523, %select_n3A_522 : i32
      %select_n3A_533 = arith.select %and3A_531, %add3A_532, %rem3A_523 : i32
      %add3A_534 = arith.constant 0 : i32
      %add3A_535 = arith.addi %add3A_534, %select_n3A_533 : i32
      %jit3A_536 = arith.constant 40 : i32
      %div3A_537 = arith.divsi %select_n3A_501, %jit3A_536 : i32
      %sign3A_538 = arith.constant 0 : i32
      %sign3A_539 = arith.cmpi sgt, %select_n3A_501, %sign3A_538 : i32
      %sign3A_540 = arith.extui %sign3A_539 : i1 to i32
      %sign3A_541 = arith.constant 0 : i32
      %sign3A_542 = arith.cmpi slt, %select_n3A_501, %sign3A_541 : i32
      %sign3A_543 = arith.extui %sign3A_542 : i1 to i32
      %sign3A_544 = arith.subi %sign3A_540, %sign3A_543 : i32
      %sign3A_545 = arith.constant 0 : i32
      %sign3A_546 = arith.cmpi sgt, %jit3A_536, %sign3A_545 : i32
      %sign3A_547 = arith.extui %sign3A_546 : i1 to i32
      %sign3A_548 = arith.constant 0 : i32
      %sign3A_549 = arith.cmpi slt, %jit3A_536, %sign3A_548 : i32
      %sign3A_550 = arith.extui %sign3A_549 : i1 to i32
      %sign3A_551 = arith.subi %sign3A_547, %sign3A_550 : i32
      %ne3A_552 = arith.cmpi ne, %sign3A_544, %sign3A_551 : i32
      %rem3A_553 = arith.remsi %select_n3A_501, %jit3A_536 : i32
      %ne3A_554 = arith.constant 0 : i32
      %ne3A_555 = arith.cmpi ne, %rem3A_553, %ne3A_554 : i32
      %and3A_556 = arith.andi %ne3A_552, %ne3A_555 : i1
      %sub3A_557 = arith.constant 1 : i32
      %sub3A_558 = arith.subi %div3A_537, %sub3A_557 : i32
      %select_n3A_559 = arith.select %and3A_556, %sub3A_558, %div3A_537 : i32
      %mul3A_560 = arith.constant 64 : i32
      %mul3A_561 = arith.muli %select_n3A_559, %mul3A_560 : i32
      %mul3A_562 = arith.constant 16 : i32
      %mul3A_563 = arith.muli %select_n3A_515, %mul3A_562 : i32
      %add3A_564 = arith.addi %mul3A_561, %mul3A_563 : i32
      %get3A_565 = arith.index_cast %add3A_535 : i32 to index
      %get3A_566 = arith.index_cast %add3A_564 : i32 to index
      %get3A_567 = tpu.vector_load %arg12[%get3A_565, %get3A_566] {strides = array<i32>} : memref<80x128xi32, #tpu.memory_space<vmem>>, vector<1x16xi32>,
      %get3A_568 = vector.shape_cast %get3A_567 : vector<1x16xi32> to vector<16xi32>
      %shift_left3A = arith.constant 16 : i32
      %shift_left3A_569 = vector.broadcast %shift_left3A : i32 to vector<16xi32>
      %shift_left3A_570 = arith.shli %get3A_568, %shift_left3A_569 : vector<16xi32>
      %bitcast_convert_type3A = tpu.bitcast %shift_left3A_570 : vector<16xi32> -> vector<16xf32>
      %and3A_571 = arith.constant -65536 : i32
      %and3A_572 = vector.broadcast %and3A_571 : i32 to vector<16xi32>
      %and3A_573 = arith.andi %get3A_568, %and3A_572 : vector<16xi32>
      %bitcast_convert_type3A_574 = tpu.bitcast %and3A_573 : vector<16xi32> -> vector<16xf32>
      %mul3A_575 = arith.constant 32 : i32
      %mul3A_576 = arith.muli %mul3A_575, %select_n3A_515 : i32
      %get3A_577 = arith.index_cast %add3A_517 : i32 to index
      %get3A_578 = arith.index_cast %mul3A_576 : i32 to index
      %get3A_579 = tpu.vector_load %arg11[%get3A_577, %get3A_578] {strides = array<i32>} : memref<160x128xf32, #tpu.memory_space<vmem>>, vector<1x16xf32>,
      %get3A_580 = vector.shape_cast %get3A_579 : vector<1x16xf32> to vector<16xf32>
      %mul3A_581 = arith.mulf %get3A_580, %bitcast_convert_type3A : vector<16xf32>
      %mul3A_582 = arith.constant 32 : i32
      %mul3A_583 = arith.muli %mul3A_582, %select_n3A_515 : i32
      %swap3A_584 = arith.index_cast %add3A_517 : i32 to index
      %swap3A_585 = arith.index_cast %mul3A_583 : i32 to index
      %swap3A_586 = tpu.vector_load %arg11[%swap3A_584, %swap3A_585] {strides = array<i32>} : memref<160x128xf32, #tpu.memory_space<vmem>>, vector<1x16xf32>,
      %swap3A_587 = vector.shape_cast %swap3A_586 : vector<1x16xf32> to vector<16xf32>
      %swap3A_588 = vector.shape_cast %mul3A_581 : vector<16xf32> to vector<1x16xf32>
      tpu.vector_store %arg11[%swap3A_584, %swap3A_585], %swap3A_588 {strides = array<i32>} : memref<160x128xf32, #tpu.memory_space<vmem>>, vector<1x16xf32>,
      %mul3A_589 = arith.constant 32 : i32
      %mul3A_590 = arith.muli %mul3A_589, %select_n3A_515 : i32
      %add3A_591 = arith.constant 16 : i32
      %add3A_592 = arith.addi %mul3A_590, %add3A_591 : i32
      %get3A_593 = arith.index_cast %add3A_517 : i32 to index
      %get3A_594 = arith.index_cast %add3A_592 : i32 to index
      %get3A_595 = tpu.vector_load %arg11[%get3A_593, %get3A_594] {strides = array<i32>} : memref<160x128xf32, #tpu.memory_space<vmem>>, vector<1x16xf32>,
      %get3A_596 = vector.shape_cast %get3A_595 : vector<1x16xf32> to vector<16xf32>
      %mul3A_597 = arith.mulf %get3A_596, %bitcast_convert_type3A_574 : vector<16xf32>
      %mul3A_598 = arith.constant 32 : i32
      %mul3A_599 = arith.muli %mul3A_598, %select_n3A_515 : i32
      %add3A_600 = arith.constant 16 : i32
      %add3A_601 = arith.addi %mul3A_599, %add3A_600 : i32
      %swap3A_602 = arith.index_cast %add3A_517 : i32 to index
      %swap3A_603 = arith.index_cast %add3A_601 : i32 to index
      %swap3A_604 = tpu.vector_load %arg11[%swap3A_602, %swap3A_603] {strides = array<i32>} : memref<160x128xf32, #tpu.memory_space<vmem>>, vector<1x16xf32>,
      %swap3A_605 = vector.shape_cast %swap3A_604 : vector<1x16xf32> to vector<16xf32>
      %swap3A_606 = vector.shape_cast %mul3A_597 : vector<16xf32> to vector<1x16xf32>
      tpu.vector_store %arg11[%swap3A_602, %swap3A_603], %swap3A_606 {strides = array<i32>} : memref<160x128xf32, #tpu.memory_space<vmem>>, vector<1x16xf32>,
      %scan3A_607 = arith.constant 1 : i32
      %scan3A_608 = arith.addi %scan3A_477, %scan3A_607 : i32
      %jit3A_609 = arith.constant 4 : i32
      %div3A_610 = arith.divsi %scan3A_608, %jit3A_609 : i32
      %sign3A_611 = arith.constant 0 : i32
      %sign3A_612 = arith.cmpi sgt, %scan3A_608, %sign3A_611 : i32
      %sign3A_613 = arith.extui %sign3A_612 : i1 to i32
      %sign3A_614 = arith.constant 0 : i32
      %sign3A_615 = arith.cmpi slt, %scan3A_608, %sign3A_614 : i32
      %sign3A_616 = arith.extui %sign3A_615 : i1 to i32
      %sign3A_617 = arith.subi %sign3A_613, %sign3A_616 : i32
      %sign3A_618 = arith.constant 0 : i32
      %sign3A_619 = arith.cmpi sgt, %jit3A_609, %sign3A_618 : i32
      %sign3A_620 = arith.extui %sign3A_619 : i1 to i32
      %sign3A_621 = arith.constant 0 : i32
      %sign3A_622 = arith.cmpi slt, %jit3A_609, %sign3A_621 : i32
      %sign3A_623 = arith.extui %sign3A_622 : i1 to i32
      %sign3A_624 = arith.subi %sign3A_620, %sign3A_623 : i32
      %ne3A_625 = arith.cmpi ne, %sign3A_617, %sign3A_624 : i32
      %rem3A_626 = arith.remsi %scan3A_608, %jit3A_609 : i32
      %ne3A_627 = arith.constant 0 : i32
      %ne3A_628 = arith.cmpi ne, %rem3A_626, %ne3A_627 : i32
      %and3A_629 = arith.andi %ne3A_625, %ne3A_628 : i1
      %sub3A_630 = arith.constant 1 : i32
      %sub3A_631 = arith.subi %div3A_610, %sub3A_630 : i32
      %select_n3A_632 = arith.select %and3A_629, %sub3A_631, %div3A_610 : i32
      %jit3A_633 = arith.constant 4 : i32
      %eq3A_634 = arith.constant 0 : i32
      %eq3A_635 = arith.cmpi eq, %jit3A_633, %eq3A_634 : i32
      %jit3A_636 = arith.constant 1 : i32
      %select_n3A_637 = arith.select %eq3A_635, %jit3A_636, %jit3A_633 : i32
      %rem3A_638 = arith.remsi %scan3A_608, %select_n3A_637 : i32
      %ne3A_639 = arith.constant 0 : i32
      %ne3A_640 = arith.cmpi ne, %rem3A_638, %ne3A_639 : i32
      %lt3A_641 = arith.constant 0 : i32
      %lt3A_642 = arith.cmpi slt, %rem3A_638, %lt3A_641 : i32
      %lt3A_643 = arith.constant 0 : i32
      %lt3A_644 = arith.cmpi slt, %select_n3A_637, %lt3A_643 : i32
      %ne3A_645 = arith.xori %lt3A_642, %lt3A_644 : i1
      %and3A_646 = arith.andi %ne3A_645, %ne3A_640 : i1
      %add3A_647 = arith.addi %rem3A_638, %select_n3A_637 : i32
      %select_n3A_648 = arith.select %and3A_646, %add3A_647, %rem3A_638 : i32
      %add3A_649 = arith.constant 0 : i32
      %add3A_650 = arith.addi %add3A_649, %select_n3A_632 : i32
      %jit3A_651 = arith.constant 40 : i32
      %eq3A_652 = arith.constant 0 : i32
      %eq3A_653 = arith.cmpi eq, %jit3A_651, %eq3A_652 : i32
      %jit3A_654 = arith.constant 1 : i32
      %select_n3A_655 = arith.select %eq3A_653, %jit3A_654, %jit3A_651 : i32
      %rem3A_656 = arith.remsi %select_n3A_632, %select_n3A_655 : i32
      %ne3A_657 = arith.constant 0 : i32
      %ne3A_658 = arith.cmpi ne, %rem3A_656, %ne3A_657 : i32
      %lt3A_659 = arith.constant 0 : i32
      %lt3A_660 = arith.cmpi slt, %rem3A_656, %lt3A_659 : i32
      %lt3A_661 = arith.constant 0 : i32
      %lt3A_662 = arith.cmpi slt, %select_n3A_655, %lt3A_661 : i32
      %ne3A_663 = arith.xori %lt3A_660, %lt3A_662 : i1
      %and3A_664 = arith.andi %ne3A_663, %ne3A_658 : i1
      %add3A_665 = arith.addi %rem3A_656, %select_n3A_655 : i32
      %select_n3A_666 = arith.select %and3A_664, %add3A_665, %rem3A_656 : i32
      %add3A_667 = arith.constant 0 : i32
      %add3A_668 = arith.addi %add3A_667, %select_n3A_666 : i32
      %jit3A_669 = arith.constant 40 : i32
      %div3A_670 = arith.divsi %select_n3A_632, %jit3A_669 : i32
      %sign3A_671 = arith.constant 0 : i32
      %sign3A_672 = arith.cmpi sgt, %select_n3A_632, %sign3A_671 : i32
      %sign3A_673 = arith.extui %sign3A_672 : i1 to i32
      %sign3A_674 = arith.constant 0 : i32
      %sign3A_675 = arith.cmpi slt, %select_n3A_632, %sign3A_674 : i32
      %sign3A_676 = arith.extui %sign3A_675 : i1 to i32
      %sign3A_677 = arith.subi %sign3A_673, %sign3A_676 : i32
      %sign3A_678 = arith.constant 0 : i32
      %sign3A_679 = arith.cmpi sgt, %jit3A_669, %sign3A_678 : i32
      %sign3A_680 = arith.extui %sign3A_679 : i1 to i32
      %sign3A_681 = arith.constant 0 : i32
      %sign3A_682 = arith.cmpi slt, %jit3A_669, %sign3A_681 : i32
      %sign3A_683 = arith.extui %sign3A_682 : i1 to i32
      %sign3A_684 = arith.subi %sign3A_680, %sign3A_683 : i32
      %ne3A_685 = arith.cmpi ne, %sign3A_677, %sign3A_684 : i32
      %rem3A_686 = arith.remsi %select_n3A_632, %jit3A_669 : i32
      %ne3A_687 = arith.constant 0 : i32
      %ne3A_688 = arith.cmpi ne, %rem3A_686, %ne3A_687 : i32
      %and3A_689 = arith.andi %ne3A_685, %ne3A_688 : i1
      %sub3A_690 = arith.constant 1 : i32
      %sub3A_691 = arith.subi %div3A_670, %sub3A_690 : i32
      %select_n3A_692 = arith.select %and3A_689, %sub3A_691, %div3A_670 : i32
      %mul3A_693 = arith.constant 64 : i32
      %mul3A_694 = arith.muli %select_n3A_692, %mul3A_693 : i32
      %mul3A_695 = arith.constant 16 : i32
      %mul3A_696 = arith.muli %select_n3A_648, %mul3A_695 : i32
      %add3A_697 = arith.addi %mul3A_694, %mul3A_696 : i32
      %get3A_698 = arith.index_cast %add3A_668 : i32 to index
      %get3A_699 = arith.index_cast %add3A_697 : i32 to index
      %get3A_700 = tpu.vector_load %arg12[%get3A_698, %get3A_699] {strides = array<i32>} : memref<80x128xi32, #tpu.memory_space<vmem>>, vector<1x16xi32>,
      %get3A_701 = vector.shape_cast %get3A_700 : vector<1x16xi32> to vector<16xi32>
      %shift_left3A_702 = arith.constant 16 : i32
      %shift_left3A_703 = vector.broadcast %shift_left3A_702 : i32 to vector<16xi32>
      %shift_left3A_704 = arith.shli %get3A_701, %shift_left3A_703 : vector<16xi32>
      %bitcast_convert_type3A_705 = tpu.bitcast %shift_left3A_704 : vector<16xi32> -> vector<16xf32>
      %and3A_706 = arith.constant -65536 : i32
      %and3A_707 = vector.broadcast %and3A_706 : i32 to vector<16xi32>
      %and3A_708 = arith.andi %get3A_701, %and3A_707 : vector<16xi32>
      %bitcast_convert_type3A_709 = tpu.bitcast %and3A_708 : vector<16xi32> -> vector<16xf32>
      %mul3A_710 = arith.constant 32 : i32
      %mul3A_711 = arith.muli %mul3A_710, %select_n3A_648 : i32
      %get3A_712 = arith.index_cast %add3A_650 : i32 to index
      %get3A_713 = arith.index_cast %mul3A_711 : i32 to index
      %get3A_714 = tpu.vector_load %arg11[%get3A_712, %get3A_713] {strides = array<i32>} : memref<160x128xf32, #tpu.memory_space<vmem>>, vector<1x16xf32>,
      %get3A_715 = vector.shape_cast %get3A_714 : vector<1x16xf32> to vector<16xf32>
      %mul3A_716 = arith.mulf %get3A_715, %bitcast_convert_type3A_705 : vector<16xf32>
      %mul3A_717 = arith.constant 32 : i32
      %mul3A_718 = arith.muli %mul3A_717, %select_n3A_648 : i32
      %swap3A_719 = arith.index_cast %add3A_650 : i32 to index
      %swap3A_720 = arith.index_cast %mul3A_718 : i32 to index
      %swap3A_721 = tpu.vector_load %arg11[%swap3A_719, %swap3A_720] {strides = array<i32>} : memref<160x128xf32, #tpu.memory_space<vmem>>, vector<1x16xf32>,
      %swap3A_722 = vector.shape_cast %swap3A_721 : vector<1x16xf32> to vector<16xf32>
      %swap3A_723 = vector.shape_cast %mul3A_716 : vector<16xf32> to vector<1x16xf32>
      tpu.vector_store %arg11[%swap3A_719, %swap3A_720], %swap3A_723 {strides = array<i32>} : memref<160x128xf32, #tpu.memory_space<vmem>>, vector<1x16xf32>,
      %mul3A_724 = arith.constant 32 : i32
      %mul3A_725 = arith.muli %mul3A_724, %select_n3A_648 : i32
      %add3A_726 = arith.constant 16 : i32
      %add3A_727 = arith.addi %mul3A_725, %add3A_726 : i32
      %get3A_728 = arith.index_cast %add3A_650 : i32 to index
      %get3A_729 = arith.index_cast %add3A_727 : i32 to index
      %get3A_730 = tpu.vector_load %arg11[%get3A_728, %get3A_729] {strides = array<i32>} : memref<160x128xf32, #tpu.memory_space<vmem>>, vector<1x16xf32>,
      %get3A_731 = vector.shape_cast %get3A_730 : vector<1x16xf32> to vector<16xf32>
      %mul3A_732 = arith.mulf %get3A_731, %bitcast_convert_type3A_709 : vector<16xf32>
      %mul3A_733 = arith.constant 32 : i32
      %mul3A_734 = arith.muli %mul3A_733, %select_n3A_648 : i32
      %add3A_735 = arith.constant 16 : i32
      %add3A_736 = arith.addi %mul3A_734, %add3A_735 : i32
      %swap3A_737 = arith.index_cast %add3A_650 : i32 to index
      %swap3A_738 = arith.index_cast %add3A_736 : i32 to index
      %swap3A_739 = tpu.vector_load %arg11[%swap3A_737, %swap3A_738] {strides = array<i32>} : memref<160x128xf32, #tpu.memory_space<vmem>>, vector<1x16xf32>,
      %swap3A_740 = vector.shape_cast %swap3A_739 : vector<1x16xf32> to vector<16xf32>
      %swap3A_741 = vector.shape_cast %mul3A_732 : vector<16xf32> to vector<1x16xf32>
      tpu.vector_store %arg11[%swap3A_737, %swap3A_738], %swap3A_741 {strides = array<i32>} : memref<160x128xf32, #tpu.memory_space<vmem>>, vector<1x16xf32>,
      %scan3A_742 = arith.constant 2 : i32
      %scan3A_743 = arith.addi %scan3A_477, %scan3A_742 : i32
      %jit3A_744 = arith.constant 4 : i32
      %div3A_745 = arith.divsi %scan3A_743, %jit3A_744 : i32
      %sign3A_746 = arith.constant 0 : i32
      %sign3A_747 = arith.cmpi sgt, %scan3A_743, %sign3A_746 : i32
      %sign3A_748 = arith.extui %sign3A_747 : i1 to i32
      %sign3A_749 = arith.constant 0 : i32
      %sign3A_750 = arith.cmpi slt, %scan3A_743, %sign3A_749 : i32
      %sign3A_751 = arith.extui %sign3A_750 : i1 to i32
      %sign3A_752 = arith.subi %sign3A_748, %sign3A_751 : i32
      %sign3A_753 = arith.constant 0 : i32
      %sign3A_754 = arith.cmpi sgt, %jit3A_744, %sign3A_753 : i32
      %sign3A_755 = arith.extui %sign3A_754 : i1 to i32
      %sign3A_756 = arith.constant 0 : i32
      %sign3A_757 = arith.cmpi slt, %jit3A_744, %sign3A_756 : i32
      %sign3A_758 = arith.extui %sign3A_757 : i1 to i32
      %sign3A_759 = arith.subi %sign3A_755, %sign3A_758 : i32
      %ne3A_760 = arith.cmpi ne, %sign3A_752, %sign3A_759 : i32
      %rem3A_761 = arith.remsi %scan3A_743, %jit3A_744 : i32
      %ne3A_762 = arith.constant 0 : i32
      %ne3A_763 = arith.cmpi ne, %rem3A_761, %ne3A_762 : i32
      %and3A_764 = arith.andi %ne3A_760, %ne3A_763 : i1
      %sub3A_765 = arith.constant 1 : i32
      %sub3A_766 = arith.subi %div3A_745, %sub3A_765 : i32
      %select_n3A_767 = arith.select %and3A_764, %sub3A_766, %div3A_745 : i32
      %jit3A_768 = arith.constant 4 : i32
      %eq3A_769 = arith.constant 0 : i32
      %eq3A_770 = arith.cmpi eq, %jit3A_768, %eq3A_769 : i32
      %jit3A_771 = arith.constant 1 : i32
      %select_n3A_772 = arith.select %eq3A_770, %jit3A_771, %jit3A_768 : i32
      %rem3A_773 = arith.remsi %scan3A_743, %select_n3A_772 : i32
      %ne3A_774 = arith.constant 0 : i32
      %ne3A_775 = arith.cmpi ne, %rem3A_773, %ne3A_774 : i32
      %lt3A_776 = arith.constant 0 : i32
      %lt3A_777 = arith.cmpi slt, %rem3A_773, %lt3A_776 : i32
      %lt3A_778 = arith.constant 0 : i32
      %lt3A_779 = arith.cmpi slt, %select_n3A_772, %lt3A_778 : i32
      %ne3A_780 = arith.xori %lt3A_777, %lt3A_779 : i1
      %and3A_781 = arith.andi %ne3A_780, %ne3A_775 : i1
      %add3A_782 = arith.addi %rem3A_773, %select_n3A_772 : i32
      %select_n3A_783 = arith.select %and3A_781, %add3A_782, %rem3A_773 : i32
      %add3A_784 = arith.constant 0 : i32
      %add3A_785 = arith.addi %add3A_784, %select_n3A_767 : i32
      %jit3A_786 = arith.constant 40 : i32
      %eq3A_787 = arith.constant 0 : i32
      %eq3A_788 = arith.cmpi eq, %jit3A_786, %eq3A_787 : i32
      %jit3A_789 = arith.constant 1 : i32
      %select_n3A_790 = arith.select %eq3A_788, %jit3A_789, %jit3A_786 : i32
      %rem3A_791 = arith.remsi %select_n3A_767, %select_n3A_790 : i32
      %ne3A_792 = arith.constant 0 : i32
      %ne3A_793 = arith.cmpi ne, %rem3A_791, %ne3A_792 : i32
      %lt3A_794 = arith.constant 0 : i32
      %lt3A_795 = arith.cmpi slt, %rem3A_791, %lt3A_794 : i32
      %lt3A_796 = arith.constant 0 : i32
      %lt3A_797 = arith.cmpi slt, %select_n3A_790, %lt3A_796 : i32
      %ne3A_798 = arith.xori %lt3A_795, %lt3A_797 : i1
      %and3A_799 = arith.andi %ne3A_798, %ne3A_793 : i1
      %add3A_800 = arith.addi %rem3A_791, %select_n3A_790 : i32
      %select_n3A_801 = arith.select %and3A_799, %add3A_800, %rem3A_791 : i32
      %add3A_802 = arith.constant 0 : i32
      %add3A_803 = arith.addi %add3A_802, %select_n3A_801 : i32
      %jit3A_804 = arith.constant 40 : i32
      %div3A_805 = arith.divsi %select_n3A_767, %jit3A_804 : i32
      %sign3A_806 = arith.constant 0 : i32
      %sign3A_807 = arith.cmpi sgt, %select_n3A_767, %sign3A_806 : i32
      %sign3A_808 = arith.extui %sign3A_807 : i1 to i32
      %sign3A_809 = arith.constant 0 : i32
      %sign3A_810 = arith.cmpi slt, %select_n3A_767, %sign3A_809 : i32
      %sign3A_811 = arith.extui %sign3A_810 : i1 to i32
      %sign3A_812 = arith.subi %sign3A_808, %sign3A_811 : i32
      %sign3A_813 = arith.constant 0 : i32
      %sign3A_814 = arith.cmpi sgt, %jit3A_804, %sign3A_813 : i32
      %sign3A_815 = arith.extui %sign3A_814 : i1 to i32
      %sign3A_816 = arith.constant 0 : i32
      %sign3A_817 = arith.cmpi slt, %jit3A_804, %sign3A_816 : i32
      %sign3A_818 = arith.extui %sign3A_817 : i1 to i32
      %sign3A_819 = arith.subi %sign3A_815, %sign3A_818 : i32
      %ne3A_820 = arith.cmpi ne, %sign3A_812, %sign3A_819 : i32
      %rem3A_821 = arith.remsi %select_n3A_767, %jit3A_804 : i32
      %ne3A_822 = arith.constant 0 : i32
      %ne3A_823 = arith.cmpi ne, %rem3A_821, %ne3A_822 : i32
      %and3A_824 = arith.andi %ne3A_820, %ne3A_823 : i1
      %sub3A_825 = arith.constant 1 : i32
      %sub3A_826 = arith.subi %div3A_805, %sub3A_825 : i32
      %select_n3A_827 = arith.select %and3A_824, %sub3A_826, %div3A_805 : i32
      %mul3A_828 = arith.constant 64 : i32
      %mul3A_829 = arith.muli %select_n3A_827, %mul3A_828 : i32
      %mul3A_830 = arith.constant 16 : i32
      %mul3A_831 = arith.muli %select_n3A_783, %mul3A_830 : i32
      %add3A_832 = arith.addi %mul3A_829, %mul3A_831 : i32
      %get3A_833 = arith.index_cast %add3A_803 : i32 to index
      %get3A_834 = arith.index_cast %add3A_832 : i32 to index
      %get3A_835 = tpu.vector_load %arg12[%get3A_833, %get3A_834] {strides = array<i32>} : memref<80x128xi32, #tpu.memory_space<vmem>>, vector<1x16xi32>,
      %get3A_836 = vector.shape_cast %get3A_835 : vector<1x16xi32> to vector<16xi32>
      %shift_left3A_837 = arith.constant 16 : i32
      %shift_left3A_838 = vector.broadcast %shift_left3A_837 : i32 to vector<16xi32>
      %shift_left3A_839 = arith.shli %get3A_836, %shift_left3A_838 : vector<16xi32>
      %bitcast_convert_type3A_840 = tpu.bitcast %shift_left3A_839 : vector<16xi32> -> vector<16xf32>
      %and3A_841 = arith.constant -65536 : i32
      %and3A_842 = vector.broadcast %and3A_841 : i32 to vector<16xi32>
      %and3A_843 = arith.andi %get3A_836, %and3A_842 : vector<16xi32>
      %bitcast_convert_type3A_844 = tpu.bitcast %and3A_843 : vector<16xi32> -> vector<16xf32>
      %mul3A_845 = arith.constant 32 : i32
      %mul3A_846 = arith.muli %mul3A_845, %select_n3A_783 : i32
      %get3A_847 = arith.index_cast %add3A_785 : i32 to index
      %get3A_848 = arith.index_cast %mul3A_846 : i32 to index
      %get3A_849 = tpu.vector_load %arg11[%get3A_847, %get3A_848] {strides = array<i32>} : memref<160x128xf32, #tpu.memory_space<vmem>>, vector<1x16xf32>,
      %get3A_850 = vector.shape_cast %get3A_849 : vector<1x16xf32> to vector<16xf32>
      %mul3A_851 = arith.mulf %get3A_850, %bitcast_convert_type3A_840 : vector<16xf32>
      %mul3A_852 = arith.constant 32 : i32
      %mul3A_853 = arith.muli %mul3A_852, %select_n3A_783 : i32
      %swap3A_854 = arith.index_cast %add3A_785 : i32 to index
      %swap3A_855 = arith.index_cast %mul3A_853 : i32 to index
      %swap3A_856 = tpu.vector_load %arg11[%swap3A_854, %swap3A_855] {strides = array<i32>} : memref<160x128xf32, #tpu.memory_space<vmem>>, vector<1x16xf32>,
      %swap3A_857 = vector.shape_cast %swap3A_856 : vector<1x16xf32> to vector<16xf32>
      %swap3A_858 = vector.shape_cast %mul3A_851 : vector<16xf32> to vector<1x16xf32>
      tpu.vector_store %arg11[%swap3A_854, %swap3A_855], %swap3A_858 {strides = array<i32>} : memref<160x128xf32, #tpu.memory_space<vmem>>, vector<1x16xf32>,
      %mul3A_859 = arith.constant 32 : i32
      %mul3A_860 = arith.muli %mul3A_859, %select_n3A_783 : i32
      %add3A_861 = arith.constant 16 : i32
      %add3A_862 = arith.addi %mul3A_860, %add3A_861 : i32
      %get3A_863 = arith.index_cast %add3A_785 : i32 to index
      %get3A_864 = arith.index_cast %add3A_862 : i32 to index
      %get3A_865 = tpu.vector_load %arg11[%get3A_863, %get3A_864] {strides = array<i32>} : memref<160x128xf32, #tpu.memory_space<vmem>>, vector<1x16xf32>,
      %get3A_866 = vector.shape_cast %get3A_865 : vector<1x16xf32> to vector<16xf32>
      %mul3A_867 = arith.mulf %get3A_866, %bitcast_convert_type3A_844 : vector<16xf32>
      %mul3A_868 = arith.constant 32 : i32
      %mul3A_869 = arith.muli %mul3A_868, %select_n3A_783 : i32
      %add3A_870 = arith.constant 16 : i32
      %add3A_871 = arith.addi %mul3A_869, %add3A_870 : i32
      %swap3A_872 = arith.index_cast %add3A_785 : i32 to index
      %swap3A_873 = arith.index_cast %add3A_871 : i32 to index
      %swap3A_874 = tpu.vector_load %arg11[%swap3A_872, %swap3A_873] {strides = array<i32>} : memref<160x128xf32, #tpu.memory_space<vmem>>, vector<1x16xf32>,
      %swap3A_875 = vector.shape_cast %swap3A_874 : vector<1x16xf32> to vector<16xf32>
      %swap3A_876 = vector.shape_cast %mul3A_867 : vector<16xf32> to vector<1x16xf32>
      tpu.vector_store %arg11[%swap3A_872, %swap3A_873], %swap3A_876 {strides = array<i32>} : memref<160x128xf32, #tpu.memory_space<vmem>>, vector<1x16xf32>,
      %scan3A_877 = arith.constant 3 : i32
      %scan3A_878 = arith.addi %scan3A_477, %scan3A_877 : i32
      %jit3A_879 = arith.constant 4 : i32
      %div3A_880 = arith.divsi %scan3A_878, %jit3A_879 : i32
      %sign3A_881 = arith.constant 0 : i32
      %sign3A_882 = arith.cmpi sgt, %scan3A_878, %sign3A_881 : i32
      %sign3A_883 = arith.extui %sign3A_882 : i1 to i32
      %sign3A_884 = arith.constant 0 : i32
      %sign3A_885 = arith.cmpi slt, %scan3A_878, %sign3A_884 : i32
      %sign3A_886 = arith.extui %sign3A_885 : i1 to i32
      %sign3A_887 = arith.subi %sign3A_883, %sign3A_886 : i32
      %sign3A_888 = arith.constant 0 : i32
      %sign3A_889 = arith.cmpi sgt, %jit3A_879, %sign3A_888 : i32
      %sign3A_890 = arith.extui %sign3A_889 : i1 to i32
      %sign3A_891 = arith.constant 0 : i32
      %sign3A_892 = arith.cmpi slt, %jit3A_879, %sign3A_891 : i32
      %sign3A_893 = arith.extui %sign3A_892 : i1 to i32
      %sign3A_894 = arith.subi %sign3A_890, %sign3A_893 : i32
      %ne3A_895 = arith.cmpi ne, %sign3A_887, %sign3A_894 : i32
      %rem3A_896 = arith.remsi %scan3A_878, %jit3A_879 : i32
      %ne3A_897 = arith.constant 0 : i32
      %ne3A_898 = arith.cmpi ne, %rem3A_896, %ne3A_897 : i32
      %and3A_899 = arith.andi %ne3A_895, %ne3A_898 : i1
      %sub3A_900 = arith.constant 1 : i32
      %sub3A_901 = arith.subi %div3A_880, %sub3A_900 : i32
      %select_n3A_902 = arith.select %and3A_899, %sub3A_901, %div3A_880 : i32
      %jit3A_903 = arith.constant 4 : i32
      %eq3A_904 = arith.constant 0 : i32
      %eq3A_905 = arith.cmpi eq, %jit3A_903, %eq3A_904 : i32
      %jit3A_906 = arith.constant 1 : i32
      %select_n3A_907 = arith.select %eq3A_905, %jit3A_906, %jit3A_903 : i32
      %rem3A_908 = arith.remsi %scan3A_878, %select_n3A_907 : i32
      %ne3A_909 = arith.constant 0 : i32
      %ne3A_910 = arith.cmpi ne, %rem3A_908, %ne3A_909 : i32
      %lt3A_911 = arith.constant 0 : i32
      %lt3A_912 = arith.cmpi slt, %rem3A_908, %lt3A_911 : i32
      %lt3A_913 = arith.constant 0 : i32
      %lt3A_914 = arith.cmpi slt, %select_n3A_907, %lt3A_913 : i32
      %ne3A_915 = arith.xori %lt3A_912, %lt3A_914 : i1
      %and3A_916 = arith.andi %ne3A_915, %ne3A_910 : i1
      %add3A_917 = arith.addi %rem3A_908, %select_n3A_907 : i32
      %select_n3A_918 = arith.select %and3A_916, %add3A_917, %rem3A_908 : i32
      %add3A_919 = arith.constant 0 : i32
      %add3A_920 = arith.addi %add3A_919, %select_n3A_902 : i32
      %jit3A_921 = arith.constant 40 : i32
      %eq3A_922 = arith.constant 0 : i32
      %eq3A_923 = arith.cmpi eq, %jit3A_921, %eq3A_922 : i32
      %jit3A_924 = arith.constant 1 : i32
      %select_n3A_925 = arith.select %eq3A_923, %jit3A_924, %jit3A_921 : i32
      %rem3A_926 = arith.remsi %select_n3A_902, %select_n3A_925 : i32
      %ne3A_927 = arith.constant 0 : i32
      %ne3A_928 = arith.cmpi ne, %rem3A_926, %ne3A_927 : i32
      %lt3A_929 = arith.constant 0 : i32
      %lt3A_930 = arith.cmpi slt, %rem3A_926, %lt3A_929 : i32
      %lt3A_931 = arith.constant 0 : i32
      %lt3A_932 = arith.cmpi slt, %select_n3A_925, %lt3A_931 : i32
      %ne3A_933 = arith.xori %lt3A_930, %lt3A_932 : i1
      %and3A_934 = arith.andi %ne3A_933, %ne3A_928 : i1
      %add3A_935 = arith.addi %rem3A_926, %select_n3A_925 : i32
      %select_n3A_936 = arith.select %and3A_934, %add3A_935, %rem3A_926 : i32
      %add3A_937 = arith.constant 0 : i32
      %add3A_938 = arith.addi %add3A_937, %select_n3A_936 : i32
      %jit3A_939 = arith.constant 40 : i32
      %div3A_940 = arith.divsi %select_n3A_902, %jit3A_939 : i32
      %sign3A_941 = arith.constant 0 : i32
      %sign3A_942 = arith.cmpi sgt, %select_n3A_902, %sign3A_941 : i32
      %sign3A_943 = arith.extui %sign3A_942 : i1 to i32
      %sign3A_944 = arith.constant 0 : i32
      %sign3A_945 = arith.cmpi slt, %select_n3A_902, %sign3A_944 : i32
      %sign3A_946 = arith.extui %sign3A_945 : i1 to i32
      %sign3A_947 = arith.subi %sign3A_943, %sign3A_946 : i32
      %sign3A_948 = arith.constant 0 : i32
      %sign3A_949 = arith.cmpi sgt, %jit3A_939, %sign3A_948 : i32
      %sign3A_950 = arith.extui %sign3A_949 : i1 to i32
      %sign3A_951 = arith.constant 0 : i32
      %sign3A_952 = arith.cmpi slt, %jit3A_939, %sign3A_951 : i32
      %sign3A_953 = arith.extui %sign3A_952 : i1 to i32
      %sign3A_954 = arith.subi %sign3A_950, %sign3A_953 : i32
      %ne3A_955 = arith.cmpi ne, %sign3A_947, %sign3A_954 : i32
      %rem3A_956 = arith.remsi %select_n3A_902, %jit3A_939 : i32
      %ne3A_957 = arith.constant 0 : i32
      %ne3A_958 = arith.cmpi ne, %rem3A_956, %ne3A_957 : i32
      %and3A_959 = arith.andi %ne3A_955, %ne3A_958 : i1
      %sub3A_960 = arith.constant 1 : i32
      %sub3A_961 = arith.subi %div3A_940, %sub3A_960 : i32
      %select_n3A_962 = arith.select %and3A_959, %sub3A_961, %div3A_940 : i32
      %mul3A_963 = arith.constant 64 : i32
      %mul3A_964 = arith.muli %select_n3A_962, %mul3A_963 : i32
      %mul3A_965 = arith.constant 16 : i32
      %mul3A_966 = arith.muli %select_n3A_918, %mul3A_965 : i32
      %add3A_967 = arith.addi %mul3A_964, %mul3A_966 : i32
      %get3A_968 = arith.index_cast %add3A_938 : i32 to index
      %get3A_969 = arith.index_cast %add3A_967 : i32 to index
      %get3A_970 = tpu.vector_load %arg12[%get3A_968, %get3A_969] {strides = array<i32>} : memref<80x128xi32, #tpu.memory_space<vmem>>, vector<1x16xi32>,
      %get3A_971 = vector.shape_cast %get3A_970 : vector<1x16xi32> to vector<16xi32>
      %shift_left3A_972 = arith.constant 16 : i32
      %shift_left3A_973 = vector.broadcast %shift_left3A_972 : i32 to vector<16xi32>
      %shift_left3A_974 = arith.shli %get3A_971, %shift_left3A_973 : vector<16xi32>
      %bitcast_convert_type3A_975 = tpu.bitcast %shift_left3A_974 : vector<16xi32> -> vector<16xf32>
      %and3A_976 = arith.constant -65536 : i32
      %and3A_977 = vector.broadcast %and3A_976 : i32 to vector<16xi32>
      %and3A_978 = arith.andi %get3A_971, %and3A_977 : vector<16xi32>
      %bitcast_convert_type3A_979 = tpu.bitcast %and3A_978 : vector<16xi32> -> vector<16xf32>
      %mul3A_980 = arith.constant 32 : i32
      %mul3A_981 = arith.muli %mul3A_980, %select_n3A_918 : i32
      %get3A_982 = arith.index_cast %add3A_920 : i32 to index
      %get3A_983 = arith.index_cast %mul3A_981 : i32 to index
      %get3A_984 = tpu.vector_load %arg11[%get3A_982, %get3A_983] {strides = array<i32>} : memref<160x128xf32, #tpu.memory_space<vmem>>, vector<1x16xf32>,
      %get3A_985 = vector.shape_cast %get3A_984 : vector<1x16xf32> to vector<16xf32>
      %mul3A_986 = arith.mulf %get3A_985, %bitcast_convert_type3A_975 : vector<16xf32>
      %mul3A_987 = arith.constant 32 : i32
      %mul3A_988 = arith.muli %mul3A_987, %select_n3A_918 : i32
      %swap3A_989 = arith.index_cast %add3A_920 : i32 to index
      %swap3A_990 = arith.index_cast %mul3A_988 : i32 to index
      %swap3A_991 = tpu.vector_load %arg11[%swap3A_989, %swap3A_990] {strides = array<i32>} : memref<160x128xf32, #tpu.memory_space<vmem>>, vector<1x16xf32>,
      %swap3A_992 = vector.shape_cast %swap3A_991 : vector<1x16xf32> to vector<16xf32>
      %swap3A_993 = vector.shape_cast %mul3A_986 : vector<16xf32> to vector<1x16xf32>
      tpu.vector_store %arg11[%swap3A_989, %swap3A_990], %swap3A_993 {strides = array<i32>} : memref<160x128xf32, #tpu.memory_space<vmem>>, vector<1x16xf32>,
      %mul3A_994 = arith.constant 32 : i32
      %mul3A_995 = arith.muli %mul3A_994, %select_n3A_918 : i32
      %add3A_996 = arith.constant 16 : i32
      %add3A_997 = arith.addi %mul3A_995, %add3A_996 : i32
      %get3A_998 = arith.index_cast %add3A_920 : i32 to index
      %get3A_999 = arith.index_cast %add3A_997 : i32 to index
      %get3A_1000 = tpu.vector_load %arg11[%get3A_998, %get3A_999] {strides = array<i32>} : memref<160x128xf32, #tpu.memory_space<vmem>>, vector<1x16xf32>,
      %get3A_1001 = vector.shape_cast %get3A_1000 : vector<1x16xf32> to vector<16xf32>
      %mul3A_1002 = arith.mulf %get3A_1001, %bitcast_convert_type3A_979 : vector<16xf32>
      %mul3A_1003 = arith.constant 32 : i32
      %mul3A_1004 = arith.muli %mul3A_1003, %select_n3A_918 : i32
      %add3A_1005 = arith.constant 16 : i32
      %add3A_1006 = arith.addi %mul3A_1004, %add3A_1005 : i32
      %swap3A_1007 = arith.index_cast %add3A_920 : i32 to index
      %swap3A_1008 = arith.index_cast %add3A_1006 : i32 to index
      %swap3A_1009 = tpu.vector_load %arg11[%swap3A_1007, %swap3A_1008] {strides = array<i32>} : memref<160x128xf32, #tpu.memory_space<vmem>>, vector<1x16xf32>,
      %swap3A_1010 = vector.shape_cast %swap3A_1009 : vector<1x16xf32> to vector<16xf32>
      %swap3A_1011 = vector.shape_cast %mul3A_1002 : vector<16xf32> to vector<1x16xf32>
      tpu.vector_store %arg11[%swap3A_1007, %swap3A_1008], %swap3A_1011 {strides = array<i32>} : memref<160x128xf32, #tpu.memory_space<vmem>>, vector<1x16xf32>,
      %scan3A_1012 = arith.constant 4 : i32
      %scan3A_1013 = arith.addi %scan3A_477, %scan3A_1012 : i32
      %jit3A_1014 = arith.constant 4 : i32
      %div3A_1015 = arith.divsi %scan3A_1013, %jit3A_1014 : i32
      %sign3A_1016 = arith.constant 0 : i32
      %sign3A_1017 = arith.cmpi sgt, %scan3A_1013, %sign3A_1016 : i32
      %sign3A_1018 = arith.extui %sign3A_1017 : i1 to i32
      %sign3A_1019 = arith.constant 0 : i32
      %sign3A_1020 = arith.cmpi slt, %scan3A_1013, %sign3A_1019 : i32
      %sign3A_1021 = arith.extui %sign3A_1020 : i1 to i32
      %sign3A_1022 = arith.subi %sign3A_1018, %sign3A_1021 : i32
      %sign3A_1023 = arith.constant 0 : i32
      %sign3A_1024 = arith.cmpi sgt, %jit3A_1014, %sign3A_1023 : i32
      %sign3A_1025 = arith.extui %sign3A_1024 : i1 to i32
      %sign3A_1026 = arith.constant 0 : i32
      %sign3A_1027 = arith.cmpi slt, %jit3A_1014, %sign3A_1026 : i32
      %sign3A_1028 = arith.extui %sign3A_1027 : i1 to i32
      %sign3A_1029 = arith.subi %sign3A_1025, %sign3A_1028 : i32
      %ne3A_1030 = arith.cmpi ne, %sign3A_1022, %sign3A_1029 : i32
      %rem3A_1031 = arith.remsi %scan3A_1013, %jit3A_1014 : i32
      %ne3A_1032 = arith.constant 0 : i32
      %ne3A_1033 = arith.cmpi ne, %rem3A_1031, %ne3A_1032 : i32
      %and3A_1034 = arith.andi %ne3A_1030, %ne3A_1033 : i1
      %sub3A_1035 = arith.constant 1 : i32
      %sub3A_1036 = arith.subi %div3A_1015, %sub3A_1035 : i32
      %select_n3A_1037 = arith.select %and3A_1034, %sub3A_1036, %div3A_1015 : i32
      %jit3A_1038 = arith.constant 4 : i32
      %eq3A_1039 = arith.constant 0 : i32
      %eq3A_1040 = arith.cmpi eq, %jit3A_1038, %eq3A_1039 : i32
      %jit3A_1041 = arith.constant 1 : i32
      %select_n3A_1042 = arith.select %eq3A_1040, %jit3A_1041, %jit3A_1038 : i32
      %rem3A_1043 = arith.remsi %scan3A_1013, %select_n3A_1042 : i32
      %ne3A_1044 = arith.constant 0 : i32
      %ne3A_1045 = arith.cmpi ne, %rem3A_1043, %ne3A_1044 : i32
      %lt3A_1046 = arith.constant 0 : i32
      %lt3A_1047 = arith.cmpi slt, %rem3A_1043, %lt3A_1046 : i32
      %lt3A_1048 = arith.constant 0 : i32
      %lt3A_1049 = arith.cmpi slt, %select_n3A_1042, %lt3A_1048 : i32
      %ne3A_1050 = arith.xori %lt3A_1047, %lt3A_1049 : i1
      %and3A_1051 = arith.andi %ne3A_1050, %ne3A_1045 : i1
      %add3A_1052 = arith.addi %rem3A_1043, %select_n3A_1042 : i32
      %select_n3A_1053 = arith.select %and3A_1051, %add3A_1052, %rem3A_1043 : i32
      %add3A_1054 = arith.constant 0 : i32
      %add3A_1055 = arith.addi %add3A_1054, %select_n3A_1037 : i32
      %jit3A_1056 = arith.constant 40 : i32
      %eq3A_1057 = arith.constant 0 : i32
      %eq3A_1058 = arith.cmpi eq, %jit3A_1056, %eq3A_1057 : i32
      %jit3A_1059 = arith.constant 1 : i32
      %select_n3A_1060 = arith.select %eq3A_1058, %jit3A_1059, %jit3A_1056 : i32
      %rem3A_1061 = arith.remsi %select_n3A_1037, %select_n3A_1060 : i32
      %ne3A_1062 = arith.constant 0 : i32
      %ne3A_1063 = arith.cmpi ne, %rem3A_1061, %ne3A_1062 : i32
      %lt3A_1064 = arith.constant 0 : i32
      %lt3A_1065 = arith.cmpi slt, %rem3A_1061, %lt3A_1064 : i32
      %lt3A_1066 = arith.constant 0 : i32
      %lt3A_1067 = arith.cmpi slt, %select_n3A_1060, %lt3A_1066 : i32
      %ne3A_1068 = arith.xori %lt3A_1065, %lt3A_1067 : i1
      %and3A_1069 = arith.andi %ne3A_1068, %ne3A_1063 : i1
      %add3A_1070 = arith.addi %rem3A_1061, %select_n3A_1060 : i32
      %select_n3A_1071 = arith.select %and3A_1069, %add3A_1070, %rem3A_1061 : i32
      %add3A_1072 = arith.constant 0 : i32
      %add3A_1073 = arith.addi %add3A_1072, %select_n3A_1071 : i32
      %jit3A_1074 = arith.constant 40 : i32
      %div3A_1075 = arith.divsi %select_n3A_1037, %jit3A_1074 : i32
      %sign3A_1076 = arith.constant 0 : i32
      %sign3A_1077 = arith.cmpi sgt, %select_n3A_1037, %sign3A_1076 : i32
      %sign3A_1078 = arith.extui %sign3A_1077 : i1 to i32
      %sign3A_1079 = arith.constant 0 : i32
      %sign3A_1080 = arith.cmpi slt, %select_n3A_1037, %sign3A_1079 : i32
      %sign3A_1081 = arith.extui %sign3A_1080 : i1 to i32
      %sign3A_1082 = arith.subi %sign3A_1078, %sign3A_1081 : i32
      %sign3A_1083 = arith.constant 0 : i32
      %sign3A_1084 = arith.cmpi sgt, %jit3A_1074, %sign3A_1083 : i32
      %sign3A_1085 = arith.extui %sign3A_1084 : i1 to i32
      %sign3A_1086 = arith.constant 0 : i32
      %sign3A_1087 = arith.cmpi slt, %jit3A_1074, %sign3A_1086 : i32
      %sign3A_1088 = arith.extui %sign3A_1087 : i1 to i32
      %sign3A_1089 = arith.subi %sign3A_1085, %sign3A_1088 : i32
      %ne3A_1090 = arith.cmpi ne, %sign3A_1082, %sign3A_1089 : i32
      %rem3A_1091 = arith.remsi %select_n3A_1037, %jit3A_1074 : i32
      %ne3A_1092 = arith.constant 0 : i32
      %ne3A_1093 = arith.cmpi ne, %rem3A_1091, %ne3A_1092 : i32
      %and3A_1094 = arith.andi %ne3A_1090, %ne3A_1093 : i1
      %sub3A_1095 = arith.constant 1 : i32
      %sub3A_1096 = arith.subi %div3A_1075, %sub3A_1095 : i32
      %select_n3A_1097 = arith.select %and3A_1094, %sub3A_1096, %div3A_1075 : i32
      %mul3A_1098 = arith.constant 64 : i32
      %mul3A_1099 = arith.muli %select_n3A_1097, %mul3A_1098 : i32
      %mul3A_1100 = arith.constant 16 : i32
      %mul3A_1101 = arith.muli %select_n3A_1053, %mul3A_1100 : i32
      %add3A_1102 = arith.addi %mul3A_1099, %mul3A_1101 : i32
      %get3A_1103 = arith.index_cast %add3A_1073 : i32 to index
      %get3A_1104 = arith.index_cast %add3A_1102 : i32 to index
      %get3A_1105 = tpu.vector_load %arg12[%get3A_1103, %get3A_1104] {strides = array<i32>} : memref<80x128xi32, #tpu.memory_space<vmem>>, vector<1x16xi32>,
      %get3A_1106 = vector.shape_cast %get3A_1105 : vector<1x16xi32> to vector<16xi32>
      %shift_left3A_1107 = arith.constant 16 : i32
      %shift_left3A_1108 = vector.broadcast %shift_left3A_1107 : i32 to vector<16xi32>
      %shift_left3A_1109 = arith.shli %get3A_1106, %shift_left3A_1108 : vector<16xi32>
      %bitcast_convert_type3A_1110 = tpu.bitcast %shift_left3A_1109 : vector<16xi32> -> vector<16xf32>
      %and3A_1111 = arith.constant -65536 : i32
      %and3A_1112 = vector.broadcast %and3A_1111 : i32 to vector<16xi32>
      %and3A_1113 = arith.andi %get3A_1106, %and3A_1112 : vector<16xi32>
      %bitcast_convert_type3A_1114 = tpu.bitcast %and3A_1113 : vector<16xi32> -> vector<16xf32>
      %mul3A_1115 = arith.constant 32 : i32
      %mul3A_1116 = arith.muli %mul3A_1115, %select_n3A_1053 : i32
      %get3A_1117 = arith.index_cast %add3A_1055 : i32 to index
      %get3A_1118 = arith.index_cast %mul3A_1116 : i32 to index
      %get3A_1119 = tpu.vector_load %arg11[%get3A_1117, %get3A_1118] {strides = array<i32>} : memref<160x128xf32, #tpu.memory_space<vmem>>, vector<1x16xf32>,
      %get3A_1120 = vector.shape_cast %get3A_1119 : vector<1x16xf32> to vector<16xf32>
      %mul3A_1121 = arith.mulf %get3A_1120, %bitcast_convert_type3A_1110 : vector<16xf32>
      %mul3A_1122 = arith.constant 32 : i32
      %mul3A_1123 = arith.muli %mul3A_1122, %select_n3A_1053 : i32
      %swap3A_1124 = arith.index_cast %add3A_1055 : i32 to index
      %swap3A_1125 = arith.index_cast %mul3A_1123 : i32 to index
      %swap3A_1126 = tpu.vector_load %arg11[%swap3A_1124, %swap3A_1125] {strides = array<i32>} : memref<160x128xf32, #tpu.memory_space<vmem>>, vector<1x16xf32>,
      %swap3A_1127 = vector.shape_cast %swap3A_1126 : vector<1x16xf32> to vector<16xf32>
      %swap3A_1128 = vector.shape_cast %mul3A_1121 : vector<16xf32> to vector<1x16xf32>
      tpu.vector_store %arg11[%swap3A_1124, %swap3A_1125], %swap3A_1128 {strides = array<i32>} : memref<160x128xf32, #tpu.memory_space<vmem>>, vector<1x16xf32>,
      %mul3A_1129 = arith.constant 32 : i32
      %mul3A_1130 = arith.muli %mul3A_1129, %select_n3A_1053 : i32
      %add3A_1131 = arith.constant 16 : i32
      %add3A_1132 = arith.addi %mul3A_1130, %add3A_1131 : i32
      %get3A_1133 = arith.index_cast %add3A_1055 : i32 to index
      %get3A_1134 = arith.index_cast %add3A_1132 : i32 to index
      %get3A_1135 = tpu.vector_load %arg11[%get3A_1133, %get3A_1134] {strides = array<i32>} : memref<160x128xf32, #tpu.memory_space<vmem>>, vector<1x16xf32>,
      %get3A_1136 = vector.shape_cast %get3A_1135 : vector<1x16xf32> to vector<16xf32>
      %mul3A_1137 = arith.mulf %get3A_1136, %bitcast_convert_type3A_1114 : vector<16xf32>
      %mul3A_1138 = arith.constant 32 : i32
      %mul3A_1139 = arith.muli %mul3A_1138, %select_n3A_1053 : i32
      %add3A_1140 = arith.constant 16 : i32
      %add3A_1141 = arith.addi %mul3A_1139, %add3A_1140 : i32
      %swap3A_1142 = arith.index_cast %add3A_1055 : i32 to index
      %swap3A_1143 = arith.index_cast %add3A_1141 : i32 to index
      %swap3A_1144 = tpu.vector_load %arg11[%swap3A_1142, %swap3A_1143] {strides = array<i32>} : memref<160x128xf32, #tpu.memory_space<vmem>>, vector<1x16xf32>,
      %swap3A_1145 = vector.shape_cast %swap3A_1144 : vector<1x16xf32> to vector<16xf32>
      %swap3A_1146 = vector.shape_cast %mul3A_1137 : vector<16xf32> to vector<1x16xf32>
      tpu.vector_store %arg11[%swap3A_1142, %swap3A_1143], %swap3A_1146 {strides = array<i32>} : memref<160x128xf32, #tpu.memory_space<vmem>>, vector<1x16xf32>,
      %scan3A_1147 = arith.constant 5 : i32
      %scan3A_1148 = arith.addi %scan3A_477, %scan3A_1147 : i32
      %jit3A_1149 = arith.constant 4 : i32
      %div3A_1150 = arith.divsi %scan3A_1148, %jit3A_1149 : i32
      %sign3A_1151 = arith.constant 0 : i32
      %sign3A_1152 = arith.cmpi sgt, %scan3A_1148, %sign3A_1151 : i32
      %sign3A_1153 = arith.extui %sign3A_1152 : i1 to i32
      %sign3A_1154 = arith.constant 0 : i32
      %sign3A_1155 = arith.cmpi slt, %scan3A_1148, %sign3A_1154 : i32
      %sign3A_1156 = arith.extui %sign3A_1155 : i1 to i32
      %sign3A_1157 = arith.subi %sign3A_1153, %sign3A_1156 : i32
      %sign3A_1158 = arith.constant 0 : i32
      %sign3A_1159 = arith.cmpi sgt, %jit3A_1149, %sign3A_1158 : i32
      %sign3A_1160 = arith.extui %sign3A_1159 : i1 to i32
      %sign3A_1161 = arith.constant 0 : i32
      %sign3A_1162 = arith.cmpi slt, %jit3A_1149, %sign3A_1161 : i32
      %sign3A_1163 = arith.extui %sign3A_1162 : i1 to i32
      %sign3A_1164 = arith.subi %sign3A_1160, %sign3A_1163 : i32
      %ne3A_1165 = arith.cmpi ne, %sign3A_1157, %sign3A_1164 : i32
      %rem3A_1166 = arith.remsi %scan3A_1148, %jit3A_1149 : i32
      %ne3A_1167 = arith.constant 0 : i32
      %ne3A_1168 = arith.cmpi ne, %rem3A_1166, %ne3A_1167 : i32
      %and3A_1169 = arith.andi %ne3A_1165, %ne3A_1168 : i1
      %sub3A_1170 = arith.constant 1 : i32
      %sub3A_1171 = arith.subi %div3A_1150, %sub3A_1170 : i32
      %select_n3A_1172 = arith.select %and3A_1169, %sub3A_1171, %div3A_1150 : i32
      %jit3A_1173 = arith.constant 4 : i32
      %eq3A_1174 = arith.constant 0 : i32
      %eq3A_1175 = arith.cmpi eq, %jit3A_1173, %eq3A_1174 : i32
      %jit3A_1176 = arith.constant 1 : i32
      %select_n3A_1177 = arith.select %eq3A_1175, %jit3A_1176, %jit3A_1173 : i32
      %rem3A_1178 = arith.remsi %scan3A_1148, %select_n3A_1177 : i32
      %ne3A_1179 = arith.constant 0 : i32
      %ne3A_1180 = arith.cmpi ne, %rem3A_1178, %ne3A_1179 : i32
      %lt3A_1181 = arith.constant 0 : i32
      %lt3A_1182 = arith.cmpi slt, %rem3A_1178, %lt3A_1181 : i32
      %lt3A_1183 = arith.constant 0 : i32
      %lt3A_1184 = arith.cmpi slt, %select_n3A_1177, %lt3A_1183 : i32
      %ne3A_1185 = arith.xori %lt3A_1182, %lt3A_1184 : i1
      %and3A_1186 = arith.andi %ne3A_1185, %ne3A_1180 : i1
      %add3A_1187 = arith.addi %rem3A_1178, %select_n3A_1177 : i32
      %select_n3A_1188 = arith.select %and3A_1186, %add3A_1187, %rem3A_1178 : i32
      %add3A_1189 = arith.constant 0 : i32
      %add3A_1190 = arith.addi %add3A_1189, %select_n3A_1172 : i32
      %jit3A_1191 = arith.constant 40 : i32
      %eq3A_1192 = arith.constant 0 : i32
      %eq3A_1193 = arith.cmpi eq, %jit3A_1191, %eq3A_1192 : i32
      %jit3A_1194 = arith.constant 1 : i32
      %select_n3A_1195 = arith.select %eq3A_1193, %jit3A_1194, %jit3A_1191 : i32
      %rem3A_1196 = arith.remsi %select_n3A_1172, %select_n3A_1195 : i32
      %ne3A_1197 = arith.constant 0 : i32
      %ne3A_1198 = arith.cmpi ne, %rem3A_1196, %ne3A_1197 : i32
      %lt3A_1199 = arith.constant 0 : i32
      %lt3A_1200 = arith.cmpi slt, %rem3A_1196, %lt3A_1199 : i32
      %lt3A_1201 = arith.constant 0 : i32
      %lt3A_1202 = arith.cmpi slt, %select_n3A_1195, %lt3A_1201 : i32
      %ne3A_1203 = arith.xori %lt3A_1200, %lt3A_1202 : i1
      %and3A_1204 = arith.andi %ne3A_1203, %ne3A_1198 : i1
      %add3A_1205 = arith.addi %rem3A_1196, %select_n3A_1195 : i32
      %select_n3A_1206 = arith.select %and3A_1204, %add3A_1205, %rem3A_1196 : i32
      %add3A_1207 = arith.constant 0 : i32
      %add3A_1208 = arith.addi %add3A_1207, %select_n3A_1206 : i32
      %jit3A_1209 = arith.constant 40 : i32
      %div3A_1210 = arith.divsi %select_n3A_1172, %jit3A_1209 : i32
      %sign3A_1211 = arith.constant 0 : i32
      %sign3A_1212 = arith.cmpi sgt, %select_n3A_1172, %sign3A_1211 : i32
      %sign3A_1213 = arith.extui %sign3A_1212 : i1 to i32
      %sign3A_1214 = arith.constant 0 : i32
      %sign3A_1215 = arith.cmpi slt, %select_n3A_1172, %sign3A_1214 : i32
      %sign3A_1216 = arith.extui %sign3A_1215 : i1 to i32
      %sign3A_1217 = arith.subi %sign3A_1213, %sign3A_1216 : i32
      %sign3A_1218 = arith.constant 0 : i32
      %sign3A_1219 = arith.cmpi sgt, %jit3A_1209, %sign3A_1218 : i32
      %sign3A_1220 = arith.extui %sign3A_1219 : i1 to i32
      %sign3A_1221 = arith.constant 0 : i32
      %sign3A_1222 = arith.cmpi slt, %jit3A_1209, %sign3A_1221 : i32
      %sign3A_1223 = arith.extui %sign3A_1222 : i1 to i32
      %sign3A_1224 = arith.subi %sign3A_1220, %sign3A_1223 : i32
      %ne3A_1225 = arith.cmpi ne, %sign3A_1217, %sign3A_1224 : i32
      %rem3A_1226 = arith.remsi %select_n3A_1172, %jit3A_1209 : i32
      %ne3A_1227 = arith.constant 0 : i32
      %ne3A_1228 = arith.cmpi ne, %rem3A_1226, %ne3A_1227 : i32
      %and3A_1229 = arith.andi %ne3A_1225, %ne3A_1228 : i1
      %sub3A_1230 = arith.constant 1 : i32
      %sub3A_1231 = arith.subi %div3A_1210, %sub3A_1230 : i32
      %select_n3A_1232 = arith.select %and3A_1229, %sub3A_1231, %div3A_1210 : i32
      %mul3A_1233 = arith.constant 64 : i32
      %mul3A_1234 = arith.muli %select_n3A_1232, %mul3A_1233 : i32
      %mul3A_1235 = arith.constant 16 : i32
      %mul3A_1236 = arith.muli %select_n3A_1188, %mul3A_1235 : i32
      %add3A_1237 = arith.addi %mul3A_1234, %mul3A_1236 : i32
      %get3A_1238 = arith.index_cast %add3A_1208 : i32 to index
      %get3A_1239 = arith.index_cast %add3A_1237 : i32 to index
      %get3A_1240 = tpu.vector_load %arg12[%get3A_1238, %get3A_1239] {strides = array<i32>} : memref<80x128xi32, #tpu.memory_space<vmem>>, vector<1x16xi32>,
      %get3A_1241 = vector.shape_cast %get3A_1240 : vector<1x16xi32> to vector<16xi32>
      %shift_left3A_1242 = arith.constant 16 : i32
      %shift_left3A_1243 = vector.broadcast %shift_left3A_1242 : i32 to vector<16xi32>
      %shift_left3A_1244 = arith.shli %get3A_1241, %shift_left3A_1243 : vector<16xi32>
      %bitcast_convert_type3A_1245 = tpu.bitcast %shift_left3A_1244 : vector<16xi32> -> vector<16xf32>
      %and3A_1246 = arith.constant -65536 : i32
      %and3A_1247 = vector.broadcast %and3A_1246 : i32 to vector<16xi32>
      %and3A_1248 = arith.andi %get3A_1241, %and3A_1247 : vector<16xi32>
      %bitcast_convert_type3A_1249 = tpu.bitcast %and3A_1248 : vector<16xi32> -> vector<16xf32>
      %mul3A_1250 = arith.constant 32 : i32
      %mul3A_1251 = arith.muli %mul3A_1250, %select_n3A_1188 : i32
      %get3A_1252 = arith.index_cast %add3A_1190 : i32 to index
      %get3A_1253 = arith.index_cast %mul3A_1251 : i32 to index
      %get3A_1254 = tpu.vector_load %arg11[%get3A_1252, %get3A_1253] {strides = array<i32>} : memref<160x128xf32, #tpu.memory_space<vmem>>, vector<1x16xf32>,
      %get3A_1255 = vector.shape_cast %get3A_1254 : vector<1x16xf32> to vector<16xf32>
      %mul3A_1256 = arith.mulf %get3A_1255, %bitcast_convert_type3A_1245 : vector<16xf32>
      %mul3A_1257 = arith.constant 32 : i32
      %mul3A_1258 = arith.muli %mul3A_1257, %select_n3A_1188 : i32
      %swap3A_1259 = arith.index_cast %add3A_1190 : i32 to index
      %swap3A_1260 = arith.index_cast %mul3A_1258 : i32 to index
      %swap3A_1261 = tpu.vector_load %arg11[%swap3A_1259, %swap3A_1260] {strides = array<i32>} : memref<160x128xf32, #tpu.memory_space<vmem>>, vector<1x16xf32>,
      %swap3A_1262 = vector.shape_cast %swap3A_1261 : vector<1x16xf32> to vector<16xf32>
      %swap3A_1263 = vector.shape_cast %mul3A_1256 : vector<16xf32> to vector<1x16xf32>
      tpu.vector_store %arg11[%swap3A_1259, %swap3A_1260], %swap3A_1263 {strides = array<i32>} : memref<160x128xf32, #tpu.memory_space<vmem>>, vector<1x16xf32>,
      %mul3A_1264 = arith.constant 32 : i32
      %mul3A_1265 = arith.muli %mul3A_1264, %select_n3A_1188 : i32
      %add3A_1266 = arith.constant 16 : i32
      %add3A_1267 = arith.addi %mul3A_1265, %add3A_1266 : i32
      %get3A_1268 = arith.index_cast %add3A_1190 : i32 to index
      %get3A_1269 = arith.index_cast %add3A_1267 : i32 to index
      %get3A_1270 = tpu.vector_load %arg11[%get3A_1268, %get3A_1269] {strides = array<i32>} : memref<160x128xf32, #tpu.memory_space<vmem>>, vector<1x16xf32>,
      %get3A_1271 = vector.shape_cast %get3A_1270 : vector<1x16xf32> to vector<16xf32>
      %mul3A_1272 = arith.mulf %get3A_1271, %bitcast_convert_type3A_1249 : vector<16xf32>
      %mul3A_1273 = arith.constant 32 : i32
      %mul3A_1274 = arith.muli %mul3A_1273, %select_n3A_1188 : i32
      %add3A_1275 = arith.constant 16 : i32
      %add3A_1276 = arith.addi %mul3A_1274, %add3A_1275 : i32
      %swap3A_1277 = arith.index_cast %add3A_1190 : i32 to index
      %swap3A_1278 = arith.index_cast %add3A_1276 : i32 to index
      %swap3A_1279 = tpu.vector_load %arg11[%swap3A_1277, %swap3A_1278] {strides = array<i32>} : memref<160x128xf32, #tpu.memory_space<vmem>>, vector<1x16xf32>,
      %swap3A_1280 = vector.shape_cast %swap3A_1279 : vector<1x16xf32> to vector<16xf32>
      %swap3A_1281 = vector.shape_cast %mul3A_1272 : vector<16xf32> to vector<1x16xf32>
      tpu.vector_store %arg11[%swap3A_1277, %swap3A_1278], %swap3A_1281 {strides = array<i32>} : memref<160x128xf32, #tpu.memory_space<vmem>>, vector<1x16xf32>,
      %scan3A_1282 = arith.constant 6 : i32
      %scan3A_1283 = arith.addi %scan3A_477, %scan3A_1282 : i32
      %jit3A_1284 = arith.constant 4 : i32
      %div3A_1285 = arith.divsi %scan3A_1283, %jit3A_1284 : i32
      %sign3A_1286 = arith.constant 0 : i32
      %sign3A_1287 = arith.cmpi sgt, %scan3A_1283, %sign3A_1286 : i32
      %sign3A_1288 = arith.extui %sign3A_1287 : i1 to i32
      %sign3A_1289 = arith.constant 0 : i32
      %sign3A_1290 = arith.cmpi slt, %scan3A_1283, %sign3A_1289 : i32
      %sign3A_1291 = arith.extui %sign3A_1290 : i1 to i32
      %sign3A_1292 = arith.subi %sign3A_1288, %sign3A_1291 : i32
      %sign3A_1293 = arith.constant 0 : i32
      %sign3A_1294 = arith.cmpi sgt, %jit3A_1284, %sign3A_1293 : i32
      %sign3A_1295 = arith.extui %sign3A_1294 : i1 to i32
      %sign3A_1296 = arith.constant 0 : i32
      %sign3A_1297 = arith.cmpi slt, %jit3A_1284, %sign3A_1296 : i32
      %sign3A_1298 = arith.extui %sign3A_1297 : i1 to i32
      %sign3A_1299 = arith.subi %sign3A_1295, %sign3A_1298 : i32
      %ne3A_1300 = arith.cmpi ne, %sign3A_1292, %sign3A_1299 : i32
      %rem3A_1301 = arith.remsi %scan3A_1283, %jit3A_1284 : i32
      %ne3A_1302 = arith.constant 0 : i32
      %ne3A_1303 = arith.cmpi ne, %rem3A_1301, %ne3A_1302 : i32
      %and3A_1304 = arith.andi %ne3A_1300, %ne3A_1303 : i1
      %sub3A_1305 = arith.constant 1 : i32
      %sub3A_1306 = arith.subi %div3A_1285, %sub3A_1305 : i32
      %select_n3A_1307 = arith.select %and3A_1304, %sub3A_1306, %div3A_1285 : i32
      %jit3A_1308 = arith.constant 4 : i32
      %eq3A_1309 = arith.constant 0 : i32
      %eq3A_1310 = arith.cmpi eq, %jit3A_1308, %eq3A_1309 : i32
      %jit3A_1311 = arith.constant 1 : i32
      %select_n3A_1312 = arith.select %eq3A_1310, %jit3A_1311, %jit3A_1308 : i32
      %rem3A_1313 = arith.remsi %scan3A_1283, %select_n3A_1312 : i32
      %ne3A_1314 = arith.constant 0 : i32
      %ne3A_1315 = arith.cmpi ne, %rem3A_1313, %ne3A_1314 : i32
      %lt3A_1316 = arith.constant 0 : i32
      %lt3A_1317 = arith.cmpi slt, %rem3A_1313, %lt3A_1316 : i32
      %lt3A_1318 = arith.constant 0 : i32
      %lt3A_1319 = arith.cmpi slt, %select_n3A_1312, %lt3A_1318 : i32
      %ne3A_1320 = arith.xori %lt3A_1317, %lt3A_1319 : i1
      %and3A_1321 = arith.andi %ne3A_1320, %ne3A_1315 : i1
      %add3A_1322 = arith.addi %rem3A_1313, %select_n3A_1312 : i32
      %select_n3A_1323 = arith.select %and3A_1321, %add3A_1322, %rem3A_1313 : i32
      %add3A_1324 = arith.constant 0 : i32
      %add3A_1325 = arith.addi %add3A_1324, %select_n3A_1307 : i32
      %jit3A_1326 = arith.constant 40 : i32
      %eq3A_1327 = arith.constant 0 : i32
      %eq3A_1328 = arith.cmpi eq, %jit3A_1326, %eq3A_1327 : i32
      %jit3A_1329 = arith.constant 1 : i32
      %select_n3A_1330 = arith.select %eq3A_1328, %jit3A_1329, %jit3A_1326 : i32
      %rem3A_1331 = arith.remsi %select_n3A_1307, %select_n3A_1330 : i32
      %ne3A_1332 = arith.constant 0 : i32
      %ne3A_1333 = arith.cmpi ne, %rem3A_1331, %ne3A_1332 : i32
      %lt3A_1334 = arith.constant 0 : i32
      %lt3A_1335 = arith.cmpi slt, %rem3A_1331, %lt3A_1334 : i32
      %lt3A_1336 = arith.constant 0 : i32
      %lt3A_1337 = arith.cmpi slt, %select_n3A_1330, %lt3A_1336 : i32
      %ne3A_1338 = arith.xori %lt3A_1335, %lt3A_1337 : i1
      %and3A_1339 = arith.andi %ne3A_1338, %ne3A_1333 : i1
      %add3A_1340 = arith.addi %rem3A_1331, %select_n3A_1330 : i32
      %select_n3A_1341 = arith.select %and3A_1339, %add3A_1340, %rem3A_1331 : i32
      %add3A_1342 = arith.constant 0 : i32
      %add3A_1343 = arith.addi %add3A_1342, %select_n3A_1341 : i32
      %jit3A_1344 = arith.constant 40 : i32
      %div3A_1345 = arith.divsi %select_n3A_1307, %jit3A_1344 : i32
      %sign3A_1346 = arith.constant 0 : i32
      %sign3A_1347 = arith.cmpi sgt, %select_n3A_1307, %sign3A_1346 : i32
      %sign3A_1348 = arith.extui %sign3A_1347 : i1 to i32
      %sign3A_1349 = arith.constant 0 : i32
      %sign3A_1350 = arith.cmpi slt, %select_n3A_1307, %sign3A_1349 : i32
      %sign3A_1351 = arith.extui %sign3A_1350 : i1 to i32
      %sign3A_1352 = arith.subi %sign3A_1348, %sign3A_1351 : i32
      %sign3A_1353 = arith.constant 0 : i32
      %sign3A_1354 = arith.cmpi sgt, %jit3A_1344, %sign3A_1353 : i32
      %sign3A_1355 = arith.extui %sign3A_1354 : i1 to i32
      %sign3A_1356 = arith.constant 0 : i32
      %sign3A_1357 = arith.cmpi slt, %jit3A_1344, %sign3A_1356 : i32
      %sign3A_1358 = arith.extui %sign3A_1357 : i1 to i32
      %sign3A_1359 = arith.subi %sign3A_1355, %sign3A_1358 : i32
      %ne3A_1360 = arith.cmpi ne, %sign3A_1352, %sign3A_1359 : i32
      %rem3A_1361 = arith.remsi %select_n3A_1307, %jit3A_1344 : i32
      %ne3A_1362 = arith.constant 0 : i32
      %ne3A_1363 = arith.cmpi ne, %rem3A_1361, %ne3A_1362 : i32
      %and3A_1364 = arith.andi %ne3A_1360, %ne3A_1363 : i1
      %sub3A_1365 = arith.constant 1 : i32
      %sub3A_1366 = arith.subi %div3A_1345, %sub3A_1365 : i32
      %select_n3A_1367 = arith.select %and3A_1364, %sub3A_1366, %div3A_1345 : i32
      %mul3A_1368 = arith.constant 64 : i32
      %mul3A_1369 = arith.muli %select_n3A_1367, %mul3A_1368 : i32
      %mul3A_1370 = arith.constant 16 : i32
      %mul3A_1371 = arith.muli %select_n3A_1323, %mul3A_1370 : i32
      %add3A_1372 = arith.addi %mul3A_1369, %mul3A_1371 : i32
      %get3A_1373 = arith.index_cast %add3A_1343 : i32 to index
      %get3A_1374 = arith.index_cast %add3A_1372 : i32 to index
      %get3A_1375 = tpu.vector_load %arg12[%get3A_1373, %get3A_1374] {strides = array<i32>} : memref<80x128xi32, #tpu.memory_space<vmem>>, vector<1x16xi32>,
      %get3A_1376 = vector.shape_cast %get3A_1375 : vector<1x16xi32> to vector<16xi32>
      %shift_left3A_1377 = arith.constant 16 : i32
      %shift_left3A_1378 = vector.broadcast %shift_left3A_1377 : i32 to vector<16xi32>
      %shift_left3A_1379 = arith.shli %get3A_1376, %shift_left3A_1378 : vector<16xi32>
      %bitcast_convert_type3A_1380 = tpu.bitcast %shift_left3A_1379 : vector<16xi32> -> vector<16xf32>
      %and3A_1381 = arith.constant -65536 : i32
      %and3A_1382 = vector.broadcast %and3A_1381 : i32 to vector<16xi32>
      %and3A_1383 = arith.andi %get3A_1376, %and3A_1382 : vector<16xi32>
      %bitcast_convert_type3A_1384 = tpu.bitcast %and3A_1383 : vector<16xi32> -> vector<16xf32>
      %mul3A_1385 = arith.constant 32 : i32
      %mul3A_1386 = arith.muli %mul3A_1385, %select_n3A_1323 : i32
      %get3A_1387 = arith.index_cast %add3A_1325 : i32 to index
      %get3A_1388 = arith.index_cast %mul3A_1386 : i32 to index
      %get3A_1389 = tpu.vector_load %arg11[%get3A_1387, %get3A_1388] {strides = array<i32>} : memref<160x128xf32, #tpu.memory_space<vmem>>, vector<1x16xf32>,
      %get3A_1390 = vector.shape_cast %get3A_1389 : vector<1x16xf32> to vector<16xf32>
      %mul3A_1391 = arith.mulf %get3A_1390, %bitcast_convert_type3A_1380 : vector<16xf32>
      %mul3A_1392 = arith.constant 32 : i32
      %mul3A_1393 = arith.muli %mul3A_1392, %select_n3A_1323 : i32
      %swap3A_1394 = arith.index_cast %add3A_1325 : i32 to index
      %swap3A_1395 = arith.index_cast %mul3A_1393 : i32 to index
      %swap3A_1396 = tpu.vector_load %arg11[%swap3A_1394, %swap3A_1395] {strides = array<i32>} : memref<160x128xf32, #tpu.memory_space<vmem>>, vector<1x16xf32>,
      %swap3A_1397 = vector.shape_cast %swap3A_1396 : vector<1x16xf32> to vector<16xf32>
      %swap3A_1398 = vector.shape_cast %mul3A_1391 : vector<16xf32> to vector<1x16xf32>
      tpu.vector_store %arg11[%swap3A_1394, %swap3A_1395], %swap3A_1398 {strides = array<i32>} : memref<160x128xf32, #tpu.memory_space<vmem>>, vector<1x16xf32>,
      %mul3A_1399 = arith.constant 32 : i32
      %mul3A_1400 = arith.muli %mul3A_1399, %select_n3A_1323 : i32
      %add3A_1401 = arith.constant 16 : i32
      %add3A_1402 = arith.addi %mul3A_1400, %add3A_1401 : i32
      %get3A_1403 = arith.index_cast %add3A_1325 : i32 to index
      %get3A_1404 = arith.index_cast %add3A_1402 : i32 to index
      %get3A_1405 = tpu.vector_load %arg11[%get3A_1403, %get3A_1404] {strides = array<i32>} : memref<160x128xf32, #tpu.memory_space<vmem>>, vector<1x16xf32>,
      %get3A_1406 = vector.shape_cast %get3A_1405 : vector<1x16xf32> to vector<16xf32>
      %mul3A_1407 = arith.mulf %get3A_1406, %bitcast_convert_type3A_1384 : vector<16xf32>
      %mul3A_1408 = arith.constant 32 : i32
      %mul3A_1409 = arith.muli %mul3A_1408, %select_n3A_1323 : i32
      %add3A_1410 = arith.constant 16 : i32
      %add3A_1411 = arith.addi %mul3A_1409, %add3A_1410 : i32
      %swap3A_1412 = arith.index_cast %add3A_1325 : i32 to index
      %swap3A_1413 = arith.index_cast %add3A_1411 : i32 to index
      %swap3A_1414 = tpu.vector_load %arg11[%swap3A_1412, %swap3A_1413] {strides = array<i32>} : memref<160x128xf32, #tpu.memory_space<vmem>>, vector<1x16xf32>,
      %swap3A_1415 = vector.shape_cast %swap3A_1414 : vector<1x16xf32> to vector<16xf32>
      %swap3A_1416 = vector.shape_cast %mul3A_1407 : vector<16xf32> to vector<1x16xf32>
      tpu.vector_store %arg11[%swap3A_1412, %swap3A_1413], %swap3A_1416 {strides = array<i32>} : memref<160x128xf32, #tpu.memory_space<vmem>>, vector<1x16xf32>,
      %scan3A_1417 = arith.constant 7 : i32
      %scan3A_1418 = arith.addi %scan3A_477, %scan3A_1417 : i32
      %jit3A_1419 = arith.constant 4 : i32
      %div3A_1420 = arith.divsi %scan3A_1418, %jit3A_1419 : i32
      %sign3A_1421 = arith.constant 0 : i32
      %sign3A_1422 = arith.cmpi sgt, %scan3A_1418, %sign3A_1421 : i32
      %sign3A_1423 = arith.extui %sign3A_1422 : i1 to i32
      %sign3A_1424 = arith.constant 0 : i32
      %sign3A_1425 = arith.cmpi slt, %scan3A_1418, %sign3A_1424 : i32
      %sign3A_1426 = arith.extui %sign3A_1425 : i1 to i32
      %sign3A_1427 = arith.subi %sign3A_1423, %sign3A_1426 : i32
      %sign3A_1428 = arith.constant 0 : i32
      %sign3A_1429 = arith.cmpi sgt, %jit3A_1419, %sign3A_1428 : i32
      %sign3A_1430 = arith.extui %sign3A_1429 : i1 to i32
      %sign3A_1431 = arith.constant 0 : i32
      %sign3A_1432 = arith.cmpi slt, %jit3A_1419, %sign3A_1431 : i32
      %sign3A_1433 = arith.extui %sign3A_1432 : i1 to i32
      %sign3A_1434 = arith.subi %sign3A_1430, %sign3A_1433 : i32
      %ne3A_1435 = arith.cmpi ne, %sign3A_1427, %sign3A_1434 : i32
      %rem3A_1436 = arith.remsi %scan3A_1418, %jit3A_1419 : i32
      %ne3A_1437 = arith.constant 0 : i32
      %ne3A_1438 = arith.cmpi ne, %rem3A_1436, %ne3A_1437 : i32
      %and3A_1439 = arith.andi %ne3A_1435, %ne3A_1438 : i1
      %sub3A_1440 = arith.constant 1 : i32
      %sub3A_1441 = arith.subi %div3A_1420, %sub3A_1440 : i32
      %select_n3A_1442 = arith.select %and3A_1439, %sub3A_1441, %div3A_1420 : i32
      %jit3A_1443 = arith.constant 4 : i32
      %eq3A_1444 = arith.constant 0 : i32
      %eq3A_1445 = arith.cmpi eq, %jit3A_1443, %eq3A_1444 : i32
      %jit3A_1446 = arith.constant 1 : i32
      %select_n3A_1447 = arith.select %eq3A_1445, %jit3A_1446, %jit3A_1443 : i32
      %rem3A_1448 = arith.remsi %scan3A_1418, %select_n3A_1447 : i32
      %ne3A_1449 = arith.constant 0 : i32
      %ne3A_1450 = arith.cmpi ne, %rem3A_1448, %ne3A_1449 : i32
      %lt3A_1451 = arith.constant 0 : i32
      %lt3A_1452 = arith.cmpi slt, %rem3A_1448, %lt3A_1451 : i32
      %lt3A_1453 = arith.constant 0 : i32
      %lt3A_1454 = arith.cmpi slt, %select_n3A_1447, %lt3A_1453 : i32
      %ne3A_1455 = arith.xori %lt3A_1452, %lt3A_1454 : i1
      %and3A_1456 = arith.andi %ne3A_1455, %ne3A_1450 : i1
      %add3A_1457 = arith.addi %rem3A_1448, %select_n3A_1447 : i32
      %select_n3A_1458 = arith.select %and3A_1456, %add3A_1457, %rem3A_1448 : i32
      %add3A_1459 = arith.constant 0 : i32
      %add3A_1460 = arith.addi %add3A_1459, %select_n3A_1442 : i32
      %jit3A_1461 = arith.constant 40 : i32
      %eq3A_1462 = arith.constant 0 : i32
      %eq3A_1463 = arith.cmpi eq, %jit3A_1461, %eq3A_1462 : i32
      %jit3A_1464 = arith.constant 1 : i32
      %select_n3A_1465 = arith.select %eq3A_1463, %jit3A_1464, %jit3A_1461 : i32
      %rem3A_1466 = arith.remsi %select_n3A_1442, %select_n3A_1465 : i32
      %ne3A_1467 = arith.constant 0 : i32
      %ne3A_1468 = arith.cmpi ne, %rem3A_1466, %ne3A_1467 : i32
      %lt3A_1469 = arith.constant 0 : i32
      %lt3A_1470 = arith.cmpi slt, %rem3A_1466, %lt3A_1469 : i32
      %lt3A_1471 = arith.constant 0 : i32
      %lt3A_1472 = arith.cmpi slt, %select_n3A_1465, %lt3A_1471 : i32
      %ne3A_1473 = arith.xori %lt3A_1470, %lt3A_1472 : i1
      %and3A_1474 = arith.andi %ne3A_1473, %ne3A_1468 : i1
      %add3A_1475 = arith.addi %rem3A_1466, %select_n3A_1465 : i32
      %select_n3A_1476 = arith.select %and3A_1474, %add3A_1475, %rem3A_1466 : i32
      %add3A_1477 = arith.constant 0 : i32
      %add3A_1478 = arith.addi %add3A_1477, %select_n3A_1476 : i32
      %jit3A_1479 = arith.constant 40 : i32
      %div3A_1480 = arith.divsi %select_n3A_1442, %jit3A_1479 : i32
      %sign3A_1481 = arith.constant 0 : i32
      %sign3A_1482 = arith.cmpi sgt, %select_n3A_1442, %sign3A_1481 : i32
      %sign3A_1483 = arith.extui %sign3A_1482 : i1 to i32
      %sign3A_1484 = arith.constant 0 : i32
      %sign3A_1485 = arith.cmpi slt, %select_n3A_1442, %sign3A_1484 : i32
      %sign3A_1486 = arith.extui %sign3A_1485 : i1 to i32
      %sign3A_1487 = arith.subi %sign3A_1483, %sign3A_1486 : i32
      %sign3A_1488 = arith.constant 0 : i32
      %sign3A_1489 = arith.cmpi sgt, %jit3A_1479, %sign3A_1488 : i32
      %sign3A_1490 = arith.extui %sign3A_1489 : i1 to i32
      %sign3A_1491 = arith.constant 0 : i32
      %sign3A_1492 = arith.cmpi slt, %jit3A_1479, %sign3A_1491 : i32
      %sign3A_1493 = arith.extui %sign3A_1492 : i1 to i32
      %sign3A_1494 = arith.subi %sign3A_1490, %sign3A_1493 : i32
      %ne3A_1495 = arith.cmpi ne, %sign3A_1487, %sign3A_1494 : i32
      %rem3A_1496 = arith.remsi %select_n3A_1442, %jit3A_1479 : i32
      %ne3A_1497 = arith.constant 0 : i32
      %ne3A_1498 = arith.cmpi ne, %rem3A_1496, %ne3A_1497 : i32
      %and3A_1499 = arith.andi %ne3A_1495, %ne3A_1498 : i1
      %sub3A_1500 = arith.constant 1 : i32
      %sub3A_1501 = arith.subi %div3A_1480, %sub3A_1500 : i32
      %select_n3A_1502 = arith.select %and3A_1499, %sub3A_1501, %div3A_1480 : i32
      %mul3A_1503 = arith.constant 64 : i32
      %mul3A_1504 = arith.muli %select_n3A_1502, %mul3A_1503 : i32
      %mul3A_1505 = arith.constant 16 : i32
      %mul3A_1506 = arith.muli %select_n3A_1458, %mul3A_1505 : i32
      %add3A_1507 = arith.addi %mul3A_1504, %mul3A_1506 : i32
      %get3A_1508 = arith.index_cast %add3A_1478 : i32 to index
      %get3A_1509 = arith.index_cast %add3A_1507 : i32 to index
      %get3A_1510 = tpu.vector_load %arg12[%get3A_1508, %get3A_1509] {strides = array<i32>} : memref<80x128xi32, #tpu.memory_space<vmem>>, vector<1x16xi32>,
      %get3A_1511 = vector.shape_cast %get3A_1510 : vector<1x16xi32> to vector<16xi32>
      %shift_left3A_1512 = arith.constant 16 : i32
      %shift_left3A_1513 = vector.broadcast %shift_left3A_1512 : i32 to vector<16xi32>
      %shift_left3A_1514 = arith.shli %get3A_1511, %shift_left3A_1513 : vector<16xi32>
      %bitcast_convert_type3A_1515 = tpu.bitcast %shift_left3A_1514 : vector<16xi32> -> vector<16xf32>
      %and3A_1516 = arith.constant -65536 : i32
      %and3A_1517 = vector.broadcast %and3A_1516 : i32 to vector<16xi32>
      %and3A_1518 = arith.andi %get3A_1511, %and3A_1517 : vector<16xi32>
      %bitcast_convert_type3A_1519 = tpu.bitcast %and3A_1518 : vector<16xi32> -> vector<16xf32>
      %mul3A_1520 = arith.constant 32 : i32
      %mul3A_1521 = arith.muli %mul3A_1520, %select_n3A_1458 : i32
      %get3A_1522 = arith.index_cast %add3A_1460 : i32 to index
      %get3A_1523 = arith.index_cast %mul3A_1521 : i32 to index
      %get3A_1524 = tpu.vector_load %arg11[%get3A_1522, %get3A_1523] {strides = array<i32>} : memref<160x128xf32, #tpu.memory_space<vmem>>, vector<1x16xf32>,
      %get3A_1525 = vector.shape_cast %get3A_1524 : vector<1x16xf32> to vector<16xf32>
      %mul3A_1526 = arith.mulf %get3A_1525, %bitcast_convert_type3A_1515 : vector<16xf32>
      %mul3A_1527 = arith.constant 32 : i32
      %mul3A_1528 = arith.muli %mul3A_1527, %select_n3A_1458 : i32
      %swap3A_1529 = arith.index_cast %add3A_1460 : i32 to index
      %swap3A_1530 = arith.index_cast %mul3A_1528 : i32 to index
      %swap3A_1531 = tpu.vector_load %arg11[%swap3A_1529, %swap3A_1530] {strides = array<i32>} : memref<160x128xf32, #tpu.memory_space<vmem>>, vector<1x16xf32>,
      %swap3A_1532 = vector.shape_cast %swap3A_1531 : vector<1x16xf32> to vector<16xf32>
      %swap3A_1533 = vector.shape_cast %mul3A_1526 : vector<16xf32> to vector<1x16xf32>
      tpu.vector_store %arg11[%swap3A_1529, %swap3A_1530], %swap3A_1533 {strides = array<i32>} : memref<160x128xf32, #tpu.memory_space<vmem>>, vector<1x16xf32>,
      %mul3A_1534 = arith.constant 32 : i32
      %mul3A_1535 = arith.muli %mul3A_1534, %select_n3A_1458 : i32
      %add3A_1536 = arith.constant 16 : i32
      %add3A_1537 = arith.addi %mul3A_1535, %add3A_1536 : i32
      %get3A_1538 = arith.index_cast %add3A_1460 : i32 to index
      %get3A_1539 = arith.index_cast %add3A_1537 : i32 to index
      %get3A_1540 = tpu.vector_load %arg11[%get3A_1538, %get3A_1539] {strides = array<i32>} : memref<160x128xf32, #tpu.memory_space<vmem>>, vector<1x16xf32>,
      %get3A_1541 = vector.shape_cast %get3A_1540 : vector<1x16xf32> to vector<16xf32>
      %mul3A_1542 = arith.mulf %get3A_1541, %bitcast_convert_type3A_1519 : vector<16xf32>
      %mul3A_1543 = arith.constant 32 : i32
      %mul3A_1544 = arith.muli %mul3A_1543, %select_n3A_1458 : i32
      %add3A_1545 = arith.constant 16 : i32
      %add3A_1546 = arith.addi %mul3A_1544, %add3A_1545 : i32
      %swap3A_1547 = arith.index_cast %add3A_1460 : i32 to index
      %swap3A_1548 = arith.index_cast %add3A_1546 : i32 to index
      %swap3A_1549 = tpu.vector_load %arg11[%swap3A_1547, %swap3A_1548] {strides = array<i32>} : memref<160x128xf32, #tpu.memory_space<vmem>>, vector<1x16xf32>,
      %swap3A_1550 = vector.shape_cast %swap3A_1549 : vector<1x16xf32> to vector<16xf32>
      %swap3A_1551 = vector.shape_cast %mul3A_1542 : vector<16xf32> to vector<1x16xf32>
      tpu.vector_store %arg11[%swap3A_1547, %swap3A_1548], %swap3A_1551 {strides = array<i32>} : memref<160x128xf32, #tpu.memory_space<vmem>>, vector<1x16xf32>,
    }
    %scan3A_457 = arith.constant 320 : i32
    "tpu.region"() ({
      %run_scoped3A_477 = tpu.sem_alloc : memref<!tpu.dma_semaphore, #tpu.memory_space<semaphore_mem>>
      %dma_start3A_478 = arith.constant 0 : i32
      %dma_start3A_479 = arith.constant 0 : i32
      %dma_start3A_480 = tpu.memref_slice %arg11[%dma_start3A_478, %dma_start3A_479] : memref<160x128xf32, #tpu.memory_space<vmem>> -> memref<80x128xf32, #tpu.memory_space<vmem>>
      %dma_start3A_481 = arith.constant 0 : i32
      %dma_start3A_482 = arith.constant 0 : i32
      %dma_start3A_483 = tpu.memref_slice %arg13[%dma_start3A_481, %dma_start3A_482] : memref<10240x128xf32, #tpu.memory_space<vmem_shared>> -> memref<10240x128xf32, #tpu.memory_space<vmem_shared>>
      tpu.enqueue_indirect_dma source(%dma_start3A_480 : memref<80x128xf32, #tpu.memory_space<vmem>>) target(%dma_start3A_483 : memref<10240x128xf32, #tpu.memory_space<vmem_shared>>) offsets(%arg9 : memref<80xi32, #tpu.memory_space<vmem>>) semaphore(%run_scoped3A_477 : memref<!tpu.dma_semaphore, #tpu.memory_space<semaphore_mem>>) {add = true}
      %dma_wait3A_484 = arith.constant 0 : i32
      %dma_wait3A_485 = arith.constant 0 : i32
      %dma_wait3A_486 = tpu.memref_slice %arg11[%dma_wait3A_484, %dma_wait3A_485] : memref<160x128xf32, #tpu.memory_space<vmem>> -> memref<80x128xf32, #tpu.memory_space<vmem>>
      %dma_wait3A_487 = arith.constant 0 : i32
      %dma_wait3A_488 = arith.constant 0 : i32
      %dma_wait3A_489 = tpu.memref_slice %arg13[%dma_wait3A_487, %dma_wait3A_488] : memref<10240x128xf32, #tpu.memory_space<vmem_shared>> -> memref<10240x128xf32, #tpu.memory_space<vmem_shared>>
      tpu.wait_indirect_dma semaphore(%run_scoped3A_477 : memref<!tpu.dma_semaphore, #tpu.memory_space<semaphore_mem>>) src(%dma_wait3A_486 : memref<80x128xf32, #tpu.memory_space<vmem>>) dst(%dma_wait3A_489 : memref<10240x128xf32, #tpu.memory_space<vmem_shared>>)
      tpu.yield
    }) : () -> ()
    %dma_wait3A_458 = arith.constant 0 : i32
    %dma_wait3A_459 = arith.constant 0 : i32
    %dma_wait3A_460 = tpu.memref_slice %arg11[%dma_wait3A_458, %dma_wait3A_459] : memref<160x128xf32, #tpu.memory_space<vmem>> -> memref<80x128xf32, #tpu.memory_space<vmem>>
    %dma_wait3A_461 = arith.constant 0 : i32
    %dma_wait3A_462 = arith.constant 0 : i32
    %dma_wait3A_463 = tpu.memref_slice %arg2[%dma_wait3A_461, %dma_wait3A_462] : memref<10000x128xf32, #tpu.memory_space<hbm>> -> memref<80x128xf32, #tpu.memory_space<hbm>>
    %dma_wait3A_464 = arith.constant 0 : i32
    %dma_wait3A_465 = arith.constant 0 : i32
    %dma_wait3A_466 = tpu.memref_slice %arg11[%dma_wait3A_464, %dma_wait3A_465] : memref<160x128xf32, #tpu.memory_space<vmem>> -> memref<80x128xf32, #tpu.memory_space<vmem>>
    %dma_wait3A_467 = arith.constant 0 : i32
    %dma_wait3A_468 = arith.constant 0 : i32
    %dma_wait3A_469 = tpu.memref_slice %arg2[%dma_wait3A_467, %dma_wait3A_468] : memref<10000x128xf32, #tpu.memory_space<hbm>> -> memref<80x128xf32, #tpu.memory_space<hbm>>
    tpu.wait_dma2 semaphore(%arg21 : memref<!tpu.dma_semaphore, #tpu.memory_space<semaphore_mem>>) src(%dma_wait3A_469 : memref<80x128xf32, #tpu.memory_space<hbm>>) dst(%dma_wait3A_466 : memref<80x128xf32, #tpu.memory_space<vmem>>)
    %barrier3A_470 = arith.constant 0 : index
    tpu.barrier barrier_id(%barrier3A_470)
    %scan3A_471 = arith.constant 0 : i32
    %scan3A_472 = arith.constant 0 : i32
    %scan3A_473 = arith.constant 5 : i32
    %scan3A_474 = arith.addi %scan3A_472, %scan3A_473 : i32
    %scan3A_475 = arith.constant 1 : i32
    scf.for %scan3A_477 = %scan3A_472 to %scan3A_474 step %scan3A_475  : i32 {
      %mul3A_478 = arith.constant 128 : i32
      %mul3A_479 = arith.muli %scan3A_477, %mul3A_478 : i32
      %add3A_480 = arith.addi %mul3A_7, %mul3A_479 : i32
      "tpu.region"() ({
        %run_scoped3A_484 = tpu.sem_alloc : memref<!tpu.dma_semaphore, #tpu.memory_space<semaphore_mem>>
        %dma_start3A_485 = arith.constant 0 : i32
        %dma_start3A_486 = arith.constant 0 : i32
        %dma_start3A_487 = tpu.memref_slice %arg11[%dma_start3A_485, %dma_start3A_486] : memref<160x128xf32, #tpu.memory_space<vmem>> -> memref<128x128xf32, #tpu.memory_space<vmem>>
        %dma_start3A_488 = arith.constant 0 : i32
        %dma_start3A_489 = tpu.memref_slice %arg13[%add3A_480, %dma_start3A_488] : memref<10240x128xf32, #tpu.memory_space<vmem_shared>> -> memref<128x128xf32, #tpu.memory_space<vmem_shared>>
        %dma_start3A_490 = arith.constant 0 : i32
        %dma_start3A_491 = arith.constant 0 : i32
        %dma_start3A_492 = tpu.memref_slice %arg11[%dma_start3A_490, %dma_start3A_491] : memref<160x128xf32, #tpu.memory_space<vmem>> -> memref<128x128xf32, #tpu.memory_space<vmem>>
        %dma_start3A_493 = arith.constant 0 : i32
        %dma_start3A_494 = tpu.memref_slice %arg13[%add3A_480, %dma_start3A_493] : memref<10240x128xf32, #tpu.memory_space<vmem_shared>> -> memref<128x128xf32, #tpu.memory_space<vmem_shared>>
        tpu.enqueue_dma source(%dma_start3A_494 : memref<128x128xf32, #tpu.memory_space<vmem_shared>>) target(%dma_start3A_492 : memref<128x128xf32, #tpu.memory_space<vmem>>) target_semaphore(%run_scoped3A_484 : memref<!tpu.dma_semaphore, #tpu.memory_space<semaphore_mem>>)
        %dma_wait3A_495 = arith.constant 0 : i32
        %dma_wait3A_496 = arith.constant 0 : i32
        %dma_wait3A_497 = tpu.memref_slice %arg11[%dma_wait3A_495, %dma_wait3A_496] : memref<160x128xf32, #tpu.memory_space<vmem>> -> memref<128x128xf32, #tpu.memory_space<vmem>>
        %dma_wait3A_498 = arith.constant 0 : i32
        %dma_wait3A_499 = tpu.memref_slice %arg13[%add3A_480, %dma_wait3A_498] : memref<10240x128xf32, #tpu.memory_space<vmem_shared>> -> memref<128x128xf32, #tpu.memory_space<vmem_shared>>
        %dma_wait3A_500 = arith.constant 0 : i32
        %dma_wait3A_501 = arith.constant 0 : i32
        %dma_wait3A_502 = tpu.memref_slice %arg11[%dma_wait3A_500, %dma_wait3A_501] : memref<160x128xf32, #tpu.memory_space<vmem>> -> memref<128x128xf32, #tpu.memory_space<vmem>>
        %dma_wait3A_503 = arith.constant 0 : i32
        %dma_wait3A_504 = tpu.memref_slice %arg13[%add3A_480, %dma_wait3A_503] : memref<10240x128xf32, #tpu.memory_space<vmem_shared>> -> memref<128x128xf32, #tpu.memory_space<vmem_shared>>
        tpu.wait_dma2 semaphore(%run_scoped3A_484 : memref<!tpu.dma_semaphore, #tpu.memory_space<semaphore_mem>>) src(%dma_wait3A_504 : memref<128x128xf32, #tpu.memory_space<vmem_shared>>) dst(%dma_wait3A_502 : memref<128x128xf32, #tpu.memory_space<vmem>>)
        tpu.yield
      }) : () -> ()
      %mul3A_481 = arith.constant 10240 : i32
      %mul3A_482 = arith.muli %arg0, %mul3A_481 : i32
      %add3A_483 = arith.addi %mul3A_482, %add3A_480 : i32
      "tpu.region"() ({
        %run_scoped3A_484 = tpu.sem_alloc : memref<!tpu.dma_semaphore, #tpu.memory_space<semaphore_mem>>
        %dma_start3A_485 = arith.constant 0 : i32
        %dma_start3A_486 = arith.constant 0 : i32
        %dma_start3A_487 = tpu.memref_slice %arg11[%dma_start3A_485, %dma_start3A_486] : memref<160x128xf32, #tpu.memory_space<vmem>> -> memref<128x128xf32, #tpu.memory_space<vmem>>
        %dma_start3A_488 = arith.constant 0 : i32
        %dma_start3A_489 = tpu.memref_slice %arg5[%add3A_483, %dma_start3A_488] : memref<20480x128xf32, #tpu.memory_space<hbm>> -> memref<128x128xf32, #tpu.memory_space<hbm>>
        %dma_start3A_490 = arith.constant 0 : i32
        %dma_start3A_491 = tpu.memref_slice %arg5[%add3A_483, %dma_start3A_490] : memref<20480x128xf32, #tpu.memory_space<hbm>> -> memref<128x128xf32, #tpu.memory_space<hbm>>
        %dma_start3A_492 = arith.constant 0 : i32
        %dma_start3A_493 = arith.constant 0 : i32
        %dma_start3A_494 = tpu.memref_slice %arg11[%dma_start3A_492, %dma_start3A_493] : memref<160x128xf32, #tpu.memory_space<vmem>> -> memref<128x128xf32, #tpu.memory_space<vmem>>
        tpu.enqueue_dma source(%dma_start3A_494 : memref<128x128xf32, #tpu.memory_space<vmem>>) target(%dma_start3A_491 : memref<128x128xf32, #tpu.memory_space<hbm>>) target_semaphore(%run_scoped3A_484 : memref<!tpu.dma_semaphore, #tpu.memory_space<semaphore_mem>>)
        %dma_wait3A_495 = arith.constant 0 : i32
        %dma_wait3A_496 = arith.constant 0 : i32
        %dma_wait3A_497 = tpu.memref_slice %arg11[%dma_wait3A_495, %dma_wait3A_496] : memref<160x128xf32, #tpu.memory_space<vmem>> -> memref<128x128xf32, #tpu.memory_space<vmem>>
        %dma_wait3A_498 = arith.constant 0 : i32
        %dma_wait3A_499 = tpu.memref_slice %arg5[%add3A_483, %dma_wait3A_498] : memref<20480x128xf32, #tpu.memory_space<hbm>> -> memref<128x128xf32, #tpu.memory_space<hbm>>
        %dma_wait3A_500 = arith.constant 0 : i32
        %dma_wait3A_501 = tpu.memref_slice %arg5[%add3A_483, %dma_wait3A_500] : memref<20480x128xf32, #tpu.memory_space<hbm>> -> memref<128x128xf32, #tpu.memory_space<hbm>>
        %dma_wait3A_502 = arith.constant 0 : i32
        %dma_wait3A_503 = arith.constant 0 : i32
        %dma_wait3A_504 = tpu.memref_slice %arg11[%dma_wait3A_502, %dma_wait3A_503] : memref<160x128xf32, #tpu.memory_space<vmem>> -> memref<128x128xf32, #tpu.memory_space<vmem>>
        tpu.wait_dma2 semaphore(%run_scoped3A_484 : memref<!tpu.dma_semaphore, #tpu.memory_space<semaphore_mem>>) src(%dma_wait3A_504 : memref<128x128xf32, #tpu.memory_space<vmem>>) dst(%dma_wait3A_501 : memref<128x128xf32, #tpu.memory_space<hbm>>)
        tpu.yield
      }) : () -> ()
    }
    %scan3A_476 = arith.constant 5 : i32
    return
  }
}

module attributes {stable_mosaic.version = 14 : i64} {
  func.func @_filter_body(%arg0: i32, %arg1: memref<3200x16xf32, #tpu.memory_space<vmem>>, %arg2: memref<1x25x128xf32, #tpu.memory_space<vmem>>, %arg3: memref<16x128xf32, #tpu.memory_space<vmem>>, %arg4: memref<1x128xf32, #tpu.memory_space<vmem>>, %arg5: memref<128x128xf32, #tpu.memory_space<vmem>>, %arg6: memref<1x128xf32, #tpu.memory_space<vmem>>, %arg7: memref<10000x128xf32, #tpu.memory_space<vmem>>, %arg8: memref<128x128xf32, #tpu.memory_space<vmem>>, %arg9: memref<1600x128xi32, #tpu.memory_space<vmem>>, %arg10: memref<10000x128xf32, #tpu.memory_space<vmem>>) attributes {dimension_semantics = [#tpu.dimension_semantics<arbitrary>], iteration_bounds = array<i64: 100>, scalar_prefetch = 0 : i64, scratch_operands = 0 : i64, tpu.core_type = #tpu.core_type<tc>, window_params = [{transform_indices = @transform_0, window_bounds = array<i64: 3200, 16>}, {transform_indices = @transform_1, window_bounds = array<i64: 1, 25, 128>}, {pipeline_mode = #tpu.pipeline_mode<synchronous>, transform_indices = @transform_2, window_bounds = array<i64: 16, 128>}, {pipeline_mode = #tpu.pipeline_mode<synchronous>, transform_indices = @transform_3, window_bounds = array<i64: 1, 128>}, {pipeline_mode = #tpu.pipeline_mode<synchronous>, transform_indices = @transform_4, window_bounds = array<i64: 128, 128>}, {pipeline_mode = #tpu.pipeline_mode<synchronous>, transform_indices = @transform_5, window_bounds = array<i64: 1, 128>}, {pipeline_mode = #tpu.pipeline_mode<synchronous>, transform_indices = @transform_6, window_bounds = array<i64: 10000, 128>}, {pipeline_mode = #tpu.pipeline_mode<synchronous>, transform_indices = @transform_7, window_bounds = array<i64: 128, 128>}, {transform_indices = @transform_8, window_bounds = array<i64: 1600, 128>}, {pipeline_mode = #tpu.pipeline_mode<synchronous>, transform_indices = @transform_9, window_bounds = array<i64: 10000, 128>}]} {
    %eq3A = arith.constant 0 : i32
    %eq3A_0 = arith.cmpi eq, %arg0, %eq3A : i32
    %convert_element_type3A = arith.extui %eq3A_0 : i1 to i32
    %cond3A = arith.constant 0 : i32
    %cond3A_1 = arith.cmpi ne, %convert_element_type3A, %cond3A : i32
    scf.if %cond3A_1 {
      %get3A_315 = arith.constant 0 : index
      %get3A_316 = arith.constant 0 : index
      %get3A_317 = vector.load %arg7[%get3A_315, %get3A_316] : memref<10000x128xf32, #tpu.memory_space<vmem>>, vector<10000x128xf32>
      %get3A_318 = arith.constant 0 : index
      %get3A_319 = arith.constant 0 : index
      %get3A_320 = vector.load %arg8[%get3A_318, %get3A_319] : memref<128x128xf32, #tpu.memory_space<vmem>>, vector<128x128xf32>
      %dot_general3A_321 = arith.constant dense<0.000000e+00> : vector<10000x128xf32>
      %dot_general3A_322 = tpu.matmul %get3A_317, %get3A_320, %dot_general3A_321 {dimension_numbers = #tpu.dot_dimension_numbers<[1], [0], [0], [1], [0, 0, 1, 1], [], []>, transpose_lhs_hint = false} : vector<10000x128xf32>, vector<128x128xf32>, vector<10000x128xf32> -> vector<10000x128xf32>
      %swap3A_323 = arith.constant 0 : index
      %swap3A_324 = arith.constant 0 : index
      %swap3A_325 = vector.load %arg10[%swap3A_323, %swap3A_324] : memref<10000x128xf32, #tpu.memory_space<vmem>>, vector<10000x128xf32>
      tpu.vector_store %arg10[%swap3A_323, %swap3A_324], %dot_general3A_322 {strides = array<i32>} : memref<10000x128xf32, #tpu.memory_space<vmem>>, vector<10000x128xf32>,
    } else {
    }
    %get3A = arith.constant 0 : index
    %get3A_2 = arith.constant 0 : index
    %get3A_3 = vector.load %arg1[%get3A, %get3A_2] : memref<3200x16xf32, #tpu.memory_space<vmem>>, vector<3200x16xf32>
    %get3A_4 = arith.constant 0 : index
    %get3A_5 = arith.constant 0 : index
    %get3A_6 = vector.load %arg3[%get3A_4, %get3A_5] : memref<16x128xf32, #tpu.memory_space<vmem>>, vector<16x128xf32>
    %dot_general3A = arith.constant dense<0.000000e+00> : vector<3200x128xf32>
    %dot_general3A_7 = tpu.matmul %get3A_3, %get3A_6, %dot_general3A {dimension_numbers = #tpu.dot_dimension_numbers<[1], [0], [0], [1], [0, 0, 1, 1], [], []>, transpose_lhs_hint = false} : vector<3200x16xf32>, vector<16x128xf32>, vector<3200x128xf32> -> vector<3200x128xf32>
    %get3A_8 = arith.constant 0 : index
    %get3A_9 = arith.constant 0 : index
    %get3A_10 = vector.load %arg4[%get3A_8, %get3A_9] : memref<1x128xf32, #tpu.memory_space<vmem>>, vector<1x128xf32>
    %add3A = vector.broadcast %get3A_10 : vector<1x128xf32> to vector<3200x128xf32>
    %add3A_11 = arith.addf %dot_general3A_7, %add3A : vector<3200x128xf32>
    %max3A = arith.constant 0.000000e+00 : f32
    %max3A_12 = vector.broadcast %max3A : f32 to vector<3200x128xf32>
    %max3A_13 = arith.maximumf %add3A_11, %max3A_12 : vector<3200x128xf32>
    %abs3A = math.absf %add3A_11 : vector<3200x128xf32>
    %neg3A = arith.constant 0.000000e+00 : f32
    %neg3A_14 = vector.broadcast %neg3A : f32 to vector<3200x128xf32>
    %neg3A_15 = arith.subf %neg3A_14, %abs3A : vector<3200x128xf32>
    %exp3A = math.exp %neg3A_15 : vector<3200x128xf32>
    %add3A_16 = arith.constant 1.000000e+00 : f32
    %add3A_17 = vector.broadcast %add3A_16 : f32 to vector<3200x128xf32>
    %add3A_18 = arith.addf %add3A_17, %exp3A : vector<3200x128xf32>
    %log3A = math.log %add3A_18 : vector<3200x128xf32>
    %add3A_19 = arith.addf %max3A_13, %log3A : vector<3200x128xf32>
    %sub3A = arith.constant 0.693147182 : f32
    %sub3A_20 = vector.broadcast %sub3A : f32 to vector<3200x128xf32>
    %sub3A_21 = arith.subf %add3A_19, %sub3A_20 : vector<3200x128xf32>
    %get3A_22 = arith.constant 0 : index
    %get3A_23 = arith.constant 0 : index
    %get3A_24 = vector.load %arg5[%get3A_22, %get3A_23] : memref<128x128xf32, #tpu.memory_space<vmem>>, vector<128x128xf32>
    %dot_general3A_25 = arith.constant dense<0.000000e+00> : vector<3200x128xf32>
    %dot_general3A_26 = tpu.matmul %sub3A_21, %get3A_24, %dot_general3A_25 {dimension_numbers = #tpu.dot_dimension_numbers<[1], [0], [0], [1], [0, 0, 1, 1], [], []>, transpose_lhs_hint = false} : vector<3200x128xf32>, vector<128x128xf32>, vector<3200x128xf32> -> vector<3200x128xf32>
    %get3A_27 = arith.constant 0 : index
    %get3A_28 = arith.constant 0 : index
    %get3A_29 = vector.load %arg6[%get3A_27, %get3A_28] : memref<1x128xf32, #tpu.memory_space<vmem>>, vector<1x128xf32>
    %add3A_30 = vector.broadcast %get3A_29 : vector<1x128xf32> to vector<3200x128xf32>
    %add3A_31 = arith.addf %dot_general3A_26, %add3A_30 : vector<3200x128xf32>
    %reshape3A = vector.shape_cast %add3A_31 : vector<3200x128xf32> to vector<25x128x128xf32>
    %get3A_32 = arith.constant 0 : index
    %get3A_33 = arith.constant 0 : index
    %get3A_34 = arith.constant 0 : index
    %get3A_35 = vector.load %arg2[%get3A_32, %get3A_33, %get3A_34] : memref<1x25x128xf32, #tpu.memory_space<vmem>>, vector<1x25x128xf32>
    %get3A_36 = vector.shape_cast %get3A_35 : vector<1x25x128xf32> to vector<25x128xf32>
    %broadcast_in_dim3A = vector.shape_cast %get3A_36 : vector<25x128xf32> to vector<25x128x1xf32>
    %mul3A = vector.broadcast %broadcast_in_dim3A : vector<25x128x1xf32> to vector<25x128x128xf32>
    %mul3A_37 = arith.mulf %reshape3A, %mul3A : vector<25x128x128xf32>
    %reshape3A_38 = vector.shape_cast %mul3A_37 : vector<25x128x128xf32> to vector<40x2x40x128xf32>
    %slice3A = vector.extract_strided_slice %reshape3A_38 {offsets = [0, 0, 0, 0], sizes = [40, 1, 40, 128], strides = [1, 1, 1, 1]} : vector<40x2x40x128xf32> to vector<40x1x40x128xf32>
    %squeeze3A = vector.shape_cast %slice3A : vector<40x1x40x128xf32> to vector<40x40x128xf32>
    %slice3A_39 = vector.extract_strided_slice %squeeze3A {offsets = [0, 0, 0], sizes = [40, 40, 16], strides = [1, 1, 1]} : vector<40x40x128xf32> to vector<40x40x16xf32>
    %bitcast_convert_type3A = tpu.bitcast %slice3A_39 : vector<40x40x16xf32> -> vector<40x40x16xi32>
    %add3A_40 = arith.constant 32767 : i32
    %add3A_41 = vector.broadcast %add3A_40 : i32 to vector<40x40x16xi32>
    %add3A_42 = arith.addi %bitcast_convert_type3A, %add3A_41 : vector<40x40x16xi32>
    %shift_right_logical3A = arith.constant 16 : i32
    %shift_right_logical3A_43 = vector.broadcast %shift_right_logical3A : i32 to vector<40x40x16xi32>
    %shift_right_logical3A_44 = arith.shrui %bitcast_convert_type3A, %shift_right_logical3A_43 : vector<40x40x16xi32>
    %and3A = arith.constant 1 : i32
    %and3A_45 = vector.broadcast %and3A : i32 to vector<40x40x16xi32>
    %and3A_46 = arith.andi %shift_right_logical3A_44, %and3A_45 : vector<40x40x16xi32>
    %add3A_47 = arith.addi %add3A_42, %and3A_46 : vector<40x40x16xi32>
    %shift_right_logical3A_48 = arith.constant 16 : i32
    %shift_right_logical3A_49 = vector.broadcast %shift_right_logical3A_48 : i32 to vector<40x40x16xi32>
    %shift_right_logical3A_50 = arith.shrui %add3A_47, %shift_right_logical3A_49 : vector<40x40x16xi32>
    %slice3A_51 = vector.extract_strided_slice %squeeze3A {offsets = [0, 0, 16], sizes = [40, 40, 16], strides = [1, 1, 1]} : vector<40x40x128xf32> to vector<40x40x16xf32>
    %bitcast_convert_type3A_52 = tpu.bitcast %slice3A_51 : vector<40x40x16xf32> -> vector<40x40x16xi32>
    %add3A_53 = arith.constant 32767 : i32
    %add3A_54 = vector.broadcast %add3A_53 : i32 to vector<40x40x16xi32>
    %add3A_55 = arith.addi %bitcast_convert_type3A_52, %add3A_54 : vector<40x40x16xi32>
    %shift_right_logical3A_56 = arith.constant 16 : i32
    %shift_right_logical3A_57 = vector.broadcast %shift_right_logical3A_56 : i32 to vector<40x40x16xi32>
    %shift_right_logical3A_58 = arith.shrui %bitcast_convert_type3A_52, %shift_right_logical3A_57 : vector<40x40x16xi32>
    %and3A_59 = arith.constant 1 : i32
    %and3A_60 = vector.broadcast %and3A_59 : i32 to vector<40x40x16xi32>
    %and3A_61 = arith.andi %shift_right_logical3A_58, %and3A_60 : vector<40x40x16xi32>
    %add3A_62 = arith.addi %add3A_55, %and3A_61 : vector<40x40x16xi32>
    %shift_right_logical3A_63 = arith.constant 16 : i32
    %shift_right_logical3A_64 = vector.broadcast %shift_right_logical3A_63 : i32 to vector<40x40x16xi32>
    %shift_right_logical3A_65 = arith.shrui %add3A_62, %shift_right_logical3A_64 : vector<40x40x16xi32>
    %shift_left3A = arith.constant 16 : i32
    %shift_left3A_66 = vector.broadcast %shift_left3A : i32 to vector<40x40x16xi32>
    %shift_left3A_67 = arith.shli %shift_right_logical3A_65, %shift_left3A_66 : vector<40x40x16xi32>
    %or3A = arith.ori %shift_left3A_67, %shift_right_logical3A_50 : vector<40x40x16xi32>
    %slice3A_68 = vector.extract_strided_slice %squeeze3A {offsets = [0, 0, 32], sizes = [40, 40, 16], strides = [1, 1, 1]} : vector<40x40x128xf32> to vector<40x40x16xf32>
    %bitcast_convert_type3A_69 = tpu.bitcast %slice3A_68 : vector<40x40x16xf32> -> vector<40x40x16xi32>
    %add3A_70 = arith.constant 32767 : i32
    %add3A_71 = vector.broadcast %add3A_70 : i32 to vector<40x40x16xi32>
    %add3A_72 = arith.addi %bitcast_convert_type3A_69, %add3A_71 : vector<40x40x16xi32>
    %shift_right_logical3A_73 = arith.constant 16 : i32
    %shift_right_logical3A_74 = vector.broadcast %shift_right_logical3A_73 : i32 to vector<40x40x16xi32>
    %shift_right_logical3A_75 = arith.shrui %bitcast_convert_type3A_69, %shift_right_logical3A_74 : vector<40x40x16xi32>
    %and3A_76 = arith.constant 1 : i32
    %and3A_77 = vector.broadcast %and3A_76 : i32 to vector<40x40x16xi32>
    %and3A_78 = arith.andi %shift_right_logical3A_75, %and3A_77 : vector<40x40x16xi32>
    %add3A_79 = arith.addi %add3A_72, %and3A_78 : vector<40x40x16xi32>
    %shift_right_logical3A_80 = arith.constant 16 : i32
    %shift_right_logical3A_81 = vector.broadcast %shift_right_logical3A_80 : i32 to vector<40x40x16xi32>
    %shift_right_logical3A_82 = arith.shrui %add3A_79, %shift_right_logical3A_81 : vector<40x40x16xi32>
    %slice3A_83 = vector.extract_strided_slice %squeeze3A {offsets = [0, 0, 48], sizes = [40, 40, 16], strides = [1, 1, 1]} : vector<40x40x128xf32> to vector<40x40x16xf32>
    %bitcast_convert_type3A_84 = tpu.bitcast %slice3A_83 : vector<40x40x16xf32> -> vector<40x40x16xi32>
    %add3A_85 = arith.constant 32767 : i32
    %add3A_86 = vector.broadcast %add3A_85 : i32 to vector<40x40x16xi32>
    %add3A_87 = arith.addi %bitcast_convert_type3A_84, %add3A_86 : vector<40x40x16xi32>
    %shift_right_logical3A_88 = arith.constant 16 : i32
    %shift_right_logical3A_89 = vector.broadcast %shift_right_logical3A_88 : i32 to vector<40x40x16xi32>
    %shift_right_logical3A_90 = arith.shrui %bitcast_convert_type3A_84, %shift_right_logical3A_89 : vector<40x40x16xi32>
    %and3A_91 = arith.constant 1 : i32
    %and3A_92 = vector.broadcast %and3A_91 : i32 to vector<40x40x16xi32>
    %and3A_93 = arith.andi %shift_right_logical3A_90, %and3A_92 : vector<40x40x16xi32>
    %add3A_94 = arith.addi %add3A_87, %and3A_93 : vector<40x40x16xi32>
    %shift_right_logical3A_95 = arith.constant 16 : i32
    %shift_right_logical3A_96 = vector.broadcast %shift_right_logical3A_95 : i32 to vector<40x40x16xi32>
    %shift_right_logical3A_97 = arith.shrui %add3A_94, %shift_right_logical3A_96 : vector<40x40x16xi32>
    %shift_left3A_98 = arith.constant 16 : i32
    %shift_left3A_99 = vector.broadcast %shift_left3A_98 : i32 to vector<40x40x16xi32>
    %shift_left3A_100 = arith.shli %shift_right_logical3A_97, %shift_left3A_99 : vector<40x40x16xi32>
    %or3A_101 = arith.ori %shift_left3A_100, %shift_right_logical3A_82 : vector<40x40x16xi32>
    %slice3A_102 = vector.extract_strided_slice %squeeze3A {offsets = [0, 0, 64], sizes = [40, 40, 16], strides = [1, 1, 1]} : vector<40x40x128xf32> to vector<40x40x16xf32>
    %bitcast_convert_type3A_103 = tpu.bitcast %slice3A_102 : vector<40x40x16xf32> -> vector<40x40x16xi32>
    %add3A_104 = arith.constant 32767 : i32
    %add3A_105 = vector.broadcast %add3A_104 : i32 to vector<40x40x16xi32>
    %add3A_106 = arith.addi %bitcast_convert_type3A_103, %add3A_105 : vector<40x40x16xi32>
    %shift_right_logical3A_107 = arith.constant 16 : i32
    %shift_right_logical3A_108 = vector.broadcast %shift_right_logical3A_107 : i32 to vector<40x40x16xi32>
    %shift_right_logical3A_109 = arith.shrui %bitcast_convert_type3A_103, %shift_right_logical3A_108 : vector<40x40x16xi32>
    %and3A_110 = arith.constant 1 : i32
    %and3A_111 = vector.broadcast %and3A_110 : i32 to vector<40x40x16xi32>
    %and3A_112 = arith.andi %shift_right_logical3A_109, %and3A_111 : vector<40x40x16xi32>
    %add3A_113 = arith.addi %add3A_106, %and3A_112 : vector<40x40x16xi32>
    %shift_right_logical3A_114 = arith.constant 16 : i32
    %shift_right_logical3A_115 = vector.broadcast %shift_right_logical3A_114 : i32 to vector<40x40x16xi32>
    %shift_right_logical3A_116 = arith.shrui %add3A_113, %shift_right_logical3A_115 : vector<40x40x16xi32>
    %slice3A_117 = vector.extract_strided_slice %squeeze3A {offsets = [0, 0, 80], sizes = [40, 40, 16], strides = [1, 1, 1]} : vector<40x40x128xf32> to vector<40x40x16xf32>
    %bitcast_convert_type3A_118 = tpu.bitcast %slice3A_117 : vector<40x40x16xf32> -> vector<40x40x16xi32>
    %add3A_119 = arith.constant 32767 : i32
    %add3A_120 = vector.broadcast %add3A_119 : i32 to vector<40x40x16xi32>
    %add3A_121 = arith.addi %bitcast_convert_type3A_118, %add3A_120 : vector<40x40x16xi32>
    %shift_right_logical3A_122 = arith.constant 16 : i32
    %shift_right_logical3A_123 = vector.broadcast %shift_right_logical3A_122 : i32 to vector<40x40x16xi32>
    %shift_right_logical3A_124 = arith.shrui %bitcast_convert_type3A_118, %shift_right_logical3A_123 : vector<40x40x16xi32>
    %and3A_125 = arith.constant 1 : i32
    %and3A_126 = vector.broadcast %and3A_125 : i32 to vector<40x40x16xi32>
    %and3A_127 = arith.andi %shift_right_logical3A_124, %and3A_126 : vector<40x40x16xi32>
    %add3A_128 = arith.addi %add3A_121, %and3A_127 : vector<40x40x16xi32>
    %shift_right_logical3A_129 = arith.constant 16 : i32
    %shift_right_logical3A_130 = vector.broadcast %shift_right_logical3A_129 : i32 to vector<40x40x16xi32>
    %shift_right_logical3A_131 = arith.shrui %add3A_128, %shift_right_logical3A_130 : vector<40x40x16xi32>
    %shift_left3A_132 = arith.constant 16 : i32
    %shift_left3A_133 = vector.broadcast %shift_left3A_132 : i32 to vector<40x40x16xi32>
    %shift_left3A_134 = arith.shli %shift_right_logical3A_131, %shift_left3A_133 : vector<40x40x16xi32>
    %or3A_135 = arith.ori %shift_left3A_134, %shift_right_logical3A_116 : vector<40x40x16xi32>
    %slice3A_136 = vector.extract_strided_slice %squeeze3A {offsets = [0, 0, 96], sizes = [40, 40, 16], strides = [1, 1, 1]} : vector<40x40x128xf32> to vector<40x40x16xf32>
    %bitcast_convert_type3A_137 = tpu.bitcast %slice3A_136 : vector<40x40x16xf32> -> vector<40x40x16xi32>
    %add3A_138 = arith.constant 32767 : i32
    %add3A_139 = vector.broadcast %add3A_138 : i32 to vector<40x40x16xi32>
    %add3A_140 = arith.addi %bitcast_convert_type3A_137, %add3A_139 : vector<40x40x16xi32>
    %shift_right_logical3A_141 = arith.constant 16 : i32
    %shift_right_logical3A_142 = vector.broadcast %shift_right_logical3A_141 : i32 to vector<40x40x16xi32>
    %shift_right_logical3A_143 = arith.shrui %bitcast_convert_type3A_137, %shift_right_logical3A_142 : vector<40x40x16xi32>
    %and3A_144 = arith.constant 1 : i32
    %and3A_145 = vector.broadcast %and3A_144 : i32 to vector<40x40x16xi32>
    %and3A_146 = arith.andi %shift_right_logical3A_143, %and3A_145 : vector<40x40x16xi32>
    %add3A_147 = arith.addi %add3A_140, %and3A_146 : vector<40x40x16xi32>
    %shift_right_logical3A_148 = arith.constant 16 : i32
    %shift_right_logical3A_149 = vector.broadcast %shift_right_logical3A_148 : i32 to vector<40x40x16xi32>
    %shift_right_logical3A_150 = arith.shrui %add3A_147, %shift_right_logical3A_149 : vector<40x40x16xi32>
    %slice3A_151 = vector.extract_strided_slice %squeeze3A {offsets = [0, 0, 112], sizes = [40, 40, 16], strides = [1, 1, 1]} : vector<40x40x128xf32> to vector<40x40x16xf32>
    %bitcast_convert_type3A_152 = tpu.bitcast %slice3A_151 : vector<40x40x16xf32> -> vector<40x40x16xi32>
    %add3A_153 = arith.constant 32767 : i32
    %add3A_154 = vector.broadcast %add3A_153 : i32 to vector<40x40x16xi32>
    %add3A_155 = arith.addi %bitcast_convert_type3A_152, %add3A_154 : vector<40x40x16xi32>
    %shift_right_logical3A_156 = arith.constant 16 : i32
    %shift_right_logical3A_157 = vector.broadcast %shift_right_logical3A_156 : i32 to vector<40x40x16xi32>
    %shift_right_logical3A_158 = arith.shrui %bitcast_convert_type3A_152, %shift_right_logical3A_157 : vector<40x40x16xi32>
    %and3A_159 = arith.constant 1 : i32
    %and3A_160 = vector.broadcast %and3A_159 : i32 to vector<40x40x16xi32>
    %and3A_161 = arith.andi %shift_right_logical3A_158, %and3A_160 : vector<40x40x16xi32>
    %add3A_162 = arith.addi %add3A_155, %and3A_161 : vector<40x40x16xi32>
    %shift_right_logical3A_163 = arith.constant 16 : i32
    %shift_right_logical3A_164 = vector.broadcast %shift_right_logical3A_163 : i32 to vector<40x40x16xi32>
    %shift_right_logical3A_165 = arith.shrui %add3A_162, %shift_right_logical3A_164 : vector<40x40x16xi32>
    %shift_left3A_166 = arith.constant 16 : i32
    %shift_left3A_167 = vector.broadcast %shift_left3A_166 : i32 to vector<40x40x16xi32>
    %shift_left3A_168 = arith.shli %shift_right_logical3A_165, %shift_left3A_167 : vector<40x40x16xi32>
    %or3A_169 = arith.ori %shift_left3A_168, %shift_right_logical3A_150 : vector<40x40x16xi32>
    %concatenate3A = tpu.concatenate %or3A, %or3A_101, %or3A_135, %or3A_169 in 2 : vector<40x40x16xi32>, vector<40x40x16xi32>, vector<40x40x16xi32>, vector<40x40x16xi32> -> vector<40x40x64xi32>
    %bitcast_convert_type3A_170 = tpu.bitcast %concatenate3A : vector<40x40x64xi32> -> vector<40x40x64xi32>
    %slice3A_171 = vector.extract_strided_slice %reshape3A_38 {offsets = [0, 1, 0, 0], sizes = [40, 1, 40, 128], strides = [1, 1, 1, 1]} : vector<40x2x40x128xf32> to vector<40x1x40x128xf32>
    %squeeze3A_172 = vector.shape_cast %slice3A_171 : vector<40x1x40x128xf32> to vector<40x40x128xf32>
    %slice3A_173 = vector.extract_strided_slice %squeeze3A_172 {offsets = [0, 0, 0], sizes = [40, 40, 16], strides = [1, 1, 1]} : vector<40x40x128xf32> to vector<40x40x16xf32>
    %bitcast_convert_type3A_174 = tpu.bitcast %slice3A_173 : vector<40x40x16xf32> -> vector<40x40x16xi32>
    %add3A_175 = arith.constant 32767 : i32
    %add3A_176 = vector.broadcast %add3A_175 : i32 to vector<40x40x16xi32>
    %add3A_177 = arith.addi %bitcast_convert_type3A_174, %add3A_176 : vector<40x40x16xi32>
    %shift_right_logical3A_178 = arith.constant 16 : i32
    %shift_right_logical3A_179 = vector.broadcast %shift_right_logical3A_178 : i32 to vector<40x40x16xi32>
    %shift_right_logical3A_180 = arith.shrui %bitcast_convert_type3A_174, %shift_right_logical3A_179 : vector<40x40x16xi32>
    %and3A_181 = arith.constant 1 : i32
    %and3A_182 = vector.broadcast %and3A_181 : i32 to vector<40x40x16xi32>
    %and3A_183 = arith.andi %shift_right_logical3A_180, %and3A_182 : vector<40x40x16xi32>
    %add3A_184 = arith.addi %add3A_177, %and3A_183 : vector<40x40x16xi32>
    %shift_right_logical3A_185 = arith.constant 16 : i32
    %shift_right_logical3A_186 = vector.broadcast %shift_right_logical3A_185 : i32 to vector<40x40x16xi32>
    %shift_right_logical3A_187 = arith.shrui %add3A_184, %shift_right_logical3A_186 : vector<40x40x16xi32>
    %slice3A_188 = vector.extract_strided_slice %squeeze3A_172 {offsets = [0, 0, 16], sizes = [40, 40, 16], strides = [1, 1, 1]} : vector<40x40x128xf32> to vector<40x40x16xf32>
    %bitcast_convert_type3A_189 = tpu.bitcast %slice3A_188 : vector<40x40x16xf32> -> vector<40x40x16xi32>
    %add3A_190 = arith.constant 32767 : i32
    %add3A_191 = vector.broadcast %add3A_190 : i32 to vector<40x40x16xi32>
    %add3A_192 = arith.addi %bitcast_convert_type3A_189, %add3A_191 : vector<40x40x16xi32>
    %shift_right_logical3A_193 = arith.constant 16 : i32
    %shift_right_logical3A_194 = vector.broadcast %shift_right_logical3A_193 : i32 to vector<40x40x16xi32>
    %shift_right_logical3A_195 = arith.shrui %bitcast_convert_type3A_189, %shift_right_logical3A_194 : vector<40x40x16xi32>
    %and3A_196 = arith.constant 1 : i32
    %and3A_197 = vector.broadcast %and3A_196 : i32 to vector<40x40x16xi32>
    %and3A_198 = arith.andi %shift_right_logical3A_195, %and3A_197 : vector<40x40x16xi32>
    %add3A_199 = arith.addi %add3A_192, %and3A_198 : vector<40x40x16xi32>
    %shift_right_logical3A_200 = arith.constant 16 : i32
    %shift_right_logical3A_201 = vector.broadcast %shift_right_logical3A_200 : i32 to vector<40x40x16xi32>
    %shift_right_logical3A_202 = arith.shrui %add3A_199, %shift_right_logical3A_201 : vector<40x40x16xi32>
    %shift_left3A_203 = arith.constant 16 : i32
    %shift_left3A_204 = vector.broadcast %shift_left3A_203 : i32 to vector<40x40x16xi32>
    %shift_left3A_205 = arith.shli %shift_right_logical3A_202, %shift_left3A_204 : vector<40x40x16xi32>
    %or3A_206 = arith.ori %shift_left3A_205, %shift_right_logical3A_187 : vector<40x40x16xi32>
    %slice3A_207 = vector.extract_strided_slice %squeeze3A_172 {offsets = [0, 0, 32], sizes = [40, 40, 16], strides = [1, 1, 1]} : vector<40x40x128xf32> to vector<40x40x16xf32>
    %bitcast_convert_type3A_208 = tpu.bitcast %slice3A_207 : vector<40x40x16xf32> -> vector<40x40x16xi32>
    %add3A_209 = arith.constant 32767 : i32
    %add3A_210 = vector.broadcast %add3A_209 : i32 to vector<40x40x16xi32>
    %add3A_211 = arith.addi %bitcast_convert_type3A_208, %add3A_210 : vector<40x40x16xi32>
    %shift_right_logical3A_212 = arith.constant 16 : i32
    %shift_right_logical3A_213 = vector.broadcast %shift_right_logical3A_212 : i32 to vector<40x40x16xi32>
    %shift_right_logical3A_214 = arith.shrui %bitcast_convert_type3A_208, %shift_right_logical3A_213 : vector<40x40x16xi32>
    %and3A_215 = arith.constant 1 : i32
    %and3A_216 = vector.broadcast %and3A_215 : i32 to vector<40x40x16xi32>
    %and3A_217 = arith.andi %shift_right_logical3A_214, %and3A_216 : vector<40x40x16xi32>
    %add3A_218 = arith.addi %add3A_211, %and3A_217 : vector<40x40x16xi32>
    %shift_right_logical3A_219 = arith.constant 16 : i32
    %shift_right_logical3A_220 = vector.broadcast %shift_right_logical3A_219 : i32 to vector<40x40x16xi32>
    %shift_right_logical3A_221 = arith.shrui %add3A_218, %shift_right_logical3A_220 : vector<40x40x16xi32>
    %slice3A_222 = vector.extract_strided_slice %squeeze3A_172 {offsets = [0, 0, 48], sizes = [40, 40, 16], strides = [1, 1, 1]} : vector<40x40x128xf32> to vector<40x40x16xf32>
    %bitcast_convert_type3A_223 = tpu.bitcast %slice3A_222 : vector<40x40x16xf32> -> vector<40x40x16xi32>
    %add3A_224 = arith.constant 32767 : i32
    %add3A_225 = vector.broadcast %add3A_224 : i32 to vector<40x40x16xi32>
    %add3A_226 = arith.addi %bitcast_convert_type3A_223, %add3A_225 : vector<40x40x16xi32>
    %shift_right_logical3A_227 = arith.constant 16 : i32
    %shift_right_logical3A_228 = vector.broadcast %shift_right_logical3A_227 : i32 to vector<40x40x16xi32>
    %shift_right_logical3A_229 = arith.shrui %bitcast_convert_type3A_223, %shift_right_logical3A_228 : vector<40x40x16xi32>
    %and3A_230 = arith.constant 1 : i32
    %and3A_231 = vector.broadcast %and3A_230 : i32 to vector<40x40x16xi32>
    %and3A_232 = arith.andi %shift_right_logical3A_229, %and3A_231 : vector<40x40x16xi32>
    %add3A_233 = arith.addi %add3A_226, %and3A_232 : vector<40x40x16xi32>
    %shift_right_logical3A_234 = arith.constant 16 : i32
    %shift_right_logical3A_235 = vector.broadcast %shift_right_logical3A_234 : i32 to vector<40x40x16xi32>
    %shift_right_logical3A_236 = arith.shrui %add3A_233, %shift_right_logical3A_235 : vector<40x40x16xi32>
    %shift_left3A_237 = arith.constant 16 : i32
    %shift_left3A_238 = vector.broadcast %shift_left3A_237 : i32 to vector<40x40x16xi32>
    %shift_left3A_239 = arith.shli %shift_right_logical3A_236, %shift_left3A_238 : vector<40x40x16xi32>
    %or3A_240 = arith.ori %shift_left3A_239, %shift_right_logical3A_221 : vector<40x40x16xi32>
    %slice3A_241 = vector.extract_strided_slice %squeeze3A_172 {offsets = [0, 0, 64], sizes = [40, 40, 16], strides = [1, 1, 1]} : vector<40x40x128xf32> to vector<40x40x16xf32>
    %bitcast_convert_type3A_242 = tpu.bitcast %slice3A_241 : vector<40x40x16xf32> -> vector<40x40x16xi32>
    %add3A_243 = arith.constant 32767 : i32
    %add3A_244 = vector.broadcast %add3A_243 : i32 to vector<40x40x16xi32>
    %add3A_245 = arith.addi %bitcast_convert_type3A_242, %add3A_244 : vector<40x40x16xi32>
    %shift_right_logical3A_246 = arith.constant 16 : i32
    %shift_right_logical3A_247 = vector.broadcast %shift_right_logical3A_246 : i32 to vector<40x40x16xi32>
    %shift_right_logical3A_248 = arith.shrui %bitcast_convert_type3A_242, %shift_right_logical3A_247 : vector<40x40x16xi32>
    %and3A_249 = arith.constant 1 : i32
    %and3A_250 = vector.broadcast %and3A_249 : i32 to vector<40x40x16xi32>
    %and3A_251 = arith.andi %shift_right_logical3A_248, %and3A_250 : vector<40x40x16xi32>
    %add3A_252 = arith.addi %add3A_245, %and3A_251 : vector<40x40x16xi32>
    %shift_right_logical3A_253 = arith.constant 16 : i32
    %shift_right_logical3A_254 = vector.broadcast %shift_right_logical3A_253 : i32 to vector<40x40x16xi32>
    %shift_right_logical3A_255 = arith.shrui %add3A_252, %shift_right_logical3A_254 : vector<40x40x16xi32>
    %slice3A_256 = vector.extract_strided_slice %squeeze3A_172 {offsets = [0, 0, 80], sizes = [40, 40, 16], strides = [1, 1, 1]} : vector<40x40x128xf32> to vector<40x40x16xf32>
    %bitcast_convert_type3A_257 = tpu.bitcast %slice3A_256 : vector<40x40x16xf32> -> vector<40x40x16xi32>
    %add3A_258 = arith.constant 32767 : i32
    %add3A_259 = vector.broadcast %add3A_258 : i32 to vector<40x40x16xi32>
    %add3A_260 = arith.addi %bitcast_convert_type3A_257, %add3A_259 : vector<40x40x16xi32>
    %shift_right_logical3A_261 = arith.constant 16 : i32
    %shift_right_logical3A_262 = vector.broadcast %shift_right_logical3A_261 : i32 to vector<40x40x16xi32>
    %shift_right_logical3A_263 = arith.shrui %bitcast_convert_type3A_257, %shift_right_logical3A_262 : vector<40x40x16xi32>
    %and3A_264 = arith.constant 1 : i32
    %and3A_265 = vector.broadcast %and3A_264 : i32 to vector<40x40x16xi32>
    %and3A_266 = arith.andi %shift_right_logical3A_263, %and3A_265 : vector<40x40x16xi32>
    %add3A_267 = arith.addi %add3A_260, %and3A_266 : vector<40x40x16xi32>
    %shift_right_logical3A_268 = arith.constant 16 : i32
    %shift_right_logical3A_269 = vector.broadcast %shift_right_logical3A_268 : i32 to vector<40x40x16xi32>
    %shift_right_logical3A_270 = arith.shrui %add3A_267, %shift_right_logical3A_269 : vector<40x40x16xi32>
    %shift_left3A_271 = arith.constant 16 : i32
    %shift_left3A_272 = vector.broadcast %shift_left3A_271 : i32 to vector<40x40x16xi32>
    %shift_left3A_273 = arith.shli %shift_right_logical3A_270, %shift_left3A_272 : vector<40x40x16xi32>
    %or3A_274 = arith.ori %shift_left3A_273, %shift_right_logical3A_255 : vector<40x40x16xi32>
    %slice3A_275 = vector.extract_strided_slice %squeeze3A_172 {offsets = [0, 0, 96], sizes = [40, 40, 16], strides = [1, 1, 1]} : vector<40x40x128xf32> to vector<40x40x16xf32>
    %bitcast_convert_type3A_276 = tpu.bitcast %slice3A_275 : vector<40x40x16xf32> -> vector<40x40x16xi32>
    %add3A_277 = arith.constant 32767 : i32
    %add3A_278 = vector.broadcast %add3A_277 : i32 to vector<40x40x16xi32>
    %add3A_279 = arith.addi %bitcast_convert_type3A_276, %add3A_278 : vector<40x40x16xi32>
    %shift_right_logical3A_280 = arith.constant 16 : i32
    %shift_right_logical3A_281 = vector.broadcast %shift_right_logical3A_280 : i32 to vector<40x40x16xi32>
    %shift_right_logical3A_282 = arith.shrui %bitcast_convert_type3A_276, %shift_right_logical3A_281 : vector<40x40x16xi32>
    %and3A_283 = arith.constant 1 : i32
    %and3A_284 = vector.broadcast %and3A_283 : i32 to vector<40x40x16xi32>
    %and3A_285 = arith.andi %shift_right_logical3A_282, %and3A_284 : vector<40x40x16xi32>
    %add3A_286 = arith.addi %add3A_279, %and3A_285 : vector<40x40x16xi32>
    %shift_right_logical3A_287 = arith.constant 16 : i32
    %shift_right_logical3A_288 = vector.broadcast %shift_right_logical3A_287 : i32 to vector<40x40x16xi32>
    %shift_right_logical3A_289 = arith.shrui %add3A_286, %shift_right_logical3A_288 : vector<40x40x16xi32>
    %slice3A_290 = vector.extract_strided_slice %squeeze3A_172 {offsets = [0, 0, 112], sizes = [40, 40, 16], strides = [1, 1, 1]} : vector<40x40x128xf32> to vector<40x40x16xf32>
    %bitcast_convert_type3A_291 = tpu.bitcast %slice3A_290 : vector<40x40x16xf32> -> vector<40x40x16xi32>
    %add3A_292 = arith.constant 32767 : i32
    %add3A_293 = vector.broadcast %add3A_292 : i32 to vector<40x40x16xi32>
    %add3A_294 = arith.addi %bitcast_convert_type3A_291, %add3A_293 : vector<40x40x16xi32>
    %shift_right_logical3A_295 = arith.constant 16 : i32
    %shift_right_logical3A_296 = vector.broadcast %shift_right_logical3A_295 : i32 to vector<40x40x16xi32>
    %shift_right_logical3A_297 = arith.shrui %bitcast_convert_type3A_291, %shift_right_logical3A_296 : vector<40x40x16xi32>
    %and3A_298 = arith.constant 1 : i32
    %and3A_299 = vector.broadcast %and3A_298 : i32 to vector<40x40x16xi32>
    %and3A_300 = arith.andi %shift_right_logical3A_297, %and3A_299 : vector<40x40x16xi32>
    %add3A_301 = arith.addi %add3A_294, %and3A_300 : vector<40x40x16xi32>
    %shift_right_logical3A_302 = arith.constant 16 : i32
    %shift_right_logical3A_303 = vector.broadcast %shift_right_logical3A_302 : i32 to vector<40x40x16xi32>
    %shift_right_logical3A_304 = arith.shrui %add3A_301, %shift_right_logical3A_303 : vector<40x40x16xi32>
    %shift_left3A_305 = arith.constant 16 : i32
    %shift_left3A_306 = vector.broadcast %shift_left3A_305 : i32 to vector<40x40x16xi32>
    %shift_left3A_307 = arith.shli %shift_right_logical3A_304, %shift_left3A_306 : vector<40x40x16xi32>
    %or3A_308 = arith.ori %shift_left3A_307, %shift_right_logical3A_289 : vector<40x40x16xi32>
    %concatenate3A_309 = tpu.concatenate %or3A_206, %or3A_240, %or3A_274, %or3A_308 in 2 : vector<40x40x16xi32>, vector<40x40x16xi32>, vector<40x40x16xi32>, vector<40x40x16xi32> -> vector<40x40x64xi32>
    %bitcast_convert_type3A_310 = tpu.bitcast %concatenate3A_309 : vector<40x40x64xi32> -> vector<40x40x64xi32>
    %concatenate3A_311 = tpu.concatenate %bitcast_convert_type3A_170, %bitcast_convert_type3A_310 in 2 : vector<40x40x64xi32>, vector<40x40x64xi32> -> vector<40x40x128xi32>
    %reshape3A_312 = vector.shape_cast %concatenate3A_311 : vector<40x40x128xi32> to vector<1600x128xi32>
    %swap3A = arith.constant 0 : index
    %swap3A_313 = arith.constant 0 : index
    %swap3A_314 = vector.load %arg9[%swap3A, %swap3A_313] : memref<1600x128xi32, #tpu.memory_space<vmem>>, vector<1600x128xi32>
    tpu.vector_store %arg9[%swap3A, %swap3A_313], %reshape3A_312 {strides = array<i32>} : memref<1600x128xi32, #tpu.memory_space<vmem>>, vector<1600x128xi32>,
    return
  }
  func.func @transform_0(%arg0: i32) -> (i32, i32) {
    %c0_i32 = arith.constant 0 : i32
    %c0_i32_0 = arith.constant 0 : i32
    return %arg0, %c0_i32 : i32, i32
  }
  func.func @transform_1(%arg0: i32) -> (i32, i32, i32) {
    %c0_i32 = arith.constant 0 : i32
    %c0_i32_0 = arith.constant 0 : i32
    %c0_i32_1 = arith.constant 0 : i32
    return %arg0, %c0_i32, %c0_i32_0 : i32, i32, i32
  }
  func.func @transform_2(%arg0: i32) -> (i32, i32) {
    %c0_i32 = arith.constant 0 : i32
    %c0_i32_0 = arith.constant 0 : i32
    %c0_i32_1 = arith.constant 0 : i32
    return %c0_i32, %c0_i32_0 : i32, i32
  }
  func.func @transform_3(%arg0: i32) -> (i32, i32) {
    %c0_i32 = arith.constant 0 : i32
    %c0_i32_0 = arith.constant 0 : i32
    %c0_i32_1 = arith.constant 0 : i32
    return %c0_i32, %c0_i32_0 : i32, i32
  }
  func.func @transform_4(%arg0: i32) -> (i32, i32) {
    %c0_i32 = arith.constant 0 : i32
    %c0_i32_0 = arith.constant 0 : i32
    %c0_i32_1 = arith.constant 0 : i32
    return %c0_i32, %c0_i32_0 : i32, i32
  }
  func.func @transform_5(%arg0: i32) -> (i32, i32) {
    %c0_i32 = arith.constant 0 : i32
    %c0_i32_0 = arith.constant 0 : i32
    %c0_i32_1 = arith.constant 0 : i32
    return %c0_i32, %c0_i32_0 : i32, i32
  }
  func.func @transform_6(%arg0: i32) -> (i32, i32) {
    %c0_i32 = arith.constant 0 : i32
    %c0_i32_0 = arith.constant 0 : i32
    %c0_i32_1 = arith.constant 0 : i32
    return %c0_i32, %c0_i32_0 : i32, i32
  }
  func.func @transform_7(%arg0: i32) -> (i32, i32) {
    %c0_i32 = arith.constant 0 : i32
    %c0_i32_0 = arith.constant 0 : i32
    %c0_i32_1 = arith.constant 0 : i32
    return %c0_i32, %c0_i32_0 : i32, i32
  }
  func.func @transform_8(%arg0: i32) -> (i32, i32) {
    %c0_i32 = arith.constant 0 : i32
    %c0_i32_0 = arith.constant 0 : i32
    return %arg0, %c0_i32 : i32, i32
  }
  func.func @transform_9(%arg0: i32) -> (i32, i32) {
    %c0_i32 = arith.constant 0 : i32
    %c0_i32_0 = arith.constant 0 : i32
    %c0_i32_1 = arith.constant 0 : i32
    return %c0_i32, %c0_i32_0 : i32, i32
  }
}

module attributes {stable_mosaic.version = 14 : i64} {
  func.func @_out_body(%arg0: memref<20480x128xf32, #tpu.memory_space<vmem>>, %arg1: memref<128x128xf32, #tpu.memory_space<vmem>>, %arg2: memref<1x128xf32, #tpu.memory_space<vmem>>, %arg3: memref<128x128xf32, #tpu.memory_space<vmem>>, %arg4: memref<1x128xf32, #tpu.memory_space<vmem>>, %arg5: memref<10000x128xf32, #tpu.memory_space<vmem>>) attributes {dimension_semantics = [], scalar_prefetch = 0 : i64, scratch_operands = 0 : i64, tpu.core_type = #tpu.core_type<tc>} {
    %get3A = arith.constant 0 : index
    %get3A_0 = arith.constant 0 : index
    %get3A_1 = vector.load %arg0[%get3A, %get3A_0] : memref<20480x128xf32, #tpu.memory_space<vmem>>, vector<10000x128xf32>
    %get3A_2 = arith.constant 10240 : index
    %get3A_3 = arith.constant 0 : index
    %get3A_4 = vector.load %arg0[%get3A_2, %get3A_3] : memref<20480x128xf32, #tpu.memory_space<vmem>>, vector<10000x128xf32>
    %add3A = arith.addf %get3A_1, %get3A_4 : vector<10000x128xf32>
    %get3A_5 = arith.constant 0 : index
    %get3A_6 = arith.constant 0 : index
    %get3A_7 = vector.load %arg1[%get3A_5, %get3A_6] : memref<128x128xf32, #tpu.memory_space<vmem>>, vector<128x128xf32>
    %dot_general3A = arith.constant dense<0.000000e+00> : vector<10000x128xf32>
    %dot_general3A_8 = tpu.matmul %add3A, %get3A_7, %dot_general3A {dimension_numbers = #tpu.dot_dimension_numbers<[1], [0], [0], [1], [0, 0, 1, 1], [], []>, transpose_lhs_hint = false} : vector<10000x128xf32>, vector<128x128xf32>, vector<10000x128xf32> -> vector<10000x128xf32>
    %get3A_9 = arith.constant 0 : index
    %get3A_10 = arith.constant 0 : index
    %get3A_11 = vector.load %arg2[%get3A_9, %get3A_10] : memref<1x128xf32, #tpu.memory_space<vmem>>, vector<1x128xf32>
    %add3A_12 = vector.broadcast %get3A_11 : vector<1x128xf32> to vector<10000x128xf32>
    %add3A_13 = arith.addf %dot_general3A_8, %add3A_12 : vector<10000x128xf32>
    %max3A = arith.constant 0.000000e+00 : f32
    %max3A_14 = vector.broadcast %max3A : f32 to vector<10000x128xf32>
    %max3A_15 = arith.maximumf %add3A_13, %max3A_14 : vector<10000x128xf32>
    %abs3A = math.absf %add3A_13 : vector<10000x128xf32>
    %neg3A = arith.constant 0.000000e+00 : f32
    %neg3A_16 = vector.broadcast %neg3A : f32 to vector<10000x128xf32>
    %neg3A_17 = arith.subf %neg3A_16, %abs3A : vector<10000x128xf32>
    %exp3A = math.exp %neg3A_17 : vector<10000x128xf32>
    %add3A_18 = arith.constant 1.000000e+00 : f32
    %add3A_19 = vector.broadcast %add3A_18 : f32 to vector<10000x128xf32>
    %add3A_20 = arith.addf %add3A_19, %exp3A : vector<10000x128xf32>
    %log3A = math.log %add3A_20 : vector<10000x128xf32>
    %add3A_21 = arith.addf %max3A_15, %log3A : vector<10000x128xf32>
    %sub3A = arith.constant 0.693147182 : f32
    %sub3A_22 = vector.broadcast %sub3A : f32 to vector<10000x128xf32>
    %sub3A_23 = arith.subf %add3A_21, %sub3A_22 : vector<10000x128xf32>
    %get3A_24 = arith.constant 0 : index
    %get3A_25 = arith.constant 0 : index
    %get3A_26 = vector.load %arg3[%get3A_24, %get3A_25] : memref<128x128xf32, #tpu.memory_space<vmem>>, vector<128x128xf32>
    %dot_general3A_27 = arith.constant dense<0.000000e+00> : vector<10000x128xf32>
    %dot_general3A_28 = tpu.matmul %sub3A_23, %get3A_26, %dot_general3A_27 {dimension_numbers = #tpu.dot_dimension_numbers<[1], [0], [0], [1], [0, 0, 1, 1], [], []>, transpose_lhs_hint = false} : vector<10000x128xf32>, vector<128x128xf32>, vector<10000x128xf32> -> vector<10000x128xf32>
    %get3A_29 = arith.constant 0 : index
    %get3A_30 = arith.constant 0 : index
    %get3A_31 = vector.load %arg4[%get3A_29, %get3A_30] : memref<1x128xf32, #tpu.memory_space<vmem>>, vector<1x128xf32>
    %add3A_32 = vector.broadcast %get3A_31 : vector<1x128xf32> to vector<10000x128xf32>
    %add3A_33 = arith.addf %dot_general3A_28, %add3A_32 : vector<10000x128xf32>
    %swap3A = arith.constant 0 : index
    %swap3A_34 = arith.constant 0 : index
    %swap3A_35 = vector.load %arg5[%swap3A, %swap3A_34] : memref<10000x128xf32, #tpu.memory_space<vmem>>, vector<10000x128xf32>
    tpu.vector_store %arg5[%swap3A, %swap3A_34], %add3A_33 {strides = array<i32>} : memref<10000x128xf32, #tpu.memory_space<vmem>>, vector<10000x128xf32>,
    return
  }
}

</mosaic_0001>

<sc_bundles>
// kernel: kernel.5.cloned.1.call-start
scs
__scs_entry_jumppad:
0x0: {  	(pc) =	sbr.rel $0x88, $3  }
0x1: {  	(tag) =	ssettag $0x0;
	lr =	simm.s32 $0x1  }
0x2: {  	[smem:$0x3F93] =	sst lr;
	_ =	strace $0xD0000000  }
0x3: {  	_ = 	snop  }
0x4: {  	_ = 	snop  }
0x5: {  	_ = 	snop  }
0x6: {  	_ = 	snop  }
0x7: {  	_ = 	snop  }
__scs_overlays_trampoline_lowered:
0x8: {  	[smem:$0x3FA2] =	sst s0  }
0x9: {  	[smem:$0x3FA3] =	sst s1  }
0xa: {  	[smem:$0x3FA4] =	sst s2  }
0xb: {  	[smem:$0x3FA5] =	sst s3  }
0xc: {  	[smem:$0x3FA6] =	sst s4  }
0xd: {  	[smem:$0x3FA7] =	sst s5  }
0xe: {  	[smem:$0x3FA8] =	sst s6  }
0xf: {  	[smem:$0x3FA9] =	sst s7  }
0x10: {  	[smem:$0x3FAA] =	sst s8  }
0x11: {  	[smem:$0x3FAB] =	sst s9;
	s0 =	simm.s32 @!p0 $0x0  }
0x12: {  	s1 =	sld [smem:$0x3F91];
	s0 =	simm.s32 @p0 $0x1  }
0x13: {  	[smem:$0x3FAC] =	sst s0;
	s0 =	simm.s32 @!p1 $0x0  }
0x14: {  	s2 =	sld [smem:$0x3F90];
	s0 =	simm.s32 @p1 $0x1  }
0x15: {  	[smem:$0x3FAD] =	sst s0;
	s0 =	simm.s32 @!p2 $0x0  }
0x16: {  	s3 =	sld [smem:$0x3FDB];
	s0 =	simm.s32 @p2 $0x1  }
0x17: {  	s4 =	simm.s32 $0x1BF5;
	[smem:$0x3FAF] =	sst s0  }
0x18: {  	s0 =	sld [smem:$0x3F92];
	_ =	swait.ge [sflag:s4], $0x0  }
0x19: {  	s7 =	sld [smem:$0x3F93]  }
0x1a: {  	s8 =	sadd.s32 $0xFFFFE003, lr  }
0x1b: {  	s9 =	sadd.s32 $0xFFFFFEF7, lr;
	s5 =	simm.s32 $0xFFFFFFFF;
	p2 =	slt.u32 s8, $0xFFFFF086  }
0x1c: {  	p1 =	slt.u32 s9, $0xF7A;
	s5 =	simm.s32 @!p2 $0x0  }
0x1d: {  	s5 =	simm.s32 @p1 $0x1;
	p0 =	seq.s32 s7, s2  }
0x1e: {  	s7 =	smul.u32 @!p0 $0xF7A, s2;
	p2 =	seq.s32 @!p0 s5, $0x0  }
0x1f: {  	s9 =	smul.u32 $0xF7A, s1;
	s8 =	simm.s32 @!p0 $0x1BF5;
	p2 =	por !p2, p0  }
0x20: {  	[sflag:s8] =	ssyncset.s32 @!p0 $0xFFFFF086;
	s6 =	sadd.s32 @!p0 s3, s7;
	s7 =	simm.s32 @!p0 $0x108  }
0x21: {  	s3 =	sadd.s32 s3, s9;
	s6 =	sadd.s32 @!p0 $0x88, s6;
	s7 =	simm.s32 @p2 $0x1082  }
0x22: {  	[simem:s7], [sflag:s8] =	dma.local @!p0 [hbm:s6], $0xF7A  }
0x23: {  	s9 =	sor.u32 $0xD0000000, s2;
	s6 =	simm.s32 $0x108;
	_ =	swait.ge @!p0 [sflag:s8], $0x0  }
0x24: {  	s3 =	sadd.s32 $0x88, s3;
	s6 =	simm.s32 @!p1 $0x1082;
	[sflag:s4] =	ssyncset.s32 $0xFFFFF086  }
0x25: {  	[simem:s6], [sflag:s4] =	dma.local [hbm:s3], $0xF7A  }
0x26: {  	[smem:$0x3F93] =	sst s1;
	(tag) =	ssettag s2;
	_ =	strace s9  }
0x27: {  	s1 =	sld [smem:$0x3FA3]  }
0x28: {  	s2 =	sld [smem:$0x3FA4]  }
0x29: {  	s4 =	sld [smem:$0x3FA6]  }
0x2a: {  	p0 =	seq.s32 s5, $0x0;
	s5 =	sld [smem:$0x3FA7]  }
0x2b: {  	s6 =	sld [smem:$0x3FA8]  }
0x2c: {  	s7 =	sld [smem:$0x3FA9]  }
0x2d: {  	s3 =	simm.s32 $0x108;
	s8 =	sld [smem:$0x3FAA]  }
0x2e: {  	s3 =	simm.s32 @!p0 $0x1082;
	s9 =	sld [smem:$0x3FAB]  }
0x2f: {  	lr =	sadd.s32 s0, s3;
	s0 =	sld [smem:$0x3FA2]  }
0x30: {  	s3 =	sld [smem:$0x3FA5]  }
0x31: {  	[smem:$0x3FAE] =	sst s10  }
0x32: {  	s10 =	sld [smem:$0x3FAC];
	_ =	sdelay $0x3  }
0x33: {  	p0 =	seq.s32 s10, $0x1;
	s10 =	sld [smem:$0x3FAE];
	_ =	sdelay $0x3  }
0x34: {  	[smem:$0x3FAE] =	sst s10  }
0x35: {  	s10 =	sld [smem:$0x3FAD];
	_ =	sdelay $0x3  }
0x36: {  	p1 =	seq.s32 s10, $0x1;
	s10 =	sld [smem:$0x3FAE];
	_ =	sdelay $0x3  }
0x37: {  	[smem:$0x3FAE] =	sst s10  }
0x38: {  	s10 =	sld [smem:$0x3FAF]  }
0x39: {  	_ = 	snop;
	(pc) =	sbr.ind lr, $3  }
0x3a: {  	_ = 	snop  }
0x3b: {  	_ = 	snop  }
0x3c: {  	p2 =	seq.s32 s10, $0x1;
	s10 =	sld [smem:$0x3FAE]  }
0x3d: {  	_ =	shalt  }
0x3e: {  	_ =	shalt  }
0x3f: {  	_ =	shalt  }
0x40: {  	_ =	shalt  }
0x41: {  	_ =	shalt  }
0x42: {  	_ =	shalt  }
0x43: {  	_ =	shalt  }
0x44: {  	_ =	shalt  }
0x45: {  	_ =	shalt  }
0x46: {  	_ =	shalt  }
0x47: {  	_ =	shalt  }
0x48: {  	_ =	shalt  }
0x49: {  	_ =	shalt  }
0x4a: {  	_ =	shalt  }
0x4b: {  	_ =	shalt  }
0x4c: {  	_ =	shalt  }
0x4d: {  	_ =	shalt  }
0x4e: {  	_ =	shalt  }
0x4f: {  	_ =	shalt  }
0x50: {  	_ =	shalt  }
0x51: {  	_ =	shalt  }
0x52: {  	_ =	shalt  }
0x53: {  	_ =	shalt  }
0x54: {  	_ =	shalt  }
0x55: {  	_ =	shalt  }
0x56: {  	_ =	shalt  }
0x57: {  	_ =	shalt  }
0x58: {  	_ =	shalt  }
0x59: {  	_ =	shalt  }
0x5a: {  	_ =	shalt  }
0x5b: {  	_ =	shalt  }
0x5c: {  	_ =	shalt  }
0x5d: {  	_ =	shalt  }
0x5e: {  	_ =	shalt  }
0x5f: {  	_ =	shalt  }
0x60: {  	_ =	shalt  }
0x61: {  	_ =	shalt  }
0x62: {  	_ =	shalt  }
0x63: {  	_ =	shalt  }
0x64: {  	_ =	shalt  }
0x65: {  	_ =	shalt  }
0x66: {  	_ =	shalt  }
0x67: {  	_ =	shalt  }
0x68: {  	_ =	shalt  }
0x69: {  	_ =	shalt  }
0x6a: {  	_ =	shalt  }
0x6b: {  	_ =	shalt  }
0x6c: {  	_ =	shalt  }
0x6d: {  	_ =	shalt  }
0x6e: {  	_ =	shalt  }
0x6f: {  	_ =	shalt  }
0x70: {  	_ =	shalt  }
0x71: {  	_ =	shalt  }
0x72: {  	_ =	shalt  }
0x73: {  	_ =	shalt  }
0x74: {  	_ =	shalt  }
0x75: {  	_ =	shalt  }
0x76: {  	_ =	shalt  }
0x77: {  	_ =	shalt  }
0x78: {  	_ =	shalt  }
0x79: {  	_ =	shalt  }
0x7a: {  	_ =	shalt  }
0x7b: {  	_ =	shalt  }
0x7c: {  	_ =	shalt  }
0x7d: {  	_ =	shalt  }
0x7e: {  	_ =	shalt  }
0x7f: {  	_ =	shalt  }
0x80: {  	_ =	shalt  }
0x81: {  	_ =	shalt  }
0x82: {  	_ =	shalt  }
0x83: {  	_ =	shalt  }
0x84: {  	_ =	shalt  }
0x85: {  	_ =	shalt  }
0x86: {  	_ =	shalt  }
0x87: {  	_ =	shalt  }
.Lfunc_end0:
.L_simem_size_0:
called_computation_lowered:
.L_overlay_start_0:
0x88: {  	s2 =	sld [smem:$0x3FD9]  }
0x89: {  	s3 =	sld [smem:$0x3FFE];
	_ =	sdelay $0x1  }
0x8a: {  	s1 =	srdreg.scid  }
0x8b: {  	s0 =	sand.u32 $0x1, s1  }
0x8c: {  	s17 =	sshll.u32 s0, $0xA;
	s2 =	sadd.s32 s3, s2  }
0x8d: {  	s2 =	sadd.s32 s2, s17  }
0x8e: {  	[smem:$0x3FBA] =	sst s2  }
0x8f: {  	_ = 	snop  }
0x90: {  	s2 =	sld [smem:$0x3FD0];
	(tm) =	ssettm $0x1  }
0x91: {  	s18 =	sld [smem:$0x3FFB];
	_ =	sdelay $0x3  }
0x92: {  	_ =	strace s18  }
0x93: {  	s3 =	sld [smem:$0x3FFC];
	_ =	sdelay $0x3  }
0x94: {  	_ =	strace s3  }
0x95: {  	s3 =	sld [smem:$0x3FFD];
	_ =	sdelay $0x3  }
0x96: {  	_ =	strace s3  }
0x97: {  	_ =	strace $0x8FFFFFFF  }
0x98: {  	s19 =	sld [smem:$0x3FDB];
	_ =	sdelay $0x1  }
0x99: {  	s4 =	simm.s32 $_scs_section_size  }
0x9a: {  	s5 =	simm.s32 $_size__tile_overlayer_lowered;
	s6 =	simm.s32 $_tile_overlayer_lowered  }
0x9b: {  	s22 =	simm.s32 $0x1BFF;
	s21 =	sshll.u32 s6, $0x1;
	s3 =	sadd.s32 s4, s19  }
0x9c: {  	s7 =	simm.s32 $0x0;
	s20 =	sshll.u32 s5, $0x1;
	s5 =	sadd.s32 s21, s3  }
0x9d: {  	[timem:s7], [sflag:s22] =	dma.local [hbm:s5], s20  }
0x9e: {  	_ =	swait.ge [sflag:s22], s20  }
0x9f: {  	s4 =	ssub.s32 $0x0, s20;
	[sflag:s22] =	ssyncset.done $0x0  }
0xa0: {  	[sflag:s22] =	ssyncadd.s32 s4;
	_ =	sdelay $0x1  }
0xa1: {  	s23 =	simm.s32 $0x1B8B  }
0xa2: {  	_ =	swait.ge [sflag:s23], $0x1  }
0xa3: {  	[sflag:s23] =	ssyncset.done $0x0  }
0xa4: {  	s25 =	simm.s32 $0x1B8E;
	s24 =	sld [smem:$0x3FFE];
	[sflag:s23] =	ssyncadd.s32 $0xFFFFFFFF  }
0xa5: {  	s26 =	simm.s32 $execute0_lowered;
	[smem:$0x3FD2] =	sst s25  }
0xa6: {  	s5 =	sshll.u32 s26, $0x1;
	_ =	strace $0x80000046;
	[dreg:$0x1] =	wrdreg $0xFFFFFFFF  }
0xa7: {  	s28 =	simm.s32 $_size_execute0_lowered;
	s3 =	sadd.s32 s3, s5;
	[dreg:$0x0] =	wrdreg $0x0  }
0xa8: {  	s5 =	sshll.u32 s28, $0x1;
	[dreg:$0x2] =	wrdreg s3  }
0xa9: {  	[dreg:$0x3] =	wrdreg s5  }
0xaa: {  	[dreg:$0x4] =	wrdreg $0xC0  }
0xab: {  	_ =	task [dreg:s7], $0x5FFFF  }
0xac: {  	[dreg:$0x1] =	wrdreg $0xFFFFFFFF  }
0xad: {  	[dreg:$0x0] =	wrdreg $0x60  }
0xae: {  	[dreg:$0x2] =	wrdreg s2  }
0xaf: {  	[dreg:$0x3] =	wrdreg s24  }
0xb0: {  	[dreg:$0x4] =	wrdreg $0x7C000  }
0xb1: {  	[dreg:$0x5] =	wrdreg $0x9  }
0xb2: {  	_ =	task.clear_ibuf [dreg:s7], $0x6FFFF;
	_ =	strace $0x90000046  }
0xb3: {  	s29 =	simm.s32 $0x9;
	_ =	strace $0x80000048  }
0xb4: {  	_ =	swait.ge [sflag:s29], $0x1  }
0xb5: {  	[sflag:s29] =	ssyncadd.s32 $0xFFFFFFFF  }
0xb6: {  	_ =	strace $0x90000048  }
0xb7: {  	_ =	sfence  }
0xb8: {  	s30 =	sld [smem:$0x0];
	_ =	sdelay $0x2  }
0xb9: {  	s31 =	sshll.u32 s1, $0xD;
	s1 =	sshrl.u32 s1, $0x2  }
0xba: {  	s3 =	sand.u32 $0x4000, s31;
	s1 =	sadd.s32 s1, s30  }
0xbb: {  	s0 =	sor.u32 s3, s0;
	s1 =	sshll.u32 s1, $0x11  }
0xbc: {  	s0 =	sor.u32 s1, s0  }
0xbd: {  	s0 =	sadd.s32 $0x8F2B, s0  }
0xbe: {  	[sflag:s0] =	ssyncadd.remote.s32 $0x1  }
0xbf: {  	_ =	sfence.sel $0xFFFF  }
0xc0: {  	[dreg:$0x0] =	wrdreg $0xFFFFFFFF;
	(pc) =	sbr.abs _section_cstart, $3  }
0xc1: {  	[dreg:$0x1] =	wrdreg $0xFFFFFFFF  }
0xc2: {  	_ =	task.clear_ibuf [dreg:s7], $0x2FFFF;
	_ =	strace $0x9FFFFFFF  }
0xc3: {  	(tm) =	ssettm $0x7FFFFFFF  }
tec
execute0_lowered:
.L_overlay_start_1:
0x0: {  	(tag) =	ssettag $0x1  }
0x1: {  	s1 =	rddreg [dreg:$0x0]  }
0x2: {  	s0 =	rddreg [dreg:$0x1]  }
0x3: {  	s2 =	rddreg [dreg:$0x2];
	s4 =	simm.s32 $0x0;
	s9 =	stileid.u32  }
0x4: {  	s3 =	srdreg.scid;
	s31 =	simm.s32 $0x400;
	s7 =	smul.u32 $0x280, s9  }
0x5: {  	s3 =	sand.u32 $0x1, s3;
	s6 =	sshll.u32 s9, $0x1;
	s9 =	smul.u32 $0x50000, s9  }
0x6: {  	s8 =	sor.u32 s3, s6;
	s12 =	ssub.s32 $0x2, s3;
	s3 =	smul.u32 $0x2800, s3  }
0x7: {  	s29 =	simm.s32 $0x0;
	s5 =	sadd.s32 $0x503E00, s0;
	s11 =	smul.u32 $0x2710, s8  }
0x8: {  	[smem:$0x7FF] =	sst s4;
	s10 =	sadd.s32 $0x4E4A00, s0;
	s6 =	smul.u32 $0xFA0, s8  }
0x9: {  	s14 =	sadd.s32 $0x2A00, s0;
	_ =	strace $0x80000047;
	s15 =	smul.u32 $0x7D00, s8  }
0xa: {  	s13 =	sshrl.u32 s12, $0x1;
	s9 =	sshrl.u32 s9, $0x2;
	s30 =	smul.u32 $0x9C400, s8  }
0xb: {  	s8 =	smul.u32 $0x13880, s8;
	s21 =	sadd.s32 $0x80, s7;
	s25 =	sadd.s32 $0x100, s7  }
0xc: {  	s26 =	sadd.s32 $0x180, s7;
	s16 =	ssub.s32 s12, s13;
	s17 =	sadd.s32 s9, s2  }
0xd: {  	s20 =	sadd.s32 s3, s7;
	s12 =	sadd.s32 $0x4E4A40, s0;
	s22 =	sadd.s32 s3, s21  }
0xe: {  	s28 =	sadd.s32 s3, s25;
	s7 =	sadd.s32 $0x200, s7;
	s13 =	sadd.s32 s10, s6  }
0xf: {  	s18 =	sshrl.u32 s15, $0x3;
	s9 =	sshrl.u32 s30, $0x3;
	s8 =	sadd.s32 s5, s8  }
0x10: {  	s24 =	sshll.u32 s22, $0x4;
	s30 =	sadd.s32 s3, s26;
	s3 =	sadd.s32 s3, s7  }
0x11: {  	s22 =	sshll.u32 s26, $0x7;
	s7 =	sshll.u32 s7, $0x7;
	[dreg:$0x4] =	wrdreg s17  }
0x12: {  	s26 =	sadd.s32 $0x8000, s17;
	[dreg:$0x5] =	wrdreg s13;
	s10 =	sadd.s32 s10, s18  }
0x13: {  	[dreg:$0x7] =	wrdreg s8;
	s19 =	sadd.s32 s5, s9;
	s13 =	sadd.s32 $0x4E4A60, s0  }
0x14: {  	s0 =	sadd.s32 s14, s24;
	s15 =	sshll.u32 s30, $0x4;
	s3 =	sshll.u32 s3, $0x4  }
0x15: {  	s18 =	sshll.u32 s21, $0x7;
	s21 =	smax.u32 s16, $0x1;
	[dreg:$0x14] =	wrdreg s26  }
0x16: {  	s24 =	sadd.s32 s7, s2;
	s30 =	sadd.s32 $0x10000, s17;
	[dreg:$0xa] =	wrdreg s0  }
0x17: {  	s16 =	simm.s32 $0x5;
	s26 =	simm.s32 $0x2;
	[dreg:$0xe] =	wrdreg s21  }
0x18: {  	s10 =	sadd.s32 $0x20, s10;
	s8 =	sadd.s32 $0x280, s19;
	[dreg:$0x12] =	wrdreg s24  }
0x19: {  	s15 =	sadd.s32 s14, s15;
	s3 =	sadd.s32 s14, s3;
	[dreg:$0x16] =	wrdreg s30  }
0x1a: {  	s19 =	sadd.s32 $0xA0, s11;
	s0 =	sshll.u32 s25, $0x7;
	[dreg:$0x6] =	wrdreg s10  }
0x1b: {  	s25 =	sadd.s32 $0x4000, s17;
	s21 =	simm.s32 $0x6;
	[dreg:$0x8] =	wrdreg s8  }
0x1c: {  	s24 =	simm.s32 $0x7;
	s8 =	sshll.u32 s20, $0x4;
	[dreg:$0xc] =	wrdreg s15  }
0x1d: {  	s10 =	sshll.u32 s28, $0x4;
	[dreg:$0xd] =	wrdreg s3;
	s20 =	sadd.s32 $0xF0, s11  }
0x1e: {  	s3 =	sadd.s32 s18, s2;
	s0 =	sadd.s32 s0, s2;
	[dreg:$0x13] =	wrdreg s25  }
0x1f: {  	s28 =	sadd.s32 $0xC000, s17;
	s11 =	simm.s32 $0x2C00;
	[dreg:$0xf] =	wrdreg s3  }
0x20: {  	s15 =	simm.s32 $0x3;
	s18 =	simm.s32 $0x4;
	[dreg:$0x10] =	wrdreg s0  }
0x21: {  	s25 =	simm.s32 $0x8;
	s23 =	sadd.s32 s14, s8;
	[dreg:$0x15] =	wrdreg s28  }
0x22: {  	s10 =	sadd.s32 s14, s10;
	s0 =	simm.s32 $0x9;
	[dreg:$0x9] =	wrdreg s23  }
0x23: {  	s3 =	simm.s32 $0x50;
	[dreg:$0xb] =	wrdreg s10;
	s23 =	sadd.s32 s22, s2  }
0x24: {  	v0 =	vimm.f32 $0.0e+00;
	s8 =	simm.s32 $0x0;
	[dreg:$0x11] =	wrdreg s23;
	s23 =	simm.s32 $0x1  }
.LBB2_1:
0x25: {  	s7 =	sand.u32 $0xFE00, s4  }
0x26: {  	[dreg:$0x17] =	wrdreg s8;
	s30 =	sand.u32 $0x70, s4;
	s9 =	sshrl.u32 s7, $0x2  }
0x27: {  	s8 =	simm.s32 $0x0;
	s7 =	simm.s32 $0x40;
	s9 =	sor.u32 s30, s9  }
.LBB2_2:
0x28: {  	p0 =	sne.s32 s7, $0xFFC0  }
0x29: {  	[tilespmem:s9+$0x400] =	vst v0;
	s8 =	sadd.s32 $0x10, s8;
	s9 =	smov.u32 s7;
	s7 =	sadd.s32 $0x40, s7  }
.Ltmp0:
0x2a: {  	(pc) =	sbr.rel @p0 .LBB2_2-.Ltmp0, $4  }
0x2b: {  	_ = 	snop  }
0x2c: {  	s9 =	sand.u32 $0xFE00, s9  }
0x2d: {  	s10 =	sand.u32 $0x70, s8;
	s9 =	sshrl.u32 s9, $0x2  }
0x2e: {  	s9 =	sor.u32 s10, s9  }
0x2f: {  	[tilespmem:s9+$0x400] =	vst v0  }
0x30: {  	[spmem:s17] =	stream.linear.scatter [tilespmem:s31], [sflag:$0x9], $0x4000, $0x38;
	[tilespmem:$0x1BC00] =	vst v63  }
0x31: {  	_ =	swait.ge [sflag:s0], $0x4000  }
0x32: {  	[sflag:s0] =	ssyncset.done $0x0  }
0x33: {  	s7 =	rddreg [dreg:$0x13];
	[sflag:s0] =	ssyncadd.s32 $0xFFFFC000  }
0x34: {  	[spmem:s7] =	stream.linear.scatter [tilespmem:s31], [sflag:$0x9], $0x4000, $0x38;
	[tilespmem:$0x1BC00] =	vst v63  }
0x35: {  	_ =	swait.ge [sflag:s0], $0x4000  }
0x36: {  	[sflag:s0] =	ssyncset.done $0x0  }
0x37: {  	s10 =	rddreg [dreg:$0x14];
	[sflag:s0] =	ssyncadd.s32 $0xFFFFC000  }
0x38: {  	[spmem:s10] =	stream.linear.scatter [tilespmem:s31], [sflag:$0x9], $0x4000, $0x38;
	[tilespmem:$0x1BC00] =	vst v63  }
0x39: {  	_ =	swait.ge [sflag:s0], $0x4000  }
0x3a: {  	[sflag:s0] =	ssyncset.done $0x0  }
0x3b: {  	s14 =	rddreg [dreg:$0x15];
	[sflag:s0] =	ssyncadd.s32 $0xFFFFC000  }
0x3c: {  	[spmem:s14] =	stream.linear.scatter [tilespmem:s31], [sflag:$0x9], $0x4000, $0x38;
	[tilespmem:$0x1BC00] =	vst v63  }
0x3d: {  	_ =	swait.ge [sflag:s0], $0x4000  }
0x3e: {  	[sflag:s0] =	ssyncset.done $0x0  }
0x3f: {  	s17 =	rddreg [dreg:$0x16];
	[sflag:s0] =	ssyncadd.s32 $0xFFFFC000  }
0x40: {  	[spmem:s17] =	stream.linear.scatter [tilespmem:s31], [sflag:$0x9], $0x4000, $0x38;
	[tilespmem:$0x1BC00] =	vst v63  }
0x41: {  	_ =	swait.ge [sflag:s0], $0x4000  }
0x42: {  	[sflag:s0] =	ssyncset.done $0x0  }
0x43: {  	[sflag:s0] =	ssyncadd.s32 $0xFFFFC000  }
0x44: {  	[bflag:$0x0] =	sbarrier.arrive $0xFFFF  }
0x45: {  	s22 =	rddreg [dreg:$0x5]  }
0x46: {  	[tilespmem:s29], [sflag:$0x9] =	stream.linear.gather [hbm4b:s22+s29], $0x100, $0x38;
	[tilespmem:$0x1BC00] =	vst v63  }
0x47: {  	_ =	swait.ge [sflag:s0], $0x100  }
0x48: {  	[sflag:s0] =	ssyncset.done $0x0  }
0x49: {  	s8 =	simm.s32 $0x100;
	s28 =	rddreg [dreg:$0x6];
	[sflag:s0] =	ssyncadd.s32 $0xFFFFFF00  }
0x4a: {  	[tilespmem:s8], [sflag:$0x9] =	stream.linear.gather [hbm4b:s28+s29], $0x100, $0x38;
	[tilespmem:$0x1BC00] =	vst v63  }
0x4b: {  	_ =	swait.ge [sflag:s0], $0x100  }
0x4c: {  	[sflag:s0] =	ssyncset.done $0x0  }
0x4d: {  	[sflag:s0] =	ssyncadd.s32 $0xFFFFFF00  }
0x4e: {  	v1 =	vld [tilespmem:$0x0]  }
0x4f: {  	v2 =	vld [tilespmem:$0x10]  }
0x50: {  	v3 =	vld [tilespmem:$0x20]  }
0x51: {  	v4 =	vld [tilespmem:$0x30]  }
0x52: {  	v5 =	vld [tilespmem:$0x40]  }
0x53: {  	v58 =	vld [tilespmem:$0xB0];
	[tilespmem:$0x200] =	vst v1  }
0x54: {  	v59 =	vld [tilespmem:$0xC0];
	[tilespmem:$0x210] =	vst v2  }
0x55: {  	v1 =	vld [tilespmem:$0x80];
	[tilespmem:$0x220] =	vst v3  }
0x56: {  	v2 =	vld [tilespmem:$0x90];
	[tilespmem:$0x230] =	vst v4  }
0x57: {  	v3 =	vld [tilespmem:$0xA0];
	[tilespmem:$0x240] =	vst v5  }
0x58: {  	v60 =	vld [tilespmem:$0x130];
	[tilespmem:$0x330] =	vst v58  }
0x59: {  	v61 =	vld [tilespmem:$0x140];
	[tilespmem:$0x340] =	vst v59  }
0x5a: {  	[tilespmem:$0x300] =	vst v1;
	v1 =	vld [tilespmem:$0x100]  }
0x5b: {  	[tilespmem:$0x310] =	vst v2;
	v2 =	vld [tilespmem:$0x110]  }
0x5c: {  	[tilespmem:$0x320] =	vst v3;
	v3 =	vld [tilespmem:$0x120]  }
0x5d: {  	v62 =	vld [tilespmem:$0x1B0];
	[tilespmem:$0x2B0] =	vst v60  }
0x5e: {  	v63 =	vld [tilespmem:$0x1C0];
	[tilespmem:$0x2C0] =	vst v61  }
0x5f: {  	[tilespmem:$0x280] =	vst v1;
	v1 =	vld [tilespmem:$0x180]  }
0x60: {  	[tilespmem:$0x290] =	vst v2;
	v2 =	vld [tilespmem:$0x190]  }
0x61: {  	[tilespmem:$0x2A0] =	vst v3;
	v3 =	vld [tilespmem:$0x1A0]  }
0x62: {  	[tilespmem:$0x3B0] =	vst v62  }
0x63: {  	[tilespmem:$0x3C0] =	vst v63  }
0x64: {  	[tilespmem:$0x380] =	vst v1  }
0x65: {  	[tilespmem:$0x390] =	vst v2  }
0x66: {  	s9 =	simm.s32 $0x200;
	[tilespmem:$0x3A0] =	vst v3  }
0x67: {  	[tilespmem:s31], [sflag:$0x3] =	stream.indirect.gather [hbm4b:s1+s3], $0x80, s9, s3, $0xb8;
	[tilespmem:$0x1BC00] =	vst v63  }
0x68: {  	s14 =	simm.s32 $0x5400;
	s10 =	rddreg [dreg:$0x7]  }
0x69: {  	[tilespmem:s14], [sflag:$0x5] =	stream.linear.gather [hbm4b:s10+s29], $0x1400, $0x38;
	[tilespmem:$0x1BC00] =	vst v63  }
0x6a: {  	s17 =	simm.s32 $0x280  }
0x6b: {  	[tilespmem:s11], [sflag:$0x4] =	stream.indirect.gather [hbm4b:s1+s3], $0x80, s17, s3, $0xb8;
	[tilespmem:$0x1BC00] =	vst v63  }
0x6c: {  	s30 =	simm.s32 $0x0;
	s28 =	simm.s32 $0x6800;
	s22 =	rddreg [dreg:$0x8]  }
0x6d: {  	[tilespmem:s28], [sflag:$0x6] =	stream.linear.gather [hbm4b:s22+s29], $0x1400, $0x38;
	[tilespmem:$0x1BC00] =	vst v63  }
.LBB2_4:
0x6e: {  	s7 =	sshll.u32 s30, $0x6  }
0x6f: {  	s7 =	sadd.s32 s6, s7  }
0x70: {  	p0 =	seq.s32 s30, $0x3D;
	s8 =	sadd.s32 s7, s12  }
0x71: {  	[tilespmem:s4], [sflag:$0x1] =	stream.linear.gather [hbm4b:s8+s4], $0x100, $0x38;
	[tilespmem:$0x1BC00] =	vst v63  }
0x72: {  	s9 =	simm.s32 @!p0 $0x100;
	s7 =	sadd.s32 @!p0 s7, s13;
	s8 =	simm.s32 @!p0 $0x0  }
0x73: {  	[tilespmem:s9], [sflag:$0x2] =	stream.linear.gather @!p0 [hbm4b:s7+s8], $0x100, $0x38;
	[tilespmem:$0x1BC00] =	vst v63  }
0x74: {  	_ =	swait.ge [sflag:s15], $0x2800  }
0x75: {  	p1 =	por $0x1, $0x1;
	[sflag:s15] =	ssyncset.done $0x0  }
0x76: {  	p2 =	por $0x0, $0x0;
	s7 =	simm.s32 $0xFFFFB000;
	[sflag:s15] =	ssyncadd.s32 $0xFFFFD800  }
0x77: {  	s8 =	simm.s32 $0x40;
	s7 =	smov.u32 @p1 s29;
	_ =	swait.ge [sflag:s16], $0x1400  }
0x78: {  	s8 =	simm.s32 @!p2 $0x0;
	s7 =	sshra.s32 s7, $0x2;
	[sflag:s16] =	ssyncset.done $0x0  }
0x79: {  	s22 =	sadd.s32 s8, s7;
	[sflag:s16] =	ssyncadd.s32 $0xFFFFEC00  }
0x7a: {  	s7 =	simm.s32 $0x0;
	v1 =	vld [tilespmem:s22+$0x5400]  }
0x7b: {  	v2 =	vld [tilespmem:s7+$0x400]  }
0x7c: {  	v3 =	vld [tilespmem:s7+$0x410];
	_ =	sdelay $0x2  }
0x7d: {  	v4 =	vshll.u32 v1, $0x10  }
0x7e: {  	v1 =	vand.u32 $0xFFFF0000, v1;
	v2 =	vmul.f32 v4, v2  }
0x7f: {  	v1 =	vmul.f32 v1, v3  }
0x80: {  	[tilespmem:s7+$0x400] =	vst v2  }
0x81: {  	[tilespmem:s7+$0x410] =	vst v1  }
0x82: {  	v1 =	vld [tilespmem:s22+$0x5410]  }
0x83: {  	v2 =	vld [tilespmem:s7+$0x420]  }
0x84: {  	v3 =	vld [tilespmem:s7+$0x430];
	_ =	sdelay $0x2  }
0x85: {  	v4 =	vshll.u32 v1, $0x10  }
0x86: {  	v1 =	vand.u32 $0xFFFF0000, v1;
	v2 =	vmul.f32 v4, v2  }
0x87: {  	v1 =	vmul.f32 v1, v3  }
0x88: {  	[tilespmem:s7+$0x420] =	vst v2  }
0x89: {  	[tilespmem:s7+$0x430] =	vst v1  }
0x8a: {  	v1 =	vld [tilespmem:s22+$0x5420]  }
0x8b: {  	v2 =	vld [tilespmem:s7+$0x440]  }
0x8c: {  	v3 =	vld [tilespmem:s7+$0x450];
	_ =	sdelay $0x2  }
0x8d: {  	v4 =	vshll.u32 v1, $0x10  }
0x8e: {  	v1 =	vand.u32 $0xFFFF0000, v1;
	v2 =	vmul.f32 v4, v2  }
0x8f: {  	v1 =	vmul.f32 v1, v3  }
0x90: {  	[tilespmem:s7+$0x440] =	vst v2  }
0x91: {  	[tilespmem:s7+$0x450] =	vst v1  }
0x92: {  	v1 =	vld [tilespmem:s22+$0x5430]  }
0x93: {  	v2 =	vld [tilespmem:s7+$0x460]  }
0x94: {  	v3 =	vld [tilespmem:s7+$0x470];
	_ =	sdelay $0x2  }
0x95: {  	s28 =	simm.s32 $0x1;
	s9 =	simm.s32 $0xFFFFFFD9;
	v4 =	vshll.u32 v1, $0x10  }
0x96: {  	s9 =	smov.u32 @p1 s28;
	v1 =	vand.u32 $0xFFFF0000, v1;
	v2 =	vmul.f32 v4, v2  }
0x97: {  	s9 =	sshll.u32 s9, $0x7;
	v1 =	vmul.f32 v1, v3  }
0x98: {  	s9 =	sand.u32 $0x3FFFFF80, s9;
	[tilespmem:s7+$0x460] =	vst v2  }
0x99: {  	s8 =	sor.u32 s8, s9;
	[tilespmem:s7+$0x470] =	vst v1  }
0x9a: {  	v1 =	vld [tilespmem:s8+$0x5400]  }
0x9b: {  	v2 =	vld [tilespmem:s7+$0x480]  }
0x9c: {  	v3 =	vld [tilespmem:s7+$0x490];
	_ =	sdelay $0x2  }
0x9d: {  	v4 =	vshll.u32 v1, $0x10  }
0x9e: {  	v1 =	vand.u32 $0xFFFF0000, v1;
	v2 =	vmul.f32 v4, v2  }
0x9f: {  	v1 =	vmul.f32 v1, v3  }
0xa0: {  	[tilespmem:s7+$0x480] =	vst v2  }
0xa1: {  	[tilespmem:s7+$0x490] =	vst v1  }
0xa2: {  	v1 =	vld [tilespmem:s8+$0x5410]  }
0xa3: {  	v2 =	vld [tilespmem:s7+$0x4A0]  }
0xa4: {  	v3 =	vld [tilespmem:s7+$0x4B0];
	_ =	sdelay $0x2  }
0xa5: {  	v4 =	vshll.u32 v1, $0x10  }
0xa6: {  	v1 =	vand.u32 $0xFFFF0000, v1;
	v2 =	vmul.f32 v4, v2  }
0xa7: {  	v1 =	vmul.f32 v1, v3  }
0xa8: {  	[tilespmem:s7+$0x4A0] =	vst v2  }
0xa9: {  	[tilespmem:s7+$0x4B0] =	vst v1  }
0xaa: {  	v1 =	vld [tilespmem:s8+$0x5420]  }
0xab: {  	v2 =	vld [tilespmem:s7+$0x4C0]  }
0xac: {  	v3 =	vld [tilespmem:s7+$0x4D0];
	_ =	sdelay $0x2  }
0xad: {  	v4 =	vshll.u32 v1, $0x10  }
0xae: {  	v1 =	vand.u32 $0xFFFF0000, v1;
	v2 =	vmul.f32 v4, v2  }
0xaf: {  	v1 =	vmul.f32 v1, v3  }
0xb0: {  	[tilespmem:s7+$0x4C0] =	vst v2  }
0xb1: {  	[tilespmem:s7+$0x4D0] =	vst v1;
	v1 =	vld [tilespmem:s7+$0x4E0]  }
0xb2: {  	v3 =	vld [tilespmem:s8+$0x5430]  }
0xb3: {  	s10 =	simm.s32 $0x0;
	s14 =	simm.s32 $0x0;
	v2 =	vld [tilespmem:s7+$0x4F0]  }
.LBB2_5:
0xb4: {  	s10 =	sadd.s32 $0x8, s10  }
0xb5: {  	s28 =	sadd.s32 $0x2, s28;
	s14 =	sadd.s32 $0x400, s14;
	s22 =	simm.s32 $0x40  }
0xb6: {  	p1 =	slt.u32 s10, $0xA0;
	s8 =	sadd.s32 $0xFFFFB000, s14;
	s9 =	sadd.s32 $0xFFFFFFD8, s28  }
0xb7: {  	p2 =	sgt.u32 s10, $0x9F;
	s8 =	smov.u32 @p1 s14;
	s9 =	smov.u32 @p1 s28;
	v4 =	vshll.u32 v3, $0x10;
	v3 =	vand.u32 $0xFFFF0000, v3  }
0xb8: {  	s22 =	simm.s32 @!p2 $0x0;
	s8 =	sshra.s32 s8, $0x2;
	s17 =	sshll.u32 s9, $0x7;
	v1 =	vmul.f32 v4, v1;
	v2 =	vmul.f32 v3, v2  }
0xb9: {  	p1 =	slt.u32 s10, $0x138;
	s9 =	sadd.s32 s22, s8;
	s8 =	sand.u32 $0x3FFFFF80, s17  }
0xba: {  	s17 =	sshra.s32 s14, $0x2;
	[tilespmem:s7+$0x4E0] =	vst v1  }
0xbb: {  	v1 =	vld [tilespmem:s17+$0x400];
	[tilespmem:s7+$0x4F0] =	vst v2;
	s7 =	smov.u32 s17  }
0xbc: {  	v2 =	vld [tilespmem:s9+$0x5400]  }
0xbd: {  	v3 =	vld [tilespmem:s7+$0x410];
	_ =	sdelay $0x3  }
0xbe: {  	v4 =	vshll.u32 v2, $0x10;
	v2 =	vand.u32 $0xFFFF0000, v2  }
0xbf: {  	v1 =	vmul.f32 v4, v1;
	v2 =	vmul.f32 v2, v3;
	_ =	sdelay $0x1  }
0xc0: {  	[tilespmem:s7+$0x400] =	vst v1  }
0xc1: {  	[tilespmem:s7+$0x410] =	vst v2;
	v1 =	vld [tilespmem:s7+$0x430]  }
0xc2: {  	v2 =	vld [tilespmem:s9+$0x5410]  }
0xc3: {  	v3 =	vld [tilespmem:s7+$0x420];
	_ =	sdelay $0x3  }
0xc4: {  	v4 =	vshll.u32 v2, $0x10;
	v2 =	vand.u32 $0xFFFF0000, v2  }
0xc5: {  	v3 =	vmul.f32 v4, v3;
	v1 =	vmul.f32 v2, v1;
	_ =	sdelay $0x1  }
0xc6: {  	[tilespmem:s7+$0x420] =	vst v3  }
0xc7: {  	[tilespmem:s7+$0x430] =	vst v1;
	v1 =	vld [tilespmem:s7+$0x450]  }
0xc8: {  	v2 =	vld [tilespmem:s9+$0x5420]  }
0xc9: {  	v3 =	vld [tilespmem:s7+$0x440];
	_ =	sdelay $0x3  }
0xca: {  	v4 =	vshll.u32 v2, $0x10;
	v2 =	vand.u32 $0xFFFF0000, v2  }
0xcb: {  	v3 =	vmul.f32 v4, v3;
	v1 =	vmul.f32 v2, v1;
	_ =	sdelay $0x1  }
0xcc: {  	[tilespmem:s7+$0x440] =	vst v3  }
0xcd: {  	[tilespmem:s7+$0x450] =	vst v1;
	v1 =	vld [tilespmem:s7+$0x470]  }
0xce: {  	v2 =	vld [tilespmem:s9+$0x5430]  }
0xcf: {  	v3 =	vld [tilespmem:s7+$0x460];
	_ =	sdelay $0x3  }
0xd0: {  	v4 =	vshll.u32 v2, $0x10;
	v2 =	vand.u32 $0xFFFF0000, v2  }
0xd1: {  	v3 =	vmul.f32 v4, v3;
	v1 =	vmul.f32 v2, v1;
	_ =	sdelay $0x1  }
0xd2: {  	[tilespmem:s7+$0x460] =	vst v3  }
0xd3: {  	s8 =	sor.u32 s22, s8;
	[tilespmem:s7+$0x470] =	vst v1;
	v1 =	vld [tilespmem:s7+$0x490]  }
0xd4: {  	v2 =	vld [tilespmem:s8+$0x5400]  }
0xd5: {  	v3 =	vld [tilespmem:s7+$0x480];
	_ =	sdelay $0x3  }
0xd6: {  	v4 =	vshll.u32 v2, $0x10;
	v2 =	vand.u32 $0xFFFF0000, v2  }
0xd7: {  	v3 =	vmul.f32 v4, v3;
	v1 =	vmul.f32 v2, v1;
	_ =	sdelay $0x1  }
0xd8: {  	[tilespmem:s7+$0x480] =	vst v3  }
0xd9: {  	[tilespmem:s7+$0x490] =	vst v1;
	v1 =	vld [tilespmem:s7+$0x4B0]  }
0xda: {  	v2 =	vld [tilespmem:s8+$0x5410]  }
0xdb: {  	v3 =	vld [tilespmem:s7+$0x4A0];
	_ =	sdelay $0x3  }
0xdc: {  	v4 =	vshll.u32 v2, $0x10;
	v2 =	vand.u32 $0xFFFF0000, v2  }
0xdd: {  	v3 =	vmul.f32 v4, v3;
	v1 =	vmul.f32 v2, v1;
	_ =	sdelay $0x1  }
0xde: {  	[tilespmem:s7+$0x4A0] =	vst v3  }
0xdf: {  	[tilespmem:s7+$0x4B0] =	vst v1;
	v1 =	vld [tilespmem:s7+$0x4D0]  }
0xe0: {  	v2 =	vld [tilespmem:s8+$0x5420]  }
0xe1: {  	v3 =	vld [tilespmem:s7+$0x4C0];
	_ =	sdelay $0x3  }
0xe2: {  	v4 =	vshll.u32 v2, $0x10;
	v2 =	vand.u32 $0xFFFF0000, v2  }
0xe3: {  	v3 =	vmul.f32 v4, v3;
	v1 =	vmul.f32 v2, v1  }
.Ltmp1:
0xe4: {  	(pc) =	sbr.rel @p1 .LBB2_5-.Ltmp1, $4  }
0xe5: {  	[tilespmem:s7+$0x4C0] =	vst v3  }
0xe6: {  	[tilespmem:s7+$0x4D0] =	vst v1;
	v1 =	vld [tilespmem:s7+$0x4E0]  }
0xe7: {  	v3 =	vld [tilespmem:s8+$0x5430]  }
0xe8: {  	v2 =	vld [tilespmem:s7+$0x4F0]  }
0xe9: {  	_ =	sdelay $0x2  }
0xea: {  	v4 =	vshll.u32 v3, $0x10  }
0xeb: {  	v3 =	vand.u32 $0xFFFF0000, v3;
	v1 =	vmul.f32 v4, v1  }
0xec: {  	v2 =	vmul.f32 v3, v2  }
0xed: {  	[tilespmem:s7+$0x4E0] =	vst v1  }
0xee: {  	s22 =	simm.s32 $0x300;
	[tilespmem:s7+$0x4F0] =	vst v2  }
0xef: {  	[spmem:s2] =	stream.indirect.scatter.add.f32 [tilespmem:s31], [sflag:$0x7], $0x80, s22, s3, $0xb8;
	[tilespmem:$0x1BC00] =	vst v63  }
0xf0: {  	_ =	swait.ge [sflag:s18], $0x2800  }
0xf1: {  	p1 =	por $0x1, $0x1;
	s8 =	simm.s32 $0xFFFFB000;
	[sflag:s18] =	ssyncset.done $0x0  }
0xf2: {  	p2 =	por $0x0, $0x0;
	s7 =	simm.s32 $0x0;
	[sflag:s18] =	ssyncadd.s32 $0xFFFFD800  }
0xf3: {  	s9 =	simm.s32 $0x40;
	s8 =	smov.u32 @p1 s7;
	_ =	swait.ge [sflag:s21], $0x1400  }
0xf4: {  	s9 =	simm.s32 @!p2 $0x0;
	s8 =	sshra.s32 s8, $0x2;
	[sflag:s21] =	ssyncset.done $0x0  }
0xf5: {  	s8 =	sadd.s32 s9, s8;
	[sflag:s21] =	ssyncadd.s32 $0xFFFFEC00  }
0xf6: {  	s28 =	simm.s32 $0x0;
	v1 =	vld [tilespmem:s8+$0x6800]  }
0xf7: {  	v2 =	vld [tilespmem:s28+$0x2C00]  }
0xf8: {  	v3 =	vld [tilespmem:s28+$0x2C10];
	_ =	sdelay $0x2  }
0xf9: {  	v4 =	vshll.u32 v1, $0x10  }
0xfa: {  	v1 =	vand.u32 $0xFFFF0000, v1;
	v2 =	vmul.f32 v4, v2  }
0xfb: {  	v1 =	vmul.f32 v1, v3  }
0xfc: {  	[tilespmem:s28+$0x2C00] =	vst v2  }
0xfd: {  	[tilespmem:s28+$0x2C10] =	vst v1  }
0xfe: {  	v1 =	vld [tilespmem:s8+$0x6810]  }
0xff: {  	v2 =	vld [tilespmem:s28+$0x2C20]  }
0x100: {  	v3 =	vld [tilespmem:s28+$0x2C30];
	_ =	sdelay $0x2  }
0x101: {  	v4 =	vshll.u32 v1, $0x10  }
0x102: {  	v1 =	vand.u32 $0xFFFF0000, v1;
	v2 =	vmul.f32 v4, v2  }
0x103: {  	v1 =	vmul.f32 v1, v3  }
0x104: {  	[tilespmem:s28+$0x2C20] =	vst v2  }
0x105: {  	[tilespmem:s28+$0x2C30] =	vst v1  }
0x106: {  	v1 =	vld [tilespmem:s8+$0x6820]  }
0x107: {  	v2 =	vld [tilespmem:s28+$0x2C40]  }
0x108: {  	v3 =	vld [tilespmem:s28+$0x2C50];
	_ =	sdelay $0x2  }
0x109: {  	v4 =	vshll.u32 v1, $0x10  }
0x10a: {  	v1 =	vand.u32 $0xFFFF0000, v1;
	v2 =	vmul.f32 v4, v2  }
0x10b: {  	v1 =	vmul.f32 v1, v3  }
0x10c: {  	[tilespmem:s28+$0x2C40] =	vst v2  }
0x10d: {  	[tilespmem:s28+$0x2C50] =	vst v1  }
0x10e: {  	v1 =	vld [tilespmem:s8+$0x6830]  }
0x10f: {  	v2 =	vld [tilespmem:s28+$0x2C60]  }
0x110: {  	v3 =	vld [tilespmem:s28+$0x2C70];
	_ =	sdelay $0x2  }
0x111: {  	s10 =	simm.s32 $0x1;
	s8 =	simm.s32 $0xFFFFFFD9;
	v4 =	vshll.u32 v1, $0x10  }
0x112: {  	s8 =	smov.u32 @p1 s10;
	v1 =	vand.u32 $0xFFFF0000, v1;
	v2 =	vmul.f32 v4, v2  }
0x113: {  	s8 =	sshll.u32 s8, $0x7;
	v1 =	vmul.f32 v1, v3  }
0x114: {  	s8 =	sand.u32 $0x3FFFFF80, s8;
	[tilespmem:s28+$0x2C60] =	vst v2  }
0x115: {  	s8 =	sor.u32 s9, s8;
	[tilespmem:s28+$0x2C70] =	vst v1  }
0x116: {  	v1 =	vld [tilespmem:s8+$0x6800]  }
0x117: {  	v2 =	vld [tilespmem:s28+$0x2C80]  }
0x118: {  	v3 =	vld [tilespmem:s28+$0x2C90];
	_ =	sdelay $0x2  }
0x119: {  	v4 =	vshll.u32 v1, $0x10  }
0x11a: {  	v1 =	vand.u32 $0xFFFF0000, v1;
	v2 =	vmul.f32 v4, v2  }
0x11b: {  	v1 =	vmul.f32 v1, v3  }
0x11c: {  	[tilespmem:s28+$0x2C80] =	vst v2  }
0x11d: {  	[tilespmem:s28+$0x2C90] =	vst v1  }
0x11e: {  	v1 =	vld [tilespmem:s8+$0x6810]  }
0x11f: {  	v2 =	vld [tilespmem:s28+$0x2CA0]  }
0x120: {  	v3 =	vld [tilespmem:s28+$0x2CB0];
	_ =	sdelay $0x2  }
0x121: {  	v4 =	vshll.u32 v1, $0x10  }
0x122: {  	v1 =	vand.u32 $0xFFFF0000, v1;
	v2 =	vmul.f32 v4, v2  }
0x123: {  	v1 =	vmul.f32 v1, v3  }
0x124: {  	[tilespmem:s28+$0x2CA0] =	vst v2  }
0x125: {  	[tilespmem:s28+$0x2CB0] =	vst v1  }
0x126: {  	v1 =	vld [tilespmem:s8+$0x6820]  }
0x127: {  	v2 =	vld [tilespmem:s28+$0x2CC0]  }
0x128: {  	v3 =	vld [tilespmem:s28+$0x2CD0];
	_ =	sdelay $0x2  }
0x129: {  	v4 =	vshll.u32 v1, $0x10  }
0x12a: {  	v1 =	vand.u32 $0xFFFF0000, v1;
	v2 =	vmul.f32 v4, v2  }
0x12b: {  	v1 =	vmul.f32 v1, v3  }
0x12c: {  	[tilespmem:s28+$0x2CC0] =	vst v2  }
0x12d: {  	[tilespmem:s28+$0x2CD0] =	vst v1;
	v1 =	vld [tilespmem:s28+$0x2CE0]  }
0x12e: {  	v3 =	vld [tilespmem:s8+$0x6830]  }
0x12f: {  	s14 =	simm.s32 $0x0;
	v2 =	vld [tilespmem:s28+$0x2CF0]  }
.LBB2_7:
0x130: {  	s14 =	sadd.s32 $0x8, s14  }
0x131: {  	s10 =	sadd.s32 $0x2, s10;
	s7 =	sadd.s32 $0x400, s7;
	s22 =	simm.s32 $0x40  }
0x132: {  	p1 =	slt.u32 s14, $0xA0;
	s8 =	sadd.s32 $0xFFFFB000, s7;
	s9 =	sadd.s32 $0xFFFFFFD8, s10  }
0x133: {  	p2 =	sgt.u32 s14, $0x9F;
	s8 =	smov.u32 @p1 s7;
	s9 =	smov.u32 @p1 s10;
	v4 =	vshll.u32 v3, $0x10;
	v3 =	vand.u32 $0xFFFF0000, v3  }
0x134: {  	s22 =	simm.s32 @!p2 $0x0;
	s8 =	sshra.s32 s8, $0x2;
	s17 =	sshll.u32 s9, $0x7;
	v1 =	vmul.f32 v4, v1;
	v2 =	vmul.f32 v3, v2  }
0x135: {  	p1 =	slt.u32 s14, $0x138;
	s9 =	sadd.s32 s22, s8;
	s8 =	sand.u32 $0x3FFFFF80, s17  }
0x136: {  	s17 =	sshra.s32 s7, $0x2;
	[tilespmem:s28+$0x2CE0] =	vst v1  }
0x137: {  	v1 =	vld [tilespmem:s17+$0x2C00];
	[tilespmem:s28+$0x2CF0] =	vst v2;
	s28 =	smov.u32 s17  }
0x138: {  	v2 =	vld [tilespmem:s9+$0x6800]  }
0x139: {  	v3 =	vld [tilespmem:s28+$0x2C10];
	_ =	sdelay $0x3  }
0x13a: {  	v4 =	vshll.u32 v2, $0x10;
	v2 =	vand.u32 $0xFFFF0000, v2  }
0x13b: {  	v1 =	vmul.f32 v4, v1;
	v2 =	vmul.f32 v2, v3;
	_ =	sdelay $0x1  }
0x13c: {  	[tilespmem:s28+$0x2C00] =	vst v1  }
0x13d: {  	[tilespmem:s28+$0x2C10] =	vst v2;
	v1 =	vld [tilespmem:s28+$0x2C30]  }
0x13e: {  	v2 =	vld [tilespmem:s9+$0x6810]  }
0x13f: {  	v3 =	vld [tilespmem:s28+$0x2C20];
	_ =	sdelay $0x3  }
0x140: {  	v4 =	vshll.u32 v2, $0x10;
	v2 =	vand.u32 $0xFFFF0000, v2  }
0x141: {  	v3 =	vmul.f32 v4, v3;
	v1 =	vmul.f32 v2, v1;
	_ =	sdelay $0x1  }
0x142: {  	[tilespmem:s28+$0x2C20] =	vst v3  }
0x143: {  	[tilespmem:s28+$0x2C30] =	vst v1;
	v1 =	vld [tilespmem:s28+$0x2C50]  }
0x144: {  	v2 =	vld [tilespmem:s9+$0x6820]  }
0x145: {  	v3 =	vld [tilespmem:s28+$0x2C40];
	_ =	sdelay $0x3  }
0x146: {  	v4 =	vshll.u32 v2, $0x10;
	v2 =	vand.u32 $0xFFFF0000, v2  }
0x147: {  	v3 =	vmul.f32 v4, v3;
	v1 =	vmul.f32 v2, v1;
	_ =	sdelay $0x1  }
0x148: {  	[tilespmem:s28+$0x2C40] =	vst v3  }
0x149: {  	[tilespmem:s28+$0x2C50] =	vst v1;
	v1 =	vld [tilespmem:s28+$0x2C70]  }
0x14a: {  	v2 =	vld [tilespmem:s9+$0x6830]  }
0x14b: {  	v3 =	vld [tilespmem:s28+$0x2C60];
	_ =	sdelay $0x3  }
0x14c: {  	v4 =	vshll.u32 v2, $0x10;
	v2 =	vand.u32 $0xFFFF0000, v2  }
0x14d: {  	v3 =	vmul.f32 v4, v3;
	v1 =	vmul.f32 v2, v1;
	_ =	sdelay $0x1  }
0x14e: {  	[tilespmem:s28+$0x2C60] =	vst v3  }
0x14f: {  	s8 =	sor.u32 s22, s8;
	[tilespmem:s28+$0x2C70] =	vst v1;
	v1 =	vld [tilespmem:s28+$0x2C90]  }
0x150: {  	v2 =	vld [tilespmem:s8+$0x6800]  }
0x151: {  	v3 =	vld [tilespmem:s28+$0x2C80];
	_ =	sdelay $0x3  }
0x152: {  	v4 =	vshll.u32 v2, $0x10;
	v2 =	vand.u32 $0xFFFF0000, v2  }
0x153: {  	v3 =	vmul.f32 v4, v3;
	v1 =	vmul.f32 v2, v1;
	_ =	sdelay $0x1  }
0x154: {  	[tilespmem:s28+$0x2C80] =	vst v3  }
0x155: {  	[tilespmem:s28+$0x2C90] =	vst v1;
	v1 =	vld [tilespmem:s28+$0x2CB0]  }
0x156: {  	v2 =	vld [tilespmem:s8+$0x6810]  }
0x157: {  	v3 =	vld [tilespmem:s28+$0x2CA0];
	_ =	sdelay $0x3  }
0x158: {  	v4 =	vshll.u32 v2, $0x10;
	v2 =	vand.u32 $0xFFFF0000, v2  }
0x159: {  	v3 =	vmul.f32 v4, v3;
	v1 =	vmul.f32 v2, v1;
	_ =	sdelay $0x1  }
0x15a: {  	[tilespmem:s28+$0x2CA0] =	vst v3  }
0x15b: {  	[tilespmem:s28+$0x2CB0] =	vst v1;
	v1 =	vld [tilespmem:s28+$0x2CD0]  }
0x15c: {  	v2 =	vld [tilespmem:s8+$0x6820]  }
0x15d: {  	v3 =	vld [tilespmem:s28+$0x2CC0];
	_ =	sdelay $0x3  }
0x15e: {  	v4 =	vshll.u32 v2, $0x10;
	v2 =	vand.u32 $0xFFFF0000, v2  }
0x15f: {  	v3 =	vmul.f32 v4, v3;
	v1 =	vmul.f32 v2, v1  }
.Ltmp2:
0x160: {  	(pc) =	sbr.rel @p1 .LBB2_7-.Ltmp2, $4  }
0x161: {  	[tilespmem:s28+$0x2CC0] =	vst v3  }
0x162: {  	[tilespmem:s28+$0x2CD0] =	vst v1;
	v1 =	vld [tilespmem:s28+$0x2CE0]  }
0x163: {  	v3 =	vld [tilespmem:s8+$0x6830]  }
0x164: {  	v2 =	vld [tilespmem:s28+$0x2CF0]  }
0x165: {  	_ =	sdelay $0x2  }
0x166: {  	v4 =	vshll.u32 v3, $0x10  }
0x167: {  	v3 =	vand.u32 $0xFFFF0000, v3;
	v1 =	vmul.f32 v4, v1  }
0x168: {  	v2 =	vmul.f32 v3, v2  }
0x169: {  	[tilespmem:s28+$0x2CE0] =	vst v1  }
0x16a: {  	s7 =	simm.s32 $0x380;
	[tilespmem:s28+$0x2CF0] =	vst v2  }
0x16b: {  	[spmem:s2] =	stream.indirect.scatter.add.f32 [tilespmem:s11], [sflag:$0x8], $0x80, s7, s3, $0xb8;
	[tilespmem:$0x1BC00] =	vst v63  }
0x16c: {  	_ =	swait.ge [sflag:s23], $0x100  }
0x16d: {  	[sflag:s23] =	ssyncset.done $0x0  }
0x16e: {  	[sflag:s23] =	ssyncadd.s32 $0xFFFFFF00  }
0x16f: {  	_ =	swait.ge [sflag:s24], $0x2800  }
0x170: {  	[sflag:s24] =	ssyncset.done $0x0  }
0x171: {  	[sflag:s24] =	ssyncadd.s32 $0xFFFFD800  }
0x172: {  	v1 =	vld [tilespmem:$0x0]  }
0x173: {  	v2 =	vld [tilespmem:$0x10]  }
0x174: {  	v3 =	vld [tilespmem:$0x20]  }
0x175: {  	v61 =	vld [tilespmem:$0x30]  }
0x176: {  	v5 =	vld [tilespmem:$0x40]  }
0x177: {  	v62 =	vld [tilespmem:$0xB0];
	[tilespmem:$0x200] =	vst v1  }
0x178: {  	v63 =	vld [tilespmem:$0xC0];
	[tilespmem:$0x210] =	vst v2  }
0x179: {  	v1 =	vld [tilespmem:$0x80];
	[tilespmem:$0x220] =	vst v3  }
0x17a: {  	v2 =	vld [tilespmem:$0x90];
	[tilespmem:$0x230] =	vst v61  }
0x17b: {  	v3 =	vld [tilespmem:$0xA0];
	[tilespmem:$0x240] =	vst v5  }
0x17c: {  	[tilespmem:$0x330] =	vst v62  }
0x17d: {  	[tilespmem:$0x340] =	vst v63  }
0x17e: {  	s7 =	smul.u32 $0xA0, s30;
	[tilespmem:$0x300] =	vst v1  }
0x17f: {  	[tilespmem:$0x310] =	vst v2  }
.Ltmp3:
0x180: {  	s8 =	simm.s32 $0x200;
	s28 =	sadd.s32 s7, s19;
	[tilespmem:$0x320] =	vst v3;
	(pc) =	sbr.rel @p0 .LBB2_10-.Ltmp3, $4  }
0x181: {  	[tilespmem:s31], [sflag:$0x3] =	stream.indirect.gather [hbm4b:s1+s3], $0x80, s8, s3, $0xb8;
	[tilespmem:$0x1BC00] =	vst v63  }
0x182: {  	s8 =	sshll.u32 s28, $0x3  }
0x183: {  	s9 =	simm.s32 $0x5400;
	s8 =	sadd.s32 s5, s8  }
0x184: {  	[tilespmem:s9], [sflag:$0x5] =	stream.linear.gather [hbm4b:s8+s4], $0x1400, $0x38;
	[tilespmem:$0x1BC00] =	vst v63  }
0x185: {  	_ =	swait.ge [sflag:s26], $0x100  }
0x186: {  	[sflag:s26] =	ssyncset.done $0x0  }
0x187: {  	[sflag:s26] =	ssyncadd.s32 $0xFFFFFF00  }
0x188: {  	_ =	swait.ge [sflag:s25], $0x2800  }
0x189: {  	[sflag:s25] =	ssyncset.done $0x0  }
0x18a: {  	[sflag:s25] =	ssyncadd.s32 $0xFFFFD800  }
0x18b: {  	v1 =	vld [tilespmem:$0x100]  }
0x18c: {  	v2 =	vld [tilespmem:$0x110]  }
0x18d: {  	v3 =	vld [tilespmem:$0x120]  }
0x18e: {  	v4 =	vld [tilespmem:$0x130]  }
0x18f: {  	v5 =	vld [tilespmem:$0x140]  }
0x190: {  	v62 =	vld [tilespmem:$0x1B0];
	[tilespmem:$0x280] =	vst v1  }
0x191: {  	v63 =	vld [tilespmem:$0x1C0];
	[tilespmem:$0x290] =	vst v2  }
0x192: {  	v1 =	vld [tilespmem:$0x180];
	[tilespmem:$0x2A0] =	vst v3  }
0x193: {  	v2 =	vld [tilespmem:$0x190];
	[tilespmem:$0x2B0] =	vst v4  }
0x194: {  	v3 =	vld [tilespmem:$0x1A0];
	[tilespmem:$0x2C0] =	vst v5  }
0x195: {  	[tilespmem:$0x3B0] =	vst v62  }
0x196: {  	[tilespmem:$0x3C0] =	vst v63  }
0x197: {  	[tilespmem:$0x380] =	vst v1  }
.Ltmp4:
0x198: {  	s7 =	sadd.s32 s7, s20;
	[tilespmem:$0x390] =	vst v2;
	(pc) =	sbr.rel .LBB2_4-.Ltmp4, $4  }
0x199: {  	s8 =	simm.s32 $0x280;
	s7 =	sshll.u32 s7, $0x3;
	[tilespmem:$0x3A0] =	vst v3  }
0x19a: {  	[tilespmem:s11], [sflag:$0x4] =	stream.indirect.gather [hbm4b:s1+s3], $0x80, s8, s3, $0xb8;
	[tilespmem:$0x1BC00] =	vst v63  }
0x19b: {  	s28 =	simm.s32 $0x6800;
	s30 =	sadd.s32 $0x1, s30;
	s7 =	sadd.s32 s5, s7  }
0x19c: {  	[tilespmem:s28], [sflag:$0x6] =	stream.linear.gather [hbm4b:s7+s4], $0x1400, $0x38;
	[tilespmem:$0x1BC00] =	vst v63  }
.LBB2_10:
0x19d: {  	_ =	swait.ge [sflag:s15], $0x2800  }
0x19e: {  	s7 =	simm.s32 $0x0;
	p0 =	por $0x1, $0x1;
	[sflag:s15] =	ssyncset.done $0x0  }
0x19f: {  	s8 =	simm.s32 $0xFFFFB000;
	p1 =	por $0x0, $0x0;
	[sflag:s15] =	ssyncadd.s32 $0xFFFFD800  }
0x1a0: {  	s9 =	simm.s32 $0x40;
	s8 =	smov.u32 @p0 s7;
	_ =	swait.ge [sflag:s16], $0x1400  }
0x1a1: {  	s9 =	simm.s32 @!p1 $0x0;
	s8 =	sshra.s32 s8, $0x2;
	[sflag:s16] =	ssyncset.done $0x0  }
0x1a2: {  	s8 =	sadd.s32 s9, s8;
	[sflag:s16] =	ssyncadd.s32 $0xFFFFEC00  }
0x1a3: {  	s28 =	simm.s32 $0x0;
	v1 =	vld [tilespmem:s8+$0x5400]  }
0x1a4: {  	v2 =	vld [tilespmem:s28+$0x400]  }
0x1a5: {  	v3 =	vld [tilespmem:s28+$0x410];
	_ =	sdelay $0x2  }
0x1a6: {  	v4 =	vshll.u32 v1, $0x10  }
0x1a7: {  	v1 =	vand.u32 $0xFFFF0000, v1;
	v2 =	vmul.f32 v4, v2  }
0x1a8: {  	v1 =	vmul.f32 v1, v3  }
0x1a9: {  	[tilespmem:s28+$0x400] =	vst v2  }
0x1aa: {  	[tilespmem:s28+$0x410] =	vst v1  }
0x1ab: {  	v1 =	vld [tilespmem:s8+$0x5410]  }
0x1ac: {  	v2 =	vld [tilespmem:s28+$0x420]  }
0x1ad: {  	v3 =	vld [tilespmem:s28+$0x430];
	_ =	sdelay $0x2  }
0x1ae: {  	v4 =	vshll.u32 v1, $0x10  }
0x1af: {  	v1 =	vand.u32 $0xFFFF0000, v1;
	v2 =	vmul.f32 v4, v2  }
0x1b0: {  	v1 =	vmul.f32 v1, v3  }
0x1b1: {  	[tilespmem:s28+$0x420] =	vst v2  }
0x1b2: {  	[tilespmem:s28+$0x430] =	vst v1  }
0x1b3: {  	v1 =	vld [tilespmem:s8+$0x5420]  }
0x1b4: {  	v2 =	vld [tilespmem:s28+$0x440]  }
0x1b5: {  	v3 =	vld [tilespmem:s28+$0x450];
	_ =	sdelay $0x2  }
0x1b6: {  	v4 =	vshll.u32 v1, $0x10  }
0x1b7: {  	v1 =	vand.u32 $0xFFFF0000, v1;
	v2 =	vmul.f32 v4, v2  }
0x1b8: {  	v1 =	vmul.f32 v1, v3  }
0x1b9: {  	[tilespmem:s28+$0x440] =	vst v2  }
0x1ba: {  	[tilespmem:s28+$0x450] =	vst v1  }
0x1bb: {  	v1 =	vld [tilespmem:s8+$0x5430]  }
0x1bc: {  	v2 =	vld [tilespmem:s28+$0x460]  }
0x1bd: {  	v3 =	vld [tilespmem:s28+$0x470];
	_ =	sdelay $0x2  }
0x1be: {  	s10 =	simm.s32 $0x1;
	s8 =	simm.s32 $0xFFFFFFD9;
	v4 =	vshll.u32 v1, $0x10  }
0x1bf: {  	s8 =	smov.u32 @p0 s10;
	v1 =	vand.u32 $0xFFFF0000, v1;
	v2 =	vmul.f32 v4, v2  }
0x1c0: {  	s8 =	sshll.u32 s8, $0x7;
	v1 =	vmul.f32 v1, v3  }
0x1c1: {  	s8 =	sand.u32 $0x3FFFFF80, s8;
	[tilespmem:s28+$0x460] =	vst v2  }
0x1c2: {  	s8 =	sor.u32 s9, s8;
	[tilespmem:s28+$0x470] =	vst v1  }
0x1c3: {  	v1 =	vld [tilespmem:s8+$0x5400]  }
0x1c4: {  	v2 =	vld [tilespmem:s28+$0x480]  }
0x1c5: {  	v3 =	vld [tilespmem:s28+$0x490];
	_ =	sdelay $0x2  }
0x1c6: {  	v4 =	vshll.u32 v1, $0x10  }
0x1c7: {  	v1 =	vand.u32 $0xFFFF0000, v1;
	v2 =	vmul.f32 v4, v2  }
0x1c8: {  	v1 =	vmul.f32 v1, v3  }
0x1c9: {  	[tilespmem:s28+$0x480] =	vst v2  }
0x1ca: {  	[tilespmem:s28+$0x490] =	vst v1  }
0x1cb: {  	v1 =	vld [tilespmem:s8+$0x5410]  }
0x1cc: {  	v2 =	vld [tilespmem:s28+$0x4A0]  }
0x1cd: {  	v3 =	vld [tilespmem:s28+$0x4B0];
	_ =	sdelay $0x2  }
0x1ce: {  	v4 =	vshll.u32 v1, $0x10  }
0x1cf: {  	v1 =	vand.u32 $0xFFFF0000, v1;
	v2 =	vmul.f32 v4, v2  }
0x1d0: {  	v1 =	vmul.f32 v1, v3  }
0x1d1: {  	[tilespmem:s28+$0x4A0] =	vst v2  }
0x1d2: {  	[tilespmem:s28+$0x4B0] =	vst v1  }
0x1d3: {  	v1 =	vld [tilespmem:s8+$0x5420]  }
0x1d4: {  	v2 =	vld [tilespmem:s28+$0x4C0]  }
0x1d5: {  	v3 =	vld [tilespmem:s28+$0x4D0];
	_ =	sdelay $0x2  }
0x1d6: {  	v4 =	vshll.u32 v1, $0x10  }
0x1d7: {  	v1 =	vand.u32 $0xFFFF0000, v1;
	v2 =	vmul.f32 v4, v2  }
0x1d8: {  	v1 =	vmul.f32 v1, v3  }
0x1d9: {  	[tilespmem:s28+$0x4C0] =	vst v2  }
0x1da: {  	[tilespmem:s28+$0x4D0] =	vst v1;
	v1 =	vld [tilespmem:s28+$0x4E0]  }
0x1db: {  	v3 =	vld [tilespmem:s8+$0x5430]  }
0x1dc: {  	s14 =	simm.s32 $0x0;
	v2 =	vld [tilespmem:s28+$0x4F0]  }
.LBB2_11:
0x1dd: {  	s14 =	sadd.s32 $0x8, s14  }
0x1de: {  	s10 =	sadd.s32 $0x2, s10;
	s7 =	sadd.s32 $0x400, s7;
	s22 =	simm.s32 $0x40  }
0x1df: {  	p0 =	slt.u32 s14, $0xA0;
	s8 =	sadd.s32 $0xFFFFB000, s7;
	s9 =	sadd.s32 $0xFFFFFFD8, s10  }
0x1e0: {  	p1 =	sgt.u32 s14, $0x9F;
	s8 =	smov.u32 @p0 s7;
	s9 =	smov.u32 @p0 s10;
	v4 =	vshll.u32 v3, $0x10;
	v3 =	vand.u32 $0xFFFF0000, v3  }
0x1e1: {  	s22 =	simm.s32 @!p1 $0x0;
	s8 =	sshra.s32 s8, $0x2;
	s17 =	sshll.u32 s9, $0x7;
	v1 =	vmul.f32 v4, v1;
	v2 =	vmul.f32 v3, v2  }
0x1e2: {  	p0 =	slt.u32 s14, $0x138;
	s9 =	sadd.s32 s22, s8;
	s8 =	sand.u32 $0x3FFFFF80, s17  }
0x1e3: {  	s17 =	sshra.s32 s7, $0x2;
	[tilespmem:s28+$0x4E0] =	vst v1  }
0x1e4: {  	v1 =	vld [tilespmem:s17+$0x400];
	[tilespmem:s28+$0x4F0] =	vst v2;
	s28 =	smov.u32 s17  }
0x1e5: {  	v2 =	vld [tilespmem:s9+$0x5400]  }
0x1e6: {  	v3 =	vld [tilespmem:s28+$0x410];
	_ =	sdelay $0x3  }
0x1e7: {  	v4 =	vshll.u32 v2, $0x10;
	v2 =	vand.u32 $0xFFFF0000, v2  }
0x1e8: {  	v1 =	vmul.f32 v4, v1;
	v2 =	vmul.f32 v2, v3;
	_ =	sdelay $0x1  }
0x1e9: {  	[tilespmem:s28+$0x400] =	vst v1  }
0x1ea: {  	[tilespmem:s28+$0x410] =	vst v2;
	v1 =	vld [tilespmem:s28+$0x430]  }
0x1eb: {  	v2 =	vld [tilespmem:s9+$0x5410]  }
0x1ec: {  	v3 =	vld [tilespmem:s28+$0x420];
	_ =	sdelay $0x3  }
0x1ed: {  	v4 =	vshll.u32 v2, $0x10;
	v2 =	vand.u32 $0xFFFF0000, v2  }
0x1ee: {  	v3 =	vmul.f32 v4, v3;
	v1 =	vmul.f32 v2, v1;
	_ =	sdelay $0x1  }
0x1ef: {  	[tilespmem:s28+$0x420] =	vst v3  }
0x1f0: {  	[tilespmem:s28+$0x430] =	vst v1;
	v1 =	vld [tilespmem:s28+$0x450]  }
0x1f1: {  	v2 =	vld [tilespmem:s9+$0x5420]  }
0x1f2: {  	v3 =	vld [tilespmem:s28+$0x440];
	_ =	sdelay $0x3  }
0x1f3: {  	v4 =	vshll.u32 v2, $0x10;
	v2 =	vand.u32 $0xFFFF0000, v2  }
0x1f4: {  	v3 =	vmul.f32 v4, v3;
	v1 =	vmul.f32 v2, v1;
	_ =	sdelay $0x1  }
0x1f5: {  	[tilespmem:s28+$0x440] =	vst v3  }
0x1f6: {  	[tilespmem:s28+$0x450] =	vst v1;
	v1 =	vld [tilespmem:s28+$0x470]  }
0x1f7: {  	v2 =	vld [tilespmem:s9+$0x5430]  }
0x1f8: {  	v3 =	vld [tilespmem:s28+$0x460];
	_ =	sdelay $0x3  }
0x1f9: {  	v4 =	vshll.u32 v2, $0x10;
	v2 =	vand.u32 $0xFFFF0000, v2  }
0x1fa: {  	v3 =	vmul.f32 v4, v3;
	v1 =	vmul.f32 v2, v1;
	_ =	sdelay $0x1  }
0x1fb: {  	[tilespmem:s28+$0x460] =	vst v3  }
0x1fc: {  	s8 =	sor.u32 s22, s8;
	[tilespmem:s28+$0x470] =	vst v1;
	v1 =	vld [tilespmem:s28+$0x490]  }
0x1fd: {  	v2 =	vld [tilespmem:s8+$0x5400]  }
0x1fe: {  	v3 =	vld [tilespmem:s28+$0x480];
	_ =	sdelay $0x3  }
0x1ff: {  	v4 =	vshll.u32 v2, $0x10;
	v2 =	vand.u32 $0xFFFF0000, v2  }
0x200: {  	v3 =	vmul.f32 v4, v3;
	v1 =	vmul.f32 v2, v1;
	_ =	sdelay $0x1  }
0x201: {  	[tilespmem:s28+$0x480] =	vst v3  }
0x202: {  	[tilespmem:s28+$0x490] =	vst v1;
	v1 =	vld [tilespmem:s28+$0x4B0]  }
0x203: {  	v2 =	vld [tilespmem:s8+$0x5410]  }
0x204: {  	v3 =	vld [tilespmem:s28+$0x4A0];
	_ =	sdelay $0x3  }
0x205: {  	v4 =	vshll.u32 v2, $0x10;
	v2 =	vand.u32 $0xFFFF0000, v2  }
0x206: {  	v3 =	vmul.f32 v4, v3;
	v1 =	vmul.f32 v2, v1;
	_ =	sdelay $0x1  }
0x207: {  	[tilespmem:s28+$0x4A0] =	vst v3  }
0x208: {  	[tilespmem:s28+$0x4B0] =	vst v1;
	v1 =	vld [tilespmem:s28+$0x4D0]  }
0x209: {  	v2 =	vld [tilespmem:s8+$0x5420]  }
0x20a: {  	v3 =	vld [tilespmem:s28+$0x4C0];
	_ =	sdelay $0x3  }
0x20b: {  	v4 =	vshll.u32 v2, $0x10;
	v2 =	vand.u32 $0xFFFF0000, v2  }
0x20c: {  	v3 =	vmul.f32 v4, v3;
	v1 =	vmul.f32 v2, v1  }
.Ltmp5:
0x20d: {  	(pc) =	sbr.rel @p0 .LBB2_11-.Ltmp5, $4  }
0x20e: {  	[tilespmem:s28+$0x4C0] =	vst v3  }
0x20f: {  	[tilespmem:s28+$0x4D0] =	vst v1;
	v1 =	vld [tilespmem:s28+$0x4E0]  }
0x210: {  	v3 =	vld [tilespmem:s8+$0x5430]  }
0x211: {  	v2 =	vld [tilespmem:s28+$0x4F0]  }
0x212: {  	_ =	sdelay $0x2  }
0x213: {  	v4 =	vshll.u32 v3, $0x10  }
0x214: {  	v3 =	vand.u32 $0xFFFF0000, v3;
	v1 =	vmul.f32 v4, v1  }
0x215: {  	v2 =	vmul.f32 v3, v2  }
0x216: {  	[tilespmem:s28+$0x4E0] =	vst v1  }
0x217: {  	s7 =	simm.s32 $0x300;
	[tilespmem:s28+$0x4F0] =	vst v2  }
0x218: {  	[spmem:s2] =	stream.indirect.scatter.add.f32 [tilespmem:s31], [sflag:$0x9], $0x80, s7, s3, $0xb8;
	[tilespmem:$0x1BC00] =	vst v63  }
0x219: {  	_ =	swait.ge [sflag:s0], $0x2800  }
0x21a: {  	[sflag:s0] =	ssyncset.done $0x0  }
0x21b: {  	[sflag:s0] =	ssyncadd.s32 $0xFFFFD800  }
0x21c: {  	_ =	swait.ge [sflag:s25], $0x2800  }
0x21d: {  	[sflag:s25] =	ssyncset.done $0x0  }
0x21e: {  	[sflag:s25] =	ssyncadd.s32 $0xFFFFD800  }
0x21f: {  	[bflag:$0x0] =	sbarrier.arrive $0xFFFF  }
0x220: {  	s17 =	rddreg [dreg:$0x4]  }
0x221: {  	[tilespmem:s31], [sflag:$0x9] =	stream.linear.gather [spmem:s17], $0x4000, $0x38;
	[tilespmem:$0x1BC00] =	vst v63  }
0x222: {  	_ =	swait.ge [sflag:s0], $0x4000  }
0x223: {  	[sflag:s0] =	ssyncset.done $0x0  }
0x224: {  	s22 =	rddreg [dreg:$0x9];
	[sflag:s0] =	ssyncadd.s32 $0xFFFFC000  }
0x225: {  	[hbm4b:s22+s4] =	stream.linear.scatter [tilespmem:s31], [sflag:$0x9], $0x4000, $0x38;
	[tilespmem:$0x1BC00] =	vst v63  }
0x226: {  	_ =	swait.ge [sflag:s0], $0x4000  }
0x227: {  	[sflag:s0] =	ssyncset.done $0x0  }
0x228: {  	s28 =	rddreg [dreg:$0xf];
	[sflag:s0] =	ssyncadd.s32 $0xFFFFC000  }
0x229: {  	[tilespmem:s31], [sflag:$0x9] =	stream.linear.gather [spmem:s28], $0x4000, $0x38;
	[tilespmem:$0x1BC00] =	vst v63  }
0x22a: {  	_ =	swait.ge [sflag:s0], $0x4000  }
0x22b: {  	[sflag:s0] =	ssyncset.done $0x0  }
0x22c: {  	s30 =	rddreg [dreg:$0xa];
	[sflag:s0] =	ssyncadd.s32 $0xFFFFC000  }
0x22d: {  	[hbm4b:s30+s4] =	stream.linear.scatter [tilespmem:s31], [sflag:$0x9], $0x4000, $0x38;
	[tilespmem:$0x1BC00] =	vst v63  }
0x22e: {  	_ =	swait.ge [sflag:s0], $0x4000  }
0x22f: {  	[sflag:s0] =	ssyncset.done $0x0  }
0x230: {  	s8 =	rddreg [dreg:$0x10];
	[sflag:s0] =	ssyncadd.s32 $0xFFFFC000  }
0x231: {  	[tilespmem:s31], [sflag:$0x9] =	stream.linear.gather [spmem:s8], $0x4000, $0x38;
	[tilespmem:$0x1BC00] =	vst v63  }
0x232: {  	_ =	swait.ge [sflag:s0], $0x4000  }
0x233: {  	[sflag:s0] =	ssyncset.done $0x0  }
0x234: {  	s9 =	rddreg [dreg:$0xb];
	[sflag:s0] =	ssyncadd.s32 $0xFFFFC000  }
0x235: {  	[hbm4b:s9+s4] =	stream.linear.scatter [tilespmem:s31], [sflag:$0x9], $0x4000, $0x38;
	[tilespmem:$0x1BC00] =	vst v63  }
0x236: {  	_ =	swait.ge [sflag:s0], $0x4000  }
0x237: {  	[sflag:s0] =	ssyncset.done $0x0  }
0x238: {  	s10 =	rddreg [dreg:$0x11];
	[sflag:s0] =	ssyncadd.s32 $0xFFFFC000  }
0x239: {  	[tilespmem:s31], [sflag:$0x9] =	stream.linear.gather [spmem:s10], $0x4000, $0x38;
	[tilespmem:$0x1BC00] =	vst v63  }
0x23a: {  	_ =	swait.ge [sflag:s0], $0x4000  }
0x23b: {  	[sflag:s0] =	ssyncset.done $0x0  }
0x23c: {  	s14 =	rddreg [dreg:$0xc];
	[sflag:s0] =	ssyncadd.s32 $0xFFFFC000  }
0x23d: {  	[hbm4b:s14+s4] =	stream.linear.scatter [tilespmem:s31], [sflag:$0x9], $0x4000, $0x38;
	[tilespmem:$0x1BC00] =	vst v63  }
0x23e: {  	_ =	swait.ge [sflag:s0], $0x4000  }
0x23f: {  	[sflag:s0] =	ssyncset.done $0x0  }
0x240: {  	s22 =	rddreg [dreg:$0x12];
	[sflag:s0] =	ssyncadd.s32 $0xFFFFC000  }
0x241: {  	[tilespmem:s31], [sflag:$0x9] =	stream.linear.gather [spmem:s22], $0x4000, $0x38;
	[tilespmem:$0x1BC00] =	vst v63  }
0x242: {  	_ =	swait.ge [sflag:s0], $0x4000  }
0x243: {  	[sflag:s0] =	ssyncset.done $0x0  }
0x244: {  	s28 =	rddreg [dreg:$0xd];
	[sflag:s0] =	ssyncadd.s32 $0xFFFFC000  }
0x245: {  	[hbm4b:s28+s4] =	stream.linear.scatter [tilespmem:s31], [sflag:$0x9], $0x4000, $0x38;
	[tilespmem:$0x1BC00] =	vst v63  }
0x246: {  	_ =	swait.ge [sflag:s0], $0x4000  }
0x247: {  	s8 =	rddreg [dreg:$0x17]  }
0x248: {  	s30 =	rddreg [dreg:$0xe];
	s8 =	sadd.s32 $0x1, s8  }
0x249: {  	p0 =	sne.s32 s8, s30  }
.Ltmp6:
0x24a: {  	_ = 	snop;
	(pc) =	sbr.rel @p0 .LBB2_1-.Ltmp6, $3  }
0x24b: {  	_ =	sdelay $0x1  }
0x24c: {  	[sflag:s0] =	ssyncset.done $0x0  }
0x24d: {  	[sflag:s0] =	ssyncadd.s32 $0xFFFFC000  }
0x24e: {  	_ =	sfence.sel $0x180000  }
0x24f: {  	[bflag:$0x0] =	sbarrier.arrive $0xFFFF  }
0x250: {  	_ =	strace $0x90000047  }
0x251: {  	s0 =	stileid.u32;
	[bflag:$0x2] =	sbarrier.arrive $0xFFFF  }
0x252: {  	p0 =	sne.s32 s0, $0x0;
	s0 =	rddreg [dreg:$0x3]  }
0x253: {  	s0 =	sadd.s32 @!p0 $0x100000, s0  }
0x254: {  	[sflag:s0] =	ssyncadd.tile.s32 @!p0 $0x1;
	_ =	shalt  }
.Lfunc_end2:
_tile_overlayer_lowered:
.L_overlay_start_2:
0x255: {  	(tag) =	ssettag $0x2  }
0x256: {  	s0 =	rddreg [dreg:$0x0];
	s2 =	stileid.u32  }
0x257: {  	s1 =	rddreg [dreg:$0x1];
	p0 =	sne.s32 s2, $0x0  }
0x258: {  	s3 =	rddreg [dreg:$0x2];
	[bflag:$0x3] =	sbarrier.arrive $0xFFFF;
	s2 =	simm.s32 @!p0 $0x1C09  }
0x259: {  	[timem:s3], [sflag:s2] =	dma.local @!p0 [hbm:s0], s1  }
0x25a: {  	s0 =	simm.s32 @!p0 $0x9  }
0x25b: {  	_ =	swait.ge @!p0 [sflag:s0], s1  }
0x25c: {  	s1 =	ssub.s32 @!p0 $0x0, s1;
	[sflag:s0] =	ssyncset.done @!p0 $0x0  }
0x25d: {  	[sflag:s0] =	ssyncadd.s32 @!p0 s1  }
0x25e: {  	[bflag:$0x3] =	sbarrier.arrive $0xFFFF  }
0x25f: {  	_ =	shalt  }

</sc_bundles>
